<compile_context>
chip_gen: v7x
topology: tpu7x:2x2x1
jax: 0.10.2.dev20260603
libtpu: 0.0.44.dev20260713+nightly
codegen_flags: <defaults>
</compile_context>

<pallas_src>
import functools
import math

import jax
import jax.numpy as jnp
from jax.experimental import pallas as pl
from jax.experimental.pallas import tpu as pltpu
from jax.experimental.pallas import tpu_sc as plsc

_B, _S, _D = 1, 2048, 2048
_H, _KVH, _HD = 16, 4, 128
_E, _K, _F = 8, 2, 768
_EPS = 1e-6
_THETA = 10000.0
_T = _B * _S
_A = _T * _K
_BT = 256
_NBLK = _A // _BT + _E
_APAD = _NBLK * _BT
_BQ = 512
_BSA = 256
_SCALE = 1.0 / math.sqrt(_HD)
_F32 = jnp.float32
_BF16 = jnp.bfloat16
_BSQ = 512


def _rms(x, w):
    return x * jax.lax.rsqrt(jnp.mean(x * x, axis=-1, keepdims=True) + _EPS) * w




def _qkv_body(x_ref, ln1_ref, wq_ref, wk_ref, wv_ref, q_ref, k_ref, v_ref):
    x = x_ref[...]
    h = _rms(x, ln1_ref[...]).astype(_BF16)
    q_ref[...] = jnp.dot(h, wq_ref[...].astype(_BF16),
                         preferred_element_type=_F32)
    k_ref[...] = jnp.dot(h, wk_ref[...].astype(_BF16),
                         preferred_element_type=_F32)
    v_ref[...] = jnp.dot(h, wv_ref[...].astype(_BF16),
                         preferred_element_type=_F32)


def _qkv_call(x, ln1_w, wq, wk, wv):
    grid = (_S // _BSQ,)
    return pl.pallas_call(
        _qkv_body,
        grid=grid,
        in_specs=[
            pl.BlockSpec((_BSQ, _D), lambda i: (i, 0)),
            pl.BlockSpec((1, _D), lambda i: (0, 0)),
            pl.BlockSpec((_D, _H * _HD), lambda i: (0, 0)),
            pl.BlockSpec((_D, _KVH * _HD), lambda i: (0, 0)),
            pl.BlockSpec((_D, _KVH * _HD), lambda i: (0, 0)),
        ],
        out_specs=[
            pl.BlockSpec((_BSQ, _H * _HD), lambda i: (i, 0)),
            pl.BlockSpec((_BSQ, _KVH * _HD), lambda i: (i, 0)),
            pl.BlockSpec((_BSQ, _KVH * _HD), lambda i: (i, 0)),
        ],
        out_shape=[
            jax.ShapeDtypeStruct((_S, _H * _HD), _F32),
            jax.ShapeDtypeStruct((_S, _KVH * _HD), _F32),
            jax.ShapeDtypeStruct((_S, _KVH * _HD), _F32),
        ],
        compiler_params=pltpu.CompilerParams(
            vmem_limit_bytes=100 * 1024 * 1024),
    )(x, ln1_w.reshape(1, _D), wq, wk, wv)




def _prep_body(x_ref, nw_ref, o_ref):
    half = _HD // 2
    x = _rms(x_ref[...], nw_ref[...])
    pos = jax.lax.broadcasted_iota(jnp.int32, (_S, 1), 0).astype(_F32)
    inv = jnp.exp(jax.lax.broadcasted_iota(jnp.int32, (1, half), 1)
                  .astype(_F32) * (-math.log(_THETA) / half))
    f = pos * inv
    cos = jnp.cos(f)
    sin = jnp.sin(f)
    x1 = x[:, :half]
    x2 = x[:, half:]
    o_ref[0] = jnp.concatenate([x1 * cos - x2 * sin, x2 * cos + x1 * sin],
                               axis=-1).astype(_BF16)


def _prep_call(x2d, nw, nh):
    return pl.pallas_call(
        _prep_body,
        grid=(nh,),
        in_specs=[
            pl.BlockSpec((_S, _HD), lambda h: (0, h)),
            pl.BlockSpec((1, _HD), lambda h: (0, 0)),
        ],
        out_specs=pl.BlockSpec((1, _S, _HD), lambda h: (h, 0, 0)),
        out_shape=jax.ShapeDtypeStruct((nh, _S, _HD), _BF16),
        compiler_params=pltpu.CompilerParams(
            vmem_limit_bytes=100 * 1024 * 1024),
    )(x2d, nw.reshape(1, _HD))




def _attn_body(q_ref, k_ref, v_ref, o_ref):
    qb = pl.program_id(1)
    q = q_ref[0]

    def step(j, carry, masked):
        m, l, acc = carry
        k = k_ref[0, pl.ds(j * _BQ, _BQ), :]
        s = jax.lax.dot_general(q, k, (((1,), (1,)), ((), ())),
                                preferred_element_type=_F32) * _SCALE
        if masked:
            row = jax.lax.broadcasted_iota(jnp.int32, (_BQ, _BQ), 0)
            col = jax.lax.broadcasted_iota(jnp.int32, (_BQ, _BQ), 1)
            s = jnp.where(row >= col, s, -1e30)
        mj = jnp.max(s, axis=-1, keepdims=True)
        mn = jnp.maximum(m, mj)
        p = jnp.exp(s - mn)
        c = jnp.exp(m - mn)
        v = v_ref[0, pl.ds(j * _BQ, _BQ), :]
        acc = acc * c + jnp.dot(p.astype(_BF16), v,
                                preferred_element_type=_F32)
        l = l * c + jnp.sum(p, axis=-1, keepdims=True)
        return mn, l, acc

    init = (jnp.full((_BQ, 1), -1e30, _F32),
            jnp.zeros((_BQ, 1), _F32),
            jnp.zeros((_BQ, _HD), _F32))
    m, l, acc = jax.lax.fori_loop(
        0, qb, lambda j, cr: step(j, cr, False), init)
    m, l, acc = step(qb, (m, l, acc), True)
    o_ref[0] = (acc / l).astype(_BF16)


def _attn_call(q, k, v):
    rep = _H // _KVH
    grid = (_H, _S // _BQ)
    return pl.pallas_call(
        _attn_body,
        grid=grid,
        in_specs=[
            pl.BlockSpec((1, _BQ, _HD), lambda h, qb: (h, qb, 0)),
            pl.BlockSpec((1, _S, _HD), lambda h, qb: (h // rep, 0, 0)),
            pl.BlockSpec((1, _S, _HD), lambda h, qb: (h // rep, 0, 0)),
        ],
        out_specs=pl.BlockSpec((1, _BQ, _HD), lambda h, qb: (h, qb, 0)),
        out_shape=jax.ShapeDtypeStruct((_H, _S, _HD), _BF16),
        compiler_params=pltpu.CompilerParams(
            vmem_limit_bytes=100 * 1024 * 1024),
    )(q, k, v)




def _router_body(o_ref, wo_ref, res_ref, ln2_ref, rw_ref, x2_ref, h_ref,
                 w1_ref, w2_ref, i1_ref, i2_ref):
    x = res_ref[...] + jnp.dot(o_ref[...], wo_ref[...].astype(_BF16),
                               preferred_element_type=_F32)
    x2_ref[...] = x
    h = _rms(x, ln2_ref[...])
    h_ref[...] = h
    logits = jnp.dot(h, rw_ref[...], preferred_element_type=_F32)
    m = jnp.max(logits, axis=-1, keepdims=True)
    p = jnp.exp(logits - m)
    p = p / jnp.sum(p, axis=-1, keepdims=True)
    ids = jax.lax.broadcasted_iota(jnp.int32, (_BSQ, _E), 1)
    m1 = jnp.max(p, axis=-1, keepdims=True)
    i1 = jnp.min(jnp.where(p == m1, ids, _E), axis=-1, keepdims=True)
    pm = jnp.where(ids == i1, -1.0, p)
    m2 = jnp.max(pm, axis=-1, keepdims=True)
    i2 = jnp.min(jnp.where(pm == m2, ids, _E), axis=-1, keepdims=True)
    sw = m1 + m2
    w1_ref[...] = m1 / sw
    w2_ref[...] = m2 / sw
    i1_ref[...] = i1
    i2_ref[...] = i2


def _router_call(o, wo, res, ln2_w, rw):
    grid = (_S // _BSQ,)
    return pl.pallas_call(
        _router_body,
        grid=grid,
        in_specs=[
            pl.BlockSpec((_BSQ, _H * _HD), lambda i: (i, 0)),
            pl.BlockSpec((_H * _HD, _D), lambda i: (0, 0)),
            pl.BlockSpec((_BSQ, _D), lambda i: (i, 0)),
            pl.BlockSpec((1, _D), lambda i: (0, 0)),
            pl.BlockSpec((_D, _E), lambda i: (0, 0)),
        ],
        out_specs=[
            pl.BlockSpec((_BSQ, _D), lambda i: (i, 0)),
            pl.BlockSpec((_BSQ, _D), lambda i: (i, 0)),
            pl.BlockSpec((_BSQ, 1), lambda i: (i, 0)),
            pl.BlockSpec((_BSQ, 1), lambda i: (i, 0)),
            pl.BlockSpec((_BSQ, 1), lambda i: (i, 0)),
            pl.BlockSpec((_BSQ, 1), lambda i: (i, 0)),
        ],
        out_shape=[
            jax.ShapeDtypeStruct((_T, _D), _F32),
            jax.ShapeDtypeStruct((_T, _D), _F32),
            jax.ShapeDtypeStruct((_T, 1), _F32),
            jax.ShapeDtypeStruct((_T, 1), _F32),
            jax.ShapeDtypeStruct((_T, 1), jnp.int32),
            jax.ShapeDtypeStruct((_T, 1), jnp.int32),
        ],
        compiler_params=pltpu.CompilerParams(
            vmem_limit_bytes=100 * 1024 * 1024),
    )(o, wo, res, ln2_w.reshape(1, _D), rw)




def _moe_body(meta_ref, x_ref, wg_ref, wu_ref, wd_ref, y_ref,
              wg16_ref, wu16_ref, wd16_ref):
    b = pl.program_id(0)
    live = meta_ref[1, b] > 0
    changed = jnp.logical_or(
        b == 0, meta_ref[0, b] != meta_ref[0, jnp.maximum(b - 1, 0)])

    @pl.when(jnp.logical_and(live, changed))
    def _():
        wg16_ref[...] = wg_ref[0].astype(_BF16)
        wu16_ref[...] = wu_ref[0].astype(_BF16)
        wd16_ref[...] = wd_ref[0].astype(_BF16)

    @pl.when(live)
    def _():
        x = x_ref[...].astype(_BF16)
        g = jnp.dot(x, wg16_ref[...], preferred_element_type=_F32)
        u = jnp.dot(x, wu16_ref[...], preferred_element_type=_F32)
        a = (g * jax.lax.logistic(g) * u).astype(_BF16)
        y_ref[...] = jnp.dot(a, wd16_ref[...], preferred_element_type=_F32)

    @pl.when(jnp.logical_not(live))
    def _():
        y_ref[...] = jnp.zeros_like(y_ref)


def _moe_call(meta, x_sorted, wg, wu, wd):
    grid_spec = pltpu.PrefetchScalarGridSpec(
        num_scalar_prefetch=1,
        grid=(_NBLK,),
        in_specs=[
            pl.BlockSpec((_BT, _D), lambda b, m: (b, 0)),
            pl.BlockSpec((1, _D, _F), lambda b, m: (m[0, b], 0, 0)),
            pl.BlockSpec((1, _D, _F), lambda b, m: (m[0, b], 0, 0)),
            pl.BlockSpec((1, _F, _D), lambda b, m: (m[0, b], 0, 0)),
        ],
        out_specs=pl.BlockSpec((_BT, _D), lambda b, m: (b, 0)),
        scratch_shapes=[
            pltpu.VMEM((_D, _F), _BF16),
            pltpu.VMEM((_D, _F), _BF16),
            pltpu.VMEM((_F, _D), _BF16),
        ],
    )
    return pl.pallas_call(
        _moe_body,
        grid_spec=grid_spec,
        out_shape=jax.ShapeDtypeStruct((_APAD, _D), _F32),
        compiler_params=pltpu.CompilerParams(
            dimension_semantics=("arbitrary",),
            vmem_limit_bytes=110 * 1024 * 1024),
    )(meta, x_sorted, wg, wu, wd)



_NC, _NS = 2, 16
_NW = _NC * _NS
_DW = _D


def _sc_gather(idx2d, table, n_rows, chunk):
    per_w = n_rows // _NW
    n_ch = per_w // chunk
    mesh = plsc.VectorSubcoreMesh(core_axis_name="c", subcore_axis_name="s")

    @functools.partial(
        pl.kernel, mesh=mesh,
        out_type=jax.ShapeDtypeStruct((n_rows, _DW), _F32),
        scratch_types=[
            pltpu.VMEM((n_ch, chunk), jnp.int32),
            pltpu.VMEM((2, chunk, _DW), _F32),
            pltpu.SemaphoreType.DMA((2,)),
            pltpu.SemaphoreType.DMA((2,)),
        ],
    )
    def gath(idx_hbm, tab_hbm, out_hbm, idx_v, buf_v, gsem, wsem):
        wid = jax.lax.axis_index("s") * _NC + jax.lax.axis_index("c")
        base = wid * per_w
        pltpu.sync_copy(idx_hbm.at[pl.ds(wid * n_ch, n_ch)], idx_v)
        gh = {}
        wh = {}

        def fire(c):
            gh[c] = pltpu.async_copy(tab_hbm.at[idx_v.at[c]],
                                     buf_v.at[c % 2], gsem.at[c % 2])

        fire(0)
        for c in range(n_ch):
            if c + 1 < n_ch:
                if c - 1 >= 0:
                    wh[c - 1].wait()
                fire(c + 1)
            gh[c].wait()
            wh[c] = pltpu.async_copy(
                buf_v.at[c % 2],
                out_hbm.at[pl.ds(base + c * chunk, chunk)],
                wsem.at[c % 2])
        for c in range(max(0, n_ch - 2), n_ch):
            wh[c].wait()

    return gath(idx2d, table)




def _comb_body(x2_ref, y0_ref, y1_ref, w1_ref, w2_ref, out_ref):
    out_ref[...] = (x2_ref[...] + w1_ref[...] * y0_ref[...]
                    + w2_ref[...] * y1_ref[...])


def _comb_call(x2, y01, w1, w2):
    grid = (_S // _BSQ,)
    nqb = _S // _BSQ
    return pl.pallas_call(
        _comb_body,
        grid=grid,
        in_specs=[
            pl.BlockSpec((_BSQ, _D), lambda i: (i, 0)),
            pl.BlockSpec((_BSQ, _D), lambda i: (i, 0)),
            pl.BlockSpec((_BSQ, _D), lambda i: (i + nqb, 0)),
            pl.BlockSpec((_BSQ, 1), lambda i: (i, 0)),
            pl.BlockSpec((_BSQ, 1), lambda i: (i, 0)),
        ],
        out_specs=pl.BlockSpec((_BSQ, _D), lambda i: (i, 0)),
        out_shape=jax.ShapeDtypeStruct((_T, _D), _F32),
        compiler_params=pltpu.CompilerParams(
            vmem_limit_bytes=100 * 1024 * 1024),
    )(x2, y01, y01, w1, w2)




def _dispatch(i1, i2):
    topi = jnp.concatenate([i1, i2], axis=1)
    flat_e = topi.reshape(_A)
    onehot = (flat_e[:, None] == jnp.arange(_E)[None, :]).astype(jnp.int32)
    rank = jnp.sum(onehot * (jnp.cumsum(onehot, axis=0) - onehot), axis=1)
    counts = jnp.sum(onehot, axis=0)
    nblk_e = (counts + _BT - 1) // _BT
    end_blk = jnp.cumsum(nblk_e)
    used = end_blk[-1]
    start_row = jnp.concatenate(
        [jnp.zeros((1,), jnp.int32), jnp.cumsum(nblk_e * _BT)[:-1]])
    pos = jnp.sum(onehot * start_row[None, :], axis=1) + rank
    tok = jnp.arange(_A, dtype=jnp.int32) // _K
    tok_sorted = (jnp.arange(_APAD, dtype=jnp.int32) % _T).at[pos].set(tok)
    bidx = jnp.arange(_NBLK, dtype=jnp.int32)
    eob = jnp.sum((bidx[:, None] >= end_blk[None, :]).astype(jnp.int32),
                  axis=1)
    is_real = (bidx < used).astype(jnp.int32)
    eob_last = jnp.sum((end_blk <= used - 1).astype(jnp.int32))
    eob = jnp.where(is_real > 0, eob, eob_last)
    meta = jnp.stack([eob, is_real]).astype(jnp.int32)
    return tok_sorted, meta, pos.reshape(_T, _K).astype(jnp.int32)




def kernel(hidden_states, ln1_w, Wq, Wk, Wv, q_norm_w, k_norm_w, Wo, ln2_w,
           router_W, W_gate, W_up, W_down):
    x = hidden_states.reshape(_T, _D)
    q2, k2, v2 = _qkv_call(x, ln1_w, Wq, Wk, Wv)
    q = _prep_call(q2, q_norm_w, _H)
    k = _prep_call(k2, k_norm_w, _KVH)
    v = v2.reshape(_S, _KVH, _HD).transpose(1, 0, 2).astype(_BF16)
    o = _attn_call(q, k, v)
    x2, h2, w1, w2, i1, i2 = _router_call(
        o.transpose(1, 0, 2).reshape(_S, _H * _HD), Wo, x, ln2_w, router_W)
    tok_sorted, meta, posr = _dispatch(i1, i2)
    x_sorted = _sc_gather(tok_sorted.reshape(_APAD // 24, 24), h2, _APAD, 24)
    y_sorted = _moe_call(meta, x_sorted, W_gate, W_up, W_down)
    pos01 = posr.transpose(1, 0).reshape(2 * _T // 16, 16)
    y01 = _sc_gather(pos01, y_sorted, 2 * _T, 16)
    out = _comb_call(x2, y01, w1, w2)
    return out.reshape(_B, _S, _D)

# --- scband reference (transcript-rebuilt; emitter-appended) ---
"""Pipeline reference for scband-qwen3-mo-edecoder-layer-8581344658119 (READ-ONLY COPY).

The authoritative reference and input builder live on the scoring server;
editing this copy changes nothing except your own understanding.
"""

import jax, jax.numpy as jnp
import numpy as np

B, S, D = 1, 2048, 2048
H, KVH, HD = 16, 4, 128
E, K, F = 8, 2, 768
EPS = 1e-06
THETA = 10000.0


def rms_norm(x, w):
    return x * jax.lax.rsqrt(jnp.mean(x * x, axis=-1, keepdims=True) + EPS) * w


def rope(x, pos):
    half = x.shape[-1] // 2
    inv = 1.0 / (THETA ** (jnp.arange(half, dtype=jnp.float32) / half))
    f = pos[:, None] * inv[None, :]
    cos = jnp.cos(f)[None, :, None, :]
    sin = jnp.sin(f)[None, :, None, :]
    x1, x2 = jnp.split(x, 2, axis=-1)
    return jnp.concatenate([x1 * cos - x2 * sin, x2 * cos + x1 * sin], axis=-1)


def setup_inputs(seed: int = 0) -> dict:
    key = jax.random.key(seed)
    ks = jax.random.split(key, 12)
    s = 0.02
    return {
        'hidden_states': jax.random.normal(ks[0], (B, S, D), jnp.float32),
        'ln1_w': jnp.ones((D,), jnp.float32),
        'Wq': jax.random.normal(ks[1], (D, H * HD), jnp.float32) * s,
        'Wk': jax.random.normal(ks[2], (D, KVH * HD), jnp.float32) * s,
        'Wv': jax.random.normal(ks[3], (D, KVH * HD), jnp.float32) * s,
        'q_norm_w': jnp.ones((HD,), jnp.float32),
        'k_norm_w': jnp.ones((HD,), jnp.float32),
        'Wo': jax.random.normal(ks[4], (H * HD, D), jnp.float32) * s,
        'ln2_w': jnp.ones((D,), jnp.float32),
        'router_W': jax.random.normal(ks[5], (D, E), jnp.float32) * s,
        'W_gate': jax.random.normal(ks[6], (E, D, F), jnp.float32) * s,
        'W_up': jax.random.normal(ks[7], (E, D, F), jnp.float32) * s,
        'W_down': jax.random.normal(ks[8], (E, F, D), jnp.float32) * s,
    }


def reference(hidden_states, ln1_w, Wq, Wk, Wv, q_norm_w, k_norm_w, Wo, ln2_w, router_W, W_gate, W_up, W_down):
    # --- attention block ---
    residual = hidden_states
    h = rms_norm(hidden_states, ln1_w)
    q = (h @ Wq).reshape(B, S, H, HD)
    k = (h @ Wk).reshape(B, S, KVH, HD)
    v = (h @ Wv).reshape(B, S, KVH, HD)
    # Qwen3 per-head q/k RMSNorm
    q = rms_norm(q, q_norm_w)
    k = rms_norm(k, k_norm_w)
    pos = jnp.arange(S, dtype=jnp.float32)
    q = rope(q, pos)
    k = rope(k, pos)
    rep = H // KVH
    k = jnp.repeat(k, rep, axis=2)
    v = jnp.repeat(v, rep, axis=2)
    q = q.transpose(0, 2, 1, 3)
    k = k.transpose(0, 2, 1, 3)
    v = v.transpose(0, 2, 1, 3)
    scores = jnp.einsum('bhqd,bhkd->bhqk', q, k) * (1.0 / float(np.sqrt(HD)))
    causal = jnp.tril(jnp.ones((S, S), dtype=bool))
    scores = jnp.where(causal[None, None, :, :], scores, -1e30)
    attn = jax.nn.softmax(scores, axis=-1)
    o = jnp.einsum('bhqk,bhkd->bhqd', attn, v)
    o = o.transpose(0, 2, 1, 3).reshape(B, S, H * HD)
    x = residual + o @ Wo
    # --- MoE block ---
    residual = x
    h = rms_norm(x, ln2_w).reshape(B * S, D)
    logits = h @ router_W
    probs = jax.nn.softmax(logits, axis=-1)
    topw, topi = jax.lax.top_k(probs, K)
    topw = topw / jnp.sum(topw, axis=-1, keepdims=True)  # norm_topk_prob
    out = jnp.zeros_like(h)
    for e in range(E):
        coef = jnp.sum(jnp.where(topi == e, topw, 0.0), axis=-1)
        g = h @ W_gate[e]
        u = h @ W_up[e]
        y = (jax.nn.silu(g) * u) @ W_down[e]
        out = out + coef[:, None] * y
    return residual + out.reshape(B, S, D)

if __name__ == "__main__":
    import jax
    _d = setup_inputs()
    print(jax.jit(kernel)(*tuple(_d.values())))

</pallas_src>

<mosaic_0001>
#map = affine_map<(d0, d1) -> (0, 0)>
module attributes {stable_mosaic.version = 14 : i64} {
  func.func @gath(%arg0: i32, %arg1: i32, %arg2: memref<256x16xi32, #tpu.memory_space<hbm>>, %arg3: memref<6144x2048xf32, #tpu.memory_space<hbm>>, %arg4: memref<4096x2048xf32, #tpu.memory_space<hbm>>, %arg5: memref<8x16xi32, #tpu.memory_space<vmem>>, %arg6: memref<2x16x2048xf32, #tpu.memory_space<vmem>>, %arg7: memref<2x!tpu.dma_semaphore, #tpu.memory_space<semaphore_mem>>, %arg8: memref<2x!tpu.dma_semaphore, #tpu.memory_space<semaphore_mem>>) attributes {dimension_semantics = [#tpu.dimension_semantics<core_parallel>, #tpu.dimension_semantics<subcore_parallel>], iteration_bounds = array<i64: 2, 16>, scalar_prefetch = 0 : i64, scratch_operands = 4 : i64, tpu.core_type = #tpu.core_type<sc_vector_subcore>, window_params = [{transform_indices = #map}, {transform_indices = #map}, {transform_indices = #map}]} {
    %mul3A = arith.constant 2 : i32
    %mul3A_0 = arith.muli %arg1, %mul3A : i32
    %add3A = arith.addi %mul3A_0, %arg0 : i32
    %mul3A_1 = arith.constant 128 : i32
    %mul3A_2 = arith.muli %add3A, %mul3A_1 : i32
    %mul3A_3 = arith.constant 8 : i32
    %mul3A_4 = arith.muli %add3A, %mul3A_3 : i32
    "tpu.region"() ({
      %run_scoped3A = tpu.sem_alloc : memref<!tpu.dma_semaphore, #tpu.memory_space<semaphore_mem>>
      %dma_start3A_515 = arith.constant 0 : i32
      %dma_start3A_516 = tpu.memref_slice %arg2[%mul3A_4, %dma_start3A_515] : memref<256x16xi32, #tpu.memory_space<hbm>> -> memref<8x16xi32, #tpu.memory_space<hbm>>
      %dma_start3A_517 = arith.constant 0 : i32
      %dma_start3A_518 = tpu.memref_slice %arg2[%mul3A_4, %dma_start3A_517] : memref<256x16xi32, #tpu.memory_space<hbm>> -> memref<8x16xi32, #tpu.memory_space<hbm>>
      tpu.enqueue_dma source(%dma_start3A_518 : memref<8x16xi32, #tpu.memory_space<hbm>>) target(%arg5 : memref<8x16xi32, #tpu.memory_space<vmem>>) target_semaphore(%run_scoped3A : memref<!tpu.dma_semaphore, #tpu.memory_space<semaphore_mem>>)
      %dma_wait3A_519 = arith.constant 0 : i32
      %dma_wait3A_520 = tpu.memref_slice %arg2[%mul3A_4, %dma_wait3A_519] : memref<256x16xi32, #tpu.memory_space<hbm>> -> memref<8x16xi32, #tpu.memory_space<hbm>>
      %dma_wait3A_521 = arith.constant 0 : i32
      %dma_wait3A_522 = tpu.memref_slice %arg2[%mul3A_4, %dma_wait3A_521] : memref<256x16xi32, #tpu.memory_space<hbm>> -> memref<8x16xi32, #tpu.memory_space<hbm>>
      tpu.wait_dma2 semaphore(%run_scoped3A : memref<!tpu.dma_semaphore, #tpu.memory_space<semaphore_mem>>) src(%dma_wait3A_522 : memref<8x16xi32, #tpu.memory_space<hbm>>) dst(%arg5 : memref<8x16xi32, #tpu.memory_space<vmem>>)
      tpu.yield
    }) : () -> ()
    %dma_start3A = arith.constant 0 : i32
    %dma_start3A_5 = arith.constant 0 : i32
    %dma_start3A_6 = arith.constant 0 : i32
    %dma_start3A_7 = arith.constant 0 : i32
    %dma_start3A_8 = arith.constant 0 : i32
    %dma_start3A_9 = tpu.memref_slice %arg6[%dma_start3A_5, %dma_start3A_7, %dma_start3A_8] : memref<2x16x2048xf32, #tpu.memory_space<vmem>> -> memref<1x16x2048xf32, #tpu.memory_space<vmem>>
    %dma_start3A_10 = tpu.memref_squeeze %dma_start3A_9 : memref<1x16x2048xf32, #tpu.memory_space<vmem>> -> memref<16x2048xf32, #tpu.memory_space<vmem>>
    %dma_start3A_11 = arith.constant 0 : i32
    %dma_start3A_12 = tpu.memref_slice %arg5[%dma_start3A, %dma_start3A_11] : memref<8x16xi32, #tpu.memory_space<vmem>> -> memref<1x16xi32, #tpu.memory_space<vmem>>
    %dma_start3A_13 = tpu.memref_squeeze %dma_start3A_12 : memref<1x16xi32, #tpu.memory_space<vmem>> -> memref<16xi32, #tpu.memory_space<vmem>>
    %dma_start3A_14 = arith.constant 0 : i32
    %dma_start3A_15 = arith.constant 0 : i32
    %dma_start3A_16 = tpu.memref_slice %arg3[%dma_start3A_14, %dma_start3A_15] : memref<6144x2048xf32, #tpu.memory_space<hbm>> -> memref<6144x2048xf32, #tpu.memory_space<hbm>>
    %dma_start3A_17 = tpu.memref_slice %arg7[%dma_start3A_6] : memref<2x!tpu.dma_semaphore, #tpu.memory_space<semaphore_mem>> -> memref<1x!tpu.dma_semaphore, #tpu.memory_space<semaphore_mem>>
    %dma_start3A_18 = tpu.memref_squeeze %dma_start3A_17 : memref<1x!tpu.dma_semaphore, #tpu.memory_space<semaphore_mem>> -> memref<!tpu.dma_semaphore, #tpu.memory_space<semaphore_mem>>
    tpu.enqueue_indirect_dma source(%dma_start3A_16 : memref<6144x2048xf32, #tpu.memory_space<hbm>>) target(%dma_start3A_10 : memref<16x2048xf32, #tpu.memory_space<vmem>>) offsets(%dma_start3A_13 : memref<16xi32, #tpu.memory_space<vmem>>) semaphore(%dma_start3A_18 : memref<!tpu.dma_semaphore, #tpu.memory_space<semaphore_mem>>)
    %dma_start3A_19 = arith.constant 1 : i32
    %dma_start3A_20 = arith.constant 1 : i32
    %dma_start3A_21 = arith.constant 1 : i32
    %dma_start3A_22 = arith.constant 0 : i32
    %dma_start3A_23 = arith.constant 0 : i32
    %dma_start3A_24 = tpu.memref_slice %arg6[%dma_start3A_20, %dma_start3A_22, %dma_start3A_23] : memref<2x16x2048xf32, #tpu.memory_space<vmem>> -> memref<1x16x2048xf32, #tpu.memory_space<vmem>>
    %dma_start3A_25 = tpu.memref_squeeze %dma_start3A_24 : memref<1x16x2048xf32, #tpu.memory_space<vmem>> -> memref<16x2048xf32, #tpu.memory_space<vmem>>
    %dma_start3A_26 = arith.constant 0 : i32
    %dma_start3A_27 = tpu.memref_slice %arg5[%dma_start3A_19, %dma_start3A_26] : memref<8x16xi32, #tpu.memory_space<vmem>> -> memref<1x16xi32, #tpu.memory_space<vmem>>
    %dma_start3A_28 = tpu.memref_squeeze %dma_start3A_27 : memref<1x16xi32, #tpu.memory_space<vmem>> -> memref<16xi32, #tpu.memory_space<vmem>>
    %dma_start3A_29 = arith.constant 0 : i32
    %dma_start3A_30 = arith.constant 0 : i32
    %dma_start3A_31 = tpu.memref_slice %arg3[%dma_start3A_29, %dma_start3A_30] : memref<6144x2048xf32, #tpu.memory_space<hbm>> -> memref<6144x2048xf32, #tpu.memory_space<hbm>>
    %dma_start3A_32 = tpu.memref_slice %arg7[%dma_start3A_21] : memref<2x!tpu.dma_semaphore, #tpu.memory_space<semaphore_mem>> -> memref<1x!tpu.dma_semaphore, #tpu.memory_space<semaphore_mem>>
    %dma_start3A_33 = tpu.memref_squeeze %dma_start3A_32 : memref<1x!tpu.dma_semaphore, #tpu.memory_space<semaphore_mem>> -> memref<!tpu.dma_semaphore, #tpu.memory_space<semaphore_mem>>
    tpu.enqueue_indirect_dma source(%dma_start3A_31 : memref<6144x2048xf32, #tpu.memory_space<hbm>>) target(%dma_start3A_25 : memref<16x2048xf32, #tpu.memory_space<vmem>>) offsets(%dma_start3A_28 : memref<16xi32, #tpu.memory_space<vmem>>) semaphore(%dma_start3A_33 : memref<!tpu.dma_semaphore, #tpu.memory_space<semaphore_mem>>)
    %dma_wait3A = arith.constant 0 : i32
    %dma_wait3A_34 = arith.constant 0 : i32
    %dma_wait3A_35 = arith.constant 0 : i32
    %dma_wait3A_36 = arith.constant 0 : i32
    %dma_wait3A_37 = arith.constant 0 : i32
    %dma_wait3A_38 = tpu.memref_slice %arg6[%dma_wait3A_34, %dma_wait3A_36, %dma_wait3A_37] : memref<2x16x2048xf32, #tpu.memory_space<vmem>> -> memref<1x16x2048xf32, #tpu.memory_space<vmem>>
    %dma_wait3A_39 = tpu.memref_squeeze %dma_wait3A_38 : memref<1x16x2048xf32, #tpu.memory_space<vmem>> -> memref<16x2048xf32, #tpu.memory_space<vmem>>
    %dma_wait3A_40 = arith.constant 0 : i32
    %dma_wait3A_41 = tpu.memref_slice %arg5[%dma_wait3A, %dma_wait3A_40] : memref<8x16xi32, #tpu.memory_space<vmem>> -> memref<1x16xi32, #tpu.memory_space<vmem>>
    %dma_wait3A_42 = tpu.memref_squeeze %dma_wait3A_41 : memref<1x16xi32, #tpu.memory_space<vmem>> -> memref<16xi32, #tpu.memory_space<vmem>>
    %dma_wait3A_43 = arith.constant 0 : i32
    %dma_wait3A_44 = arith.constant 0 : i32
    %dma_wait3A_45 = tpu.memref_slice %arg3[%dma_wait3A_43, %dma_wait3A_44] : memref<6144x2048xf32, #tpu.memory_space<hbm>> -> memref<6144x2048xf32, #tpu.memory_space<hbm>>
    %dma_wait3A_46 = tpu.memref_slice %arg7[%dma_wait3A_35] : memref<2x!tpu.dma_semaphore, #tpu.memory_space<semaphore_mem>> -> memref<1x!tpu.dma_semaphore, #tpu.memory_space<semaphore_mem>>
    %dma_wait3A_47 = tpu.memref_squeeze %dma_wait3A_46 : memref<1x!tpu.dma_semaphore, #tpu.memory_space<semaphore_mem>> -> memref<!tpu.dma_semaphore, #tpu.memory_space<semaphore_mem>>
    tpu.wait_indirect_dma semaphore(%dma_wait3A_47 : memref<!tpu.dma_semaphore, #tpu.memory_space<semaphore_mem>>) src(%dma_wait3A_45 : memref<6144x2048xf32, #tpu.memory_space<hbm>>) dst(%dma_wait3A_39 : memref<16x2048xf32, #tpu.memory_space<vmem>>)
    %add3A_48 = arith.constant 0 : i32
    %add3A_49 = arith.addi %mul3A_2, %add3A_48 : i32
    %dma_start3A_50 = arith.constant 0 : i32
    %dma_start3A_51 = arith.constant 0 : i32
    %dma_start3A_52 = arith.constant 0 : i32
    %dma_start3A_53 = arith.constant 0 : i32
    %dma_start3A_54 = tpu.memref_slice %arg6[%dma_start3A_50, %dma_start3A_52, %dma_start3A_53] : memref<2x16x2048xf32, #tpu.memory_space<vmem>> -> memref<1x16x2048xf32, #tpu.memory_space<vmem>>
    %dma_start3A_55 = tpu.memref_squeeze %dma_start3A_54 : memref<1x16x2048xf32, #tpu.memory_space<vmem>> -> memref<16x2048xf32, #tpu.memory_space<vmem>>
    %dma_start3A_56 = arith.constant 0 : i32
    %dma_start3A_57 = tpu.memref_slice %arg4[%add3A_49, %dma_start3A_56] : memref<4096x2048xf32, #tpu.memory_space<hbm>> -> memref<16x2048xf32, #tpu.memory_space<hbm>>
    %dma_start3A_58 = tpu.memref_slice %arg8[%dma_start3A_51] : memref<2x!tpu.dma_semaphore, #tpu.memory_space<semaphore_mem>> -> memref<1x!tpu.dma_semaphore, #tpu.memory_space<semaphore_mem>>
    %dma_start3A_59 = tpu.memref_squeeze %dma_start3A_58 : memref<1x!tpu.dma_semaphore, #tpu.memory_space<semaphore_mem>> -> memref<!tpu.dma_semaphore, #tpu.memory_space<semaphore_mem>>
    %dma_start3A_60 = arith.constant 0 : i32
    %dma_start3A_61 = tpu.memref_slice %arg4[%add3A_49, %dma_start3A_60] : memref<4096x2048xf32, #tpu.memory_space<hbm>> -> memref<16x2048xf32, #tpu.memory_space<hbm>>
    %dma_start3A_62 = arith.constant 0 : i32
    %dma_start3A_63 = arith.constant 0 : i32
    %dma_start3A_64 = tpu.memref_slice %arg6[%dma_start3A_50, %dma_start3A_62, %dma_start3A_63] : memref<2x16x2048xf32, #tpu.memory_space<vmem>> -> memref<1x16x2048xf32, #tpu.memory_space<vmem>>
    %dma_start3A_65 = tpu.memref_squeeze %dma_start3A_64 : memref<1x16x2048xf32, #tpu.memory_space<vmem>> -> memref<16x2048xf32, #tpu.memory_space<vmem>>
    tpu.enqueue_dma source(%dma_start3A_65 : memref<16x2048xf32, #tpu.memory_space<vmem>>) target(%dma_start3A_61 : memref<16x2048xf32, #tpu.memory_space<hbm>>) target_semaphore(%dma_start3A_59 : memref<!tpu.dma_semaphore, #tpu.memory_space<semaphore_mem>>)
    %dma_wait3A_66 = arith.constant 0 : i32
    %dma_wait3A_67 = arith.constant 0 : i32
    %dma_wait3A_68 = arith.constant 0 : i32
    %dma_wait3A_69 = arith.constant 0 : i32
    %dma_wait3A_70 = tpu.memref_slice %arg6[%dma_wait3A_66, %dma_wait3A_68, %dma_wait3A_69] : memref<2x16x2048xf32, #tpu.memory_space<vmem>> -> memref<1x16x2048xf32, #tpu.memory_space<vmem>>
    %dma_wait3A_71 = tpu.memref_squeeze %dma_wait3A_70 : memref<1x16x2048xf32, #tpu.memory_space<vmem>> -> memref<16x2048xf32, #tpu.memory_space<vmem>>
    %dma_wait3A_72 = arith.constant 0 : i32
    %dma_wait3A_73 = tpu.memref_slice %arg4[%add3A_49, %dma_wait3A_72] : memref<4096x2048xf32, #tpu.memory_space<hbm>> -> memref<16x2048xf32, #tpu.memory_space<hbm>>
    %dma_wait3A_74 = tpu.memref_slice %arg8[%dma_wait3A_67] : memref<2x!tpu.dma_semaphore, #tpu.memory_space<semaphore_mem>> -> memref<1x!tpu.dma_semaphore, #tpu.memory_space<semaphore_mem>>
    %dma_wait3A_75 = tpu.memref_squeeze %dma_wait3A_74 : memref<1x!tpu.dma_semaphore, #tpu.memory_space<semaphore_mem>> -> memref<!tpu.dma_semaphore, #tpu.memory_space<semaphore_mem>>
    %dma_wait3A_76 = arith.constant 0 : i32
    %dma_wait3A_77 = tpu.memref_slice %arg4[%add3A_49, %dma_wait3A_76] : memref<4096x2048xf32, #tpu.memory_space<hbm>> -> memref<16x2048xf32, #tpu.memory_space<hbm>>
    %dma_wait3A_78 = arith.constant 0 : i32
    %dma_wait3A_79 = arith.constant 0 : i32
    %dma_wait3A_80 = tpu.memref_slice %arg6[%dma_wait3A_66, %dma_wait3A_78, %dma_wait3A_79] : memref<2x16x2048xf32, #tpu.memory_space<vmem>> -> memref<1x16x2048xf32, #tpu.memory_space<vmem>>
    %dma_wait3A_81 = tpu.memref_squeeze %dma_wait3A_80 : memref<1x16x2048xf32, #tpu.memory_space<vmem>> -> memref<16x2048xf32, #tpu.memory_space<vmem>>
    tpu.wait_dma2 semaphore(%dma_wait3A_75 : memref<!tpu.dma_semaphore, #tpu.memory_space<semaphore_mem>>) src(%dma_wait3A_81 : memref<16x2048xf32, #tpu.memory_space<vmem>>) dst(%dma_wait3A_77 : memref<16x2048xf32, #tpu.memory_space<hbm>>)
    %dma_start3A_82 = arith.constant 2 : i32
    %dma_start3A_83 = arith.constant 0 : i32
    %dma_start3A_84 = arith.constant 0 : i32
    %dma_start3A_85 = arith.constant 0 : i32
    %dma_start3A_86 = arith.constant 0 : i32
    %dma_start3A_87 = tpu.memref_slice %arg6[%dma_start3A_83, %dma_start3A_85, %dma_start3A_86] : memref<2x16x2048xf32, #tpu.memory_space<vmem>> -> memref<1x16x2048xf32, #tpu.memory_space<vmem>>
    %dma_start3A_88 = tpu.memref_squeeze %dma_start3A_87 : memref<1x16x2048xf32, #tpu.memory_space<vmem>> -> memref<16x2048xf32, #tpu.memory_space<vmem>>
    %dma_start3A_89 = arith.constant 0 : i32
    %dma_start3A_90 = tpu.memref_slice %arg5[%dma_start3A_82, %dma_start3A_89] : memref<8x16xi32, #tpu.memory_space<vmem>> -> memref<1x16xi32, #tpu.memory_space<vmem>>
    %dma_start3A_91 = tpu.memref_squeeze %dma_start3A_90 : memref<1x16xi32, #tpu.memory_space<vmem>> -> memref<16xi32, #tpu.memory_space<vmem>>
    %dma_start3A_92 = arith.constant 0 : i32
    %dma_start3A_93 = arith.constant 0 : i32
    %dma_start3A_94 = tpu.memref_slice %arg3[%dma_start3A_92, %dma_start3A_93] : memref<6144x2048xf32, #tpu.memory_space<hbm>> -> memref<6144x2048xf32, #tpu.memory_space<hbm>>
    %dma_start3A_95 = tpu.memref_slice %arg7[%dma_start3A_84] : memref<2x!tpu.dma_semaphore, #tpu.memory_space<semaphore_mem>> -> memref<1x!tpu.dma_semaphore, #tpu.memory_space<semaphore_mem>>
    %dma_start3A_96 = tpu.memref_squeeze %dma_start3A_95 : memref<1x!tpu.dma_semaphore, #tpu.memory_space<semaphore_mem>> -> memref<!tpu.dma_semaphore, #tpu.memory_space<semaphore_mem>>
    tpu.enqueue_indirect_dma source(%dma_start3A_94 : memref<6144x2048xf32, #tpu.memory_space<hbm>>) target(%dma_start3A_88 : memref<16x2048xf32, #tpu.memory_space<vmem>>) offsets(%dma_start3A_91 : memref<16xi32, #tpu.memory_space<vmem>>) semaphore(%dma_start3A_96 : memref<!tpu.dma_semaphore, #tpu.memory_space<semaphore_mem>>)
    %dma_wait3A_97 = arith.constant 1 : i32
    %dma_wait3A_98 = arith.constant 1 : i32
    %dma_wait3A_99 = arith.constant 1 : i32
    %dma_wait3A_100 = arith.constant 0 : i32
    %dma_wait3A_101 = arith.constant 0 : i32
    %dma_wait3A_102 = tpu.memref_slice %arg6[%dma_wait3A_98, %dma_wait3A_100, %dma_wait3A_101] : memref<2x16x2048xf32, #tpu.memory_space<vmem>> -> memref<1x16x2048xf32, #tpu.memory_space<vmem>>
    %dma_wait3A_103 = tpu.memref_squeeze %dma_wait3A_102 : memref<1x16x2048xf32, #tpu.memory_space<vmem>> -> memref<16x2048xf32, #tpu.memory_space<vmem>>
    %dma_wait3A_104 = arith.constant 0 : i32
    %dma_wait3A_105 = tpu.memref_slice %arg5[%dma_wait3A_97, %dma_wait3A_104] : memref<8x16xi32, #tpu.memory_space<vmem>> -> memref<1x16xi32, #tpu.memory_space<vmem>>
    %dma_wait3A_106 = tpu.memref_squeeze %dma_wait3A_105 : memref<1x16xi32, #tpu.memory_space<vmem>> -> memref<16xi32, #tpu.memory_space<vmem>>
    %dma_wait3A_107 = arith.constant 0 : i32
    %dma_wait3A_108 = arith.constant 0 : i32
    %dma_wait3A_109 = tpu.memref_slice %arg3[%dma_wait3A_107, %dma_wait3A_108] : memref<6144x2048xf32, #tpu.memory_space<hbm>> -> memref<6144x2048xf32, #tpu.memory_space<hbm>>
    %dma_wait3A_110 = tpu.memref_slice %arg7[%dma_wait3A_99] : memref<2x!tpu.dma_semaphore, #tpu.memory_space<semaphore_mem>> -> memref<1x!tpu.dma_semaphore, #tpu.memory_space<semaphore_mem>>
    %dma_wait3A_111 = tpu.memref_squeeze %dma_wait3A_110 : memref<1x!tpu.dma_semaphore, #tpu.memory_space<semaphore_mem>> -> memref<!tpu.dma_semaphore, #tpu.memory_space<semaphore_mem>>
    tpu.wait_indirect_dma semaphore(%dma_wait3A_111 : memref<!tpu.dma_semaphore, #tpu.memory_space<semaphore_mem>>) src(%dma_wait3A_109 : memref<6144x2048xf32, #tpu.memory_space<hbm>>) dst(%dma_wait3A_103 : memref<16x2048xf32, #tpu.memory_space<vmem>>)
    %add3A_112 = arith.constant 16 : i32
    %add3A_113 = arith.addi %mul3A_2, %add3A_112 : i32
    %dma_start3A_114 = arith.constant 1 : i32
    %dma_start3A_115 = arith.constant 1 : i32
    %dma_start3A_116 = arith.constant 0 : i32
    %dma_start3A_117 = arith.constant 0 : i32
    %dma_start3A_118 = tpu.memref_slice %arg6[%dma_start3A_114, %dma_start3A_116, %dma_start3A_117] : memref<2x16x2048xf32, #tpu.memory_space<vmem>> -> memref<1x16x2048xf32, #tpu.memory_space<vmem>>
    %dma_start3A_119 = tpu.memref_squeeze %dma_start3A_118 : memref<1x16x2048xf32, #tpu.memory_space<vmem>> -> memref<16x2048xf32, #tpu.memory_space<vmem>>
    %dma_start3A_120 = arith.constant 0 : i32
    %dma_start3A_121 = tpu.memref_slice %arg4[%add3A_113, %dma_start3A_120] : memref<4096x2048xf32, #tpu.memory_space<hbm>> -> memref<16x2048xf32, #tpu.memory_space<hbm>>
    %dma_start3A_122 = tpu.memref_slice %arg8[%dma_start3A_115] : memref<2x!tpu.dma_semaphore, #tpu.memory_space<semaphore_mem>> -> memref<1x!tpu.dma_semaphore, #tpu.memory_space<semaphore_mem>>
    %dma_start3A_123 = tpu.memref_squeeze %dma_start3A_122 : memref<1x!tpu.dma_semaphore, #tpu.memory_space<semaphore_mem>> -> memref<!tpu.dma_semaphore, #tpu.memory_space<semaphore_mem>>
    %dma_start3A_124 = arith.constant 0 : i32
    %dma_start3A_125 = tpu.memref_slice %arg4[%add3A_113, %dma_start3A_124] : memref<4096x2048xf32, #tpu.memory_space<hbm>> -> memref<16x2048xf32, #tpu.memory_space<hbm>>
    %dma_start3A_126 = arith.constant 0 : i32
    %dma_start3A_127 = arith.constant 0 : i32
    %dma_start3A_128 = tpu.memref_slice %arg6[%dma_start3A_114, %dma_start3A_126, %dma_start3A_127] : memref<2x16x2048xf32, #tpu.memory_space<vmem>> -> memref<1x16x2048xf32, #tpu.memory_space<vmem>>
    %dma_start3A_129 = tpu.memref_squeeze %dma_start3A_128 : memref<1x16x2048xf32, #tpu.memory_space<vmem>> -> memref<16x2048xf32, #tpu.memory_space<vmem>>
    tpu.enqueue_dma source(%dma_start3A_129 : memref<16x2048xf32, #tpu.memory_space<vmem>>) target(%dma_start3A_125 : memref<16x2048xf32, #tpu.memory_space<hbm>>) target_semaphore(%dma_start3A_123 : memref<!tpu.dma_semaphore, #tpu.memory_space<semaphore_mem>>)
    %dma_wait3A_130 = arith.constant 1 : i32
    %dma_wait3A_131 = arith.constant 1 : i32
    %dma_wait3A_132 = arith.constant 0 : i32
    %dma_wait3A_133 = arith.constant 0 : i32
    %dma_wait3A_134 = tpu.memref_slice %arg6[%dma_wait3A_130, %dma_wait3A_132, %dma_wait3A_133] : memref<2x16x2048xf32, #tpu.memory_space<vmem>> -> memref<1x16x2048xf32, #tpu.memory_space<vmem>>
    %dma_wait3A_135 = tpu.memref_squeeze %dma_wait3A_134 : memref<1x16x2048xf32, #tpu.memory_space<vmem>> -> memref<16x2048xf32, #tpu.memory_space<vmem>>
    %dma_wait3A_136 = arith.constant 0 : i32
    %dma_wait3A_137 = tpu.memref_slice %arg4[%add3A_113, %dma_wait3A_136] : memref<4096x2048xf32, #tpu.memory_space<hbm>> -> memref<16x2048xf32, #tpu.memory_space<hbm>>
    %dma_wait3A_138 = tpu.memref_slice %arg8[%dma_wait3A_131] : memref<2x!tpu.dma_semaphore, #tpu.memory_space<semaphore_mem>> -> memref<1x!tpu.dma_semaphore, #tpu.memory_space<semaphore_mem>>
    %dma_wait3A_139 = tpu.memref_squeeze %dma_wait3A_138 : memref<1x!tpu.dma_semaphore, #tpu.memory_space<semaphore_mem>> -> memref<!tpu.dma_semaphore, #tpu.memory_space<semaphore_mem>>
    %dma_wait3A_140 = arith.constant 0 : i32
    %dma_wait3A_141 = tpu.memref_slice %arg4[%add3A_113, %dma_wait3A_140] : memref<4096x2048xf32, #tpu.memory_space<hbm>> -> memref<16x2048xf32, #tpu.memory_space<hbm>>
    %dma_wait3A_142 = arith.constant 0 : i32
    %dma_wait3A_143 = arith.constant 0 : i32
    %dma_wait3A_144 = tpu.memref_slice %arg6[%dma_wait3A_130, %dma_wait3A_142, %dma_wait3A_143] : memref<2x16x2048xf32, #tpu.memory_space<vmem>> -> memref<1x16x2048xf32, #tpu.memory_space<vmem>>
    %dma_wait3A_145 = tpu.memref_squeeze %dma_wait3A_144 : memref<1x16x2048xf32, #tpu.memory_space<vmem>> -> memref<16x2048xf32, #tpu.memory_space<vmem>>
    tpu.wait_dma2 semaphore(%dma_wait3A_139 : memref<!tpu.dma_semaphore, #tpu.memory_space<semaphore_mem>>) src(%dma_wait3A_145 : memref<16x2048xf32, #tpu.memory_space<vmem>>) dst(%dma_wait3A_141 : memref<16x2048xf32, #tpu.memory_space<hbm>>)
    %dma_start3A_146 = arith.constant 3 : i32
    %dma_start3A_147 = arith.constant 1 : i32
    %dma_start3A_148 = arith.constant 1 : i32
    %dma_start3A_149 = arith.constant 0 : i32
    %dma_start3A_150 = arith.constant 0 : i32
    %dma_start3A_151 = tpu.memref_slice %arg6[%dma_start3A_147, %dma_start3A_149, %dma_start3A_150] : memref<2x16x2048xf32, #tpu.memory_space<vmem>> -> memref<1x16x2048xf32, #tpu.memory_space<vmem>>
    %dma_start3A_152 = tpu.memref_squeeze %dma_start3A_151 : memref<1x16x2048xf32, #tpu.memory_space<vmem>> -> memref<16x2048xf32, #tpu.memory_space<vmem>>
    %dma_start3A_153 = arith.constant 0 : i32
    %dma_start3A_154 = tpu.memref_slice %arg5[%dma_start3A_146, %dma_start3A_153] : memref<8x16xi32, #tpu.memory_space<vmem>> -> memref<1x16xi32, #tpu.memory_space<vmem>>
    %dma_start3A_155 = tpu.memref_squeeze %dma_start3A_154 : memref<1x16xi32, #tpu.memory_space<vmem>> -> memref<16xi32, #tpu.memory_space<vmem>>
    %dma_start3A_156 = arith.constant 0 : i32
    %dma_start3A_157 = arith.constant 0 : i32
    %dma_start3A_158 = tpu.memref_slice %arg3[%dma_start3A_156, %dma_start3A_157] : memref<6144x2048xf32, #tpu.memory_space<hbm>> -> memref<6144x2048xf32, #tpu.memory_space<hbm>>
    %dma_start3A_159 = tpu.memref_slice %arg7[%dma_start3A_148] : memref<2x!tpu.dma_semaphore, #tpu.memory_space<semaphore_mem>> -> memref<1x!tpu.dma_semaphore, #tpu.memory_space<semaphore_mem>>
    %dma_start3A_160 = tpu.memref_squeeze %dma_start3A_159 : memref<1x!tpu.dma_semaphore, #tpu.memory_space<semaphore_mem>> -> memref<!tpu.dma_semaphore, #tpu.memory_space<semaphore_mem>>
    tpu.enqueue_indirect_dma source(%dma_start3A_158 : memref<6144x2048xf32, #tpu.memory_space<hbm>>) target(%dma_start3A_152 : memref<16x2048xf32, #tpu.memory_space<vmem>>) offsets(%dma_start3A_155 : memref<16xi32, #tpu.memory_space<vmem>>) semaphore(%dma_start3A_160 : memref<!tpu.dma_semaphore, #tpu.memory_space<semaphore_mem>>)
    %dma_wait3A_161 = arith.constant 2 : i32
    %dma_wait3A_162 = arith.constant 0 : i32
    %dma_wait3A_163 = arith.constant 0 : i32
    %dma_wait3A_164 = arith.constant 0 : i32
    %dma_wait3A_165 = arith.constant 0 : i32
    %dma_wait3A_166 = tpu.memref_slice %arg6[%dma_wait3A_162, %dma_wait3A_164, %dma_wait3A_165] : memref<2x16x2048xf32, #tpu.memory_space<vmem>> -> memref<1x16x2048xf32, #tpu.memory_space<vmem>>
    %dma_wait3A_167 = tpu.memref_squeeze %dma_wait3A_166 : memref<1x16x2048xf32, #tpu.memory_space<vmem>> -> memref<16x2048xf32, #tpu.memory_space<vmem>>
    %dma_wait3A_168 = arith.constant 0 : i32
    %dma_wait3A_169 = tpu.memref_slice %arg5[%dma_wait3A_161, %dma_wait3A_168] : memref<8x16xi32, #tpu.memory_space<vmem>> -> memref<1x16xi32, #tpu.memory_space<vmem>>
    %dma_wait3A_170 = tpu.memref_squeeze %dma_wait3A_169 : memref<1x16xi32, #tpu.memory_space<vmem>> -> memref<16xi32, #tpu.memory_space<vmem>>
    %dma_wait3A_171 = arith.constant 0 : i32
    %dma_wait3A_172 = arith.constant 0 : i32
    %dma_wait3A_173 = tpu.memref_slice %arg3[%dma_wait3A_171, %dma_wait3A_172] : memref<6144x2048xf32, #tpu.memory_space<hbm>> -> memref<6144x2048xf32, #tpu.memory_space<hbm>>
    %dma_wait3A_174 = tpu.memref_slice %arg7[%dma_wait3A_163] : memref<2x!tpu.dma_semaphore, #tpu.memory_space<semaphore_mem>> -> memref<1x!tpu.dma_semaphore, #tpu.memory_space<semaphore_mem>>
    %dma_wait3A_175 = tpu.memref_squeeze %dma_wait3A_174 : memref<1x!tpu.dma_semaphore, #tpu.memory_space<semaphore_mem>> -> memref<!tpu.dma_semaphore, #tpu.memory_space<semaphore_mem>>
    tpu.wait_indirect_dma semaphore(%dma_wait3A_175 : memref<!tpu.dma_semaphore, #tpu.memory_space<semaphore_mem>>) src(%dma_wait3A_173 : memref<6144x2048xf32, #tpu.memory_space<hbm>>) dst(%dma_wait3A_167 : memref<16x2048xf32, #tpu.memory_space<vmem>>)
    %add3A_176 = arith.constant 32 : i32
    %add3A_177 = arith.addi %mul3A_2, %add3A_176 : i32
    %dma_start3A_178 = arith.constant 0 : i32
    %dma_start3A_179 = arith.constant 0 : i32
    %dma_start3A_180 = arith.constant 0 : i32
    %dma_start3A_181 = arith.constant 0 : i32
    %dma_start3A_182 = tpu.memref_slice %arg6[%dma_start3A_178, %dma_start3A_180, %dma_start3A_181] : memref<2x16x2048xf32, #tpu.memory_space<vmem>> -> memref<1x16x2048xf32, #tpu.memory_space<vmem>>
    %dma_start3A_183 = tpu.memref_squeeze %dma_start3A_182 : memref<1x16x2048xf32, #tpu.memory_space<vmem>> -> memref<16x2048xf32, #tpu.memory_space<vmem>>
    %dma_start3A_184 = arith.constant 0 : i32
    %dma_start3A_185 = tpu.memref_slice %arg4[%add3A_177, %dma_start3A_184] : memref<4096x2048xf32, #tpu.memory_space<hbm>> -> memref<16x2048xf32, #tpu.memory_space<hbm>>
    %dma_start3A_186 = tpu.memref_slice %arg8[%dma_start3A_179] : memref<2x!tpu.dma_semaphore, #tpu.memory_space<semaphore_mem>> -> memref<1x!tpu.dma_semaphore, #tpu.memory_space<semaphore_mem>>
    %dma_start3A_187 = tpu.memref_squeeze %dma_start3A_186 : memref<1x!tpu.dma_semaphore, #tpu.memory_space<semaphore_mem>> -> memref<!tpu.dma_semaphore, #tpu.memory_space<semaphore_mem>>
    %dma_start3A_188 = arith.constant 0 : i32
    %dma_start3A_189 = tpu.memref_slice %arg4[%add3A_177, %dma_start3A_188] : memref<4096x2048xf32, #tpu.memory_space<hbm>> -> memref<16x2048xf32, #tpu.memory_space<hbm>>
    %dma_start3A_190 = arith.constant 0 : i32
    %dma_start3A_191 = arith.constant 0 : i32
    %dma_start3A_192 = tpu.memref_slice %arg6[%dma_start3A_178, %dma_start3A_190, %dma_start3A_191] : memref<2x16x2048xf32, #tpu.memory_space<vmem>> -> memref<1x16x2048xf32, #tpu.memory_space<vmem>>
    %dma_start3A_193 = tpu.memref_squeeze %dma_start3A_192 : memref<1x16x2048xf32, #tpu.memory_space<vmem>> -> memref<16x2048xf32, #tpu.memory_space<vmem>>
    tpu.enqueue_dma source(%dma_start3A_193 : memref<16x2048xf32, #tpu.memory_space<vmem>>) target(%dma_start3A_189 : memref<16x2048xf32, #tpu.memory_space<hbm>>) target_semaphore(%dma_start3A_187 : memref<!tpu.dma_semaphore, #tpu.memory_space<semaphore_mem>>)
    %dma_wait3A_194 = arith.constant 0 : i32
    %dma_wait3A_195 = arith.constant 0 : i32
    %dma_wait3A_196 = arith.constant 0 : i32
    %dma_wait3A_197 = arith.constant 0 : i32
    %dma_wait3A_198 = tpu.memref_slice %arg6[%dma_wait3A_194, %dma_wait3A_196, %dma_wait3A_197] : memref<2x16x2048xf32, #tpu.memory_space<vmem>> -> memref<1x16x2048xf32, #tpu.memory_space<vmem>>
    %dma_wait3A_199 = tpu.memref_squeeze %dma_wait3A_198 : memref<1x16x2048xf32, #tpu.memory_space<vmem>> -> memref<16x2048xf32, #tpu.memory_space<vmem>>
    %dma_wait3A_200 = arith.constant 0 : i32
    %dma_wait3A_201 = tpu.memref_slice %arg4[%add3A_177, %dma_wait3A_200] : memref<4096x2048xf32, #tpu.memory_space<hbm>> -> memref<16x2048xf32, #tpu.memory_space<hbm>>
    %dma_wait3A_202 = tpu.memref_slice %arg8[%dma_wait3A_195] : memref<2x!tpu.dma_semaphore, #tpu.memory_space<semaphore_mem>> -> memref<1x!tpu.dma_semaphore, #tpu.memory_space<semaphore_mem>>
    %dma_wait3A_203 = tpu.memref_squeeze %dma_wait3A_202 : memref<1x!tpu.dma_semaphore, #tpu.memory_space<semaphore_mem>> -> memref<!tpu.dma_semaphore, #tpu.memory_space<semaphore_mem>>
    %dma_wait3A_204 = arith.constant 0 : i32
    %dma_wait3A_205 = tpu.memref_slice %arg4[%add3A_177, %dma_wait3A_204] : memref<4096x2048xf32, #tpu.memory_space<hbm>> -> memref<16x2048xf32, #tpu.memory_space<hbm>>
    %dma_wait3A_206 = arith.constant 0 : i32
    %dma_wait3A_207 = arith.constant 0 : i32
    %dma_wait3A_208 = tpu.memref_slice %arg6[%dma_wait3A_194, %dma_wait3A_206, %dma_wait3A_207] : memref<2x16x2048xf32, #tpu.memory_space<vmem>> -> memref<1x16x2048xf32, #tpu.memory_space<vmem>>
    %dma_wait3A_209 = tpu.memref_squeeze %dma_wait3A_208 : memref<1x16x2048xf32, #tpu.memory_space<vmem>> -> memref<16x2048xf32, #tpu.memory_space<vmem>>
    tpu.wait_dma2 semaphore(%dma_wait3A_203 : memref<!tpu.dma_semaphore, #tpu.memory_space<semaphore_mem>>) src(%dma_wait3A_209 : memref<16x2048xf32, #tpu.memory_space<vmem>>) dst(%dma_wait3A_205 : memref<16x2048xf32, #tpu.memory_space<hbm>>)
    %dma_start3A_210 = arith.constant 4 : i32
    %dma_start3A_211 = arith.constant 0 : i32
    %dma_start3A_212 = arith.constant 0 : i32
    %dma_start3A_213 = arith.constant 0 : i32
    %dma_start3A_214 = arith.constant 0 : i32
    %dma_start3A_215 = tpu.memref_slice %arg6[%dma_start3A_211, %dma_start3A_213, %dma_start3A_214] : memref<2x16x2048xf32, #tpu.memory_space<vmem>> -> memref<1x16x2048xf32, #tpu.memory_space<vmem>>
    %dma_start3A_216 = tpu.memref_squeeze %dma_start3A_215 : memref<1x16x2048xf32, #tpu.memory_space<vmem>> -> memref<16x2048xf32, #tpu.memory_space<vmem>>
    %dma_start3A_217 = arith.constant 0 : i32
    %dma_start3A_218 = tpu.memref_slice %arg5[%dma_start3A_210, %dma_start3A_217] : memref<8x16xi32, #tpu.memory_space<vmem>> -> memref<1x16xi32, #tpu.memory_space<vmem>>
    %dma_start3A_219 = tpu.memref_squeeze %dma_start3A_218 : memref<1x16xi32, #tpu.memory_space<vmem>> -> memref<16xi32, #tpu.memory_space<vmem>>
    %dma_start3A_220 = arith.constant 0 : i32
    %dma_start3A_221 = arith.constant 0 : i32
    %dma_start3A_222 = tpu.memref_slice %arg3[%dma_start3A_220, %dma_start3A_221] : memref<6144x2048xf32, #tpu.memory_space<hbm>> -> memref<6144x2048xf32, #tpu.memory_space<hbm>>
    %dma_start3A_223 = tpu.memref_slice %arg7[%dma_start3A_212] : memref<2x!tpu.dma_semaphore, #tpu.memory_space<semaphore_mem>> -> memref<1x!tpu.dma_semaphore, #tpu.memory_space<semaphore_mem>>
    %dma_start3A_224 = tpu.memref_squeeze %dma_start3A_223 : memref<1x!tpu.dma_semaphore, #tpu.memory_space<semaphore_mem>> -> memref<!tpu.dma_semaphore, #tpu.memory_space<semaphore_mem>>
    tpu.enqueue_indirect_dma source(%dma_start3A_222 : memref<6144x2048xf32, #tpu.memory_space<hbm>>) target(%dma_start3A_216 : memref<16x2048xf32, #tpu.memory_space<vmem>>) offsets(%dma_start3A_219 : memref<16xi32, #tpu.memory_space<vmem>>) semaphore(%dma_start3A_224 : memref<!tpu.dma_semaphore, #tpu.memory_space<semaphore_mem>>)
    %dma_wait3A_225 = arith.constant 3 : i32
    %dma_wait3A_226 = arith.constant 1 : i32
    %dma_wait3A_227 = arith.constant 1 : i32
    %dma_wait3A_228 = arith.constant 0 : i32
    %dma_wait3A_229 = arith.constant 0 : i32
    %dma_wait3A_230 = tpu.memref_slice %arg6[%dma_wait3A_226, %dma_wait3A_228, %dma_wait3A_229] : memref<2x16x2048xf32, #tpu.memory_space<vmem>> -> memref<1x16x2048xf32, #tpu.memory_space<vmem>>
    %dma_wait3A_231 = tpu.memref_squeeze %dma_wait3A_230 : memref<1x16x2048xf32, #tpu.memory_space<vmem>> -> memref<16x2048xf32, #tpu.memory_space<vmem>>
    %dma_wait3A_232 = arith.constant 0 : i32
    %dma_wait3A_233 = tpu.memref_slice %arg5[%dma_wait3A_225, %dma_wait3A_232] : memref<8x16xi32, #tpu.memory_space<vmem>> -> memref<1x16xi32, #tpu.memory_space<vmem>>
    %dma_wait3A_234 = tpu.memref_squeeze %dma_wait3A_233 : memref<1x16xi32, #tpu.memory_space<vmem>> -> memref<16xi32, #tpu.memory_space<vmem>>
    %dma_wait3A_235 = arith.constant 0 : i32
    %dma_wait3A_236 = arith.constant 0 : i32
    %dma_wait3A_237 = tpu.memref_slice %arg3[%dma_wait3A_235, %dma_wait3A_236] : memref<6144x2048xf32, #tpu.memory_space<hbm>> -> memref<6144x2048xf32, #tpu.memory_space<hbm>>
    %dma_wait3A_238 = tpu.memref_slice %arg7[%dma_wait3A_227] : memref<2x!tpu.dma_semaphore, #tpu.memory_space<semaphore_mem>> -> memref<1x!tpu.dma_semaphore, #tpu.memory_space<semaphore_mem>>
    %dma_wait3A_239 = tpu.memref_squeeze %dma_wait3A_238 : memref<1x!tpu.dma_semaphore, #tpu.memory_space<semaphore_mem>> -> memref<!tpu.dma_semaphore, #tpu.memory_space<semaphore_mem>>
    tpu.wait_indirect_dma semaphore(%dma_wait3A_239 : memref<!tpu.dma_semaphore, #tpu.memory_space<semaphore_mem>>) src(%dma_wait3A_237 : memref<6144x2048xf32, #tpu.memory_space<hbm>>) dst(%dma_wait3A_231 : memref<16x2048xf32, #tpu.memory_space<vmem>>)
    %add3A_240 = arith.constant 48 : i32
    %add3A_241 = arith.addi %mul3A_2, %add3A_240 : i32
    %dma_start3A_242 = arith.constant 1 : i32
    %dma_start3A_243 = arith.constant 1 : i32
    %dma_start3A_244 = arith.constant 0 : i32
    %dma_start3A_245 = arith.constant 0 : i32
    %dma_start3A_246 = tpu.memref_slice %arg6[%dma_start3A_242, %dma_start3A_244, %dma_start3A_245] : memref<2x16x2048xf32, #tpu.memory_space<vmem>> -> memref<1x16x2048xf32, #tpu.memory_space<vmem>>
    %dma_start3A_247 = tpu.memref_squeeze %dma_start3A_246 : memref<1x16x2048xf32, #tpu.memory_space<vmem>> -> memref<16x2048xf32, #tpu.memory_space<vmem>>
    %dma_start3A_248 = arith.constant 0 : i32
    %dma_start3A_249 = tpu.memref_slice %arg4[%add3A_241, %dma_start3A_248] : memref<4096x2048xf32, #tpu.memory_space<hbm>> -> memref<16x2048xf32, #tpu.memory_space<hbm>>
    %dma_start3A_250 = tpu.memref_slice %arg8[%dma_start3A_243] : memref<2x!tpu.dma_semaphore, #tpu.memory_space<semaphore_mem>> -> memref<1x!tpu.dma_semaphore, #tpu.memory_space<semaphore_mem>>
    %dma_start3A_251 = tpu.memref_squeeze %dma_start3A_250 : memref<1x!tpu.dma_semaphore, #tpu.memory_space<semaphore_mem>> -> memref<!tpu.dma_semaphore, #tpu.memory_space<semaphore_mem>>
    %dma_start3A_252 = arith.constant 0 : i32
    %dma_start3A_253 = tpu.memref_slice %arg4[%add3A_241, %dma_start3A_252] : memref<4096x2048xf32, #tpu.memory_space<hbm>> -> memref<16x2048xf32, #tpu.memory_space<hbm>>
    %dma_start3A_254 = arith.constant 0 : i32
    %dma_start3A_255 = arith.constant 0 : i32
    %dma_start3A_256 = tpu.memref_slice %arg6[%dma_start3A_242, %dma_start3A_254, %dma_start3A_255] : memref<2x16x2048xf32, #tpu.memory_space<vmem>> -> memref<1x16x2048xf32, #tpu.memory_space<vmem>>
    %dma_start3A_257 = tpu.memref_squeeze %dma_start3A_256 : memref<1x16x2048xf32, #tpu.memory_space<vmem>> -> memref<16x2048xf32, #tpu.memory_space<vmem>>
    tpu.enqueue_dma source(%dma_start3A_257 : memref<16x2048xf32, #tpu.memory_space<vmem>>) target(%dma_start3A_253 : memref<16x2048xf32, #tpu.memory_space<hbm>>) target_semaphore(%dma_start3A_251 : memref<!tpu.dma_semaphore, #tpu.memory_space<semaphore_mem>>)
    %dma_wait3A_258 = arith.constant 1 : i32
    %dma_wait3A_259 = arith.constant 1 : i32
    %dma_wait3A_260 = arith.constant 0 : i32
    %dma_wait3A_261 = arith.constant 0 : i32
    %dma_wait3A_262 = tpu.memref_slice %arg6[%dma_wait3A_258, %dma_wait3A_260, %dma_wait3A_261] : memref<2x16x2048xf32, #tpu.memory_space<vmem>> -> memref<1x16x2048xf32, #tpu.memory_space<vmem>>
    %dma_wait3A_263 = tpu.memref_squeeze %dma_wait3A_262 : memref<1x16x2048xf32, #tpu.memory_space<vmem>> -> memref<16x2048xf32, #tpu.memory_space<vmem>>
    %dma_wait3A_264 = arith.constant 0 : i32
    %dma_wait3A_265 = tpu.memref_slice %arg4[%add3A_241, %dma_wait3A_264] : memref<4096x2048xf32, #tpu.memory_space<hbm>> -> memref<16x2048xf32, #tpu.memory_space<hbm>>
    %dma_wait3A_266 = tpu.memref_slice %arg8[%dma_wait3A_259] : memref<2x!tpu.dma_semaphore, #tpu.memory_space<semaphore_mem>> -> memref<1x!tpu.dma_semaphore, #tpu.memory_space<semaphore_mem>>
    %dma_wait3A_267 = tpu.memref_squeeze %dma_wait3A_266 : memref<1x!tpu.dma_semaphore, #tpu.memory_space<semaphore_mem>> -> memref<!tpu.dma_semaphore, #tpu.memory_space<semaphore_mem>>
    %dma_wait3A_268 = arith.constant 0 : i32
    %dma_wait3A_269 = tpu.memref_slice %arg4[%add3A_241, %dma_wait3A_268] : memref<4096x2048xf32, #tpu.memory_space<hbm>> -> memref<16x2048xf32, #tpu.memory_space<hbm>>
    %dma_wait3A_270 = arith.constant 0 : i32
    %dma_wait3A_271 = arith.constant 0 : i32
    %dma_wait3A_272 = tpu.memref_slice %arg6[%dma_wait3A_258, %dma_wait3A_270, %dma_wait3A_271] : memref<2x16x2048xf32, #tpu.memory_space<vmem>> -> memref<1x16x2048xf32, #tpu.memory_space<vmem>>
    %dma_wait3A_273 = tpu.memref_squeeze %dma_wait3A_272 : memref<1x16x2048xf32, #tpu.memory_space<vmem>> -> memref<16x2048xf32, #tpu.memory_space<vmem>>
    tpu.wait_dma2 semaphore(%dma_wait3A_267 : memref<!tpu.dma_semaphore, #tpu.memory_space<semaphore_mem>>) src(%dma_wait3A_273 : memref<16x2048xf32, #tpu.memory_space<vmem>>) dst(%dma_wait3A_269 : memref<16x2048xf32, #tpu.memory_space<hbm>>)
    %dma_start3A_274 = arith.constant 5 : i32
    %dma_start3A_275 = arith.constant 1 : i32
    %dma_start3A_276 = arith.constant 1 : i32
    %dma_start3A_277 = arith.constant 0 : i32
    %dma_start3A_278 = arith.constant 0 : i32
    %dma_start3A_279 = tpu.memref_slice %arg6[%dma_start3A_275, %dma_start3A_277, %dma_start3A_278] : memref<2x16x2048xf32, #tpu.memory_space<vmem>> -> memref<1x16x2048xf32, #tpu.memory_space<vmem>>
    %dma_start3A_280 = tpu.memref_squeeze %dma_start3A_279 : memref<1x16x2048xf32, #tpu.memory_space<vmem>> -> memref<16x2048xf32, #tpu.memory_space<vmem>>
    %dma_start3A_281 = arith.constant 0 : i32
    %dma_start3A_282 = tpu.memref_slice %arg5[%dma_start3A_274, %dma_start3A_281] : memref<8x16xi32, #tpu.memory_space<vmem>> -> memref<1x16xi32, #tpu.memory_space<vmem>>
    %dma_start3A_283 = tpu.memref_squeeze %dma_start3A_282 : memref<1x16xi32, #tpu.memory_space<vmem>> -> memref<16xi32, #tpu.memory_space<vmem>>
    %dma_start3A_284 = arith.constant 0 : i32
    %dma_start3A_285 = arith.constant 0 : i32
    %dma_start3A_286 = tpu.memref_slice %arg3[%dma_start3A_284, %dma_start3A_285] : memref<6144x2048xf32, #tpu.memory_space<hbm>> -> memref<6144x2048xf32, #tpu.memory_space<hbm>>
    %dma_start3A_287 = tpu.memref_slice %arg7[%dma_start3A_276] : memref<2x!tpu.dma_semaphore, #tpu.memory_space<semaphore_mem>> -> memref<1x!tpu.dma_semaphore, #tpu.memory_space<semaphore_mem>>
    %dma_start3A_288 = tpu.memref_squeeze %dma_start3A_287 : memref<1x!tpu.dma_semaphore, #tpu.memory_space<semaphore_mem>> -> memref<!tpu.dma_semaphore, #tpu.memory_space<semaphore_mem>>
    tpu.enqueue_indirect_dma source(%dma_start3A_286 : memref<6144x2048xf32, #tpu.memory_space<hbm>>) target(%dma_start3A_280 : memref<16x2048xf32, #tpu.memory_space<vmem>>) offsets(%dma_start3A_283 : memref<16xi32, #tpu.memory_space<vmem>>) semaphore(%dma_start3A_288 : memref<!tpu.dma_semaphore, #tpu.memory_space<semaphore_mem>>)
    %dma_wait3A_289 = arith.constant 4 : i32
    %dma_wait3A_290 = arith.constant 0 : i32
    %dma_wait3A_291 = arith.constant 0 : i32
    %dma_wait3A_292 = arith.constant 0 : i32
    %dma_wait3A_293 = arith.constant 0 : i32
    %dma_wait3A_294 = tpu.memref_slice %arg6[%dma_wait3A_290, %dma_wait3A_292, %dma_wait3A_293] : memref<2x16x2048xf32, #tpu.memory_space<vmem>> -> memref<1x16x2048xf32, #tpu.memory_space<vmem>>
    %dma_wait3A_295 = tpu.memref_squeeze %dma_wait3A_294 : memref<1x16x2048xf32, #tpu.memory_space<vmem>> -> memref<16x2048xf32, #tpu.memory_space<vmem>>
    %dma_wait3A_296 = arith.constant 0 : i32
    %dma_wait3A_297 = tpu.memref_slice %arg5[%dma_wait3A_289, %dma_wait3A_296] : memref<8x16xi32, #tpu.memory_space<vmem>> -> memref<1x16xi32, #tpu.memory_space<vmem>>
    %dma_wait3A_298 = tpu.memref_squeeze %dma_wait3A_297 : memref<1x16xi32, #tpu.memory_space<vmem>> -> memref<16xi32, #tpu.memory_space<vmem>>
    %dma_wait3A_299 = arith.constant 0 : i32
    %dma_wait3A_300 = arith.constant 0 : i32
    %dma_wait3A_301 = tpu.memref_slice %arg3[%dma_wait3A_299, %dma_wait3A_300] : memref<6144x2048xf32, #tpu.memory_space<hbm>> -> memref<6144x2048xf32, #tpu.memory_space<hbm>>
    %dma_wait3A_302 = tpu.memref_slice %arg7[%dma_wait3A_291] : memref<2x!tpu.dma_semaphore, #tpu.memory_space<semaphore_mem>> -> memref<1x!tpu.dma_semaphore, #tpu.memory_space<semaphore_mem>>
    %dma_wait3A_303 = tpu.memref_squeeze %dma_wait3A_302 : memref<1x!tpu.dma_semaphore, #tpu.memory_space<semaphore_mem>> -> memref<!tpu.dma_semaphore, #tpu.memory_space<semaphore_mem>>
    tpu.wait_indirect_dma semaphore(%dma_wait3A_303 : memref<!tpu.dma_semaphore, #tpu.memory_space<semaphore_mem>>) src(%dma_wait3A_301 : memref<6144x2048xf32, #tpu.memory_space<hbm>>) dst(%dma_wait3A_295 : memref<16x2048xf32, #tpu.memory_space<vmem>>)
    %add3A_304 = arith.constant 64 : i32
    %add3A_305 = arith.addi %mul3A_2, %add3A_304 : i32
    %dma_start3A_306 = arith.constant 0 : i32
    %dma_start3A_307 = arith.constant 0 : i32
    %dma_start3A_308 = arith.constant 0 : i32
    %dma_start3A_309 = arith.constant 0 : i32
    %dma_start3A_310 = tpu.memref_slice %arg6[%dma_start3A_306, %dma_start3A_308, %dma_start3A_309] : memref<2x16x2048xf32, #tpu.memory_space<vmem>> -> memref<1x16x2048xf32, #tpu.memory_space<vmem>>
    %dma_start3A_311 = tpu.memref_squeeze %dma_start3A_310 : memref<1x16x2048xf32, #tpu.memory_space<vmem>> -> memref<16x2048xf32, #tpu.memory_space<vmem>>
    %dma_start3A_312 = arith.constant 0 : i32
    %dma_start3A_313 = tpu.memref_slice %arg4[%add3A_305, %dma_start3A_312] : memref<4096x2048xf32, #tpu.memory_space<hbm>> -> memref<16x2048xf32, #tpu.memory_space<hbm>>
    %dma_start3A_314 = tpu.memref_slice %arg8[%dma_start3A_307] : memref<2x!tpu.dma_semaphore, #tpu.memory_space<semaphore_mem>> -> memref<1x!tpu.dma_semaphore, #tpu.memory_space<semaphore_mem>>
    %dma_start3A_315 = tpu.memref_squeeze %dma_start3A_314 : memref<1x!tpu.dma_semaphore, #tpu.memory_space<semaphore_mem>> -> memref<!tpu.dma_semaphore, #tpu.memory_space<semaphore_mem>>
    %dma_start3A_316 = arith.constant 0 : i32
    %dma_start3A_317 = tpu.memref_slice %arg4[%add3A_305, %dma_start3A_316] : memref<4096x2048xf32, #tpu.memory_space<hbm>> -> memref<16x2048xf32, #tpu.memory_space<hbm>>
    %dma_start3A_318 = arith.constant 0 : i32
    %dma_start3A_319 = arith.constant 0 : i32
    %dma_start3A_320 = tpu.memref_slice %arg6[%dma_start3A_306, %dma_start3A_318, %dma_start3A_319] : memref<2x16x2048xf32, #tpu.memory_space<vmem>> -> memref<1x16x2048xf32, #tpu.memory_space<vmem>>
    %dma_start3A_321 = tpu.memref_squeeze %dma_start3A_320 : memref<1x16x2048xf32, #tpu.memory_space<vmem>> -> memref<16x2048xf32, #tpu.memory_space<vmem>>
    tpu.enqueue_dma source(%dma_start3A_321 : memref<16x2048xf32, #tpu.memory_space<vmem>>) target(%dma_start3A_317 : memref<16x2048xf32, #tpu.memory_space<hbm>>) target_semaphore(%dma_start3A_315 : memref<!tpu.dma_semaphore, #tpu.memory_space<semaphore_mem>>)
    %dma_wait3A_322 = arith.constant 0 : i32
    %dma_wait3A_323 = arith.constant 0 : i32
    %dma_wait3A_324 = arith.constant 0 : i32
    %dma_wait3A_325 = arith.constant 0 : i32
    %dma_wait3A_326 = tpu.memref_slice %arg6[%dma_wait3A_322, %dma_wait3A_324, %dma_wait3A_325] : memref<2x16x2048xf32, #tpu.memory_space<vmem>> -> memref<1x16x2048xf32, #tpu.memory_space<vmem>>
    %dma_wait3A_327 = tpu.memref_squeeze %dma_wait3A_326 : memref<1x16x2048xf32, #tpu.memory_space<vmem>> -> memref<16x2048xf32, #tpu.memory_space<vmem>>
    %dma_wait3A_328 = arith.constant 0 : i32
    %dma_wait3A_329 = tpu.memref_slice %arg4[%add3A_305, %dma_wait3A_328] : memref<4096x2048xf32, #tpu.memory_space<hbm>> -> memref<16x2048xf32, #tpu.memory_space<hbm>>
    %dma_wait3A_330 = tpu.memref_slice %arg8[%dma_wait3A_323] : memref<2x!tpu.dma_semaphore, #tpu.memory_space<semaphore_mem>> -> memref<1x!tpu.dma_semaphore, #tpu.memory_space<semaphore_mem>>
    %dma_wait3A_331 = tpu.memref_squeeze %dma_wait3A_330 : memref<1x!tpu.dma_semaphore, #tpu.memory_space<semaphore_mem>> -> memref<!tpu.dma_semaphore, #tpu.memory_space<semaphore_mem>>
    %dma_wait3A_332 = arith.constant 0 : i32
    %dma_wait3A_333 = tpu.memref_slice %arg4[%add3A_305, %dma_wait3A_332] : memref<4096x2048xf32, #tpu.memory_space<hbm>> -> memref<16x2048xf32, #tpu.memory_space<hbm>>
    %dma_wait3A_334 = arith.constant 0 : i32
    %dma_wait3A_335 = arith.constant 0 : i32
    %dma_wait3A_336 = tpu.memref_slice %arg6[%dma_wait3A_322, %dma_wait3A_334, %dma_wait3A_335] : memref<2x16x2048xf32, #tpu.memory_space<vmem>> -> memref<1x16x2048xf32, #tpu.memory_space<vmem>>
    %dma_wait3A_337 = tpu.memref_squeeze %dma_wait3A_336 : memref<1x16x2048xf32, #tpu.memory_space<vmem>> -> memref<16x2048xf32, #tpu.memory_space<vmem>>
    tpu.wait_dma2 semaphore(%dma_wait3A_331 : memref<!tpu.dma_semaphore, #tpu.memory_space<semaphore_mem>>) src(%dma_wait3A_337 : memref<16x2048xf32, #tpu.memory_space<vmem>>) dst(%dma_wait3A_333 : memref<16x2048xf32, #tpu.memory_space<hbm>>)
    %dma_start3A_338 = arith.constant 6 : i32
    %dma_start3A_339 = arith.constant 0 : i32
    %dma_start3A_340 = arith.constant 0 : i32
    %dma_start3A_341 = arith.constant 0 : i32
    %dma_start3A_342 = arith.constant 0 : i32
    %dma_start3A_343 = tpu.memref_slice %arg6[%dma_start3A_339, %dma_start3A_341, %dma_start3A_342] : memref<2x16x2048xf32, #tpu.memory_space<vmem>> -> memref<1x16x2048xf32, #tpu.memory_space<vmem>>
    %dma_start3A_344 = tpu.memref_squeeze %dma_start3A_343 : memref<1x16x2048xf32, #tpu.memory_space<vmem>> -> memref<16x2048xf32, #tpu.memory_space<vmem>>
    %dma_start3A_345 = arith.constant 0 : i32
    %dma_start3A_346 = tpu.memref_slice %arg5[%dma_start3A_338, %dma_start3A_345] : memref<8x16xi32, #tpu.memory_space<vmem>> -> memref<1x16xi32, #tpu.memory_space<vmem>>
    %dma_start3A_347 = tpu.memref_squeeze %dma_start3A_346 : memref<1x16xi32, #tpu.memory_space<vmem>> -> memref<16xi32, #tpu.memory_space<vmem>>
    %dma_start3A_348 = arith.constant 0 : i32
    %dma_start3A_349 = arith.constant 0 : i32
    %dma_start3A_350 = tpu.memref_slice %arg3[%dma_start3A_348, %dma_start3A_349] : memref<6144x2048xf32, #tpu.memory_space<hbm>> -> memref<6144x2048xf32, #tpu.memory_space<hbm>>
    %dma_start3A_351 = tpu.memref_slice %arg7[%dma_start3A_340] : memref<2x!tpu.dma_semaphore, #tpu.memory_space<semaphore_mem>> -> memref<1x!tpu.dma_semaphore, #tpu.memory_space<semaphore_mem>>
    %dma_start3A_352 = tpu.memref_squeeze %dma_start3A_351 : memref<1x!tpu.dma_semaphore, #tpu.memory_space<semaphore_mem>> -> memref<!tpu.dma_semaphore, #tpu.memory_space<semaphore_mem>>
    tpu.enqueue_indirect_dma source(%dma_start3A_350 : memref<6144x2048xf32, #tpu.memory_space<hbm>>) target(%dma_start3A_344 : memref<16x2048xf32, #tpu.memory_space<vmem>>) offsets(%dma_start3A_347 : memref<16xi32, #tpu.memory_space<vmem>>) semaphore(%dma_start3A_352 : memref<!tpu.dma_semaphore, #tpu.memory_space<semaphore_mem>>)
    %dma_wait3A_353 = arith.constant 5 : i32
    %dma_wait3A_354 = arith.constant 1 : i32
    %dma_wait3A_355 = arith.constant 1 : i32
    %dma_wait3A_356 = arith.constant 0 : i32
    %dma_wait3A_357 = arith.constant 0 : i32
    %dma_wait3A_358 = tpu.memref_slice %arg6[%dma_wait3A_354, %dma_wait3A_356, %dma_wait3A_357] : memref<2x16x2048xf32, #tpu.memory_space<vmem>> -> memref<1x16x2048xf32, #tpu.memory_space<vmem>>
    %dma_wait3A_359 = tpu.memref_squeeze %dma_wait3A_358 : memref<1x16x2048xf32, #tpu.memory_space<vmem>> -> memref<16x2048xf32, #tpu.memory_space<vmem>>
    %dma_wait3A_360 = arith.constant 0 : i32
    %dma_wait3A_361 = tpu.memref_slice %arg5[%dma_wait3A_353, %dma_wait3A_360] : memref<8x16xi32, #tpu.memory_space<vmem>> -> memref<1x16xi32, #tpu.memory_space<vmem>>
    %dma_wait3A_362 = tpu.memref_squeeze %dma_wait3A_361 : memref<1x16xi32, #tpu.memory_space<vmem>> -> memref<16xi32, #tpu.memory_space<vmem>>
    %dma_wait3A_363 = arith.constant 0 : i32
    %dma_wait3A_364 = arith.constant 0 : i32
    %dma_wait3A_365 = tpu.memref_slice %arg3[%dma_wait3A_363, %dma_wait3A_364] : memref<6144x2048xf32, #tpu.memory_space<hbm>> -> memref<6144x2048xf32, #tpu.memory_space<hbm>>
    %dma_wait3A_366 = tpu.memref_slice %arg7[%dma_wait3A_355] : memref<2x!tpu.dma_semaphore, #tpu.memory_space<semaphore_mem>> -> memref<1x!tpu.dma_semaphore, #tpu.memory_space<semaphore_mem>>
    %dma_wait3A_367 = tpu.memref_squeeze %dma_wait3A_366 : memref<1x!tpu.dma_semaphore, #tpu.memory_space<semaphore_mem>> -> memref<!tpu.dma_semaphore, #tpu.memory_space<semaphore_mem>>
    tpu.wait_indirect_dma semaphore(%dma_wait3A_367 : memref<!tpu.dma_semaphore, #tpu.memory_space<semaphore_mem>>) src(%dma_wait3A_365 : memref<6144x2048xf32, #tpu.memory_space<hbm>>) dst(%dma_wait3A_359 : memref<16x2048xf32, #tpu.memory_space<vmem>>)
    %add3A_368 = arith.constant 80 : i32
    %add3A_369 = arith.addi %mul3A_2, %add3A_368 : i32
    %dma_start3A_370 = arith.constant 1 : i32
    %dma_start3A_371 = arith.constant 1 : i32
    %dma_start3A_372 = arith.constant 0 : i32
    %dma_start3A_373 = arith.constant 0 : i32
    %dma_start3A_374 = tpu.memref_slice %arg6[%dma_start3A_370, %dma_start3A_372, %dma_start3A_373] : memref<2x16x2048xf32, #tpu.memory_space<vmem>> -> memref<1x16x2048xf32, #tpu.memory_space<vmem>>
    %dma_start3A_375 = tpu.memref_squeeze %dma_start3A_374 : memref<1x16x2048xf32, #tpu.memory_space<vmem>> -> memref<16x2048xf32, #tpu.memory_space<vmem>>
    %dma_start3A_376 = arith.constant 0 : i32
    %dma_start3A_377 = tpu.memref_slice %arg4[%add3A_369, %dma_start3A_376] : memref<4096x2048xf32, #tpu.memory_space<hbm>> -> memref<16x2048xf32, #tpu.memory_space<hbm>>
    %dma_start3A_378 = tpu.memref_slice %arg8[%dma_start3A_371] : memref<2x!tpu.dma_semaphore, #tpu.memory_space<semaphore_mem>> -> memref<1x!tpu.dma_semaphore, #tpu.memory_space<semaphore_mem>>
    %dma_start3A_379 = tpu.memref_squeeze %dma_start3A_378 : memref<1x!tpu.dma_semaphore, #tpu.memory_space<semaphore_mem>> -> memref<!tpu.dma_semaphore, #tpu.memory_space<semaphore_mem>>
    %dma_start3A_380 = arith.constant 0 : i32
    %dma_start3A_381 = tpu.memref_slice %arg4[%add3A_369, %dma_start3A_380] : memref<4096x2048xf32, #tpu.memory_space<hbm>> -> memref<16x2048xf32, #tpu.memory_space<hbm>>
    %dma_start3A_382 = arith.constant 0 : i32
    %dma_start3A_383 = arith.constant 0 : i32
    %dma_start3A_384 = tpu.memref_slice %arg6[%dma_start3A_370, %dma_start3A_382, %dma_start3A_383] : memref<2x16x2048xf32, #tpu.memory_space<vmem>> -> memref<1x16x2048xf32, #tpu.memory_space<vmem>>
    %dma_start3A_385 = tpu.memref_squeeze %dma_start3A_384 : memref<1x16x2048xf32, #tpu.memory_space<vmem>> -> memref<16x2048xf32, #tpu.memory_space<vmem>>
    tpu.enqueue_dma source(%dma_start3A_385 : memref<16x2048xf32, #tpu.memory_space<vmem>>) target(%dma_start3A_381 : memref<16x2048xf32, #tpu.memory_space<hbm>>) target_semaphore(%dma_start3A_379 : memref<!tpu.dma_semaphore, #tpu.memory_space<semaphore_mem>>)
    %dma_wait3A_386 = arith.constant 1 : i32
    %dma_wait3A_387 = arith.constant 1 : i32
    %dma_wait3A_388 = arith.constant 0 : i32
    %dma_wait3A_389 = arith.constant 0 : i32
    %dma_wait3A_390 = tpu.memref_slice %arg6[%dma_wait3A_386, %dma_wait3A_388, %dma_wait3A_389] : memref<2x16x2048xf32, #tpu.memory_space<vmem>> -> memref<1x16x2048xf32, #tpu.memory_space<vmem>>
    %dma_wait3A_391 = tpu.memref_squeeze %dma_wait3A_390 : memref<1x16x2048xf32, #tpu.memory_space<vmem>> -> memref<16x2048xf32, #tpu.memory_space<vmem>>
    %dma_wait3A_392 = arith.constant 0 : i32
    %dma_wait3A_393 = tpu.memref_slice %arg4[%add3A_369, %dma_wait3A_392] : memref<4096x2048xf32, #tpu.memory_space<hbm>> -> memref<16x2048xf32, #tpu.memory_space<hbm>>
    %dma_wait3A_394 = tpu.memref_slice %arg8[%dma_wait3A_387] : memref<2x!tpu.dma_semaphore, #tpu.memory_space<semaphore_mem>> -> memref<1x!tpu.dma_semaphore, #tpu.memory_space<semaphore_mem>>
    %dma_wait3A_395 = tpu.memref_squeeze %dma_wait3A_394 : memref<1x!tpu.dma_semaphore, #tpu.memory_space<semaphore_mem>> -> memref<!tpu.dma_semaphore, #tpu.memory_space<semaphore_mem>>
    %dma_wait3A_396 = arith.constant 0 : i32
    %dma_wait3A_397 = tpu.memref_slice %arg4[%add3A_369, %dma_wait3A_396] : memref<4096x2048xf32, #tpu.memory_space<hbm>> -> memref<16x2048xf32, #tpu.memory_space<hbm>>
    %dma_wait3A_398 = arith.constant 0 : i32
    %dma_wait3A_399 = arith.constant 0 : i32
    %dma_wait3A_400 = tpu.memref_slice %arg6[%dma_wait3A_386, %dma_wait3A_398, %dma_wait3A_399] : memref<2x16x2048xf32, #tpu.memory_space<vmem>> -> memref<1x16x2048xf32, #tpu.memory_space<vmem>>
    %dma_wait3A_401 = tpu.memref_squeeze %dma_wait3A_400 : memref<1x16x2048xf32, #tpu.memory_space<vmem>> -> memref<16x2048xf32, #tpu.memory_space<vmem>>
    tpu.wait_dma2 semaphore(%dma_wait3A_395 : memref<!tpu.dma_semaphore, #tpu.memory_space<semaphore_mem>>) src(%dma_wait3A_401 : memref<16x2048xf32, #tpu.memory_space<vmem>>) dst(%dma_wait3A_397 : memref<16x2048xf32, #tpu.memory_space<hbm>>)
    %dma_start3A_402 = arith.constant 7 : i32
    %dma_start3A_403 = arith.constant 1 : i32
    %dma_start3A_404 = arith.constant 1 : i32
    %dma_start3A_405 = arith.constant 0 : i32
    %dma_start3A_406 = arith.constant 0 : i32
    %dma_start3A_407 = tpu.memref_slice %arg6[%dma_start3A_403, %dma_start3A_405, %dma_start3A_406] : memref<2x16x2048xf32, #tpu.memory_space<vmem>> -> memref<1x16x2048xf32, #tpu.memory_space<vmem>>
    %dma_start3A_408 = tpu.memref_squeeze %dma_start3A_407 : memref<1x16x2048xf32, #tpu.memory_space<vmem>> -> memref<16x2048xf32, #tpu.memory_space<vmem>>
    %dma_start3A_409 = arith.constant 0 : i32
    %dma_start3A_410 = tpu.memref_slice %arg5[%dma_start3A_402, %dma_start3A_409] : memref<8x16xi32, #tpu.memory_space<vmem>> -> memref<1x16xi32, #tpu.memory_space<vmem>>
    %dma_start3A_411 = tpu.memref_squeeze %dma_start3A_410 : memref<1x16xi32, #tpu.memory_space<vmem>> -> memref<16xi32, #tpu.memory_space<vmem>>
    %dma_start3A_412 = arith.constant 0 : i32
    %dma_start3A_413 = arith.constant 0 : i32
    %dma_start3A_414 = tpu.memref_slice %arg3[%dma_start3A_412, %dma_start3A_413] : memref<6144x2048xf32, #tpu.memory_space<hbm>> -> memref<6144x2048xf32, #tpu.memory_space<hbm>>
    %dma_start3A_415 = tpu.memref_slice %arg7[%dma_start3A_404] : memref<2x!tpu.dma_semaphore, #tpu.memory_space<semaphore_mem>> -> memref<1x!tpu.dma_semaphore, #tpu.memory_space<semaphore_mem>>
    %dma_start3A_416 = tpu.memref_squeeze %dma_start3A_415 : memref<1x!tpu.dma_semaphore, #tpu.memory_space<semaphore_mem>> -> memref<!tpu.dma_semaphore, #tpu.memory_space<semaphore_mem>>
    tpu.enqueue_indirect_dma source(%dma_start3A_414 : memref<6144x2048xf32, #tpu.memory_space<hbm>>) target(%dma_start3A_408 : memref<16x2048xf32, #tpu.memory_space<vmem>>) offsets(%dma_start3A_411 : memref<16xi32, #tpu.memory_space<vmem>>) semaphore(%dma_start3A_416 : memref<!tpu.dma_semaphore, #tpu.memory_space<semaphore_mem>>)
    %dma_wait3A_417 = arith.constant 6 : i32
    %dma_wait3A_418 = arith.constant 0 : i32
    %dma_wait3A_419 = arith.constant 0 : i32
    %dma_wait3A_420 = arith.constant 0 : i32
    %dma_wait3A_421 = arith.constant 0 : i32
    %dma_wait3A_422 = tpu.memref_slice %arg6[%dma_wait3A_418, %dma_wait3A_420, %dma_wait3A_421] : memref<2x16x2048xf32, #tpu.memory_space<vmem>> -> memref<1x16x2048xf32, #tpu.memory_space<vmem>>
    %dma_wait3A_423 = tpu.memref_squeeze %dma_wait3A_422 : memref<1x16x2048xf32, #tpu.memory_space<vmem>> -> memref<16x2048xf32, #tpu.memory_space<vmem>>
    %dma_wait3A_424 = arith.constant 0 : i32
    %dma_wait3A_425 = tpu.memref_slice %arg5[%dma_wait3A_417, %dma_wait3A_424] : memref<8x16xi32, #tpu.memory_space<vmem>> -> memref<1x16xi32, #tpu.memory_space<vmem>>
    %dma_wait3A_426 = tpu.memref_squeeze %dma_wait3A_425 : memref<1x16xi32, #tpu.memory_space<vmem>> -> memref<16xi32, #tpu.memory_space<vmem>>
    %dma_wait3A_427 = arith.constant 0 : i32
    %dma_wait3A_428 = arith.constant 0 : i32
    %dma_wait3A_429 = tpu.memref_slice %arg3[%dma_wait3A_427, %dma_wait3A_428] : memref<6144x2048xf32, #tpu.memory_space<hbm>> -> memref<6144x2048xf32, #tpu.memory_space<hbm>>
    %dma_wait3A_430 = tpu.memref_slice %arg7[%dma_wait3A_419] : memref<2x!tpu.dma_semaphore, #tpu.memory_space<semaphore_mem>> -> memref<1x!tpu.dma_semaphore, #tpu.memory_space<semaphore_mem>>
    %dma_wait3A_431 = tpu.memref_squeeze %dma_wait3A_430 : memref<1x!tpu.dma_semaphore, #tpu.memory_space<semaphore_mem>> -> memref<!tpu.dma_semaphore, #tpu.memory_space<semaphore_mem>>
    tpu.wait_indirect_dma semaphore(%dma_wait3A_431 : memref<!tpu.dma_semaphore, #tpu.memory_space<semaphore_mem>>) src(%dma_wait3A_429 : memref<6144x2048xf32, #tpu.memory_space<hbm>>) dst(%dma_wait3A_423 : memref<16x2048xf32, #tpu.memory_space<vmem>>)
    %add3A_432 = arith.constant 96 : i32
    %add3A_433 = arith.addi %mul3A_2, %add3A_432 : i32
    %dma_start3A_434 = arith.constant 0 : i32
    %dma_start3A_435 = arith.constant 0 : i32
    %dma_start3A_436 = arith.constant 0 : i32
    %dma_start3A_437 = arith.constant 0 : i32
    %dma_start3A_438 = tpu.memref_slice %arg6[%dma_start3A_434, %dma_start3A_436, %dma_start3A_437] : memref<2x16x2048xf32, #tpu.memory_space<vmem>> -> memref<1x16x2048xf32, #tpu.memory_space<vmem>>
    %dma_start3A_439 = tpu.memref_squeeze %dma_start3A_438 : memref<1x16x2048xf32, #tpu.memory_space<vmem>> -> memref<16x2048xf32, #tpu.memory_space<vmem>>
    %dma_start3A_440 = arith.constant 0 : i32
    %dma_start3A_441 = tpu.memref_slice %arg4[%add3A_433, %dma_start3A_440] : memref<4096x2048xf32, #tpu.memory_space<hbm>> -> memref<16x2048xf32, #tpu.memory_space<hbm>>
    %dma_start3A_442 = tpu.memref_slice %arg8[%dma_start3A_435] : memref<2x!tpu.dma_semaphore, #tpu.memory_space<semaphore_mem>> -> memref<1x!tpu.dma_semaphore, #tpu.memory_space<semaphore_mem>>
    %dma_start3A_443 = tpu.memref_squeeze %dma_start3A_442 : memref<1x!tpu.dma_semaphore, #tpu.memory_space<semaphore_mem>> -> memref<!tpu.dma_semaphore, #tpu.memory_space<semaphore_mem>>
    %dma_start3A_444 = arith.constant 0 : i32
    %dma_start3A_445 = tpu.memref_slice %arg4[%add3A_433, %dma_start3A_444] : memref<4096x2048xf32, #tpu.memory_space<hbm>> -> memref<16x2048xf32, #tpu.memory_space<hbm>>
    %dma_start3A_446 = arith.constant 0 : i32
    %dma_start3A_447 = arith.constant 0 : i32
    %dma_start3A_448 = tpu.memref_slice %arg6[%dma_start3A_434, %dma_start3A_446, %dma_start3A_447] : memref<2x16x2048xf32, #tpu.memory_space<vmem>> -> memref<1x16x2048xf32, #tpu.memory_space<vmem>>
    %dma_start3A_449 = tpu.memref_squeeze %dma_start3A_448 : memref<1x16x2048xf32, #tpu.memory_space<vmem>> -> memref<16x2048xf32, #tpu.memory_space<vmem>>
    tpu.enqueue_dma source(%dma_start3A_449 : memref<16x2048xf32, #tpu.memory_space<vmem>>) target(%dma_start3A_445 : memref<16x2048xf32, #tpu.memory_space<hbm>>) target_semaphore(%dma_start3A_443 : memref<!tpu.dma_semaphore, #tpu.memory_space<semaphore_mem>>)
    %dma_wait3A_450 = arith.constant 7 : i32
    %dma_wait3A_451 = arith.constant 1 : i32
    %dma_wait3A_452 = arith.constant 1 : i32
    %dma_wait3A_453 = arith.constant 0 : i32
    %dma_wait3A_454 = arith.constant 0 : i32
    %dma_wait3A_455 = tpu.memref_slice %arg6[%dma_wait3A_451, %dma_wait3A_453, %dma_wait3A_454] : memref<2x16x2048xf32, #tpu.memory_space<vmem>> -> memref<1x16x2048xf32, #tpu.memory_space<vmem>>
    %dma_wait3A_456 = tpu.memref_squeeze %dma_wait3A_455 : memref<1x16x2048xf32, #tpu.memory_space<vmem>> -> memref<16x2048xf32, #tpu.memory_space<vmem>>
    %dma_wait3A_457 = arith.constant 0 : i32
    %dma_wait3A_458 = tpu.memref_slice %arg5[%dma_wait3A_450, %dma_wait3A_457] : memref<8x16xi32, #tpu.memory_space<vmem>> -> memref<1x16xi32, #tpu.memory_space<vmem>>
    %dma_wait3A_459 = tpu.memref_squeeze %dma_wait3A_458 : memref<1x16xi32, #tpu.memory_space<vmem>> -> memref<16xi32, #tpu.memory_space<vmem>>
    %dma_wait3A_460 = arith.constant 0 : i32
    %dma_wait3A_461 = arith.constant 0 : i32
    %dma_wait3A_462 = tpu.memref_slice %arg3[%dma_wait3A_460, %dma_wait3A_461] : memref<6144x2048xf32, #tpu.memory_space<hbm>> -> memref<6144x2048xf32, #tpu.memory_space<hbm>>
    %dma_wait3A_463 = tpu.memref_slice %arg7[%dma_wait3A_452] : memref<2x!tpu.dma_semaphore, #tpu.memory_space<semaphore_mem>> -> memref<1x!tpu.dma_semaphore, #tpu.memory_space<semaphore_mem>>
    %dma_wait3A_464 = tpu.memref_squeeze %dma_wait3A_463 : memref<1x!tpu.dma_semaphore, #tpu.memory_space<semaphore_mem>> -> memref<!tpu.dma_semaphore, #tpu.memory_space<semaphore_mem>>
    tpu.wait_indirect_dma semaphore(%dma_wait3A_464 : memref<!tpu.dma_semaphore, #tpu.memory_space<semaphore_mem>>) src(%dma_wait3A_462 : memref<6144x2048xf32, #tpu.memory_space<hbm>>) dst(%dma_wait3A_456 : memref<16x2048xf32, #tpu.memory_space<vmem>>)
    %add3A_465 = arith.constant 112 : i32
    %add3A_466 = arith.addi %mul3A_2, %add3A_465 : i32
    %dma_start3A_467 = arith.constant 1 : i32
    %dma_start3A_468 = arith.constant 1 : i32
    %dma_start3A_469 = arith.constant 0 : i32
    %dma_start3A_470 = arith.constant 0 : i32
    %dma_start3A_471 = tpu.memref_slice %arg6[%dma_start3A_467, %dma_start3A_469, %dma_start3A_470] : memref<2x16x2048xf32, #tpu.memory_space<vmem>> -> memref<1x16x2048xf32, #tpu.memory_space<vmem>>
    %dma_start3A_472 = tpu.memref_squeeze %dma_start3A_471 : memref<1x16x2048xf32, #tpu.memory_space<vmem>> -> memref<16x2048xf32, #tpu.memory_space<vmem>>
    %dma_start3A_473 = arith.constant 0 : i32
    %dma_start3A_474 = tpu.memref_slice %arg4[%add3A_466, %dma_start3A_473] : memref<4096x2048xf32, #tpu.memory_space<hbm>> -> memref<16x2048xf32, #tpu.memory_space<hbm>>
    %dma_start3A_475 = tpu.memref_slice %arg8[%dma_start3A_468] : memref<2x!tpu.dma_semaphore, #tpu.memory_space<semaphore_mem>> -> memref<1x!tpu.dma_semaphore, #tpu.memory_space<semaphore_mem>>
    %dma_start3A_476 = tpu.memref_squeeze %dma_start3A_475 : memref<1x!tpu.dma_semaphore, #tpu.memory_space<semaphore_mem>> -> memref<!tpu.dma_semaphore, #tpu.memory_space<semaphore_mem>>
    %dma_start3A_477 = arith.constant 0 : i32
    %dma_start3A_478 = tpu.memref_slice %arg4[%add3A_466, %dma_start3A_477] : memref<4096x2048xf32, #tpu.memory_space<hbm>> -> memref<16x2048xf32, #tpu.memory_space<hbm>>
    %dma_start3A_479 = arith.constant 0 : i32
    %dma_start3A_480 = arith.constant 0 : i32
    %dma_start3A_481 = tpu.memref_slice %arg6[%dma_start3A_467, %dma_start3A_479, %dma_start3A_480] : memref<2x16x2048xf32, #tpu.memory_space<vmem>> -> memref<1x16x2048xf32, #tpu.memory_space<vmem>>
    %dma_start3A_482 = tpu.memref_squeeze %dma_start3A_481 : memref<1x16x2048xf32, #tpu.memory_space<vmem>> -> memref<16x2048xf32, #tpu.memory_space<vmem>>
    tpu.enqueue_dma source(%dma_start3A_482 : memref<16x2048xf32, #tpu.memory_space<vmem>>) target(%dma_start3A_478 : memref<16x2048xf32, #tpu.memory_space<hbm>>) target_semaphore(%dma_start3A_476 : memref<!tpu.dma_semaphore, #tpu.memory_space<semaphore_mem>>)
    %dma_wait3A_483 = arith.constant 0 : i32
    %dma_wait3A_484 = arith.constant 0 : i32
    %dma_wait3A_485 = arith.constant 0 : i32
    %dma_wait3A_486 = arith.constant 0 : i32
    %dma_wait3A_487 = tpu.memref_slice %arg6[%dma_wait3A_483, %dma_wait3A_485, %dma_wait3A_486] : memref<2x16x2048xf32, #tpu.memory_space<vmem>> -> memref<1x16x2048xf32, #tpu.memory_space<vmem>>
    %dma_wait3A_488 = tpu.memref_squeeze %dma_wait3A_487 : memref<1x16x2048xf32, #tpu.memory_space<vmem>> -> memref<16x2048xf32, #tpu.memory_space<vmem>>
    %dma_wait3A_489 = arith.constant 0 : i32
    %dma_wait3A_490 = tpu.memref_slice %arg4[%add3A_433, %dma_wait3A_489] : memref<4096x2048xf32, #tpu.memory_space<hbm>> -> memref<16x2048xf32, #tpu.memory_space<hbm>>
    %dma_wait3A_491 = tpu.memref_slice %arg8[%dma_wait3A_484] : memref<2x!tpu.dma_semaphore, #tpu.memory_space<semaphore_mem>> -> memref<1x!tpu.dma_semaphore, #tpu.memory_space<semaphore_mem>>
    %dma_wait3A_492 = tpu.memref_squeeze %dma_wait3A_491 : memref<1x!tpu.dma_semaphore, #tpu.memory_space<semaphore_mem>> -> memref<!tpu.dma_semaphore, #tpu.memory_space<semaphore_mem>>
    %dma_wait3A_493 = arith.constant 0 : i32
    %dma_wait3A_494 = tpu.memref_slice %arg4[%add3A_433, %dma_wait3A_493] : memref<4096x2048xf32, #tpu.memory_space<hbm>> -> memref<16x2048xf32, #tpu.memory_space<hbm>>
    %dma_wait3A_495 = arith.constant 0 : i32
    %dma_wait3A_496 = arith.constant 0 : i32
    %dma_wait3A_497 = tpu.memref_slice %arg6[%dma_wait3A_483, %dma_wait3A_495, %dma_wait3A_496] : memref<2x16x2048xf32, #tpu.memory_space<vmem>> -> memref<1x16x2048xf32, #tpu.memory_space<vmem>>
    %dma_wait3A_498 = tpu.memref_squeeze %dma_wait3A_497 : memref<1x16x2048xf32, #tpu.memory_space<vmem>> -> memref<16x2048xf32, #tpu.memory_space<vmem>>
    tpu.wait_dma2 semaphore(%dma_wait3A_492 : memref<!tpu.dma_semaphore, #tpu.memory_space<semaphore_mem>>) src(%dma_wait3A_498 : memref<16x2048xf32, #tpu.memory_space<vmem>>) dst(%dma_wait3A_494 : memref<16x2048xf32, #tpu.memory_space<hbm>>)
    %dma_wait3A_499 = arith.constant 1 : i32
    %dma_wait3A_500 = arith.constant 1 : i32
    %dma_wait3A_501 = arith.constant 0 : i32
    %dma_wait3A_502 = arith.constant 0 : i32
    %dma_wait3A_503 = tpu.memref_slice %arg6[%dma_wait3A_499, %dma_wait3A_501, %dma_wait3A_502] : memref<2x16x2048xf32, #tpu.memory_space<vmem>> -> memref<1x16x2048xf32, #tpu.memory_space<vmem>>
    %dma_wait3A_504 = tpu.memref_squeeze %dma_wait3A_503 : memref<1x16x2048xf32, #tpu.memory_space<vmem>> -> memref<16x2048xf32, #tpu.memory_space<vmem>>
    %dma_wait3A_505 = arith.constant 0 : i32
    %dma_wait3A_506 = tpu.memref_slice %arg4[%add3A_466, %dma_wait3A_505] : memref<4096x2048xf32, #tpu.memory_space<hbm>> -> memref<16x2048xf32, #tpu.memory_space<hbm>>
    %dma_wait3A_507 = tpu.memref_slice %arg8[%dma_wait3A_500] : memref<2x!tpu.dma_semaphore, #tpu.memory_space<semaphore_mem>> -> memref<1x!tpu.dma_semaphore, #tpu.memory_space<semaphore_mem>>
    %dma_wait3A_508 = tpu.memref_squeeze %dma_wait3A_507 : memref<1x!tpu.dma_semaphore, #tpu.memory_space<semaphore_mem>> -> memref<!tpu.dma_semaphore, #tpu.memory_space<semaphore_mem>>
    %dma_wait3A_509 = arith.constant 0 : i32
    %dma_wait3A_510 = tpu.memref_slice %arg4[%add3A_466, %dma_wait3A_509] : memref<4096x2048xf32, #tpu.memory_space<hbm>> -> memref<16x2048xf32, #tpu.memory_space<hbm>>
    %dma_wait3A_511 = arith.constant 0 : i32
    %dma_wait3A_512 = arith.constant 0 : i32
    %dma_wait3A_513 = tpu.memref_slice %arg6[%dma_wait3A_499, %dma_wait3A_511, %dma_wait3A_512] : memref<2x16x2048xf32, #tpu.memory_space<vmem>> -> memref<1x16x2048xf32, #tpu.memory_space<vmem>>
    %dma_wait3A_514 = tpu.memref_squeeze %dma_wait3A_513 : memref<1x16x2048xf32, #tpu.memory_space<vmem>> -> memref<16x2048xf32, #tpu.memory_space<vmem>>
    tpu.wait_dma2 semaphore(%dma_wait3A_508 : memref<!tpu.dma_semaphore, #tpu.memory_space<semaphore_mem>>) src(%dma_wait3A_514 : memref<16x2048xf32, #tpu.memory_space<vmem>>) dst(%dma_wait3A_510 : memref<16x2048xf32, #tpu.memory_space<hbm>>)
    return
  }
}

#map = affine_map<(d0, d1) -> (0, 0)>
module attributes {stable_mosaic.version = 14 : i64} {
  func.func @gath(%arg0: i32, %arg1: i32, %arg2: memref<256x24xi32, #tpu.memory_space<hbm>>, %arg3: memref<2048x2048xf32, #tpu.memory_space<hbm>>, %arg4: memref<6144x2048xf32, #tpu.memory_space<hbm>>, %arg5: memref<8x24xi32, #tpu.memory_space<vmem>>, %arg6: memref<2x24x2048xf32, #tpu.memory_space<vmem>>, %arg7: memref<2x!tpu.dma_semaphore, #tpu.memory_space<semaphore_mem>>, %arg8: memref<2x!tpu.dma_semaphore, #tpu.memory_space<semaphore_mem>>) attributes {dimension_semantics = [#tpu.dimension_semantics<core_parallel>, #tpu.dimension_semantics<subcore_parallel>], iteration_bounds = array<i64: 2, 16>, scalar_prefetch = 0 : i64, scratch_operands = 4 : i64, tpu.core_type = #tpu.core_type<sc_vector_subcore>, window_params = [{transform_indices = #map}, {transform_indices = #map}, {transform_indices = #map}]} {
    %mul3A = arith.constant 2 : i32
    %mul3A_0 = arith.muli %arg1, %mul3A : i32
    %add3A = arith.addi %mul3A_0, %arg0 : i32
    %mul3A_1 = arith.constant 192 : i32
    %mul3A_2 = arith.muli %add3A, %mul3A_1 : i32
    %mul3A_3 = arith.constant 8 : i32
    %mul3A_4 = arith.muli %add3A, %mul3A_3 : i32
    "tpu.region"() ({
      %run_scoped3A = tpu.sem_alloc : memref<!tpu.dma_semaphore, #tpu.memory_space<semaphore_mem>>
      %dma_start3A_515 = arith.constant 0 : i32
      %dma_start3A_516 = tpu.memref_slice %arg2[%mul3A_4, %dma_start3A_515] : memref<256x24xi32, #tpu.memory_space<hbm>> -> memref<8x24xi32, #tpu.memory_space<hbm>>
      %dma_start3A_517 = arith.constant 0 : i32
      %dma_start3A_518 = tpu.memref_slice %arg2[%mul3A_4, %dma_start3A_517] : memref<256x24xi32, #tpu.memory_space<hbm>> -> memref<8x24xi32, #tpu.memory_space<hbm>>
      tpu.enqueue_dma source(%dma_start3A_518 : memref<8x24xi32, #tpu.memory_space<hbm>>) target(%arg5 : memref<8x24xi32, #tpu.memory_space<vmem>>) target_semaphore(%run_scoped3A : memref<!tpu.dma_semaphore, #tpu.memory_space<semaphore_mem>>)
      %dma_wait3A_519 = arith.constant 0 : i32
      %dma_wait3A_520 = tpu.memref_slice %arg2[%mul3A_4, %dma_wait3A_519] : memref<256x24xi32, #tpu.memory_space<hbm>> -> memref<8x24xi32, #tpu.memory_space<hbm>>
      %dma_wait3A_521 = arith.constant 0 : i32
      %dma_wait3A_522 = tpu.memref_slice %arg2[%mul3A_4, %dma_wait3A_521] : memref<256x24xi32, #tpu.memory_space<hbm>> -> memref<8x24xi32, #tpu.memory_space<hbm>>
      tpu.wait_dma2 semaphore(%run_scoped3A : memref<!tpu.dma_semaphore, #tpu.memory_space<semaphore_mem>>) src(%dma_wait3A_522 : memref<8x24xi32, #tpu.memory_space<hbm>>) dst(%arg5 : memref<8x24xi32, #tpu.memory_space<vmem>>)
      tpu.yield
    }) : () -> ()
    %dma_start3A = arith.constant 0 : i32
    %dma_start3A_5 = arith.constant 0 : i32
    %dma_start3A_6 = arith.constant 0 : i32
    %dma_start3A_7 = arith.constant 0 : i32
    %dma_start3A_8 = arith.constant 0 : i32
    %dma_start3A_9 = tpu.memref_slice %arg6[%dma_start3A_5, %dma_start3A_7, %dma_start3A_8] : memref<2x24x2048xf32, #tpu.memory_space<vmem>> -> memref<1x24x2048xf32, #tpu.memory_space<vmem>>
    %dma_start3A_10 = tpu.memref_squeeze %dma_start3A_9 : memref<1x24x2048xf32, #tpu.memory_space<vmem>> -> memref<24x2048xf32, #tpu.memory_space<vmem>>
    %dma_start3A_11 = arith.constant 0 : i32
    %dma_start3A_12 = tpu.memref_slice %arg5[%dma_start3A, %dma_start3A_11] : memref<8x24xi32, #tpu.memory_space<vmem>> -> memref<1x24xi32, #tpu.memory_space<vmem>>
    %dma_start3A_13 = tpu.memref_squeeze %dma_start3A_12 : memref<1x24xi32, #tpu.memory_space<vmem>> -> memref<24xi32, #tpu.memory_space<vmem>>
    %dma_start3A_14 = arith.constant 0 : i32
    %dma_start3A_15 = arith.constant 0 : i32
    %dma_start3A_16 = tpu.memref_slice %arg3[%dma_start3A_14, %dma_start3A_15] : memref<2048x2048xf32, #tpu.memory_space<hbm>> -> memref<2048x2048xf32, #tpu.memory_space<hbm>>
    %dma_start3A_17 = tpu.memref_slice %arg7[%dma_start3A_6] : memref<2x!tpu.dma_semaphore, #tpu.memory_space<semaphore_mem>> -> memref<1x!tpu.dma_semaphore, #tpu.memory_space<semaphore_mem>>
    %dma_start3A_18 = tpu.memref_squeeze %dma_start3A_17 : memref<1x!tpu.dma_semaphore, #tpu.memory_space<semaphore_mem>> -> memref<!tpu.dma_semaphore, #tpu.memory_space<semaphore_mem>>
    tpu.enqueue_indirect_dma source(%dma_start3A_16 : memref<2048x2048xf32, #tpu.memory_space<hbm>>) target(%dma_start3A_10 : memref<24x2048xf32, #tpu.memory_space<vmem>>) offsets(%dma_start3A_13 : memref<24xi32, #tpu.memory_space<vmem>>) semaphore(%dma_start3A_18 : memref<!tpu.dma_semaphore, #tpu.memory_space<semaphore_mem>>)
    %dma_start3A_19 = arith.constant 1 : i32
    %dma_start3A_20 = arith.constant 1 : i32
    %dma_start3A_21 = arith.constant 1 : i32
    %dma_start3A_22 = arith.constant 0 : i32
    %dma_start3A_23 = arith.constant 0 : i32
    %dma_start3A_24 = tpu.memref_slice %arg6[%dma_start3A_20, %dma_start3A_22, %dma_start3A_23] : memref<2x24x2048xf32, #tpu.memory_space<vmem>> -> memref<1x24x2048xf32, #tpu.memory_space<vmem>>
    %dma_start3A_25 = tpu.memref_squeeze %dma_start3A_24 : memref<1x24x2048xf32, #tpu.memory_space<vmem>> -> memref<24x2048xf32, #tpu.memory_space<vmem>>
    %dma_start3A_26 = arith.constant 0 : i32
    %dma_start3A_27 = tpu.memref_slice %arg5[%dma_start3A_19, %dma_start3A_26] : memref<8x24xi32, #tpu.memory_space<vmem>> -> memref<1x24xi32, #tpu.memory_space<vmem>>
    %dma_start3A_28 = tpu.memref_squeeze %dma_start3A_27 : memref<1x24xi32, #tpu.memory_space<vmem>> -> memref<24xi32, #tpu.memory_space<vmem>>
    %dma_start3A_29 = arith.constant 0 : i32
    %dma_start3A_30 = arith.constant 0 : i32
    %dma_start3A_31 = tpu.memref_slice %arg3[%dma_start3A_29, %dma_start3A_30] : memref<2048x2048xf32, #tpu.memory_space<hbm>> -> memref<2048x2048xf32, #tpu.memory_space<hbm>>
    %dma_start3A_32 = tpu.memref_slice %arg7[%dma_start3A_21] : memref<2x!tpu.dma_semaphore, #tpu.memory_space<semaphore_mem>> -> memref<1x!tpu.dma_semaphore, #tpu.memory_space<semaphore_mem>>
    %dma_start3A_33 = tpu.memref_squeeze %dma_start3A_32 : memref<1x!tpu.dma_semaphore, #tpu.memory_space<semaphore_mem>> -> memref<!tpu.dma_semaphore, #tpu.memory_space<semaphore_mem>>
    tpu.enqueue_indirect_dma source(%dma_start3A_31 : memref<2048x2048xf32, #tpu.memory_space<hbm>>) target(%dma_start3A_25 : memref<24x2048xf32, #tpu.memory_space<vmem>>) offsets(%dma_start3A_28 : memref<24xi32, #tpu.memory_space<vmem>>) semaphore(%dma_start3A_33 : memref<!tpu.dma_semaphore, #tpu.memory_space<semaphore_mem>>)
    %dma_wait3A = arith.constant 0 : i32
    %dma_wait3A_34 = arith.constant 0 : i32
    %dma_wait3A_35 = arith.constant 0 : i32
    %dma_wait3A_36 = arith.constant 0 : i32
    %dma_wait3A_37 = arith.constant 0 : i32
    %dma_wait3A_38 = tpu.memref_slice %arg6[%dma_wait3A_34, %dma_wait3A_36, %dma_wait3A_37] : memref<2x24x2048xf32, #tpu.memory_space<vmem>> -> memref<1x24x2048xf32, #tpu.memory_space<vmem>>
    %dma_wait3A_39 = tpu.memref_squeeze %dma_wait3A_38 : memref<1x24x2048xf32, #tpu.memory_space<vmem>> -> memref<24x2048xf32, #tpu.memory_space<vmem>>
    %dma_wait3A_40 = arith.constant 0 : i32
    %dma_wait3A_41 = tpu.memref_slice %arg5[%dma_wait3A, %dma_wait3A_40] : memref<8x24xi32, #tpu.memory_space<vmem>> -> memref<1x24xi32, #tpu.memory_space<vmem>>
    %dma_wait3A_42 = tpu.memref_squeeze %dma_wait3A_41 : memref<1x24xi32, #tpu.memory_space<vmem>> -> memref<24xi32, #tpu.memory_space<vmem>>
    %dma_wait3A_43 = arith.constant 0 : i32
    %dma_wait3A_44 = arith.constant 0 : i32
    %dma_wait3A_45 = tpu.memref_slice %arg3[%dma_wait3A_43, %dma_wait3A_44] : memref<2048x2048xf32, #tpu.memory_space<hbm>> -> memref<2048x2048xf32, #tpu.memory_space<hbm>>
    %dma_wait3A_46 = tpu.memref_slice %arg7[%dma_wait3A_35] : memref<2x!tpu.dma_semaphore, #tpu.memory_space<semaphore_mem>> -> memref<1x!tpu.dma_semaphore, #tpu.memory_space<semaphore_mem>>
    %dma_wait3A_47 = tpu.memref_squeeze %dma_wait3A_46 : memref<1x!tpu.dma_semaphore, #tpu.memory_space<semaphore_mem>> -> memref<!tpu.dma_semaphore, #tpu.memory_space<semaphore_mem>>
    tpu.wait_indirect_dma semaphore(%dma_wait3A_47 : memref<!tpu.dma_semaphore, #tpu.memory_space<semaphore_mem>>) src(%dma_wait3A_45 : memref<2048x2048xf32, #tpu.memory_space<hbm>>) dst(%dma_wait3A_39 : memref<24x2048xf32, #tpu.memory_space<vmem>>)
    %add3A_48 = arith.constant 0 : i32
    %add3A_49 = arith.addi %mul3A_2, %add3A_48 : i32
    %dma_start3A_50 = arith.constant 0 : i32
    %dma_start3A_51 = arith.constant 0 : i32
    %dma_start3A_52 = arith.constant 0 : i32
    %dma_start3A_53 = arith.constant 0 : i32
    %dma_start3A_54 = tpu.memref_slice %arg6[%dma_start3A_50, %dma_start3A_52, %dma_start3A_53] : memref<2x24x2048xf32, #tpu.memory_space<vmem>> -> memref<1x24x2048xf32, #tpu.memory_space<vmem>>
    %dma_start3A_55 = tpu.memref_squeeze %dma_start3A_54 : memref<1x24x2048xf32, #tpu.memory_space<vmem>> -> memref<24x2048xf32, #tpu.memory_space<vmem>>
    %dma_start3A_56 = arith.constant 0 : i32
    %dma_start3A_57 = tpu.memref_slice %arg4[%add3A_49, %dma_start3A_56] : memref<6144x2048xf32, #tpu.memory_space<hbm>> -> memref<24x2048xf32, #tpu.memory_space<hbm>>
    %dma_start3A_58 = tpu.memref_slice %arg8[%dma_start3A_51] : memref<2x!tpu.dma_semaphore, #tpu.memory_space<semaphore_mem>> -> memref<1x!tpu.dma_semaphore, #tpu.memory_space<semaphore_mem>>
    %dma_start3A_59 = tpu.memref_squeeze %dma_start3A_58 : memref<1x!tpu.dma_semaphore, #tpu.memory_space<semaphore_mem>> -> memref<!tpu.dma_semaphore, #tpu.memory_space<semaphore_mem>>
    %dma_start3A_60 = arith.constant 0 : i32
    %dma_start3A_61 = tpu.memref_slice %arg4[%add3A_49, %dma_start3A_60] : memref<6144x2048xf32, #tpu.memory_space<hbm>> -> memref<24x2048xf32, #tpu.memory_space<hbm>>
    %dma_start3A_62 = arith.constant 0 : i32
    %dma_start3A_63 = arith.constant 0 : i32
    %dma_start3A_64 = tpu.memref_slice %arg6[%dma_start3A_50, %dma_start3A_62, %dma_start3A_63] : memref<2x24x2048xf32, #tpu.memory_space<vmem>> -> memref<1x24x2048xf32, #tpu.memory_space<vmem>>
    %dma_start3A_65 = tpu.memref_squeeze %dma_start3A_64 : memref<1x24x2048xf32, #tpu.memory_space<vmem>> -> memref<24x2048xf32, #tpu.memory_space<vmem>>
    tpu.enqueue_dma source(%dma_start3A_65 : memref<24x2048xf32, #tpu.memory_space<vmem>>) target(%dma_start3A_61 : memref<24x2048xf32, #tpu.memory_space<hbm>>) target_semaphore(%dma_start3A_59 : memref<!tpu.dma_semaphore, #tpu.memory_space<semaphore_mem>>)
    %dma_wait3A_66 = arith.constant 0 : i32
    %dma_wait3A_67 = arith.constant 0 : i32
    %dma_wait3A_68 = arith.constant 0 : i32
    %dma_wait3A_69 = arith.constant 0 : i32
    %dma_wait3A_70 = tpu.memref_slice %arg6[%dma_wait3A_66, %dma_wait3A_68, %dma_wait3A_69] : memref<2x24x2048xf32, #tpu.memory_space<vmem>> -> memref<1x24x2048xf32, #tpu.memory_space<vmem>>
    %dma_wait3A_71 = tpu.memref_squeeze %dma_wait3A_70 : memref<1x24x2048xf32, #tpu.memory_space<vmem>> -> memref<24x2048xf32, #tpu.memory_space<vmem>>
    %dma_wait3A_72 = arith.constant 0 : i32
    %dma_wait3A_73 = tpu.memref_slice %arg4[%add3A_49, %dma_wait3A_72] : memref<6144x2048xf32, #tpu.memory_space<hbm>> -> memref<24x2048xf32, #tpu.memory_space<hbm>>
    %dma_wait3A_74 = tpu.memref_slice %arg8[%dma_wait3A_67] : memref<2x!tpu.dma_semaphore, #tpu.memory_space<semaphore_mem>> -> memref<1x!tpu.dma_semaphore, #tpu.memory_space<semaphore_mem>>
    %dma_wait3A_75 = tpu.memref_squeeze %dma_wait3A_74 : memref<1x!tpu.dma_semaphore, #tpu.memory_space<semaphore_mem>> -> memref<!tpu.dma_semaphore, #tpu.memory_space<semaphore_mem>>
    %dma_wait3A_76 = arith.constant 0 : i32
    %dma_wait3A_77 = tpu.memref_slice %arg4[%add3A_49, %dma_wait3A_76] : memref<6144x2048xf32, #tpu.memory_space<hbm>> -> memref<24x2048xf32, #tpu.memory_space<hbm>>
    %dma_wait3A_78 = arith.constant 0 : i32
    %dma_wait3A_79 = arith.constant 0 : i32
    %dma_wait3A_80 = tpu.memref_slice %arg6[%dma_wait3A_66, %dma_wait3A_78, %dma_wait3A_79] : memref<2x24x2048xf32, #tpu.memory_space<vmem>> -> memref<1x24x2048xf32, #tpu.memory_space<vmem>>
    %dma_wait3A_81 = tpu.memref_squeeze %dma_wait3A_80 : memref<1x24x2048xf32, #tpu.memory_space<vmem>> -> memref<24x2048xf32, #tpu.memory_space<vmem>>
    tpu.wait_dma2 semaphore(%dma_wait3A_75 : memref<!tpu.dma_semaphore, #tpu.memory_space<semaphore_mem>>) src(%dma_wait3A_81 : memref<24x2048xf32, #tpu.memory_space<vmem>>) dst(%dma_wait3A_77 : memref<24x2048xf32, #tpu.memory_space<hbm>>)
    %dma_start3A_82 = arith.constant 2 : i32
    %dma_start3A_83 = arith.constant 0 : i32
    %dma_start3A_84 = arith.constant 0 : i32
    %dma_start3A_85 = arith.constant 0 : i32
    %dma_start3A_86 = arith.constant 0 : i32
    %dma_start3A_87 = tpu.memref_slice %arg6[%dma_start3A_83, %dma_start3A_85, %dma_start3A_86] : memref<2x24x2048xf32, #tpu.memory_space<vmem>> -> memref<1x24x2048xf32, #tpu.memory_space<vmem>>
    %dma_start3A_88 = tpu.memref_squeeze %dma_start3A_87 : memref<1x24x2048xf32, #tpu.memory_space<vmem>> -> memref<24x2048xf32, #tpu.memory_space<vmem>>
    %dma_start3A_89 = arith.constant 0 : i32
    %dma_start3A_90 = tpu.memref_slice %arg5[%dma_start3A_82, %dma_start3A_89] : memref<8x24xi32, #tpu.memory_space<vmem>> -> memref<1x24xi32, #tpu.memory_space<vmem>>
    %dma_start3A_91 = tpu.memref_squeeze %dma_start3A_90 : memref<1x24xi32, #tpu.memory_space<vmem>> -> memref<24xi32, #tpu.memory_space<vmem>>
    %dma_start3A_92 = arith.constant 0 : i32
    %dma_start3A_93 = arith.constant 0 : i32
    %dma_start3A_94 = tpu.memref_slice %arg3[%dma_start3A_92, %dma_start3A_93] : memref<2048x2048xf32, #tpu.memory_space<hbm>> -> memref<2048x2048xf32, #tpu.memory_space<hbm>>
    %dma_start3A_95 = tpu.memref_slice %arg7[%dma_start3A_84] : memref<2x!tpu.dma_semaphore, #tpu.memory_space<semaphore_mem>> -> memref<1x!tpu.dma_semaphore, #tpu.memory_space<semaphore_mem>>
    %dma_start3A_96 = tpu.memref_squeeze %dma_start3A_95 : memref<1x!tpu.dma_semaphore, #tpu.memory_space<semaphore_mem>> -> memref<!tpu.dma_semaphore, #tpu.memory_space<semaphore_mem>>
    tpu.enqueue_indirect_dma source(%dma_start3A_94 : memref<2048x2048xf32, #tpu.memory_space<hbm>>) target(%dma_start3A_88 : memref<24x2048xf32, #tpu.memory_space<vmem>>) offsets(%dma_start3A_91 : memref<24xi32, #tpu.memory_space<vmem>>) semaphore(%dma_start3A_96 : memref<!tpu.dma_semaphore, #tpu.memory_space<semaphore_mem>>)
    %dma_wait3A_97 = arith.constant 1 : i32
    %dma_wait3A_98 = arith.constant 1 : i32
    %dma_wait3A_99 = arith.constant 1 : i32
    %dma_wait3A_100 = arith.constant 0 : i32
    %dma_wait3A_101 = arith.constant 0 : i32
    %dma_wait3A_102 = tpu.memref_slice %arg6[%dma_wait3A_98, %dma_wait3A_100, %dma_wait3A_101] : memref<2x24x2048xf32, #tpu.memory_space<vmem>> -> memref<1x24x2048xf32, #tpu.memory_space<vmem>>
    %dma_wait3A_103 = tpu.memref_squeeze %dma_wait3A_102 : memref<1x24x2048xf32, #tpu.memory_space<vmem>> -> memref<24x2048xf32, #tpu.memory_space<vmem>>
    %dma_wait3A_104 = arith.constant 0 : i32
    %dma_wait3A_105 = tpu.memref_slice %arg5[%dma_wait3A_97, %dma_wait3A_104] : memref<8x24xi32, #tpu.memory_space<vmem>> -> memref<1x24xi32, #tpu.memory_space<vmem>>
    %dma_wait3A_106 = tpu.memref_squeeze %dma_wait3A_105 : memref<1x24xi32, #tpu.memory_space<vmem>> -> memref<24xi32, #tpu.memory_space<vmem>>
    %dma_wait3A_107 = arith.constant 0 : i32
    %dma_wait3A_108 = arith.constant 0 : i32
    %dma_wait3A_109 = tpu.memref_slice %arg3[%dma_wait3A_107, %dma_wait3A_108] : memref<2048x2048xf32, #tpu.memory_space<hbm>> -> memref<2048x2048xf32, #tpu.memory_space<hbm>>
    %dma_wait3A_110 = tpu.memref_slice %arg7[%dma_wait3A_99] : memref<2x!tpu.dma_semaphore, #tpu.memory_space<semaphore_mem>> -> memref<1x!tpu.dma_semaphore, #tpu.memory_space<semaphore_mem>>
    %dma_wait3A_111 = tpu.memref_squeeze %dma_wait3A_110 : memref<1x!tpu.dma_semaphore, #tpu.memory_space<semaphore_mem>> -> memref<!tpu.dma_semaphore, #tpu.memory_space<semaphore_mem>>
    tpu.wait_indirect_dma semaphore(%dma_wait3A_111 : memref<!tpu.dma_semaphore, #tpu.memory_space<semaphore_mem>>) src(%dma_wait3A_109 : memref<2048x2048xf32, #tpu.memory_space<hbm>>) dst(%dma_wait3A_103 : memref<24x2048xf32, #tpu.memory_space<vmem>>)
    %add3A_112 = arith.constant 24 : i32
    %add3A_113 = arith.addi %mul3A_2, %add3A_112 : i32
    %dma_start3A_114 = arith.constant 1 : i32
    %dma_start3A_115 = arith.constant 1 : i32
    %dma_start3A_116 = arith.constant 0 : i32
    %dma_start3A_117 = arith.constant 0 : i32
    %dma_start3A_118 = tpu.memref_slice %arg6[%dma_start3A_114, %dma_start3A_116, %dma_start3A_117] : memref<2x24x2048xf32, #tpu.memory_space<vmem>> -> memref<1x24x2048xf32, #tpu.memory_space<vmem>>
    %dma_start3A_119 = tpu.memref_squeeze %dma_start3A_118 : memref<1x24x2048xf32, #tpu.memory_space<vmem>> -> memref<24x2048xf32, #tpu.memory_space<vmem>>
    %dma_start3A_120 = arith.constant 0 : i32
    %dma_start3A_121 = tpu.memref_slice %arg4[%add3A_113, %dma_start3A_120] : memref<6144x2048xf32, #tpu.memory_space<hbm>> -> memref<24x2048xf32, #tpu.memory_space<hbm>>
    %dma_start3A_122 = tpu.memref_slice %arg8[%dma_start3A_115] : memref<2x!tpu.dma_semaphore, #tpu.memory_space<semaphore_mem>> -> memref<1x!tpu.dma_semaphore, #tpu.memory_space<semaphore_mem>>
    %dma_start3A_123 = tpu.memref_squeeze %dma_start3A_122 : memref<1x!tpu.dma_semaphore, #tpu.memory_space<semaphore_mem>> -> memref<!tpu.dma_semaphore, #tpu.memory_space<semaphore_mem>>
    %dma_start3A_124 = arith.constant 0 : i32
    %dma_start3A_125 = tpu.memref_slice %arg4[%add3A_113, %dma_start3A_124] : memref<6144x2048xf32, #tpu.memory_space<hbm>> -> memref<24x2048xf32, #tpu.memory_space<hbm>>
    %dma_start3A_126 = arith.constant 0 : i32
    %dma_start3A_127 = arith.constant 0 : i32
    %dma_start3A_128 = tpu.memref_slice %arg6[%dma_start3A_114, %dma_start3A_126, %dma_start3A_127] : memref<2x24x2048xf32, #tpu.memory_space<vmem>> -> memref<1x24x2048xf32, #tpu.memory_space<vmem>>
    %dma_start3A_129 = tpu.memref_squeeze %dma_start3A_128 : memref<1x24x2048xf32, #tpu.memory_space<vmem>> -> memref<24x2048xf32, #tpu.memory_space<vmem>>
    tpu.enqueue_dma source(%dma_start3A_129 : memref<24x2048xf32, #tpu.memory_space<vmem>>) target(%dma_start3A_125 : memref<24x2048xf32, #tpu.memory_space<hbm>>) target_semaphore(%dma_start3A_123 : memref<!tpu.dma_semaphore, #tpu.memory_space<semaphore_mem>>)
    %dma_wait3A_130 = arith.constant 1 : i32
    %dma_wait3A_131 = arith.constant 1 : i32
    %dma_wait3A_132 = arith.constant 0 : i32
    %dma_wait3A_133 = arith.constant 0 : i32
    %dma_wait3A_134 = tpu.memref_slice %arg6[%dma_wait3A_130, %dma_wait3A_132, %dma_wait3A_133] : memref<2x24x2048xf32, #tpu.memory_space<vmem>> -> memref<1x24x2048xf32, #tpu.memory_space<vmem>>
    %dma_wait3A_135 = tpu.memref_squeeze %dma_wait3A_134 : memref<1x24x2048xf32, #tpu.memory_space<vmem>> -> memref<24x2048xf32, #tpu.memory_space<vmem>>
    %dma_wait3A_136 = arith.constant 0 : i32
    %dma_wait3A_137 = tpu.memref_slice %arg4[%add3A_113, %dma_wait3A_136] : memref<6144x2048xf32, #tpu.memory_space<hbm>> -> memref<24x2048xf32, #tpu.memory_space<hbm>>
    %dma_wait3A_138 = tpu.memref_slice %arg8[%dma_wait3A_131] : memref<2x!tpu.dma_semaphore, #tpu.memory_space<semaphore_mem>> -> memref<1x!tpu.dma_semaphore, #tpu.memory_space<semaphore_mem>>
    %dma_wait3A_139 = tpu.memref_squeeze %dma_wait3A_138 : memref<1x!tpu.dma_semaphore, #tpu.memory_space<semaphore_mem>> -> memref<!tpu.dma_semaphore, #tpu.memory_space<semaphore_mem>>
    %dma_wait3A_140 = arith.constant 0 : i32
    %dma_wait3A_141 = tpu.memref_slice %arg4[%add3A_113, %dma_wait3A_140] : memref<6144x2048xf32, #tpu.memory_space<hbm>> -> memref<24x2048xf32, #tpu.memory_space<hbm>>
    %dma_wait3A_142 = arith.constant 0 : i32
    %dma_wait3A_143 = arith.constant 0 : i32
    %dma_wait3A_144 = tpu.memref_slice %arg6[%dma_wait3A_130, %dma_wait3A_142, %dma_wait3A_143] : memref<2x24x2048xf32, #tpu.memory_space<vmem>> -> memref<1x24x2048xf32, #tpu.memory_space<vmem>>
    %dma_wait3A_145 = tpu.memref_squeeze %dma_wait3A_144 : memref<1x24x2048xf32, #tpu.memory_space<vmem>> -> memref<24x2048xf32, #tpu.memory_space<vmem>>
    tpu.wait_dma2 semaphore(%dma_wait3A_139 : memref<!tpu.dma_semaphore, #tpu.memory_space<semaphore_mem>>) src(%dma_wait3A_145 : memref<24x2048xf32, #tpu.memory_space<vmem>>) dst(%dma_wait3A_141 : memref<24x2048xf32, #tpu.memory_space<hbm>>)
    %dma_start3A_146 = arith.constant 3 : i32
    %dma_start3A_147 = arith.constant 1 : i32
    %dma_start3A_148 = arith.constant 1 : i32
    %dma_start3A_149 = arith.constant 0 : i32
    %dma_start3A_150 = arith.constant 0 : i32
    %dma_start3A_151 = tpu.memref_slice %arg6[%dma_start3A_147, %dma_start3A_149, %dma_start3A_150] : memref<2x24x2048xf32, #tpu.memory_space<vmem>> -> memref<1x24x2048xf32, #tpu.memory_space<vmem>>
    %dma_start3A_152 = tpu.memref_squeeze %dma_start3A_151 : memref<1x24x2048xf32, #tpu.memory_space<vmem>> -> memref<24x2048xf32, #tpu.memory_space<vmem>>
    %dma_start3A_153 = arith.constant 0 : i32
    %dma_start3A_154 = tpu.memref_slice %arg5[%dma_start3A_146, %dma_start3A_153] : memref<8x24xi32, #tpu.memory_space<vmem>> -> memref<1x24xi32, #tpu.memory_space<vmem>>
    %dma_start3A_155 = tpu.memref_squeeze %dma_start3A_154 : memref<1x24xi32, #tpu.memory_space<vmem>> -> memref<24xi32, #tpu.memory_space<vmem>>
    %dma_start3A_156 = arith.constant 0 : i32
    %dma_start3A_157 = arith.constant 0 : i32
    %dma_start3A_158 = tpu.memref_slice %arg3[%dma_start3A_156, %dma_start3A_157] : memref<2048x2048xf32, #tpu.memory_space<hbm>> -> memref<2048x2048xf32, #tpu.memory_space<hbm>>
    %dma_start3A_159 = tpu.memref_slice %arg7[%dma_start3A_148] : memref<2x!tpu.dma_semaphore, #tpu.memory_space<semaphore_mem>> -> memref<1x!tpu.dma_semaphore, #tpu.memory_space<semaphore_mem>>
    %dma_start3A_160 = tpu.memref_squeeze %dma_start3A_159 : memref<1x!tpu.dma_semaphore, #tpu.memory_space<semaphore_mem>> -> memref<!tpu.dma_semaphore, #tpu.memory_space<semaphore_mem>>
    tpu.enqueue_indirect_dma source(%dma_start3A_158 : memref<2048x2048xf32, #tpu.memory_space<hbm>>) target(%dma_start3A_152 : memref<24x2048xf32, #tpu.memory_space<vmem>>) offsets(%dma_start3A_155 : memref<24xi32, #tpu.memory_space<vmem>>) semaphore(%dma_start3A_160 : memref<!tpu.dma_semaphore, #tpu.memory_space<semaphore_mem>>)
    %dma_wait3A_161 = arith.constant 2 : i32
    %dma_wait3A_162 = arith.constant 0 : i32
    %dma_wait3A_163 = arith.constant 0 : i32
    %dma_wait3A_164 = arith.constant 0 : i32
    %dma_wait3A_165 = arith.constant 0 : i32
    %dma_wait3A_166 = tpu.memref_slice %arg6[%dma_wait3A_162, %dma_wait3A_164, %dma_wait3A_165] : memref<2x24x2048xf32, #tpu.memory_space<vmem>> -> memref<1x24x2048xf32, #tpu.memory_space<vmem>>
    %dma_wait3A_167 = tpu.memref_squeeze %dma_wait3A_166 : memref<1x24x2048xf32, #tpu.memory_space<vmem>> -> memref<24x2048xf32, #tpu.memory_space<vmem>>
    %dma_wait3A_168 = arith.constant 0 : i32
    %dma_wait3A_169 = tpu.memref_slice %arg5[%dma_wait3A_161, %dma_wait3A_168] : memref<8x24xi32, #tpu.memory_space<vmem>> -> memref<1x24xi32, #tpu.memory_space<vmem>>
    %dma_wait3A_170 = tpu.memref_squeeze %dma_wait3A_169 : memref<1x24xi32, #tpu.memory_space<vmem>> -> memref<24xi32, #tpu.memory_space<vmem>>
    %dma_wait3A_171 = arith.constant 0 : i32
    %dma_wait3A_172 = arith.constant 0 : i32
    %dma_wait3A_173 = tpu.memref_slice %arg3[%dma_wait3A_171, %dma_wait3A_172] : memref<2048x2048xf32, #tpu.memory_space<hbm>> -> memref<2048x2048xf32, #tpu.memory_space<hbm>>
    %dma_wait3A_174 = tpu.memref_slice %arg7[%dma_wait3A_163] : memref<2x!tpu.dma_semaphore, #tpu.memory_space<semaphore_mem>> -> memref<1x!tpu.dma_semaphore, #tpu.memory_space<semaphore_mem>>
    %dma_wait3A_175 = tpu.memref_squeeze %dma_wait3A_174 : memref<1x!tpu.dma_semaphore, #tpu.memory_space<semaphore_mem>> -> memref<!tpu.dma_semaphore, #tpu.memory_space<semaphore_mem>>
    tpu.wait_indirect_dma semaphore(%dma_wait3A_175 : memref<!tpu.dma_semaphore, #tpu.memory_space<semaphore_mem>>) src(%dma_wait3A_173 : memref<2048x2048xf32, #tpu.memory_space<hbm>>) dst(%dma_wait3A_167 : memref<24x2048xf32, #tpu.memory_space<vmem>>)
    %add3A_176 = arith.constant 48 : i32
    %add3A_177 = arith.addi %mul3A_2, %add3A_176 : i32
    %dma_start3A_178 = arith.constant 0 : i32
    %dma_start3A_179 = arith.constant 0 : i32
    %dma_start3A_180 = arith.constant 0 : i32
    %dma_start3A_181 = arith.constant 0 : i32
    %dma_start3A_182 = tpu.memref_slice %arg6[%dma_start3A_178, %dma_start3A_180, %dma_start3A_181] : memref<2x24x2048xf32, #tpu.memory_space<vmem>> -> memref<1x24x2048xf32, #tpu.memory_space<vmem>>
    %dma_start3A_183 = tpu.memref_squeeze %dma_start3A_182 : memref<1x24x2048xf32, #tpu.memory_space<vmem>> -> memref<24x2048xf32, #tpu.memory_space<vmem>>
    %dma_start3A_184 = arith.constant 0 : i32
    %dma_start3A_185 = tpu.memref_slice %arg4[%add3A_177, %dma_start3A_184] : memref<6144x2048xf32, #tpu.memory_space<hbm>> -> memref<24x2048xf32, #tpu.memory_space<hbm>>
    %dma_start3A_186 = tpu.memref_slice %arg8[%dma_start3A_179] : memref<2x!tpu.dma_semaphore, #tpu.memory_space<semaphore_mem>> -> memref<1x!tpu.dma_semaphore, #tpu.memory_space<semaphore_mem>>
    %dma_start3A_187 = tpu.memref_squeeze %dma_start3A_186 : memref<1x!tpu.dma_semaphore, #tpu.memory_space<semaphore_mem>> -> memref<!tpu.dma_semaphore, #tpu.memory_space<semaphore_mem>>
    %dma_start3A_188 = arith.constant 0 : i32
    %dma_start3A_189 = tpu.memref_slice %arg4[%add3A_177, %dma_start3A_188] : memref<6144x2048xf32, #tpu.memory_space<hbm>> -> memref<24x2048xf32, #tpu.memory_space<hbm>>
    %dma_start3A_190 = arith.constant 0 : i32
    %dma_start3A_191 = arith.constant 0 : i32
    %dma_start3A_192 = tpu.memref_slice %arg6[%dma_start3A_178, %dma_start3A_190, %dma_start3A_191] : memref<2x24x2048xf32, #tpu.memory_space<vmem>> -> memref<1x24x2048xf32, #tpu.memory_space<vmem>>
    %dma_start3A_193 = tpu.memref_squeeze %dma_start3A_192 : memref<1x24x2048xf32, #tpu.memory_space<vmem>> -> memref<24x2048xf32, #tpu.memory_space<vmem>>
    tpu.enqueue_dma source(%dma_start3A_193 : memref<24x2048xf32, #tpu.memory_space<vmem>>) target(%dma_start3A_189 : memref<24x2048xf32, #tpu.memory_space<hbm>>) target_semaphore(%dma_start3A_187 : memref<!tpu.dma_semaphore, #tpu.memory_space<semaphore_mem>>)
    %dma_wait3A_194 = arith.constant 0 : i32
    %dma_wait3A_195 = arith.constant 0 : i32
    %dma_wait3A_196 = arith.constant 0 : i32
    %dma_wait3A_197 = arith.constant 0 : i32
    %dma_wait3A_198 = tpu.memref_slice %arg6[%dma_wait3A_194, %dma_wait3A_196, %dma_wait3A_197] : memref<2x24x2048xf32, #tpu.memory_space<vmem>> -> memref<1x24x2048xf32, #tpu.memory_space<vmem>>
    %dma_wait3A_199 = tpu.memref_squeeze %dma_wait3A_198 : memref<1x24x2048xf32, #tpu.memory_space<vmem>> -> memref<24x2048xf32, #tpu.memory_space<vmem>>
    %dma_wait3A_200 = arith.constant 0 : i32
    %dma_wait3A_201 = tpu.memref_slice %arg4[%add3A_177, %dma_wait3A_200] : memref<6144x2048xf32, #tpu.memory_space<hbm>> -> memref<24x2048xf32, #tpu.memory_space<hbm>>
    %dma_wait3A_202 = tpu.memref_slice %arg8[%dma_wait3A_195] : memref<2x!tpu.dma_semaphore, #tpu.memory_space<semaphore_mem>> -> memref<1x!tpu.dma_semaphore, #tpu.memory_space<semaphore_mem>>
    %dma_wait3A_203 = tpu.memref_squeeze %dma_wait3A_202 : memref<1x!tpu.dma_semaphore, #tpu.memory_space<semaphore_mem>> -> memref<!tpu.dma_semaphore, #tpu.memory_space<semaphore_mem>>
    %dma_wait3A_204 = arith.constant 0 : i32
    %dma_wait3A_205 = tpu.memref_slice %arg4[%add3A_177, %dma_wait3A_204] : memref<6144x2048xf32, #tpu.memory_space<hbm>> -> memref<24x2048xf32, #tpu.memory_space<hbm>>
    %dma_wait3A_206 = arith.constant 0 : i32
    %dma_wait3A_207 = arith.constant 0 : i32
    %dma_wait3A_208 = tpu.memref_slice %arg6[%dma_wait3A_194, %dma_wait3A_206, %dma_wait3A_207] : memref<2x24x2048xf32, #tpu.memory_space<vmem>> -> memref<1x24x2048xf32, #tpu.memory_space<vmem>>
    %dma_wait3A_209 = tpu.memref_squeeze %dma_wait3A_208 : memref<1x24x2048xf32, #tpu.memory_space<vmem>> -> memref<24x2048xf32, #tpu.memory_space<vmem>>
    tpu.wait_dma2 semaphore(%dma_wait3A_203 : memref<!tpu.dma_semaphore, #tpu.memory_space<semaphore_mem>>) src(%dma_wait3A_209 : memref<24x2048xf32, #tpu.memory_space<vmem>>) dst(%dma_wait3A_205 : memref<24x2048xf32, #tpu.memory_space<hbm>>)
    %dma_start3A_210 = arith.constant 4 : i32
    %dma_start3A_211 = arith.constant 0 : i32
    %dma_start3A_212 = arith.constant 0 : i32
    %dma_start3A_213 = arith.constant 0 : i32
    %dma_start3A_214 = arith.constant 0 : i32
    %dma_start3A_215 = tpu.memref_slice %arg6[%dma_start3A_211, %dma_start3A_213, %dma_start3A_214] : memref<2x24x2048xf32, #tpu.memory_space<vmem>> -> memref<1x24x2048xf32, #tpu.memory_space<vmem>>
    %dma_start3A_216 = tpu.memref_squeeze %dma_start3A_215 : memref<1x24x2048xf32, #tpu.memory_space<vmem>> -> memref<24x2048xf32, #tpu.memory_space<vmem>>
    %dma_start3A_217 = arith.constant 0 : i32
    %dma_start3A_218 = tpu.memref_slice %arg5[%dma_start3A_210, %dma_start3A_217] : memref<8x24xi32, #tpu.memory_space<vmem>> -> memref<1x24xi32, #tpu.memory_space<vmem>>
    %dma_start3A_219 = tpu.memref_squeeze %dma_start3A_218 : memref<1x24xi32, #tpu.memory_space<vmem>> -> memref<24xi32, #tpu.memory_space<vmem>>
    %dma_start3A_220 = arith.constant 0 : i32
    %dma_start3A_221 = arith.constant 0 : i32
    %dma_start3A_222 = tpu.memref_slice %arg3[%dma_start3A_220, %dma_start3A_221] : memref<2048x2048xf32, #tpu.memory_space<hbm>> -> memref<2048x2048xf32, #tpu.memory_space<hbm>>
    %dma_start3A_223 = tpu.memref_slice %arg7[%dma_start3A_212] : memref<2x!tpu.dma_semaphore, #tpu.memory_space<semaphore_mem>> -> memref<1x!tpu.dma_semaphore, #tpu.memory_space<semaphore_mem>>
    %dma_start3A_224 = tpu.memref_squeeze %dma_start3A_223 : memref<1x!tpu.dma_semaphore, #tpu.memory_space<semaphore_mem>> -> memref<!tpu.dma_semaphore, #tpu.memory_space<semaphore_mem>>
    tpu.enqueue_indirect_dma source(%dma_start3A_222 : memref<2048x2048xf32, #tpu.memory_space<hbm>>) target(%dma_start3A_216 : memref<24x2048xf32, #tpu.memory_space<vmem>>) offsets(%dma_start3A_219 : memref<24xi32, #tpu.memory_space<vmem>>) semaphore(%dma_start3A_224 : memref<!tpu.dma_semaphore, #tpu.memory_space<semaphore_mem>>)
    %dma_wait3A_225 = arith.constant 3 : i32
    %dma_wait3A_226 = arith.constant 1 : i32
    %dma_wait3A_227 = arith.constant 1 : i32
    %dma_wait3A_228 = arith.constant 0 : i32
    %dma_wait3A_229 = arith.constant 0 : i32
    %dma_wait3A_230 = tpu.memref_slice %arg6[%dma_wait3A_226, %dma_wait3A_228, %dma_wait3A_229] : memref<2x24x2048xf32, #tpu.memory_space<vmem>> -> memref<1x24x2048xf32, #tpu.memory_space<vmem>>
    %dma_wait3A_231 = tpu.memref_squeeze %dma_wait3A_230 : memref<1x24x2048xf32, #tpu.memory_space<vmem>> -> memref<24x2048xf32, #tpu.memory_space<vmem>>
    %dma_wait3A_232 = arith.constant 0 : i32
    %dma_wait3A_233 = tpu.memref_slice %arg5[%dma_wait3A_225, %dma_wait3A_232] : memref<8x24xi32, #tpu.memory_space<vmem>> -> memref<1x24xi32, #tpu.memory_space<vmem>>
    %dma_wait3A_234 = tpu.memref_squeeze %dma_wait3A_233 : memref<1x24xi32, #tpu.memory_space<vmem>> -> memref<24xi32, #tpu.memory_space<vmem>>
    %dma_wait3A_235 = arith.constant 0 : i32
    %dma_wait3A_236 = arith.constant 0 : i32
    %dma_wait3A_237 = tpu.memref_slice %arg3[%dma_wait3A_235, %dma_wait3A_236] : memref<2048x2048xf32, #tpu.memory_space<hbm>> -> memref<2048x2048xf32, #tpu.memory_space<hbm>>
    %dma_wait3A_238 = tpu.memref_slice %arg7[%dma_wait3A_227] : memref<2x!tpu.dma_semaphore, #tpu.memory_space<semaphore_mem>> -> memref<1x!tpu.dma_semaphore, #tpu.memory_space<semaphore_mem>>
    %dma_wait3A_239 = tpu.memref_squeeze %dma_wait3A_238 : memref<1x!tpu.dma_semaphore, #tpu.memory_space<semaphore_mem>> -> memref<!tpu.dma_semaphore, #tpu.memory_space<semaphore_mem>>
    tpu.wait_indirect_dma semaphore(%dma_wait3A_239 : memref<!tpu.dma_semaphore, #tpu.memory_space<semaphore_mem>>) src(%dma_wait3A_237 : memref<2048x2048xf32, #tpu.memory_space<hbm>>) dst(%dma_wait3A_231 : memref<24x2048xf32, #tpu.memory_space<vmem>>)
    %add3A_240 = arith.constant 72 : i32
    %add3A_241 = arith.addi %mul3A_2, %add3A_240 : i32
    %dma_start3A_242 = arith.constant 1 : i32
    %dma_start3A_243 = arith.constant 1 : i32
    %dma_start3A_244 = arith.constant 0 : i32
    %dma_start3A_245 = arith.constant 0 : i32
    %dma_start3A_246 = tpu.memref_slice %arg6[%dma_start3A_242, %dma_start3A_244, %dma_start3A_245] : memref<2x24x2048xf32, #tpu.memory_space<vmem>> -> memref<1x24x2048xf32, #tpu.memory_space<vmem>>
    %dma_start3A_247 = tpu.memref_squeeze %dma_start3A_246 : memref<1x24x2048xf32, #tpu.memory_space<vmem>> -> memref<24x2048xf32, #tpu.memory_space<vmem>>
    %dma_start3A_248 = arith.constant 0 : i32
    %dma_start3A_249 = tpu.memref_slice %arg4[%add3A_241, %dma_start3A_248] : memref<6144x2048xf32, #tpu.memory_space<hbm>> -> memref<24x2048xf32, #tpu.memory_space<hbm>>
    %dma_start3A_250 = tpu.memref_slice %arg8[%dma_start3A_243] : memref<2x!tpu.dma_semaphore, #tpu.memory_space<semaphore_mem>> -> memref<1x!tpu.dma_semaphore, #tpu.memory_space<semaphore_mem>>
    %dma_start3A_251 = tpu.memref_squeeze %dma_start3A_250 : memref<1x!tpu.dma_semaphore, #tpu.memory_space<semaphore_mem>> -> memref<!tpu.dma_semaphore, #tpu.memory_space<semaphore_mem>>
    %dma_start3A_252 = arith.constant 0 : i32
    %dma_start3A_253 = tpu.memref_slice %arg4[%add3A_241, %dma_start3A_252] : memref<6144x2048xf32, #tpu.memory_space<hbm>> -> memref<24x2048xf32, #tpu.memory_space<hbm>>
    %dma_start3A_254 = arith.constant 0 : i32
    %dma_start3A_255 = arith.constant 0 : i32
    %dma_start3A_256 = tpu.memref_slice %arg6[%dma_start3A_242, %dma_start3A_254, %dma_start3A_255] : memref<2x24x2048xf32, #tpu.memory_space<vmem>> -> memref<1x24x2048xf32, #tpu.memory_space<vmem>>
    %dma_start3A_257 = tpu.memref_squeeze %dma_start3A_256 : memref<1x24x2048xf32, #tpu.memory_space<vmem>> -> memref<24x2048xf32, #tpu.memory_space<vmem>>
    tpu.enqueue_dma source(%dma_start3A_257 : memref<24x2048xf32, #tpu.memory_space<vmem>>) target(%dma_start3A_253 : memref<24x2048xf32, #tpu.memory_space<hbm>>) target_semaphore(%dma_start3A_251 : memref<!tpu.dma_semaphore, #tpu.memory_space<semaphore_mem>>)
    %dma_wait3A_258 = arith.constant 1 : i32
    %dma_wait3A_259 = arith.constant 1 : i32
    %dma_wait3A_260 = arith.constant 0 : i32
    %dma_wait3A_261 = arith.constant 0 : i32
    %dma_wait3A_262 = tpu.memref_slice %arg6[%dma_wait3A_258, %dma_wait3A_260, %dma_wait3A_261] : memref<2x24x2048xf32, #tpu.memory_space<vmem>> -> memref<1x24x2048xf32, #tpu.memory_space<vmem>>
    %dma_wait3A_263 = tpu.memref_squeeze %dma_wait3A_262 : memref<1x24x2048xf32, #tpu.memory_space<vmem>> -> memref<24x2048xf32, #tpu.memory_space<vmem>>
    %dma_wait3A_264 = arith.constant 0 : i32
    %dma_wait3A_265 = tpu.memref_slice %arg4[%add3A_241, %dma_wait3A_264] : memref<6144x2048xf32, #tpu.memory_space<hbm>> -> memref<24x2048xf32, #tpu.memory_space<hbm>>
    %dma_wait3A_266 = tpu.memref_slice %arg8[%dma_wait3A_259] : memref<2x!tpu.dma_semaphore, #tpu.memory_space<semaphore_mem>> -> memref<1x!tpu.dma_semaphore, #tpu.memory_space<semaphore_mem>>
    %dma_wait3A_267 = tpu.memref_squeeze %dma_wait3A_266 : memref<1x!tpu.dma_semaphore, #tpu.memory_space<semaphore_mem>> -> memref<!tpu.dma_semaphore, #tpu.memory_space<semaphore_mem>>
    %dma_wait3A_268 = arith.constant 0 : i32
    %dma_wait3A_269 = tpu.memref_slice %arg4[%add3A_241, %dma_wait3A_268] : memref<6144x2048xf32, #tpu.memory_space<hbm>> -> memref<24x2048xf32, #tpu.memory_space<hbm>>
    %dma_wait3A_270 = arith.constant 0 : i32
    %dma_wait3A_271 = arith.constant 0 : i32
    %dma_wait3A_272 = tpu.memref_slice %arg6[%dma_wait3A_258, %dma_wait3A_270, %dma_wait3A_271] : memref<2x24x2048xf32, #tpu.memory_space<vmem>> -> memref<1x24x2048xf32, #tpu.memory_space<vmem>>
    %dma_wait3A_273 = tpu.memref_squeeze %dma_wait3A_272 : memref<1x24x2048xf32, #tpu.memory_space<vmem>> -> memref<24x2048xf32, #tpu.memory_space<vmem>>
    tpu.wait_dma2 semaphore(%dma_wait3A_267 : memref<!tpu.dma_semaphore, #tpu.memory_space<semaphore_mem>>) src(%dma_wait3A_273 : memref<24x2048xf32, #tpu.memory_space<vmem>>) dst(%dma_wait3A_269 : memref<24x2048xf32, #tpu.memory_space<hbm>>)
    %dma_start3A_274 = arith.constant 5 : i32
    %dma_start3A_275 = arith.constant 1 : i32
    %dma_start3A_276 = arith.constant 1 : i32
    %dma_start3A_277 = arith.constant 0 : i32
    %dma_start3A_278 = arith.constant 0 : i32
    %dma_start3A_279 = tpu.memref_slice %arg6[%dma_start3A_275, %dma_start3A_277, %dma_start3A_278] : memref<2x24x2048xf32, #tpu.memory_space<vmem>> -> memref<1x24x2048xf32, #tpu.memory_space<vmem>>
    %dma_start3A_280 = tpu.memref_squeeze %dma_start3A_279 : memref<1x24x2048xf32, #tpu.memory_space<vmem>> -> memref<24x2048xf32, #tpu.memory_space<vmem>>
    %dma_start3A_281 = arith.constant 0 : i32
    %dma_start3A_282 = tpu.memref_slice %arg5[%dma_start3A_274, %dma_start3A_281] : memref<8x24xi32, #tpu.memory_space<vmem>> -> memref<1x24xi32, #tpu.memory_space<vmem>>
    %dma_start3A_283 = tpu.memref_squeeze %dma_start3A_282 : memref<1x24xi32, #tpu.memory_space<vmem>> -> memref<24xi32, #tpu.memory_space<vmem>>
    %dma_start3A_284 = arith.constant 0 : i32
    %dma_start3A_285 = arith.constant 0 : i32
    %dma_start3A_286 = tpu.memref_slice %arg3[%dma_start3A_284, %dma_start3A_285] : memref<2048x2048xf32, #tpu.memory_space<hbm>> -> memref<2048x2048xf32, #tpu.memory_space<hbm>>
    %dma_start3A_287 = tpu.memref_slice %arg7[%dma_start3A_276] : memref<2x!tpu.dma_semaphore, #tpu.memory_space<semaphore_mem>> -> memref<1x!tpu.dma_semaphore, #tpu.memory_space<semaphore_mem>>
    %dma_start3A_288 = tpu.memref_squeeze %dma_start3A_287 : memref<1x!tpu.dma_semaphore, #tpu.memory_space<semaphore_mem>> -> memref<!tpu.dma_semaphore, #tpu.memory_space<semaphore_mem>>
    tpu.enqueue_indirect_dma source(%dma_start3A_286 : memref<2048x2048xf32, #tpu.memory_space<hbm>>) target(%dma_start3A_280 : memref<24x2048xf32, #tpu.memory_space<vmem>>) offsets(%dma_start3A_283 : memref<24xi32, #tpu.memory_space<vmem>>) semaphore(%dma_start3A_288 : memref<!tpu.dma_semaphore, #tpu.memory_space<semaphore_mem>>)
    %dma_wait3A_289 = arith.constant 4 : i32
    %dma_wait3A_290 = arith.constant 0 : i32
    %dma_wait3A_291 = arith.constant 0 : i32
    %dma_wait3A_292 = arith.constant 0 : i32
    %dma_wait3A_293 = arith.constant 0 : i32
    %dma_wait3A_294 = tpu.memref_slice %arg6[%dma_wait3A_290, %dma_wait3A_292, %dma_wait3A_293] : memref<2x24x2048xf32, #tpu.memory_space<vmem>> -> memref<1x24x2048xf32, #tpu.memory_space<vmem>>
    %dma_wait3A_295 = tpu.memref_squeeze %dma_wait3A_294 : memref<1x24x2048xf32, #tpu.memory_space<vmem>> -> memref<24x2048xf32, #tpu.memory_space<vmem>>
    %dma_wait3A_296 = arith.constant 0 : i32
    %dma_wait3A_297 = tpu.memref_slice %arg5[%dma_wait3A_289, %dma_wait3A_296] : memref<8x24xi32, #tpu.memory_space<vmem>> -> memref<1x24xi32, #tpu.memory_space<vmem>>
    %dma_wait3A_298 = tpu.memref_squeeze %dma_wait3A_297 : memref<1x24xi32, #tpu.memory_space<vmem>> -> memref<24xi32, #tpu.memory_space<vmem>>
    %dma_wait3A_299 = arith.constant 0 : i32
    %dma_wait3A_300 = arith.constant 0 : i32
    %dma_wait3A_301 = tpu.memref_slice %arg3[%dma_wait3A_299, %dma_wait3A_300] : memref<2048x2048xf32, #tpu.memory_space<hbm>> -> memref<2048x2048xf32, #tpu.memory_space<hbm>>
    %dma_wait3A_302 = tpu.memref_slice %arg7[%dma_wait3A_291] : memref<2x!tpu.dma_semaphore, #tpu.memory_space<semaphore_mem>> -> memref<1x!tpu.dma_semaphore, #tpu.memory_space<semaphore_mem>>
    %dma_wait3A_303 = tpu.memref_squeeze %dma_wait3A_302 : memref<1x!tpu.dma_semaphore, #tpu.memory_space<semaphore_mem>> -> memref<!tpu.dma_semaphore, #tpu.memory_space<semaphore_mem>>
    tpu.wait_indirect_dma semaphore(%dma_wait3A_303 : memref<!tpu.dma_semaphore, #tpu.memory_space<semaphore_mem>>) src(%dma_wait3A_301 : memref<2048x2048xf32, #tpu.memory_space<hbm>>) dst(%dma_wait3A_295 : memref<24x2048xf32, #tpu.memory_space<vmem>>)
    %add3A_304 = arith.constant 96 : i32
    %add3A_305 = arith.addi %mul3A_2, %add3A_304 : i32
    %dma_start3A_306 = arith.constant 0 : i32
    %dma_start3A_307 = arith.constant 0 : i32
    %dma_start3A_308 = arith.constant 0 : i32
    %dma_start3A_309 = arith.constant 0 : i32
    %dma_start3A_310 = tpu.memref_slice %arg6[%dma_start3A_306, %dma_start3A_308, %dma_start3A_309] : memref<2x24x2048xf32, #tpu.memory_space<vmem>> -> memref<1x24x2048xf32, #tpu.memory_space<vmem>>
    %dma_start3A_311 = tpu.memref_squeeze %dma_start3A_310 : memref<1x24x2048xf32, #tpu.memory_space<vmem>> -> memref<24x2048xf32, #tpu.memory_space<vmem>>
    %dma_start3A_312 = arith.constant 0 : i32
    %dma_start3A_313 = tpu.memref_slice %arg4[%add3A_305, %dma_start3A_312] : memref<6144x2048xf32, #tpu.memory_space<hbm>> -> memref<24x2048xf32, #tpu.memory_space<hbm>>
    %dma_start3A_314 = tpu.memref_slice %arg8[%dma_start3A_307] : memref<2x!tpu.dma_semaphore, #tpu.memory_space<semaphore_mem>> -> memref<1x!tpu.dma_semaphore, #tpu.memory_space<semaphore_mem>>
    %dma_start3A_315 = tpu.memref_squeeze %dma_start3A_314 : memref<1x!tpu.dma_semaphore, #tpu.memory_space<semaphore_mem>> -> memref<!tpu.dma_semaphore, #tpu.memory_space<semaphore_mem>>
    %dma_start3A_316 = arith.constant 0 : i32
    %dma_start3A_317 = tpu.memref_slice %arg4[%add3A_305, %dma_start3A_316] : memref<6144x2048xf32, #tpu.memory_space<hbm>> -> memref<24x2048xf32, #tpu.memory_space<hbm>>
    %dma_start3A_318 = arith.constant 0 : i32
    %dma_start3A_319 = arith.constant 0 : i32
    %dma_start3A_320 = tpu.memref_slice %arg6[%dma_start3A_306, %dma_start3A_318, %dma_start3A_319] : memref<2x24x2048xf32, #tpu.memory_space<vmem>> -> memref<1x24x2048xf32, #tpu.memory_space<vmem>>
    %dma_start3A_321 = tpu.memref_squeeze %dma_start3A_320 : memref<1x24x2048xf32, #tpu.memory_space<vmem>> -> memref<24x2048xf32, #tpu.memory_space<vmem>>
    tpu.enqueue_dma source(%dma_start3A_321 : memref<24x2048xf32, #tpu.memory_space<vmem>>) target(%dma_start3A_317 : memref<24x2048xf32, #tpu.memory_space<hbm>>) target_semaphore(%dma_start3A_315 : memref<!tpu.dma_semaphore, #tpu.memory_space<semaphore_mem>>)
    %dma_wait3A_322 = arith.constant 0 : i32
    %dma_wait3A_323 = arith.constant 0 : i32
    %dma_wait3A_324 = arith.constant 0 : i32
    %dma_wait3A_325 = arith.constant 0 : i32
    %dma_wait3A_326 = tpu.memref_slice %arg6[%dma_wait3A_322, %dma_wait3A_324, %dma_wait3A_325] : memref<2x24x2048xf32, #tpu.memory_space<vmem>> -> memref<1x24x2048xf32, #tpu.memory_space<vmem>>
    %dma_wait3A_327 = tpu.memref_squeeze %dma_wait3A_326 : memref<1x24x2048xf32, #tpu.memory_space<vmem>> -> memref<24x2048xf32, #tpu.memory_space<vmem>>
    %dma_wait3A_328 = arith.constant 0 : i32
    %dma_wait3A_329 = tpu.memref_slice %arg4[%add3A_305, %dma_wait3A_328] : memref<6144x2048xf32, #tpu.memory_space<hbm>> -> memref<24x2048xf32, #tpu.memory_space<hbm>>
    %dma_wait3A_330 = tpu.memref_slice %arg8[%dma_wait3A_323] : memref<2x!tpu.dma_semaphore, #tpu.memory_space<semaphore_mem>> -> memref<1x!tpu.dma_semaphore, #tpu.memory_space<semaphore_mem>>
    %dma_wait3A_331 = tpu.memref_squeeze %dma_wait3A_330 : memref<1x!tpu.dma_semaphore, #tpu.memory_space<semaphore_mem>> -> memref<!tpu.dma_semaphore, #tpu.memory_space<semaphore_mem>>
    %dma_wait3A_332 = arith.constant 0 : i32
    %dma_wait3A_333 = tpu.memref_slice %arg4[%add3A_305, %dma_wait3A_332] : memref<6144x2048xf32, #tpu.memory_space<hbm>> -> memref<24x2048xf32, #tpu.memory_space<hbm>>
    %dma_wait3A_334 = arith.constant 0 : i32
    %dma_wait3A_335 = arith.constant 0 : i32
    %dma_wait3A_336 = tpu.memref_slice %arg6[%dma_wait3A_322, %dma_wait3A_334, %dma_wait3A_335] : memref<2x24x2048xf32, #tpu.memory_space<vmem>> -> memref<1x24x2048xf32, #tpu.memory_space<vmem>>
    %dma_wait3A_337 = tpu.memref_squeeze %dma_wait3A_336 : memref<1x24x2048xf32, #tpu.memory_space<vmem>> -> memref<24x2048xf32, #tpu.memory_space<vmem>>
    tpu.wait_dma2 semaphore(%dma_wait3A_331 : memref<!tpu.dma_semaphore, #tpu.memory_space<semaphore_mem>>) src(%dma_wait3A_337 : memref<24x2048xf32, #tpu.memory_space<vmem>>) dst(%dma_wait3A_333 : memref<24x2048xf32, #tpu.memory_space<hbm>>)
    %dma_start3A_338 = arith.constant 6 : i32
    %dma_start3A_339 = arith.constant 0 : i32
    %dma_start3A_340 = arith.constant 0 : i32
    %dma_start3A_341 = arith.constant 0 : i32
    %dma_start3A_342 = arith.constant 0 : i32
    %dma_start3A_343 = tpu.memref_slice %arg6[%dma_start3A_339, %dma_start3A_341, %dma_start3A_342] : memref<2x24x2048xf32, #tpu.memory_space<vmem>> -> memref<1x24x2048xf32, #tpu.memory_space<vmem>>
    %dma_start3A_344 = tpu.memref_squeeze %dma_start3A_343 : memref<1x24x2048xf32, #tpu.memory_space<vmem>> -> memref<24x2048xf32, #tpu.memory_space<vmem>>
    %dma_start3A_345 = arith.constant 0 : i32
    %dma_start3A_346 = tpu.memref_slice %arg5[%dma_start3A_338, %dma_start3A_345] : memref<8x24xi32, #tpu.memory_space<vmem>> -> memref<1x24xi32, #tpu.memory_space<vmem>>
    %dma_start3A_347 = tpu.memref_squeeze %dma_start3A_346 : memref<1x24xi32, #tpu.memory_space<vmem>> -> memref<24xi32, #tpu.memory_space<vmem>>
    %dma_start3A_348 = arith.constant 0 : i32
    %dma_start3A_349 = arith.constant 0 : i32
    %dma_start3A_350 = tpu.memref_slice %arg3[%dma_start3A_348, %dma_start3A_349] : memref<2048x2048xf32, #tpu.memory_space<hbm>> -> memref<2048x2048xf32, #tpu.memory_space<hbm>>
    %dma_start3A_351 = tpu.memref_slice %arg7[%dma_start3A_340] : memref<2x!tpu.dma_semaphore, #tpu.memory_space<semaphore_mem>> -> memref<1x!tpu.dma_semaphore, #tpu.memory_space<semaphore_mem>>
    %dma_start3A_352 = tpu.memref_squeeze %dma_start3A_351 : memref<1x!tpu.dma_semaphore, #tpu.memory_space<semaphore_mem>> -> memref<!tpu.dma_semaphore, #tpu.memory_space<semaphore_mem>>
    tpu.enqueue_indirect_dma source(%dma_start3A_350 : memref<2048x2048xf32, #tpu.memory_space<hbm>>) target(%dma_start3A_344 : memref<24x2048xf32, #tpu.memory_space<vmem>>) offsets(%dma_start3A_347 : memref<24xi32, #tpu.memory_space<vmem>>) semaphore(%dma_start3A_352 : memref<!tpu.dma_semaphore, #tpu.memory_space<semaphore_mem>>)
    %dma_wait3A_353 = arith.constant 5 : i32
    %dma_wait3A_354 = arith.constant 1 : i32
    %dma_wait3A_355 = arith.constant 1 : i32
    %dma_wait3A_356 = arith.constant 0 : i32
    %dma_wait3A_357 = arith.constant 0 : i32
    %dma_wait3A_358 = tpu.memref_slice %arg6[%dma_wait3A_354, %dma_wait3A_356, %dma_wait3A_357] : memref<2x24x2048xf32, #tpu.memory_space<vmem>> -> memref<1x24x2048xf32, #tpu.memory_space<vmem>>
    %dma_wait3A_359 = tpu.memref_squeeze %dma_wait3A_358 : memref<1x24x2048xf32, #tpu.memory_space<vmem>> -> memref<24x2048xf32, #tpu.memory_space<vmem>>
    %dma_wait3A_360 = arith.constant 0 : i32
    %dma_wait3A_361 = tpu.memref_slice %arg5[%dma_wait3A_353, %dma_wait3A_360] : memref<8x24xi32, #tpu.memory_space<vmem>> -> memref<1x24xi32, #tpu.memory_space<vmem>>
    %dma_wait3A_362 = tpu.memref_squeeze %dma_wait3A_361 : memref<1x24xi32, #tpu.memory_space<vmem>> -> memref<24xi32, #tpu.memory_space<vmem>>
    %dma_wait3A_363 = arith.constant 0 : i32
    %dma_wait3A_364 = arith.constant 0 : i32
    %dma_wait3A_365 = tpu.memref_slice %arg3[%dma_wait3A_363, %dma_wait3A_364] : memref<2048x2048xf32, #tpu.memory_space<hbm>> -> memref<2048x2048xf32, #tpu.memory_space<hbm>>
    %dma_wait3A_366 = tpu.memref_slice %arg7[%dma_wait3A_355] : memref<2x!tpu.dma_semaphore, #tpu.memory_space<semaphore_mem>> -> memref<1x!tpu.dma_semaphore, #tpu.memory_space<semaphore_mem>>
    %dma_wait3A_367 = tpu.memref_squeeze %dma_wait3A_366 : memref<1x!tpu.dma_semaphore, #tpu.memory_space<semaphore_mem>> -> memref<!tpu.dma_semaphore, #tpu.memory_space<semaphore_mem>>
    tpu.wait_indirect_dma semaphore(%dma_wait3A_367 : memref<!tpu.dma_semaphore, #tpu.memory_space<semaphore_mem>>) src(%dma_wait3A_365 : memref<2048x2048xf32, #tpu.memory_space<hbm>>) dst(%dma_wait3A_359 : memref<24x2048xf32, #tpu.memory_space<vmem>>)
    %add3A_368 = arith.constant 120 : i32
    %add3A_369 = arith.addi %mul3A_2, %add3A_368 : i32
    %dma_start3A_370 = arith.constant 1 : i32
    %dma_start3A_371 = arith.constant 1 : i32
    %dma_start3A_372 = arith.constant 0 : i32
    %dma_start3A_373 = arith.constant 0 : i32
    %dma_start3A_374 = tpu.memref_slice %arg6[%dma_start3A_370, %dma_start3A_372, %dma_start3A_373] : memref<2x24x2048xf32, #tpu.memory_space<vmem>> -> memref<1x24x2048xf32, #tpu.memory_space<vmem>>
    %dma_start3A_375 = tpu.memref_squeeze %dma_start3A_374 : memref<1x24x2048xf32, #tpu.memory_space<vmem>> -> memref<24x2048xf32, #tpu.memory_space<vmem>>
    %dma_start3A_376 = arith.constant 0 : i32
    %dma_start3A_377 = tpu.memref_slice %arg4[%add3A_369, %dma_start3A_376] : memref<6144x2048xf32, #tpu.memory_space<hbm>> -> memref<24x2048xf32, #tpu.memory_space<hbm>>
    %dma_start3A_378 = tpu.memref_slice %arg8[%dma_start3A_371] : memref<2x!tpu.dma_semaphore, #tpu.memory_space<semaphore_mem>> -> memref<1x!tpu.dma_semaphore, #tpu.memory_space<semaphore_mem>>
    %dma_start3A_379 = tpu.memref_squeeze %dma_start3A_378 : memref<1x!tpu.dma_semaphore, #tpu.memory_space<semaphore_mem>> -> memref<!tpu.dma_semaphore, #tpu.memory_space<semaphore_mem>>
    %dma_start3A_380 = arith.constant 0 : i32
    %dma_start3A_381 = tpu.memref_slice %arg4[%add3A_369, %dma_start3A_380] : memref<6144x2048xf32, #tpu.memory_space<hbm>> -> memref<24x2048xf32, #tpu.memory_space<hbm>>
    %dma_start3A_382 = arith.constant 0 : i32
    %dma_start3A_383 = arith.constant 0 : i32
    %dma_start3A_384 = tpu.memref_slice %arg6[%dma_start3A_370, %dma_start3A_382, %dma_start3A_383] : memref<2x24x2048xf32, #tpu.memory_space<vmem>> -> memref<1x24x2048xf32, #tpu.memory_space<vmem>>
    %dma_start3A_385 = tpu.memref_squeeze %dma_start3A_384 : memref<1x24x2048xf32, #tpu.memory_space<vmem>> -> memref<24x2048xf32, #tpu.memory_space<vmem>>
    tpu.enqueue_dma source(%dma_start3A_385 : memref<24x2048xf32, #tpu.memory_space<vmem>>) target(%dma_start3A_381 : memref<24x2048xf32, #tpu.memory_space<hbm>>) target_semaphore(%dma_start3A_379 : memref<!tpu.dma_semaphore, #tpu.memory_space<semaphore_mem>>)
    %dma_wait3A_386 = arith.constant 1 : i32
    %dma_wait3A_387 = arith.constant 1 : i32
    %dma_wait3A_388 = arith.constant 0 : i32
    %dma_wait3A_389 = arith.constant 0 : i32
    %dma_wait3A_390 = tpu.memref_slice %arg6[%dma_wait3A_386, %dma_wait3A_388, %dma_wait3A_389] : memref<2x24x2048xf32, #tpu.memory_space<vmem>> -> memref<1x24x2048xf32, #tpu.memory_space<vmem>>
    %dma_wait3A_391 = tpu.memref_squeeze %dma_wait3A_390 : memref<1x24x2048xf32, #tpu.memory_space<vmem>> -> memref<24x2048xf32, #tpu.memory_space<vmem>>
    %dma_wait3A_392 = arith.constant 0 : i32
    %dma_wait3A_393 = tpu.memref_slice %arg4[%add3A_369, %dma_wait3A_392] : memref<6144x2048xf32, #tpu.memory_space<hbm>> -> memref<24x2048xf32, #tpu.memory_space<hbm>>
    %dma_wait3A_394 = tpu.memref_slice %arg8[%dma_wait3A_387] : memref<2x!tpu.dma_semaphore, #tpu.memory_space<semaphore_mem>> -> memref<1x!tpu.dma_semaphore, #tpu.memory_space<semaphore_mem>>
    %dma_wait3A_395 = tpu.memref_squeeze %dma_wait3A_394 : memref<1x!tpu.dma_semaphore, #tpu.memory_space<semaphore_mem>> -> memref<!tpu.dma_semaphore, #tpu.memory_space<semaphore_mem>>
    %dma_wait3A_396 = arith.constant 0 : i32
    %dma_wait3A_397 = tpu.memref_slice %arg4[%add3A_369, %dma_wait3A_396] : memref<6144x2048xf32, #tpu.memory_space<hbm>> -> memref<24x2048xf32, #tpu.memory_space<hbm>>
    %dma_wait3A_398 = arith.constant 0 : i32
    %dma_wait3A_399 = arith.constant 0 : i32
    %dma_wait3A_400 = tpu.memref_slice %arg6[%dma_wait3A_386, %dma_wait3A_398, %dma_wait3A_399] : memref<2x24x2048xf32, #tpu.memory_space<vmem>> -> memref<1x24x2048xf32, #tpu.memory_space<vmem>>
    %dma_wait3A_401 = tpu.memref_squeeze %dma_wait3A_400 : memref<1x24x2048xf32, #tpu.memory_space<vmem>> -> memref<24x2048xf32, #tpu.memory_space<vmem>>
    tpu.wait_dma2 semaphore(%dma_wait3A_395 : memref<!tpu.dma_semaphore, #tpu.memory_space<semaphore_mem>>) src(%dma_wait3A_401 : memref<24x2048xf32, #tpu.memory_space<vmem>>) dst(%dma_wait3A_397 : memref<24x2048xf32, #tpu.memory_space<hbm>>)
    %dma_start3A_402 = arith.constant 7 : i32
    %dma_start3A_403 = arith.constant 1 : i32
    %dma_start3A_404 = arith.constant 1 : i32
    %dma_start3A_405 = arith.constant 0 : i32
    %dma_start3A_406 = arith.constant 0 : i32
    %dma_start3A_407 = tpu.memref_slice %arg6[%dma_start3A_403, %dma_start3A_405, %dma_start3A_406] : memref<2x24x2048xf32, #tpu.memory_space<vmem>> -> memref<1x24x2048xf32, #tpu.memory_space<vmem>>
    %dma_start3A_408 = tpu.memref_squeeze %dma_start3A_407 : memref<1x24x2048xf32, #tpu.memory_space<vmem>> -> memref<24x2048xf32, #tpu.memory_space<vmem>>
    %dma_start3A_409 = arith.constant 0 : i32
    %dma_start3A_410 = tpu.memref_slice %arg5[%dma_start3A_402, %dma_start3A_409] : memref<8x24xi32, #tpu.memory_space<vmem>> -> memref<1x24xi32, #tpu.memory_space<vmem>>
    %dma_start3A_411 = tpu.memref_squeeze %dma_start3A_410 : memref<1x24xi32, #tpu.memory_space<vmem>> -> memref<24xi32, #tpu.memory_space<vmem>>
    %dma_start3A_412 = arith.constant 0 : i32
    %dma_start3A_413 = arith.constant 0 : i32
    %dma_start3A_414 = tpu.memref_slice %arg3[%dma_start3A_412, %dma_start3A_413] : memref<2048x2048xf32, #tpu.memory_space<hbm>> -> memref<2048x2048xf32, #tpu.memory_space<hbm>>
    %dma_start3A_415 = tpu.memref_slice %arg7[%dma_start3A_404] : memref<2x!tpu.dma_semaphore, #tpu.memory_space<semaphore_mem>> -> memref<1x!tpu.dma_semaphore, #tpu.memory_space<semaphore_mem>>
    %dma_start3A_416 = tpu.memref_squeeze %dma_start3A_415 : memref<1x!tpu.dma_semaphore, #tpu.memory_space<semaphore_mem>> -> memref<!tpu.dma_semaphore, #tpu.memory_space<semaphore_mem>>
    tpu.enqueue_indirect_dma source(%dma_start3A_414 : memref<2048x2048xf32, #tpu.memory_space<hbm>>) target(%dma_start3A_408 : memref<24x2048xf32, #tpu.memory_space<vmem>>) offsets(%dma_start3A_411 : memref<24xi32, #tpu.memory_space<vmem>>) semaphore(%dma_start3A_416 : memref<!tpu.dma_semaphore, #tpu.memory_space<semaphore_mem>>)
    %dma_wait3A_417 = arith.constant 6 : i32
    %dma_wait3A_418 = arith.constant 0 : i32
    %dma_wait3A_419 = arith.constant 0 : i32
    %dma_wait3A_420 = arith.constant 0 : i32
    %dma_wait3A_421 = arith.constant 0 : i32
    %dma_wait3A_422 = tpu.memref_slice %arg6[%dma_wait3A_418, %dma_wait3A_420, %dma_wait3A_421] : memref<2x24x2048xf32, #tpu.memory_space<vmem>> -> memref<1x24x2048xf32, #tpu.memory_space<vmem>>
    %dma_wait3A_423 = tpu.memref_squeeze %dma_wait3A_422 : memref<1x24x2048xf32, #tpu.memory_space<vmem>> -> memref<24x2048xf32, #tpu.memory_space<vmem>>
    %dma_wait3A_424 = arith.constant 0 : i32
    %dma_wait3A_425 = tpu.memref_slice %arg5[%dma_wait3A_417, %dma_wait3A_424] : memref<8x24xi32, #tpu.memory_space<vmem>> -> memref<1x24xi32, #tpu.memory_space<vmem>>
    %dma_wait3A_426 = tpu.memref_squeeze %dma_wait3A_425 : memref<1x24xi32, #tpu.memory_space<vmem>> -> memref<24xi32, #tpu.memory_space<vmem>>
    %dma_wait3A_427 = arith.constant 0 : i32
    %dma_wait3A_428 = arith.constant 0 : i32
    %dma_wait3A_429 = tpu.memref_slice %arg3[%dma_wait3A_427, %dma_wait3A_428] : memref<2048x2048xf32, #tpu.memory_space<hbm>> -> memref<2048x2048xf32, #tpu.memory_space<hbm>>
    %dma_wait3A_430 = tpu.memref_slice %arg7[%dma_wait3A_419] : memref<2x!tpu.dma_semaphore, #tpu.memory_space<semaphore_mem>> -> memref<1x!tpu.dma_semaphore, #tpu.memory_space<semaphore_mem>>
    %dma_wait3A_431 = tpu.memref_squeeze %dma_wait3A_430 : memref<1x!tpu.dma_semaphore, #tpu.memory_space<semaphore_mem>> -> memref<!tpu.dma_semaphore, #tpu.memory_space<semaphore_mem>>
    tpu.wait_indirect_dma semaphore(%dma_wait3A_431 : memref<!tpu.dma_semaphore, #tpu.memory_space<semaphore_mem>>) src(%dma_wait3A_429 : memref<2048x2048xf32, #tpu.memory_space<hbm>>) dst(%dma_wait3A_423 : memref<24x2048xf32, #tpu.memory_space<vmem>>)
    %add3A_432 = arith.constant 144 : i32
    %add3A_433 = arith.addi %mul3A_2, %add3A_432 : i32
    %dma_start3A_434 = arith.constant 0 : i32
    %dma_start3A_435 = arith.constant 0 : i32
    %dma_start3A_436 = arith.constant 0 : i32
    %dma_start3A_437 = arith.constant 0 : i32
    %dma_start3A_438 = tpu.memref_slice %arg6[%dma_start3A_434, %dma_start3A_436, %dma_start3A_437] : memref<2x24x2048xf32, #tpu.memory_space<vmem>> -> memref<1x24x2048xf32, #tpu.memory_space<vmem>>
    %dma_start3A_439 = tpu.memref_squeeze %dma_start3A_438 : memref<1x24x2048xf32, #tpu.memory_space<vmem>> -> memref<24x2048xf32, #tpu.memory_space<vmem>>
    %dma_start3A_440 = arith.constant 0 : i32
    %dma_start3A_441 = tpu.memref_slice %arg4[%add3A_433, %dma_start3A_440] : memref<6144x2048xf32, #tpu.memory_space<hbm>> -> memref<24x2048xf32, #tpu.memory_space<hbm>>
    %dma_start3A_442 = tpu.memref_slice %arg8[%dma_start3A_435] : memref<2x!tpu.dma_semaphore, #tpu.memory_space<semaphore_mem>> -> memref<1x!tpu.dma_semaphore, #tpu.memory_space<semaphore_mem>>
    %dma_start3A_443 = tpu.memref_squeeze %dma_start3A_442 : memref<1x!tpu.dma_semaphore, #tpu.memory_space<semaphore_mem>> -> memref<!tpu.dma_semaphore, #tpu.memory_space<semaphore_mem>>
    %dma_start3A_444 = arith.constant 0 : i32
    %dma_start3A_445 = tpu.memref_slice %arg4[%add3A_433, %dma_start3A_444] : memref<6144x2048xf32, #tpu.memory_space<hbm>> -> memref<24x2048xf32, #tpu.memory_space<hbm>>
    %dma_start3A_446 = arith.constant 0 : i32
    %dma_start3A_447 = arith.constant 0 : i32
    %dma_start3A_448 = tpu.memref_slice %arg6[%dma_start3A_434, %dma_start3A_446, %dma_start3A_447] : memref<2x24x2048xf32, #tpu.memory_space<vmem>> -> memref<1x24x2048xf32, #tpu.memory_space<vmem>>
    %dma_start3A_449 = tpu.memref_squeeze %dma_start3A_448 : memref<1x24x2048xf32, #tpu.memory_space<vmem>> -> memref<24x2048xf32, #tpu.memory_space<vmem>>
    tpu.enqueue_dma source(%dma_start3A_449 : memref<24x2048xf32, #tpu.memory_space<vmem>>) target(%dma_start3A_445 : memref<24x2048xf32, #tpu.memory_space<hbm>>) target_semaphore(%dma_start3A_443 : memref<!tpu.dma_semaphore, #tpu.memory_space<semaphore_mem>>)
    %dma_wait3A_450 = arith.constant 7 : i32
    %dma_wait3A_451 = arith.constant 1 : i32
    %dma_wait3A_452 = arith.constant 1 : i32
    %dma_wait3A_453 = arith.constant 0 : i32
    %dma_wait3A_454 = arith.constant 0 : i32
    %dma_wait3A_455 = tpu.memref_slice %arg6[%dma_wait3A_451, %dma_wait3A_453, %dma_wait3A_454] : memref<2x24x2048xf32, #tpu.memory_space<vmem>> -> memref<1x24x2048xf32, #tpu.memory_space<vmem>>
    %dma_wait3A_456 = tpu.memref_squeeze %dma_wait3A_455 : memref<1x24x2048xf32, #tpu.memory_space<vmem>> -> memref<24x2048xf32, #tpu.memory_space<vmem>>
    %dma_wait3A_457 = arith.constant 0 : i32
    %dma_wait3A_458 = tpu.memref_slice %arg5[%dma_wait3A_450, %dma_wait3A_457] : memref<8x24xi32, #tpu.memory_space<vmem>> -> memref<1x24xi32, #tpu.memory_space<vmem>>
    %dma_wait3A_459 = tpu.memref_squeeze %dma_wait3A_458 : memref<1x24xi32, #tpu.memory_space<vmem>> -> memref<24xi32, #tpu.memory_space<vmem>>
    %dma_wait3A_460 = arith.constant 0 : i32
    %dma_wait3A_461 = arith.constant 0 : i32
    %dma_wait3A_462 = tpu.memref_slice %arg3[%dma_wait3A_460, %dma_wait3A_461] : memref<2048x2048xf32, #tpu.memory_space<hbm>> -> memref<2048x2048xf32, #tpu.memory_space<hbm>>
    %dma_wait3A_463 = tpu.memref_slice %arg7[%dma_wait3A_452] : memref<2x!tpu.dma_semaphore, #tpu.memory_space<semaphore_mem>> -> memref<1x!tpu.dma_semaphore, #tpu.memory_space<semaphore_mem>>
    %dma_wait3A_464 = tpu.memref_squeeze %dma_wait3A_463 : memref<1x!tpu.dma_semaphore, #tpu.memory_space<semaphore_mem>> -> memref<!tpu.dma_semaphore, #tpu.memory_space<semaphore_mem>>
    tpu.wait_indirect_dma semaphore(%dma_wait3A_464 : memref<!tpu.dma_semaphore, #tpu.memory_space<semaphore_mem>>) src(%dma_wait3A_462 : memref<2048x2048xf32, #tpu.memory_space<hbm>>) dst(%dma_wait3A_456 : memref<24x2048xf32, #tpu.memory_space<vmem>>)
    %add3A_465 = arith.constant 168 : i32
    %add3A_466 = arith.addi %mul3A_2, %add3A_465 : i32
    %dma_start3A_467 = arith.constant 1 : i32
    %dma_start3A_468 = arith.constant 1 : i32
    %dma_start3A_469 = arith.constant 0 : i32
    %dma_start3A_470 = arith.constant 0 : i32
    %dma_start3A_471 = tpu.memref_slice %arg6[%dma_start3A_467, %dma_start3A_469, %dma_start3A_470] : memref<2x24x2048xf32, #tpu.memory_space<vmem>> -> memref<1x24x2048xf32, #tpu.memory_space<vmem>>
    %dma_start3A_472 = tpu.memref_squeeze %dma_start3A_471 : memref<1x24x2048xf32, #tpu.memory_space<vmem>> -> memref<24x2048xf32, #tpu.memory_space<vmem>>
    %dma_start3A_473 = arith.constant 0 : i32
    %dma_start3A_474 = tpu.memref_slice %arg4[%add3A_466, %dma_start3A_473] : memref<6144x2048xf32, #tpu.memory_space<hbm>> -> memref<24x2048xf32, #tpu.memory_space<hbm>>
    %dma_start3A_475 = tpu.memref_slice %arg8[%dma_start3A_468] : memref<2x!tpu.dma_semaphore, #tpu.memory_space<semaphore_mem>> -> memref<1x!tpu.dma_semaphore, #tpu.memory_space<semaphore_mem>>
    %dma_start3A_476 = tpu.memref_squeeze %dma_start3A_475 : memref<1x!tpu.dma_semaphore, #tpu.memory_space<semaphore_mem>> -> memref<!tpu.dma_semaphore, #tpu.memory_space<semaphore_mem>>
    %dma_start3A_477 = arith.constant 0 : i32
    %dma_start3A_478 = tpu.memref_slice %arg4[%add3A_466, %dma_start3A_477] : memref<6144x2048xf32, #tpu.memory_space<hbm>> -> memref<24x2048xf32, #tpu.memory_space<hbm>>
    %dma_start3A_479 = arith.constant 0 : i32
    %dma_start3A_480 = arith.constant 0 : i32
    %dma_start3A_481 = tpu.memref_slice %arg6[%dma_start3A_467, %dma_start3A_479, %dma_start3A_480] : memref<2x24x2048xf32, #tpu.memory_space<vmem>> -> memref<1x24x2048xf32, #tpu.memory_space<vmem>>
    %dma_start3A_482 = tpu.memref_squeeze %dma_start3A_481 : memref<1x24x2048xf32, #tpu.memory_space<vmem>> -> memref<24x2048xf32, #tpu.memory_space<vmem>>
    tpu.enqueue_dma source(%dma_start3A_482 : memref<24x2048xf32, #tpu.memory_space<vmem>>) target(%dma_start3A_478 : memref<24x2048xf32, #tpu.memory_space<hbm>>) target_semaphore(%dma_start3A_476 : memref<!tpu.dma_semaphore, #tpu.memory_space<semaphore_mem>>)
    %dma_wait3A_483 = arith.constant 0 : i32
    %dma_wait3A_484 = arith.constant 0 : i32
    %dma_wait3A_485 = arith.constant 0 : i32
    %dma_wait3A_486 = arith.constant 0 : i32
    %dma_wait3A_487 = tpu.memref_slice %arg6[%dma_wait3A_483, %dma_wait3A_485, %dma_wait3A_486] : memref<2x24x2048xf32, #tpu.memory_space<vmem>> -> memref<1x24x2048xf32, #tpu.memory_space<vmem>>
    %dma_wait3A_488 = tpu.memref_squeeze %dma_wait3A_487 : memref<1x24x2048xf32, #tpu.memory_space<vmem>> -> memref<24x2048xf32, #tpu.memory_space<vmem>>
    %dma_wait3A_489 = arith.constant 0 : i32
    %dma_wait3A_490 = tpu.memref_slice %arg4[%add3A_433, %dma_wait3A_489] : memref<6144x2048xf32, #tpu.memory_space<hbm>> -> memref<24x2048xf32, #tpu.memory_space<hbm>>
    %dma_wait3A_491 = tpu.memref_slice %arg8[%dma_wait3A_484] : memref<2x!tpu.dma_semaphore, #tpu.memory_space<semaphore_mem>> -> memref<1x!tpu.dma_semaphore, #tpu.memory_space<semaphore_mem>>
    %dma_wait3A_492 = tpu.memref_squeeze %dma_wait3A_491 : memref<1x!tpu.dma_semaphore, #tpu.memory_space<semaphore_mem>> -> memref<!tpu.dma_semaphore, #tpu.memory_space<semaphore_mem>>
    %dma_wait3A_493 = arith.constant 0 : i32
    %dma_wait3A_494 = tpu.memref_slice %arg4[%add3A_433, %dma_wait3A_493] : memref<6144x2048xf32, #tpu.memory_space<hbm>> -> memref<24x2048xf32, #tpu.memory_space<hbm>>
    %dma_wait3A_495 = arith.constant 0 : i32
    %dma_wait3A_496 = arith.constant 0 : i32
    %dma_wait3A_497 = tpu.memref_slice %arg6[%dma_wait3A_483, %dma_wait3A_495, %dma_wait3A_496] : memref<2x24x2048xf32, #tpu.memory_space<vmem>> -> memref<1x24x2048xf32, #tpu.memory_space<vmem>>
    %dma_wait3A_498 = tpu.memref_squeeze %dma_wait3A_497 : memref<1x24x2048xf32, #tpu.memory_space<vmem>> -> memref<24x2048xf32, #tpu.memory_space<vmem>>
    tpu.wait_dma2 semaphore(%dma_wait3A_492 : memref<!tpu.dma_semaphore, #tpu.memory_space<semaphore_mem>>) src(%dma_wait3A_498 : memref<24x2048xf32, #tpu.memory_space<vmem>>) dst(%dma_wait3A_494 : memref<24x2048xf32, #tpu.memory_space<hbm>>)
    %dma_wait3A_499 = arith.constant 1 : i32
    %dma_wait3A_500 = arith.constant 1 : i32
    %dma_wait3A_501 = arith.constant 0 : i32
    %dma_wait3A_502 = arith.constant 0 : i32
    %dma_wait3A_503 = tpu.memref_slice %arg6[%dma_wait3A_499, %dma_wait3A_501, %dma_wait3A_502] : memref<2x24x2048xf32, #tpu.memory_space<vmem>> -> memref<1x24x2048xf32, #tpu.memory_space<vmem>>
    %dma_wait3A_504 = tpu.memref_squeeze %dma_wait3A_503 : memref<1x24x2048xf32, #tpu.memory_space<vmem>> -> memref<24x2048xf32, #tpu.memory_space<vmem>>
    %dma_wait3A_505 = arith.constant 0 : i32
    %dma_wait3A_506 = tpu.memref_slice %arg4[%add3A_466, %dma_wait3A_505] : memref<6144x2048xf32, #tpu.memory_space<hbm>> -> memref<24x2048xf32, #tpu.memory_space<hbm>>
    %dma_wait3A_507 = tpu.memref_slice %arg8[%dma_wait3A_500] : memref<2x!tpu.dma_semaphore, #tpu.memory_space<semaphore_mem>> -> memref<1x!tpu.dma_semaphore, #tpu.memory_space<semaphore_mem>>
    %dma_wait3A_508 = tpu.memref_squeeze %dma_wait3A_507 : memref<1x!tpu.dma_semaphore, #tpu.memory_space<semaphore_mem>> -> memref<!tpu.dma_semaphore, #tpu.memory_space<semaphore_mem>>
    %dma_wait3A_509 = arith.constant 0 : i32
    %dma_wait3A_510 = tpu.memref_slice %arg4[%add3A_466, %dma_wait3A_509] : memref<6144x2048xf32, #tpu.memory_space<hbm>> -> memref<24x2048xf32, #tpu.memory_space<hbm>>
    %dma_wait3A_511 = arith.constant 0 : i32
    %dma_wait3A_512 = arith.constant 0 : i32
    %dma_wait3A_513 = tpu.memref_slice %arg6[%dma_wait3A_499, %dma_wait3A_511, %dma_wait3A_512] : memref<2x24x2048xf32, #tpu.memory_space<vmem>> -> memref<1x24x2048xf32, #tpu.memory_space<vmem>>
    %dma_wait3A_514 = tpu.memref_squeeze %dma_wait3A_513 : memref<1x24x2048xf32, #tpu.memory_space<vmem>> -> memref<24x2048xf32, #tpu.memory_space<vmem>>
    tpu.wait_dma2 semaphore(%dma_wait3A_508 : memref<!tpu.dma_semaphore, #tpu.memory_space<semaphore_mem>>) src(%dma_wait3A_514 : memref<24x2048xf32, #tpu.memory_space<vmem>>) dst(%dma_wait3A_510 : memref<24x2048xf32, #tpu.memory_space<hbm>>)
    return
  }
}

module attributes {stable_mosaic.version = 14 : i64} {
  func.func @_qkv_body(%arg0: i32, %arg1: memref<512x2048xf32, #tpu.memory_space<vmem>>, %arg2: memref<1x2048xf32, #tpu.memory_space<vmem>>, %arg3: memref<2048x2048xf32, #tpu.memory_space<vmem>>, %arg4: memref<2048x512xf32, #tpu.memory_space<vmem>>, %arg5: memref<2048x512xf32, #tpu.memory_space<vmem>>, %arg6: memref<512x2048xf32, #tpu.memory_space<vmem>>, %arg7: memref<512x512xf32, #tpu.memory_space<vmem>>, %arg8: memref<512x512xf32, #tpu.memory_space<vmem>>) attributes {dimension_semantics = [#tpu.dimension_semantics<arbitrary>], iteration_bounds = array<i64: 4>, scalar_prefetch = 0 : i64, scratch_operands = 0 : i64, tpu.core_type = #tpu.core_type<tc>, window_params = [{transform_indices = @transform_0, window_bounds = array<i64: 512, 2048>}, {pipeline_mode = #tpu.pipeline_mode<synchronous>, transform_indices = @transform_1, window_bounds = array<i64: 1, 2048>}, {pipeline_mode = #tpu.pipeline_mode<synchronous>, transform_indices = @transform_2, window_bounds = array<i64: 2048, 2048>}, {pipeline_mode = #tpu.pipeline_mode<synchronous>, transform_indices = @transform_3, window_bounds = array<i64: 2048, 512>}, {pipeline_mode = #tpu.pipeline_mode<synchronous>, transform_indices = @transform_4, window_bounds = array<i64: 2048, 512>}, {transform_indices = @transform_5, window_bounds = array<i64: 512, 2048>}, {transform_indices = @transform_6, window_bounds = array<i64: 512, 512>}, {transform_indices = @transform_7, window_bounds = array<i64: 512, 512>}]} {
    %get3A = arith.constant 0 : index
    %get3A_0 = arith.constant 0 : index
    %get3A_1 = vector.load %arg1[%get3A, %get3A_0] : memref<512x2048xf32, #tpu.memory_space<vmem>>, vector<512x2048xf32>
    %get3A_2 = arith.constant 0 : index
    %get3A_3 = arith.constant 0 : index
    %get3A_4 = vector.load %arg2[%get3A_2, %get3A_3] : memref<1x2048xf32, #tpu.memory_space<vmem>>, vector<1x2048xf32>
    %mul3A = arith.mulf %get3A_1, %get3A_1 : vector<512x2048xf32>
    %reduce_sum3A = arith.constant dense<0.000000e+00> : vector<512xf32>
    %reduce_sum3A_5 = vector.multi_reduction <add>, %mul3A, %reduce_sum3A [1] : vector<512x2048xf32> to vector<512xf32>
    %broadcast_in_dim3A = vector.shape_cast %reduce_sum3A_5 : vector<512xf32> to vector<512x1xf32>
    %div3A = arith.constant 2.048000e+03 : f32
    %div3A_6 = vector.broadcast %div3A : f32 to vector<512x1xf32>
    %div3A_7 = arith.divf %broadcast_in_dim3A, %div3A_6 : vector<512x1xf32>
    %add3A = arith.constant 9.99999997E-7 : f32
    %add3A_8 = vector.broadcast %add3A : f32 to vector<512x1xf32>
    %add3A_9 = arith.addf %div3A_7, %add3A_8 : vector<512x1xf32>
    %rsqrt3A = math.rsqrt %add3A_9 : vector<512x1xf32>
    %mul3A_10 = vector.broadcast %rsqrt3A : vector<512x1xf32> to vector<512x2048xf32>
    %mul3A_11 = arith.mulf %get3A_1, %mul3A_10 : vector<512x2048xf32>
    %mul3A_12 = vector.broadcast %get3A_4 : vector<1x2048xf32> to vector<512x2048xf32>
    %mul3A_13 = arith.mulf %mul3A_11, %mul3A_12 : vector<512x2048xf32>
    %convert_element_type3A = arith.truncf %mul3A_13 : vector<512x2048xf32> to vector<512x2048xbf16>
    %get3A_14 = arith.constant 0 : index
    %get3A_15 = arith.constant 0 : index
    %get3A_16 = vector.load %arg3[%get3A_14, %get3A_15] : memref<2048x2048xf32, #tpu.memory_space<vmem>>, vector<2048x2048xf32>
    %convert_element_type3A_17 = arith.truncf %get3A_16 : vector<2048x2048xf32> to vector<2048x2048xbf16>
    %dot_general3A = arith.constant dense<0.000000e+00> : vector<512x2048xf32>
    %dot_general3A_18 = tpu.matmul %convert_element_type3A, %convert_element_type3A_17, %dot_general3A {dimension_numbers = #tpu.dot_dimension_numbers<[1], [0], [0], [1], [0, 0, 1, 1], [], []>, transpose_lhs_hint = false} : vector<512x2048xbf16>, vector<2048x2048xbf16>, vector<512x2048xf32> -> vector<512x2048xf32>
    %swap3A = arith.constant 0 : index
    %swap3A_19 = arith.constant 0 : index
    %swap3A_20 = vector.load %arg6[%swap3A, %swap3A_19] : memref<512x2048xf32, #tpu.memory_space<vmem>>, vector<512x2048xf32>
    tpu.vector_store %arg6[%swap3A, %swap3A_19], %dot_general3A_18 {strides = array<i32>} : memref<512x2048xf32, #tpu.memory_space<vmem>>, vector<512x2048xf32>,
    %get3A_21 = arith.constant 0 : index
    %get3A_22 = arith.constant 0 : index
    %get3A_23 = vector.load %arg4[%get3A_21, %get3A_22] : memref<2048x512xf32, #tpu.memory_space<vmem>>, vector<2048x512xf32>
    %convert_element_type3A_24 = arith.truncf %get3A_23 : vector<2048x512xf32> to vector<2048x512xbf16>
    %dot_general3A_25 = arith.constant dense<0.000000e+00> : vector<512x512xf32>
    %dot_general3A_26 = tpu.matmul %convert_element_type3A, %convert_element_type3A_24, %dot_general3A_25 {dimension_numbers = #tpu.dot_dimension_numbers<[1], [0], [0], [1], [0, 0, 1, 1], [], []>, transpose_lhs_hint = false} : vector<512x2048xbf16>, vector<2048x512xbf16>, vector<512x512xf32> -> vector<512x512xf32>
    %swap3A_27 = arith.constant 0 : index
    %swap3A_28 = arith.constant 0 : index
    %swap3A_29 = vector.load %arg7[%swap3A_27, %swap3A_28] : memref<512x512xf32, #tpu.memory_space<vmem>>, vector<512x512xf32>
    tpu.vector_store %arg7[%swap3A_27, %swap3A_28], %dot_general3A_26 {strides = array<i32>} : memref<512x512xf32, #tpu.memory_space<vmem>>, vector<512x512xf32>,
    %get3A_30 = arith.constant 0 : index
    %get3A_31 = arith.constant 0 : index
    %get3A_32 = vector.load %arg5[%get3A_30, %get3A_31] : memref<2048x512xf32, #tpu.memory_space<vmem>>, vector<2048x512xf32>
    %convert_element_type3A_33 = arith.truncf %get3A_32 : vector<2048x512xf32> to vector<2048x512xbf16>
    %dot_general3A_34 = arith.constant dense<0.000000e+00> : vector<512x512xf32>
    %dot_general3A_35 = tpu.matmul %convert_element_type3A, %convert_element_type3A_33, %dot_general3A_34 {dimension_numbers = #tpu.dot_dimension_numbers<[1], [0], [0], [1], [0, 0, 1, 1], [], []>, transpose_lhs_hint = false} : vector<512x2048xbf16>, vector<2048x512xbf16>, vector<512x512xf32> -> vector<512x512xf32>
    %swap3A_36 = arith.constant 0 : index
    %swap3A_37 = arith.constant 0 : index
    %swap3A_38 = vector.load %arg8[%swap3A_36, %swap3A_37] : memref<512x512xf32, #tpu.memory_space<vmem>>, vector<512x512xf32>
    tpu.vector_store %arg8[%swap3A_36, %swap3A_37], %dot_general3A_35 {strides = array<i32>} : memref<512x512xf32, #tpu.memory_space<vmem>>, vector<512x512xf32>,
    return
  }
  func.func @transform_0(%arg0: i32) -> (i32, i32) {
    %c0_i32 = arith.constant 0 : i32
    %c0_i32_0 = arith.constant 0 : i32
    return %arg0, %c0_i32 : i32, i32
  }
  func.func @transform_1(%arg0: i32) -> (i32, i32) {
    %c0_i32 = arith.constant 0 : i32
    %c0_i32_0 = arith.constant 0 : i32
    %c0_i32_1 = arith.constant 0 : i32
    return %c0_i32, %c0_i32_0 : i32, i32
  }
  func.func @transform_2(%arg0: i32) -> (i32, i32) {
    %c0_i32 = arith.constant 0 : i32
    %c0_i32_0 = arith.constant 0 : i32
    %c0_i32_1 = arith.constant 0 : i32
    return %c0_i32, %c0_i32_0 : i32, i32
  }
  func.func @transform_3(%arg0: i32) -> (i32, i32) {
    %c0_i32 = arith.constant 0 : i32
    %c0_i32_0 = arith.constant 0 : i32
    %c0_i32_1 = arith.constant 0 : i32
    return %c0_i32, %c0_i32_0 : i32, i32
  }
  func.func @transform_4(%arg0: i32) -> (i32, i32) {
    %c0_i32 = arith.constant 0 : i32
    %c0_i32_0 = arith.constant 0 : i32
    %c0_i32_1 = arith.constant 0 : i32
    return %c0_i32, %c0_i32_0 : i32, i32
  }
  func.func @transform_5(%arg0: i32) -> (i32, i32) {
    %c0_i32 = arith.constant 0 : i32
    %c0_i32_0 = arith.constant 0 : i32
    return %arg0, %c0_i32 : i32, i32
  }
  func.func @transform_6(%arg0: i32) -> (i32, i32) {
    %c0_i32 = arith.constant 0 : i32
    %c0_i32_0 = arith.constant 0 : i32
    return %arg0, %c0_i32 : i32, i32
  }
  func.func @transform_7(%arg0: i32) -> (i32, i32) {
    %c0_i32 = arith.constant 0 : i32
    %c0_i32_0 = arith.constant 0 : i32
    return %arg0, %c0_i32 : i32, i32
  }
}

module attributes {stable_mosaic.version = 14 : i64} {
  func.func @_prep_body(%arg0: i32, %arg1: memref<2048x128xf32, #tpu.memory_space<vmem>>, %arg2: memref<1x128xf32, #tpu.memory_space<vmem>>, %arg3: memref<1x2048x128xbf16, #tpu.memory_space<vmem>>) attributes {dimension_semantics = [#tpu.dimension_semantics<arbitrary>], iteration_bounds = array<i64: 16>, scalar_prefetch = 0 : i64, scratch_operands = 0 : i64, tpu.core_type = #tpu.core_type<tc>, window_params = [{transform_indices = @transform_0, window_bounds = array<i64: 2048, 128>}, {pipeline_mode = #tpu.pipeline_mode<synchronous>, transform_indices = @transform_1, window_bounds = array<i64: 1, 128>}, {transform_indices = @transform_2, window_bounds = array<i64: 1, 2048, 128>}]} {
    %get3A = arith.constant 0 : index
    %get3A_0 = arith.constant 0 : index
    %get3A_1 = vector.load %arg1[%get3A, %get3A_0] : memref<2048x128xf32, #tpu.memory_space<vmem>>, vector<2048x128xf32>
    %get3A_2 = arith.constant 0 : index
    %get3A_3 = arith.constant 0 : index
    %get3A_4 = vector.load %arg2[%get3A_2, %get3A_3] : memref<1x128xf32, #tpu.memory_space<vmem>>, vector<1x128xf32>
    %mul3A = arith.mulf %get3A_1, %get3A_1 : vector<2048x128xf32>
    %reduce_sum3A = arith.constant dense<0.000000e+00> : vector<2048xf32>
    %reduce_sum3A_5 = vector.multi_reduction <add>, %mul3A, %reduce_sum3A [1] : vector<2048x128xf32> to vector<2048xf32>
    %broadcast_in_dim3A = vector.shape_cast %reduce_sum3A_5 : vector<2048xf32> to vector<2048x1xf32>
    %div3A = arith.constant 1.280000e+02 : f32
    %div3A_6 = vector.broadcast %div3A : f32 to vector<2048x1xf32>
    %div3A_7 = arith.divf %broadcast_in_dim3A, %div3A_6 : vector<2048x1xf32>
    %add3A = arith.constant 9.99999997E-7 : f32
    %add3A_8 = vector.broadcast %add3A : f32 to vector<2048x1xf32>
    %add3A_9 = arith.addf %div3A_7, %add3A_8 : vector<2048x1xf32>
    %rsqrt3A = math.rsqrt %add3A_9 : vector<2048x1xf32>
    %mul3A_10 = vector.broadcast %rsqrt3A : vector<2048x1xf32> to vector<2048x128xf32>
    %mul3A_11 = arith.mulf %get3A_1, %mul3A_10 : vector<2048x128xf32>
    %mul3A_12 = vector.broadcast %get3A_4 : vector<1x128xf32> to vector<2048x128xf32>
    %mul3A_13 = arith.mulf %mul3A_11, %mul3A_12 : vector<2048x128xf32>
    %iota3A = tpu.iota {dimensions = array<i32: 0>} : vector<2048x1xi32>
    %convert_element_type3A = arith.sitofp %iota3A : vector<2048x1xi32> to vector<2048x1xf32>
    %iota3A_14 = tpu.iota {dimensions = array<i32: 1>} : vector<1x64xi32>
    %convert_element_type3A_15 = arith.sitofp %iota3A_14 : vector<1x64xi32> to vector<1x64xf32>
    %mul3A_16 = arith.constant -0.14391157 : f32
    %mul3A_17 = vector.broadcast %mul3A_16 : f32 to vector<1x64xf32>
    %mul3A_18 = arith.mulf %convert_element_type3A_15, %mul3A_17 : vector<1x64xf32>
    %exp3A = math.exp %mul3A_18 : vector<1x64xf32>
    %mul3A_19 = vector.broadcast %convert_element_type3A : vector<2048x1xf32> to vector<2048x64xf32>
    %mul3A_20 = vector.broadcast %exp3A : vector<1x64xf32> to vector<2048x64xf32>
    %mul3A_21 = arith.mulf %mul3A_19, %mul3A_20 : vector<2048x64xf32>
    %cos3A = math.cos %mul3A_21 : vector<2048x64xf32>
    %sin3A = math.sin %mul3A_21 : vector<2048x64xf32>
    %slice3A = vector.extract_strided_slice %mul3A_13 {offsets = [0, 0], sizes = [2048, 64], strides = [1, 1]} : vector<2048x128xf32> to vector<2048x64xf32>
    %slice3A_22 = vector.extract_strided_slice %mul3A_13 {offsets = [0, 64], sizes = [2048, 64], strides = [1, 1]} : vector<2048x128xf32> to vector<2048x64xf32>
    %mul3A_23 = arith.mulf %slice3A, %cos3A : vector<2048x64xf32>
    %mul3A_24 = arith.mulf %slice3A_22, %sin3A : vector<2048x64xf32>
    %sub3A = arith.subf %mul3A_23, %mul3A_24 : vector<2048x64xf32>
    %mul3A_25 = arith.mulf %slice3A_22, %cos3A : vector<2048x64xf32>
    %mul3A_26 = arith.mulf %slice3A, %sin3A : vector<2048x64xf32>
    %add3A_27 = arith.addf %mul3A_25, %mul3A_26 : vector<2048x64xf32>
    %concatenate3A = tpu.concatenate %sub3A, %add3A_27 in 1 : vector<2048x64xf32>, vector<2048x64xf32> -> vector<2048x128xf32>
    %convert_element_type3A_28 = arith.truncf %concatenate3A : vector<2048x128xf32> to vector<2048x128xbf16>
    %swap3A = arith.constant 0 : index
    %swap3A_29 = arith.constant 0 : index
    %swap3A_30 = arith.constant 0 : index
    %swap3A_31 = vector.load %arg3[%swap3A, %swap3A_29, %swap3A_30] : memref<1x2048x128xbf16, #tpu.memory_space<vmem>>, vector<1x2048x128xbf16>
    %swap3A_32 = vector.shape_cast %swap3A_31 : vector<1x2048x128xbf16> to vector<2048x128xbf16>
    %swap3A_33 = vector.shape_cast %convert_element_type3A_28 : vector<2048x128xbf16> to vector<1x2048x128xbf16>
    tpu.vector_store %arg3[%swap3A, %swap3A_29, %swap3A_30], %swap3A_33 {strides = array<i32>} : memref<1x2048x128xbf16, #tpu.memory_space<vmem>>, vector<1x2048x128xbf16>,
    return
  }
  func.func @transform_0(%arg0: i32) -> (i32, i32) {
    %c0_i32 = arith.constant 0 : i32
    %c0_i32_0 = arith.constant 0 : i32
    return %c0_i32, %arg0 : i32, i32
  }
  func.func @transform_1(%arg0: i32) -> (i32, i32) {
    %c0_i32 = arith.constant 0 : i32
    %c0_i32_0 = arith.constant 0 : i32
    %c0_i32_1 = arith.constant 0 : i32
    return %c0_i32, %c0_i32_0 : i32, i32
  }
  func.func @transform_2(%arg0: i32) -> (i32, i32, i32) {
    %c0_i32 = arith.constant 0 : i32
    %c0_i32_0 = arith.constant 0 : i32
    %c0_i32_1 = arith.constant 0 : i32
    return %arg0, %c0_i32, %c0_i32_0 : i32, i32, i32
  }
}

module attributes {stable_mosaic.version = 14 : i64} {
  func.func @_prep_body(%arg0: i32, %arg1: memref<2048x128xf32, #tpu.memory_space<vmem>>, %arg2: memref<1x128xf32, #tpu.memory_space<vmem>>, %arg3: memref<1x2048x128xbf16, #tpu.memory_space<vmem>>) attributes {dimension_semantics = [#tpu.dimension_semantics<arbitrary>], iteration_bounds = array<i64: 4>, scalar_prefetch = 0 : i64, scratch_operands = 0 : i64, tpu.core_type = #tpu.core_type<tc>, window_params = [{transform_indices = @transform_0, window_bounds = array<i64: 2048, 128>}, {pipeline_mode = #tpu.pipeline_mode<synchronous>, transform_indices = @transform_1, window_bounds = array<i64: 1, 128>}, {transform_indices = @transform_2, window_bounds = array<i64: 1, 2048, 128>}]} {
    %get3A = arith.constant 0 : index
    %get3A_0 = arith.constant 0 : index
    %get3A_1 = vector.load %arg1[%get3A, %get3A_0] : memref<2048x128xf32, #tpu.memory_space<vmem>>, vector<2048x128xf32>
    %get3A_2 = arith.constant 0 : index
    %get3A_3 = arith.constant 0 : index
    %get3A_4 = vector.load %arg2[%get3A_2, %get3A_3] : memref<1x128xf32, #tpu.memory_space<vmem>>, vector<1x128xf32>
    %mul3A = arith.mulf %get3A_1, %get3A_1 : vector<2048x128xf32>
    %reduce_sum3A = arith.constant dense<0.000000e+00> : vector<2048xf32>
    %reduce_sum3A_5 = vector.multi_reduction <add>, %mul3A, %reduce_sum3A [1] : vector<2048x128xf32> to vector<2048xf32>
    %broadcast_in_dim3A = vector.shape_cast %reduce_sum3A_5 : vector<2048xf32> to vector<2048x1xf32>
    %div3A = arith.constant 1.280000e+02 : f32
    %div3A_6 = vector.broadcast %div3A : f32 to vector<2048x1xf32>
    %div3A_7 = arith.divf %broadcast_in_dim3A, %div3A_6 : vector<2048x1xf32>
    %add3A = arith.constant 9.99999997E-7 : f32
    %add3A_8 = vector.broadcast %add3A : f32 to vector<2048x1xf32>
    %add3A_9 = arith.addf %div3A_7, %add3A_8 : vector<2048x1xf32>
    %rsqrt3A = math.rsqrt %add3A_9 : vector<2048x1xf32>
    %mul3A_10 = vector.broadcast %rsqrt3A : vector<2048x1xf32> to vector<2048x128xf32>
    %mul3A_11 = arith.mulf %get3A_1, %mul3A_10 : vector<2048x128xf32>
    %mul3A_12 = vector.broadcast %get3A_4 : vector<1x128xf32> to vector<2048x128xf32>
    %mul3A_13 = arith.mulf %mul3A_11, %mul3A_12 : vector<2048x128xf32>
    %iota3A = tpu.iota {dimensions = array<i32: 0>} : vector<2048x1xi32>
    %convert_element_type3A = arith.sitofp %iota3A : vector<2048x1xi32> to vector<2048x1xf32>
    %iota3A_14 = tpu.iota {dimensions = array<i32: 1>} : vector<1x64xi32>
    %convert_element_type3A_15 = arith.sitofp %iota3A_14 : vector<1x64xi32> to vector<1x64xf32>
    %mul3A_16 = arith.constant -0.14391157 : f32
    %mul3A_17 = vector.broadcast %mul3A_16 : f32 to vector<1x64xf32>
    %mul3A_18 = arith.mulf %convert_element_type3A_15, %mul3A_17 : vector<1x64xf32>
    %exp3A = math.exp %mul3A_18 : vector<1x64xf32>
    %mul3A_19 = vector.broadcast %convert_element_type3A : vector<2048x1xf32> to vector<2048x64xf32>
    %mul3A_20 = vector.broadcast %exp3A : vector<1x64xf32> to vector<2048x64xf32>
    %mul3A_21 = arith.mulf %mul3A_19, %mul3A_20 : vector<2048x64xf32>
    %cos3A = math.cos %mul3A_21 : vector<2048x64xf32>
    %sin3A = math.sin %mul3A_21 : vector<2048x64xf32>
    %slice3A = vector.extract_strided_slice %mul3A_13 {offsets = [0, 0], sizes = [2048, 64], strides = [1, 1]} : vector<2048x128xf32> to vector<2048x64xf32>
    %slice3A_22 = vector.extract_strided_slice %mul3A_13 {offsets = [0, 64], sizes = [2048, 64], strides = [1, 1]} : vector<2048x128xf32> to vector<2048x64xf32>
    %mul3A_23 = arith.mulf %slice3A, %cos3A : vector<2048x64xf32>
    %mul3A_24 = arith.mulf %slice3A_22, %sin3A : vector<2048x64xf32>
    %sub3A = arith.subf %mul3A_23, %mul3A_24 : vector<2048x64xf32>
    %mul3A_25 = arith.mulf %slice3A_22, %cos3A : vector<2048x64xf32>
    %mul3A_26 = arith.mulf %slice3A, %sin3A : vector<2048x64xf32>
    %add3A_27 = arith.addf %mul3A_25, %mul3A_26 : vector<2048x64xf32>
    %concatenate3A = tpu.concatenate %sub3A, %add3A_27 in 1 : vector<2048x64xf32>, vector<2048x64xf32> -> vector<2048x128xf32>
    %convert_element_type3A_28 = arith.truncf %concatenate3A : vector<2048x128xf32> to vector<2048x128xbf16>
    %swap3A = arith.constant 0 : index
    %swap3A_29 = arith.constant 0 : index
    %swap3A_30 = arith.constant 0 : index
    %swap3A_31 = vector.load %arg3[%swap3A, %swap3A_29, %swap3A_30] : memref<1x2048x128xbf16, #tpu.memory_space<vmem>>, vector<1x2048x128xbf16>
    %swap3A_32 = vector.shape_cast %swap3A_31 : vector<1x2048x128xbf16> to vector<2048x128xbf16>
    %swap3A_33 = vector.shape_cast %convert_element_type3A_28 : vector<2048x128xbf16> to vector<1x2048x128xbf16>
    tpu.vector_store %arg3[%swap3A, %swap3A_29, %swap3A_30], %swap3A_33 {strides = array<i32>} : memref<1x2048x128xbf16, #tpu.memory_space<vmem>>, vector<1x2048x128xbf16>,
    return
  }
  func.func @transform_0(%arg0: i32) -> (i32, i32) {
    %c0_i32 = arith.constant 0 : i32
    %c0_i32_0 = arith.constant 0 : i32
    return %c0_i32, %arg0 : i32, i32
  }
  func.func @transform_1(%arg0: i32) -> (i32, i32) {
    %c0_i32 = arith.constant 0 : i32
    %c0_i32_0 = arith.constant 0 : i32
    %c0_i32_1 = arith.constant 0 : i32
    return %c0_i32, %c0_i32_0 : i32, i32
  }
  func.func @transform_2(%arg0: i32) -> (i32, i32, i32) {
    %c0_i32 = arith.constant 0 : i32
    %c0_i32_0 = arith.constant 0 : i32
    %c0_i32_1 = arith.constant 0 : i32
    return %arg0, %c0_i32, %c0_i32_0 : i32, i32, i32
  }
}

module attributes {stable_mosaic.version = 14 : i64} {
  func.func @_attn_body(%arg0: i32, %arg1: i32, %arg2: memref<1x512x128xbf16, #tpu.memory_space<vmem>>, %arg3: memref<1x2048x128xbf16, #tpu.memory_space<vmem>>, %arg4: memref<1x2048x128xbf16, #tpu.memory_space<vmem>>, %arg5: memref<1x512x128xbf16, #tpu.memory_space<vmem>>) attributes {dimension_semantics = [#tpu.dimension_semantics<arbitrary>, #tpu.dimension_semantics<arbitrary>], iteration_bounds = array<i64: 16, 4>, scalar_prefetch = 0 : i64, scratch_operands = 0 : i64, tpu.core_type = #tpu.core_type<tc>, window_params = [{transform_indices = @transform_0, window_bounds = array<i64: 1, 512, 128>}, {transform_indices = @transform_1, window_bounds = array<i64: 1, 2048, 128>}, {transform_indices = @transform_2, window_bounds = array<i64: 1, 2048, 128>}, {transform_indices = @transform_3, window_bounds = array<i64: 1, 512, 128>}]} {
    %get3A = arith.constant 0 : index
    %get3A_0 = arith.constant 0 : index
    %get3A_1 = arith.constant 0 : index
    %get3A_2 = vector.load %arg2[%get3A, %get3A_0, %get3A_1] : memref<1x512x128xbf16, #tpu.memory_space<vmem>>, vector<1x512x128xbf16>
    %get3A_3 = vector.shape_cast %get3A_2 : vector<1x512x128xbf16> to vector<512x128xbf16>
    %broadcast_in_dim3A = arith.constant -1.000000e+30 : f32
    %broadcast_in_dim3A_4 = vector.broadcast %broadcast_in_dim3A : f32 to vector<512x1xf32>
    %broadcast_in_dim3A_5 = arith.constant 0.000000e+00 : f32
    %broadcast_in_dim3A_6 = vector.broadcast %broadcast_in_dim3A_5 : f32 to vector<512x1xf32>
    %broadcast_in_dim3A_7 = arith.constant 0.000000e+00 : f32
    %broadcast_in_dim3A_8 = vector.broadcast %broadcast_in_dim3A_7 : f32 to vector<512x128xf32>
    %while3A = arith.constant 0 : i32
    %while3A_9 = arith.subi %arg1, %while3A : i32
    %while3A_10 = arith.addi %while3A, %while3A_9 : i32
    %while3A_11 = arith.constant 1 : i32
    %while3A_12 = arith.divsi %while3A_9, %while3A_11 : i32
    %while3A_13 = arith.muli %while3A_12, %while3A_11 : i32
    %while3A_14 = arith.addi %while3A, %while3A_13 : i32
    %while3A_15 = arith.constant 1 : i32
    %while3A_16:3 = scf.for %while3A_58 = %while3A to %while3A_14 step %while3A_15 iter_args(%while3A_59 = %broadcast_in_dim3A_4, %while3A_60 = %broadcast_in_dim3A_6, %while3A_61 = %broadcast_in_dim3A_8) -> (vector<512x1xf32>, vector<512x1xf32>, vector<512x128xf32>)  : i32 {
      %mul3A_62 = arith.constant 512 : i32
      %mul3A_63 = arith.muli %while3A_58, %mul3A_62 : i32
      %get3A_64 = arith.constant 0 : index
      %get3A_65 = arith.index_cast %mul3A_63 : i32 to index
      %get3A_66 = arith.constant 0 : index
      %get3A_67 = vector.load %arg3[%get3A_64, %get3A_65, %get3A_66] : memref<1x2048x128xbf16, #tpu.memory_space<vmem>>, vector<1x512x128xbf16>
      %get3A_68 = vector.shape_cast %get3A_67 : vector<1x512x128xbf16> to vector<512x128xbf16>
      %dot_general3A_69 = arith.constant dense<0.000000e+00> : vector<512x512xf32>
      %dot_general3A_70 = tpu.matmul %get3A_3, %get3A_68, %dot_general3A_69 {dimension_numbers = #tpu.dot_dimension_numbers<[1], [1], [0], [0], [0, 0, 1, 0], [], []>, transpose_lhs_hint = false} : vector<512x128xbf16>, vector<512x128xbf16>, vector<512x512xf32> -> vector<512x512xf32>
      %mul3A_71 = arith.constant 0.0883883461 : f32
      %mul3A_72 = vector.broadcast %mul3A_71 : f32 to vector<512x512xf32>
      %mul3A_73 = arith.mulf %dot_general3A_70, %mul3A_72 : vector<512x512xf32>
      %reduce_max3A_74 = arith.constant dense<0xFF800000> : vector<512xf32>
      %reduce_max3A_75 = vector.multi_reduction <maximumf>, %mul3A_73, %reduce_max3A_74 [1] : vector<512x512xf32> to vector<512xf32>
      %broadcast_in_dim3A_76 = vector.shape_cast %reduce_max3A_75 : vector<512xf32> to vector<512x1xf32>
      %max3A_77 = arith.maximumf %while3A_59, %broadcast_in_dim3A_76 : vector<512x1xf32>
      %sub3A_78 = vector.broadcast %max3A_77 : vector<512x1xf32> to vector<512x512xf32>
      %sub3A_79 = arith.subf %mul3A_73, %sub3A_78 : vector<512x512xf32>
      %exp3A_80 = math.exp %sub3A_79 : vector<512x512xf32>
      %sub3A_81 = arith.subf %while3A_59, %max3A_77 : vector<512x1xf32>
      %exp3A_82 = math.exp %sub3A_81 : vector<512x1xf32>
      %mul3A_83 = arith.constant 512 : i32
      %mul3A_84 = arith.muli %while3A_58, %mul3A_83 : i32
      %get3A_85 = arith.constant 0 : index
      %get3A_86 = arith.index_cast %mul3A_84 : i32 to index
      %get3A_87 = arith.constant 0 : index
      %get3A_88 = vector.load %arg4[%get3A_85, %get3A_86, %get3A_87] : memref<1x2048x128xbf16, #tpu.memory_space<vmem>>, vector<1x512x128xbf16>
      %get3A_89 = vector.shape_cast %get3A_88 : vector<1x512x128xbf16> to vector<512x128xbf16>
      %mul3A_90 = vector.broadcast %exp3A_82 : vector<512x1xf32> to vector<512x128xf32>
      %mul3A_91 = arith.mulf %while3A_61, %mul3A_90 : vector<512x128xf32>
      %convert_element_type3A_92 = arith.truncf %exp3A_80 : vector<512x512xf32> to vector<512x512xbf16>
      %dot_general3A_93 = arith.constant dense<0.000000e+00> : vector<512x128xf32>
      %dot_general3A_94 = tpu.matmul %convert_element_type3A_92, %get3A_89, %dot_general3A_93 {dimension_numbers = #tpu.dot_dimension_numbers<[1], [0], [0], [1], [0, 0, 1, 1], [], []>, transpose_lhs_hint = false} : vector<512x512xbf16>, vector<512x128xbf16>, vector<512x128xf32> -> vector<512x128xf32>
      %add3A_95 = arith.addf %mul3A_91, %dot_general3A_94 : vector<512x128xf32>
      %mul3A_96 = arith.mulf %while3A_60, %exp3A_82 : vector<512x1xf32>
      %reduce_sum3A_97 = arith.constant dense<0.000000e+00> : vector<512xf32>
      %reduce_sum3A_98 = vector.multi_reduction <add>, %exp3A_80, %reduce_sum3A_97 [1] : vector<512x512xf32> to vector<512xf32>
      %broadcast_in_dim3A_99 = vector.shape_cast %reduce_sum3A_98 : vector<512xf32> to vector<512x1xf32>
      %add3A_100 = arith.addf %mul3A_96, %broadcast_in_dim3A_99 : vector<512x1xf32>
      scf.yield %max3A_77, %add3A_100, %add3A_95 : vector<512x1xf32>, vector<512x1xf32>, vector<512x128xf32>
    }
    %while3A_17 = arith.constant 1 : i32
    %while3A_18:3 = scf.for %while3A_58 = %while3A_14 to %while3A_10 step %while3A_17 iter_args(%while3A_59 = %while3A_16#0, %while3A_60 = %while3A_16#1, %while3A_61 = %while3A_16#2) -> (vector<512x1xf32>, vector<512x1xf32>, vector<512x128xf32>)  : i32 {
      %mul3A_62 = arith.constant 512 : i32
      %mul3A_63 = arith.muli %while3A_58, %mul3A_62 : i32
      %get3A_64 = arith.constant 0 : index
      %get3A_65 = arith.index_cast %mul3A_63 : i32 to index
      %get3A_66 = arith.constant 0 : index
      %get3A_67 = vector.load %arg3[%get3A_64, %get3A_65, %get3A_66] : memref<1x2048x128xbf16, #tpu.memory_space<vmem>>, vector<1x512x128xbf16>
      %get3A_68 = vector.shape_cast %get3A_67 : vector<1x512x128xbf16> to vector<512x128xbf16>
      %dot_general3A_69 = arith.constant dense<0.000000e+00> : vector<512x512xf32>
      %dot_general3A_70 = tpu.matmul %get3A_3, %get3A_68, %dot_general3A_69 {dimension_numbers = #tpu.dot_dimension_numbers<[1], [1], [0], [0], [0, 0, 1, 0], [], []>, transpose_lhs_hint = false} : vector<512x128xbf16>, vector<512x128xbf16>, vector<512x512xf32> -> vector<512x512xf32>
      %mul3A_71 = arith.constant 0.0883883461 : f32
      %mul3A_72 = vector.broadcast %mul3A_71 : f32 to vector<512x512xf32>
      %mul3A_73 = arith.mulf %dot_general3A_70, %mul3A_72 : vector<512x512xf32>
      %reduce_max3A_74 = arith.constant dense<0xFF800000> : vector<512xf32>
      %reduce_max3A_75 = vector.multi_reduction <maximumf>, %mul3A_73, %reduce_max3A_74 [1] : vector<512x512xf32> to vector<512xf32>
      %broadcast_in_dim3A_76 = vector.shape_cast %reduce_max3A_75 : vector<512xf32> to vector<512x1xf32>
      %max3A_77 = arith.maximumf %while3A_59, %broadcast_in_dim3A_76 : vector<512x1xf32>
      %sub3A_78 = vector.broadcast %max3A_77 : vector<512x1xf32> to vector<512x512xf32>
      %sub3A_79 = arith.subf %mul3A_73, %sub3A_78 : vector<512x512xf32>
      %exp3A_80 = math.exp %sub3A_79 : vector<512x512xf32>
      %sub3A_81 = arith.subf %while3A_59, %max3A_77 : vector<512x1xf32>
      %exp3A_82 = math.exp %sub3A_81 : vector<512x1xf32>
      %mul3A_83 = arith.constant 512 : i32
      %mul3A_84 = arith.muli %while3A_58, %mul3A_83 : i32
      %get3A_85 = arith.constant 0 : index
      %get3A_86 = arith.index_cast %mul3A_84 : i32 to index
      %get3A_87 = arith.constant 0 : index
      %get3A_88 = vector.load %arg4[%get3A_85, %get3A_86, %get3A_87] : memref<1x2048x128xbf16, #tpu.memory_space<vmem>>, vector<1x512x128xbf16>
      %get3A_89 = vector.shape_cast %get3A_88 : vector<1x512x128xbf16> to vector<512x128xbf16>
      %mul3A_90 = vector.broadcast %exp3A_82 : vector<512x1xf32> to vector<512x128xf32>
      %mul3A_91 = arith.mulf %while3A_61, %mul3A_90 : vector<512x128xf32>
      %convert_element_type3A_92 = arith.truncf %exp3A_80 : vector<512x512xf32> to vector<512x512xbf16>
      %dot_general3A_93 = arith.constant dense<0.000000e+00> : vector<512x128xf32>
      %dot_general3A_94 = tpu.matmul %convert_element_type3A_92, %get3A_89, %dot_general3A_93 {dimension_numbers = #tpu.dot_dimension_numbers<[1], [0], [0], [1], [0, 0, 1, 1], [], []>, transpose_lhs_hint = false} : vector<512x512xbf16>, vector<512x128xbf16>, vector<512x128xf32> -> vector<512x128xf32>
      %add3A_95 = arith.addf %mul3A_91, %dot_general3A_94 : vector<512x128xf32>
      %mul3A_96 = arith.mulf %while3A_60, %exp3A_82 : vector<512x1xf32>
      %reduce_sum3A_97 = arith.constant dense<0.000000e+00> : vector<512xf32>
      %reduce_sum3A_98 = vector.multi_reduction <add>, %exp3A_80, %reduce_sum3A_97 [1] : vector<512x512xf32> to vector<512xf32>
      %broadcast_in_dim3A_99 = vector.shape_cast %reduce_sum3A_98 : vector<512xf32> to vector<512x1xf32>
      %add3A_100 = arith.addf %mul3A_96, %broadcast_in_dim3A_99 : vector<512x1xf32>
      scf.yield %max3A_77, %add3A_100, %add3A_95 : vector<512x1xf32>, vector<512x1xf32>, vector<512x128xf32>
    }
    %mul3A = arith.constant 512 : i32
    %mul3A_19 = arith.muli %arg1, %mul3A : i32
    %get3A_20 = arith.constant 0 : index
    %get3A_21 = arith.index_cast %mul3A_19 : i32 to index
    %get3A_22 = arith.constant 0 : index
    %get3A_23 = vector.load %arg3[%get3A_20, %get3A_21, %get3A_22] : memref<1x2048x128xbf16, #tpu.memory_space<vmem>>, vector<1x512x128xbf16>
    %get3A_24 = vector.shape_cast %get3A_23 : vector<1x512x128xbf16> to vector<512x128xbf16>
    %dot_general3A = arith.constant dense<0.000000e+00> : vector<512x512xf32>
    %dot_general3A_25 = tpu.matmul %get3A_3, %get3A_24, %dot_general3A {dimension_numbers = #tpu.dot_dimension_numbers<[1], [1], [0], [0], [0, 0, 1, 0], [], []>, transpose_lhs_hint = false} : vector<512x128xbf16>, vector<512x128xbf16>, vector<512x512xf32> -> vector<512x512xf32>
    %mul3A_26 = arith.constant 0.0883883461 : f32
    %mul3A_27 = vector.broadcast %mul3A_26 : f32 to vector<512x512xf32>
    %mul3A_28 = arith.mulf %dot_general3A_25, %mul3A_27 : vector<512x512xf32>
    %iota3A = tpu.iota {dimensions = array<i32: 0>} : vector<512x512xi32>
    %iota3A_29 = tpu.iota {dimensions = array<i32: 1>} : vector<512x512xi32>
    %ge3A = arith.cmpi sge, %iota3A, %iota3A_29 : vector<512x512xi32>
    %jit3A = arith.constant -1.000000e+30 : f32
    %broadcast_in_dim3A_30 = vector.broadcast %jit3A : f32 to vector<512x512xf32>
    %select_n3A = arith.select %ge3A, %mul3A_28, %broadcast_in_dim3A_30 : vector<512x512xi1>, vector<512x512xf32>
    %reduce_max3A = arith.constant dense<0xFF800000> : vector<512xf32>
    %reduce_max3A_31 = vector.multi_reduction <maximumf>, %select_n3A, %reduce_max3A [1] : vector<512x512xf32> to vector<512xf32>
    %broadcast_in_dim3A_32 = vector.shape_cast %reduce_max3A_31 : vector<512xf32> to vector<512x1xf32>
    %max3A = arith.maximumf %while3A_18#0, %broadcast_in_dim3A_32 : vector<512x1xf32>
    %sub3A = vector.broadcast %max3A : vector<512x1xf32> to vector<512x512xf32>
    %sub3A_33 = arith.subf %select_n3A, %sub3A : vector<512x512xf32>
    %exp3A = math.exp %sub3A_33 : vector<512x512xf32>
    %sub3A_34 = arith.subf %while3A_18#0, %max3A : vector<512x1xf32>
    %exp3A_35 = math.exp %sub3A_34 : vector<512x1xf32>
    %mul3A_36 = arith.constant 512 : i32
    %mul3A_37 = arith.muli %arg1, %mul3A_36 : i32
    %get3A_38 = arith.constant 0 : index
    %get3A_39 = arith.index_cast %mul3A_37 : i32 to index
    %get3A_40 = arith.constant 0 : index
    %get3A_41 = vector.load %arg4[%get3A_38, %get3A_39, %get3A_40] : memref<1x2048x128xbf16, #tpu.memory_space<vmem>>, vector<1x512x128xbf16>
    %get3A_42 = vector.shape_cast %get3A_41 : vector<1x512x128xbf16> to vector<512x128xbf16>
    %mul3A_43 = vector.broadcast %exp3A_35 : vector<512x1xf32> to vector<512x128xf32>
    %mul3A_44 = arith.mulf %while3A_18#2, %mul3A_43 : vector<512x128xf32>
    %convert_element_type3A = arith.truncf %exp3A : vector<512x512xf32> to vector<512x512xbf16>
    %dot_general3A_45 = arith.constant dense<0.000000e+00> : vector<512x128xf32>
    %dot_general3A_46 = tpu.matmul %convert_element_type3A, %get3A_42, %dot_general3A_45 {dimension_numbers = #tpu.dot_dimension_numbers<[1], [0], [0], [1], [0, 0, 1, 1], [], []>, transpose_lhs_hint = false} : vector<512x512xbf16>, vector<512x128xbf16>, vector<512x128xf32> -> vector<512x128xf32>
    %add3A = arith.addf %mul3A_44, %dot_general3A_46 : vector<512x128xf32>
    %mul3A_47 = arith.mulf %while3A_18#1, %exp3A_35 : vector<512x1xf32>
    %reduce_sum3A = arith.constant dense<0.000000e+00> : vector<512xf32>
    %reduce_sum3A_48 = vector.multi_reduction <add>, %exp3A, %reduce_sum3A [1] : vector<512x512xf32> to vector<512xf32>
    %broadcast_in_dim3A_49 = vector.shape_cast %reduce_sum3A_48 : vector<512xf32> to vector<512x1xf32>
    %add3A_50 = arith.addf %mul3A_47, %broadcast_in_dim3A_49 : vector<512x1xf32>
    %div3A = vector.broadcast %add3A_50 : vector<512x1xf32> to vector<512x128xf32>
    %div3A_51 = arith.divf %add3A, %div3A : vector<512x128xf32>
    %convert_element_type3A_52 = arith.truncf %div3A_51 : vector<512x128xf32> to vector<512x128xbf16>
    %swap3A = arith.constant 0 : index
    %swap3A_53 = arith.constant 0 : index
    %swap3A_54 = arith.constant 0 : index
    %swap3A_55 = vector.load %arg5[%swap3A, %swap3A_53, %swap3A_54] : memref<1x512x128xbf16, #tpu.memory_space<vmem>>, vector<1x512x128xbf16>
    %swap3A_56 = vector.shape_cast %swap3A_55 : vector<1x512x128xbf16> to vector<512x128xbf16>
    %swap3A_57 = vector.shape_cast %convert_element_type3A_52 : vector<512x128xbf16> to vector<1x512x128xbf16>
    tpu.vector_store %arg5[%swap3A, %swap3A_53, %swap3A_54], %swap3A_57 {strides = array<i32>} : memref<1x512x128xbf16, #tpu.memory_space<vmem>>, vector<1x512x128xbf16>,
    return
  }
  func.func @transform_0(%arg0: i32, %arg1: i32) -> (i32, i32, i32) {
    %c0_i32 = arith.constant 0 : i32
    %c0_i32_0 = arith.constant 0 : i32
    return %arg0, %arg1, %c0_i32 : i32, i32, i32
  }
  func.func @transform_1(%arg0: i32, %arg1: i32) -> (i32, i32, i32) {
    %jit3A = arith.constant 4 : i32
    %div3A = arith.divsi %arg0, %jit3A : i32
    %sign3A = arith.constant 0 : i32
    %sign3A_0 = arith.cmpi sgt, %arg0, %sign3A : i32
    %sign3A_1 = arith.extui %sign3A_0 : i1 to i32
    %sign3A_2 = arith.constant 0 : i32
    %sign3A_3 = arith.cmpi slt, %arg0, %sign3A_2 : i32
    %sign3A_4 = arith.extui %sign3A_3 : i1 to i32
    %sign3A_5 = arith.subi %sign3A_1, %sign3A_4 : i32
    %sign3A_6 = arith.constant 0 : i32
    %sign3A_7 = arith.cmpi sgt, %jit3A, %sign3A_6 : i32
    %sign3A_8 = arith.extui %sign3A_7 : i1 to i32
    %sign3A_9 = arith.constant 0 : i32
    %sign3A_10 = arith.cmpi slt, %jit3A, %sign3A_9 : i32
    %sign3A_11 = arith.extui %sign3A_10 : i1 to i32
    %sign3A_12 = arith.subi %sign3A_8, %sign3A_11 : i32
    %ne3A = arith.cmpi ne, %sign3A_5, %sign3A_12 : i32
    %rem3A = arith.remsi %arg0, %jit3A : i32
    %ne3A_13 = arith.constant 0 : i32
    %ne3A_14 = arith.cmpi ne, %rem3A, %ne3A_13 : i32
    %and3A = arith.andi %ne3A, %ne3A_14 : i1
    %sub3A = arith.constant 1 : i32
    %sub3A_15 = arith.subi %div3A, %sub3A : i32
    %select_n3A = arith.select %and3A, %sub3A_15, %div3A : i32
    %c0_i32 = arith.constant 0 : i32
    %c0_i32_16 = arith.constant 0 : i32
    %c0_i32_17 = arith.constant 0 : i32
    return %select_n3A, %c0_i32, %c0_i32_16 : i32, i32, i32
  }
  func.func @transform_2(%arg0: i32, %arg1: i32) -> (i32, i32, i32) {
    %jit3A = arith.constant 4 : i32
    %div3A = arith.divsi %arg0, %jit3A : i32
    %sign3A = arith.constant 0 : i32
    %sign3A_0 = arith.cmpi sgt, %arg0, %sign3A : i32
    %sign3A_1 = arith.extui %sign3A_0 : i1 to i32
    %sign3A_2 = arith.constant 0 : i32
    %sign3A_3 = arith.cmpi slt, %arg0, %sign3A_2 : i32
    %sign3A_4 = arith.extui %sign3A_3 : i1 to i32
    %sign3A_5 = arith.subi %sign3A_1, %sign3A_4 : i32
    %sign3A_6 = arith.constant 0 : i32
    %sign3A_7 = arith.cmpi sgt, %jit3A, %sign3A_6 : i32
    %sign3A_8 = arith.extui %sign3A_7 : i1 to i32
    %sign3A_9 = arith.constant 0 : i32
    %sign3A_10 = arith.cmpi slt, %jit3A, %sign3A_9 : i32
    %sign3A_11 = arith.extui %sign3A_10 : i1 to i32
    %sign3A_12 = arith.subi %sign3A_8, %sign3A_11 : i32
    %ne3A = arith.cmpi ne, %sign3A_5, %sign3A_12 : i32
    %rem3A = arith.remsi %arg0, %jit3A : i32
    %ne3A_13 = arith.constant 0 : i32
    %ne3A_14 = arith.cmpi ne, %rem3A, %ne3A_13 : i32
    %and3A = arith.andi %ne3A, %ne3A_14 : i1
    %sub3A = arith.constant 1 : i32
    %sub3A_15 = arith.subi %div3A, %sub3A : i32
    %select_n3A = arith.select %and3A, %sub3A_15, %div3A : i32
    %c0_i32 = arith.constant 0 : i32
    %c0_i32_16 = arith.constant 0 : i32
    %c0_i32_17 = arith.constant 0 : i32
    return %select_n3A, %c0_i32, %c0_i32_16 : i32, i32, i32
  }
  func.func @transform_3(%arg0: i32, %arg1: i32) -> (i32, i32, i32) {
    %c0_i32 = arith.constant 0 : i32
    %c0_i32_0 = arith.constant 0 : i32
    return %arg0, %arg1, %c0_i32 : i32, i32, i32
  }
}

module attributes {stable_mosaic.version = 14 : i64} {
  func.func @_router_body(%arg0: i32, %arg1: memref<512x2048xbf16, #tpu.memory_space<vmem>>, %arg2: memref<2048x2048xf32, #tpu.memory_space<vmem>>, %arg3: memref<512x2048xf32, #tpu.memory_space<vmem>>, %arg4: memref<1x2048xf32, #tpu.memory_space<vmem>>, %arg5: memref<2048x8xf32, #tpu.memory_space<vmem>>, %arg6: memref<512x2048xf32, #tpu.memory_space<vmem>>, %arg7: memref<512x2048xf32, #tpu.memory_space<vmem>>, %arg8: memref<512x1xf32, #tpu.memory_space<vmem>>, %arg9: memref<512x1xf32, #tpu.memory_space<vmem>>, %arg10: memref<512x1xi32, #tpu.memory_space<vmem>>, %arg11: memref<512x1xi32, #tpu.memory_space<vmem>>) attributes {dimension_semantics = [#tpu.dimension_semantics<arbitrary>], iteration_bounds = array<i64: 4>, scalar_prefetch = 0 : i64, scratch_operands = 0 : i64, tpu.core_type = #tpu.core_type<tc>, window_params = [{transform_indices = @transform_0, window_bounds = array<i64: 512, 2048>}, {pipeline_mode = #tpu.pipeline_mode<synchronous>, transform_indices = @transform_1, window_bounds = array<i64: 2048, 2048>}, {transform_indices = @transform_2, window_bounds = array<i64: 512, 2048>}, {pipeline_mode = #tpu.pipeline_mode<synchronous>, transform_indices = @transform_3, window_bounds = array<i64: 1, 2048>}, {pipeline_mode = #tpu.pipeline_mode<synchronous>, transform_indices = @transform_4, window_bounds = array<i64: 2048, 8>}, {transform_indices = @transform_5, window_bounds = array<i64: 512, 2048>}, {transform_indices = @transform_6, window_bounds = array<i64: 512, 2048>}, {transform_indices = @transform_7, window_bounds = array<i64: 512, 1>}, {transform_indices = @transform_8, window_bounds = array<i64: 512, 1>}, {transform_indices = @transform_9, window_bounds = array<i64: 512, 1>}, {transform_indices = @transform_10, window_bounds = array<i64: 512, 1>}]} {
    %get3A = arith.constant 0 : index
    %get3A_0 = arith.constant 0 : index
    %get3A_1 = vector.load %arg3[%get3A, %get3A_0] : memref<512x2048xf32, #tpu.memory_space<vmem>>, vector<512x2048xf32>
    %get3A_2 = arith.constant 0 : index
    %get3A_3 = arith.constant 0 : index
    %get3A_4 = vector.load %arg1[%get3A_2, %get3A_3] : memref<512x2048xbf16, #tpu.memory_space<vmem>>, vector<512x2048xbf16>
    %get3A_5 = arith.constant 0 : index
    %get3A_6 = arith.constant 0 : index
    %get3A_7 = vector.load %arg2[%get3A_5, %get3A_6] : memref<2048x2048xf32, #tpu.memory_space<vmem>>, vector<2048x2048xf32>
    %convert_element_type3A = arith.truncf %get3A_7 : vector<2048x2048xf32> to vector<2048x2048xbf16>
    %dot_general3A = arith.constant dense<0.000000e+00> : vector<512x2048xf32>
    %dot_general3A_8 = tpu.matmul %get3A_4, %convert_element_type3A, %dot_general3A {dimension_numbers = #tpu.dot_dimension_numbers<[1], [0], [0], [1], [0, 0, 1, 1], [], []>, transpose_lhs_hint = false} : vector<512x2048xbf16>, vector<2048x2048xbf16>, vector<512x2048xf32> -> vector<512x2048xf32>
    %add3A = arith.addf %get3A_1, %dot_general3A_8 : vector<512x2048xf32>
    %swap3A = arith.constant 0 : index
    %swap3A_9 = arith.constant 0 : index
    %swap3A_10 = vector.load %arg6[%swap3A, %swap3A_9] : memref<512x2048xf32, #tpu.memory_space<vmem>>, vector<512x2048xf32>
    tpu.vector_store %arg6[%swap3A, %swap3A_9], %add3A {strides = array<i32>} : memref<512x2048xf32, #tpu.memory_space<vmem>>, vector<512x2048xf32>,
    %get3A_11 = arith.constant 0 : index
    %get3A_12 = arith.constant 0 : index
    %get3A_13 = vector.load %arg4[%get3A_11, %get3A_12] : memref<1x2048xf32, #tpu.memory_space<vmem>>, vector<1x2048xf32>
    %mul3A = arith.mulf %add3A, %add3A : vector<512x2048xf32>
    %reduce_sum3A = arith.constant dense<0.000000e+00> : vector<512xf32>
    %reduce_sum3A_14 = vector.multi_reduction <add>, %mul3A, %reduce_sum3A [1] : vector<512x2048xf32> to vector<512xf32>
    %broadcast_in_dim3A = vector.shape_cast %reduce_sum3A_14 : vector<512xf32> to vector<512x1xf32>
    %div3A = arith.constant 2.048000e+03 : f32
    %div3A_15 = vector.broadcast %div3A : f32 to vector<512x1xf32>
    %div3A_16 = arith.divf %broadcast_in_dim3A, %div3A_15 : vector<512x1xf32>
    %add3A_17 = arith.constant 9.99999997E-7 : f32
    %add3A_18 = vector.broadcast %add3A_17 : f32 to vector<512x1xf32>
    %add3A_19 = arith.addf %div3A_16, %add3A_18 : vector<512x1xf32>
    %rsqrt3A = math.rsqrt %add3A_19 : vector<512x1xf32>
    %mul3A_20 = vector.broadcast %rsqrt3A : vector<512x1xf32> to vector<512x2048xf32>
    %mul3A_21 = arith.mulf %add3A, %mul3A_20 : vector<512x2048xf32>
    %mul3A_22 = vector.broadcast %get3A_13 : vector<1x2048xf32> to vector<512x2048xf32>
    %mul3A_23 = arith.mulf %mul3A_21, %mul3A_22 : vector<512x2048xf32>
    %swap3A_24 = arith.constant 0 : index
    %swap3A_25 = arith.constant 0 : index
    %swap3A_26 = vector.load %arg7[%swap3A_24, %swap3A_25] : memref<512x2048xf32, #tpu.memory_space<vmem>>, vector<512x2048xf32>
    tpu.vector_store %arg7[%swap3A_24, %swap3A_25], %mul3A_23 {strides = array<i32>} : memref<512x2048xf32, #tpu.memory_space<vmem>>, vector<512x2048xf32>,
    %get3A_27 = arith.constant 0 : index
    %get3A_28 = arith.constant 0 : index
    %get3A_29 = vector.load %arg5[%get3A_27, %get3A_28] : memref<2048x8xf32, #tpu.memory_space<vmem>>, vector<2048x8xf32>
    %dot_general3A_30 = arith.constant dense<0.000000e+00> : vector<512x8xf32>
    %dot_general3A_31 = tpu.matmul %mul3A_23, %get3A_29, %dot_general3A_30 {dimension_numbers = #tpu.dot_dimension_numbers<[1], [0], [0], [1], [0, 0, 1, 1], [], []>, transpose_lhs_hint = false} : vector<512x2048xf32>, vector<2048x8xf32>, vector<512x8xf32> -> vector<512x8xf32>
    %reduce_max3A = arith.constant dense<0xFF800000> : vector<512xf32>
    %reduce_max3A_32 = vector.multi_reduction <maximumf>, %dot_general3A_31, %reduce_max3A [1] : vector<512x8xf32> to vector<512xf32>
    %broadcast_in_dim3A_33 = vector.shape_cast %reduce_max3A_32 : vector<512xf32> to vector<512x1xf32>
    %sub3A = vector.broadcast %broadcast_in_dim3A_33 : vector<512x1xf32> to vector<512x8xf32>
    %sub3A_34 = arith.subf %dot_general3A_31, %sub3A : vector<512x8xf32>
    %exp3A = math.exp %sub3A_34 : vector<512x8xf32>
    %reduce_sum3A_35 = arith.constant dense<0.000000e+00> : vector<512xf32>
    %reduce_sum3A_36 = vector.multi_reduction <add>, %exp3A, %reduce_sum3A_35 [1] : vector<512x8xf32> to vector<512xf32>
    %broadcast_in_dim3A_37 = vector.shape_cast %reduce_sum3A_36 : vector<512xf32> to vector<512x1xf32>
    %div3A_38 = vector.broadcast %broadcast_in_dim3A_37 : vector<512x1xf32> to vector<512x8xf32>
    %div3A_39 = arith.divf %exp3A, %div3A_38 : vector<512x8xf32>
    %iota3A = tpu.iota {dimensions = array<i32: 1>} : vector<512x8xi32>
    %reduce_max3A_40 = arith.constant dense<0xFF800000> : vector<512xf32>
    %reduce_max3A_41 = vector.multi_reduction <maximumf>, %div3A_39, %reduce_max3A_40 [1] : vector<512x8xf32> to vector<512xf32>
    %broadcast_in_dim3A_42 = vector.shape_cast %reduce_max3A_41 : vector<512xf32> to vector<512x1xf32>
    %eq3A = vector.broadcast %broadcast_in_dim3A_42 : vector<512x1xf32> to vector<512x8xf32>
    %eq3A_43 = arith.cmpf oeq, %div3A_39, %eq3A : vector<512x8xf32>
    %jit3A = arith.constant 8 : i32
    %broadcast_in_dim3A_44 = vector.broadcast %jit3A : i32 to vector<512x8xi32>
    %select_n3A = arith.select %eq3A_43, %iota3A, %broadcast_in_dim3A_44 : vector<512x8xi1>, vector<512x8xi32>
    %reduce_min3A = arith.constant dense<2147483647> : vector<512xi32>
    %reduce_min3A_45 = vector.multi_reduction <minsi>, %select_n3A, %reduce_min3A [1] : vector<512x8xi32> to vector<512xi32>
    %broadcast_in_dim3A_46 = vector.shape_cast %reduce_min3A_45 : vector<512xi32> to vector<512x1xi32>
    %eq3A_47 = vector.broadcast %broadcast_in_dim3A_46 : vector<512x1xi32> to vector<512x8xi32>
    %eq3A_48 = arith.cmpi eq, %iota3A, %eq3A_47 : vector<512x8xi32>
    %jit3A_49 = arith.constant -1.000000e+00 : f32
    %broadcast_in_dim3A_50 = vector.broadcast %jit3A_49 : f32 to vector<512x8xf32>
    %select_n3A_51 = arith.select %eq3A_48, %broadcast_in_dim3A_50, %div3A_39 : vector<512x8xi1>, vector<512x8xf32>
    %reduce_max3A_52 = arith.constant dense<0xFF800000> : vector<512xf32>
    %reduce_max3A_53 = vector.multi_reduction <maximumf>, %select_n3A_51, %reduce_max3A_52 [1] : vector<512x8xf32> to vector<512xf32>
    %broadcast_in_dim3A_54 = vector.shape_cast %reduce_max3A_53 : vector<512xf32> to vector<512x1xf32>
    %eq3A_55 = vector.broadcast %broadcast_in_dim3A_54 : vector<512x1xf32> to vector<512x8xf32>
    %eq3A_56 = arith.cmpf oeq, %select_n3A_51, %eq3A_55 : vector<512x8xf32>
    %jit3A_57 = arith.constant 8 : i32
    %broadcast_in_dim3A_58 = vector.broadcast %jit3A_57 : i32 to vector<512x8xi32>
    %select_n3A_59 = arith.select %eq3A_56, %iota3A, %broadcast_in_dim3A_58 : vector<512x8xi1>, vector<512x8xi32>
    %reduce_min3A_60 = arith.constant dense<2147483647> : vector<512xi32>
    %reduce_min3A_61 = vector.multi_reduction <minsi>, %select_n3A_59, %reduce_min3A_60 [1] : vector<512x8xi32> to vector<512xi32>
    %broadcast_in_dim3A_62 = vector.shape_cast %reduce_min3A_61 : vector<512xi32> to vector<512x1xi32>
    %add3A_63 = arith.addf %broadcast_in_dim3A_42, %broadcast_in_dim3A_54 : vector<512x1xf32>
    %div3A_64 = arith.divf %broadcast_in_dim3A_42, %add3A_63 : vector<512x1xf32>
    %swap3A_65 = arith.constant 0 : index
    %swap3A_66 = arith.constant 0 : index
    %swap3A_67 = vector.load %arg8[%swap3A_65, %swap3A_66] : memref<512x1xf32, #tpu.memory_space<vmem>>, vector<512x1xf32>
    tpu.vector_store %arg8[%swap3A_65, %swap3A_66], %div3A_64 {strides = array<i32>} : memref<512x1xf32, #tpu.memory_space<vmem>>, vector<512x1xf32>,
    %div3A_68 = arith.divf %broadcast_in_dim3A_54, %add3A_63 : vector<512x1xf32>
    %swap3A_69 = arith.constant 0 : index
    %swap3A_70 = arith.constant 0 : index
    %swap3A_71 = vector.load %arg9[%swap3A_69, %swap3A_70] : memref<512x1xf32, #tpu.memory_space<vmem>>, vector<512x1xf32>
    tpu.vector_store %arg9[%swap3A_69, %swap3A_70], %div3A_68 {strides = array<i32>} : memref<512x1xf32, #tpu.memory_space<vmem>>, vector<512x1xf32>,
    %swap3A_72 = arith.constant 0 : index
    %swap3A_73 = arith.constant 0 : index
    %swap3A_74 = vector.load %arg10[%swap3A_72, %swap3A_73] : memref<512x1xi32, #tpu.memory_space<vmem>>, vector<512x1xi32>
    tpu.vector_store %arg10[%swap3A_72, %swap3A_73], %broadcast_in_dim3A_46 {strides = array<i32>} : memref<512x1xi32, #tpu.memory_space<vmem>>, vector<512x1xi32>,
    %swap3A_75 = arith.constant 0 : index
    %swap3A_76 = arith.constant 0 : index
    %swap3A_77 = vector.load %arg11[%swap3A_75, %swap3A_76] : memref<512x1xi32, #tpu.memory_space<vmem>>, vector<512x1xi32>
    tpu.vector_store %arg11[%swap3A_75, %swap3A_76], %broadcast_in_dim3A_62 {strides = array<i32>} : memref<512x1xi32, #tpu.memory_space<vmem>>, vector<512x1xi32>,
    return
  }
  func.func @transform_0(%arg0: i32) -> (i32, i32) {
    %c0_i32 = arith.constant 0 : i32
    %c0_i32_0 = arith.constant 0 : i32
    return %arg0, %c0_i32 : i32, i32
  }
  func.func @transform_1(%arg0: i32) -> (i32, i32) {
    %c0_i32 = arith.constant 0 : i32
    %c0_i32_0 = arith.constant 0 : i32
    %c0_i32_1 = arith.constant 0 : i32
    return %c0_i32, %c0_i32_0 : i32, i32
  }
  func.func @transform_2(%arg0: i32) -> (i32, i32) {
    %c0_i32 = arith.constant 0 : i32
    %c0_i32_0 = arith.constant 0 : i32
    return %arg0, %c0_i32 : i32, i32
  }
  func.func @transform_3(%arg0: i32) -> (i32, i32) {
    %c0_i32 = arith.constant 0 : i32
    %c0_i32_0 = arith.constant 0 : i32
    %c0_i32_1 = arith.constant 0 : i32
    return %c0_i32, %c0_i32_0 : i32, i32
  }
  func.func @transform_4(%arg0: i32) -> (i32, i32) {
    %c0_i32 = arith.constant 0 : i32
    %c0_i32_0 = arith.constant 0 : i32
    %c0_i32_1 = arith.constant 0 : i32
    return %c0_i32, %c0_i32_0 : i32, i32
  }
  func.func @transform_5(%arg0: i32) -> (i32, i32) {
    %c0_i32 = arith.constant 0 : i32
    %c0_i32_0 = arith.constant 0 : i32
    return %arg0, %c0_i32 : i32, i32
  }
  func.func @transform_6(%arg0: i32) -> (i32, i32) {
    %c0_i32 = arith.constant 0 : i32
    %c0_i32_0 = arith.constant 0 : i32
    return %arg0, %c0_i32 : i32, i32
  }
  func.func @transform_7(%arg0: i32) -> (i32, i32) {
    %c0_i32 = arith.constant 0 : i32
    %c0_i32_0 = arith.constant 0 : i32
    return %arg0, %c0_i32 : i32, i32
  }
  func.func @transform_8(%arg0: i32) -> (i32, i32) {
    %c0_i32 = arith.constant 0 : i32
    %c0_i32_0 = arith.constant 0 : i32
    return %arg0, %c0_i32 : i32, i32
  }
  func.func @transform_9(%arg0: i32) -> (i32, i32) {
    %c0_i32 = arith.constant 0 : i32
    %c0_i32_0 = arith.constant 0 : i32
    return %arg0, %c0_i32 : i32, i32
  }
  func.func @transform_10(%arg0: i32) -> (i32, i32) {
    %c0_i32 = arith.constant 0 : i32
    %c0_i32_0 = arith.constant 0 : i32
    return %arg0, %c0_i32 : i32, i32
  }
}

module attributes {stable_mosaic.version = 14 : i64} {
  func.func @_moe_body(%arg0: i32, %arg1: memref<2x24xi32, #tpu.memory_space<smem>>, %arg2: memref<256x2048xf32, #tpu.memory_space<vmem>>, %arg3: memref<1x2048x768xf32, #tpu.memory_space<vmem>>, %arg4: memref<1x2048x768xf32, #tpu.memory_space<vmem>>, %arg5: memref<1x768x2048xf32, #tpu.memory_space<vmem>>, %arg6: memref<256x2048xf32, #tpu.memory_space<vmem>>, %arg7: memref<2048x768xbf16, #tpu.memory_space<vmem>>, %arg8: memref<2048x768xbf16, #tpu.memory_space<vmem>>, %arg9: memref<768x2048xbf16, #tpu.memory_space<vmem>>) attributes {dimension_semantics = [#tpu.dimension_semantics<arbitrary>], iteration_bounds = array<i64: 24>, scalar_prefetch = 1 : i64, scratch_operands = 3 : i64, tpu.core_type = #tpu.core_type<tc>, window_params = [{transform_indices = @transform_0, window_bounds = array<i64: 256, 2048>}, {transform_indices = @transform_1, window_bounds = array<i64: 1, 2048, 768>}, {transform_indices = @transform_2, window_bounds = array<i64: 1, 2048, 768>}, {transform_indices = @transform_3, window_bounds = array<i64: 1, 768, 2048>}, {transform_indices = @transform_4, window_bounds = array<i64: 256, 2048>}]} {
    %get3A = arith.constant 1 : index
    %get3A_0 = arith.index_cast %arg0 : i32 to index
    %get3A_1 = memref.load %arg1[%get3A, %get3A_0] : memref<2x24xi32, #tpu.memory_space<smem>>
    %gt3A = arith.constant 0 : i32
    %gt3A_2 = arith.cmpi sgt, %get3A_1, %gt3A : i32
    %eq3A = arith.constant 0 : i32
    %eq3A_3 = arith.cmpi eq, %arg0, %eq3A : i32
    %get3A_4 = arith.constant 0 : index
    %get3A_5 = arith.index_cast %arg0 : i32 to index
    %get3A_6 = memref.load %arg1[%get3A_4, %get3A_5] : memref<2x24xi32, #tpu.memory_space<smem>>
    %sub3A = arith.constant 1 : i32
    %sub3A_7 = arith.subi %arg0, %sub3A : i32
    %max3A = arith.constant 0 : i32
    %max3A_8 = arith.maxsi %sub3A_7, %max3A : i32
    %get3A_9 = arith.constant 0 : index
    %get3A_10 = arith.index_cast %max3A_8 : i32 to index
    %get3A_11 = memref.load %arg1[%get3A_9, %get3A_10] : memref<2x24xi32, #tpu.memory_space<smem>>
    %ne3A = arith.cmpi ne, %get3A_6, %get3A_11 : i32
    %or3A = arith.ori %eq3A_3, %ne3A : i1
    %and3A = arith.andi %gt3A_2, %or3A : i1
    %convert_element_type3A = arith.extui %and3A : i1 to i32
    %cond3A = arith.constant 0 : i32
    %cond3A_12 = arith.cmpi ne, %convert_element_type3A, %cond3A : i32
    scf.if %cond3A_12 {
      %get3A_20 = arith.constant 0 : index
      %get3A_21 = arith.constant 0 : index
      %get3A_22 = arith.constant 0 : index
      %get3A_23 = vector.load %arg3[%get3A_20, %get3A_21, %get3A_22] : memref<1x2048x768xf32, #tpu.memory_space<vmem>>, vector<1x2048x768xf32>
      %get3A_24 = vector.shape_cast %get3A_23 : vector<1x2048x768xf32> to vector<2048x768xf32>
      %convert_element_type3A_25 = arith.truncf %get3A_24 : vector<2048x768xf32> to vector<2048x768xbf16>
      %swap3A = arith.constant 0 : index
      %swap3A_26 = arith.constant 0 : index
      %swap3A_27 = vector.load %arg7[%swap3A, %swap3A_26] : memref<2048x768xbf16, #tpu.memory_space<vmem>>, vector<2048x768xbf16>
      tpu.vector_store %arg7[%swap3A, %swap3A_26], %convert_element_type3A_25 {strides = array<i32>} : memref<2048x768xbf16, #tpu.memory_space<vmem>>, vector<2048x768xbf16>,
      %get3A_28 = arith.constant 0 : index
      %get3A_29 = arith.constant 0 : index
      %get3A_30 = arith.constant 0 : index
      %get3A_31 = vector.load %arg4[%get3A_28, %get3A_29, %get3A_30] : memref<1x2048x768xf32, #tpu.memory_space<vmem>>, vector<1x2048x768xf32>
      %get3A_32 = vector.shape_cast %get3A_31 : vector<1x2048x768xf32> to vector<2048x768xf32>
      %convert_element_type3A_33 = arith.truncf %get3A_32 : vector<2048x768xf32> to vector<2048x768xbf16>
      %swap3A_34 = arith.constant 0 : index
      %swap3A_35 = arith.constant 0 : index
      %swap3A_36 = vector.load %arg8[%swap3A_34, %swap3A_35] : memref<2048x768xbf16, #tpu.memory_space<vmem>>, vector<2048x768xbf16>
      tpu.vector_store %arg8[%swap3A_34, %swap3A_35], %convert_element_type3A_33 {strides = array<i32>} : memref<2048x768xbf16, #tpu.memory_space<vmem>>, vector<2048x768xbf16>,
      %get3A_37 = arith.constant 0 : index
      %get3A_38 = arith.constant 0 : index
      %get3A_39 = arith.constant 0 : index
      %get3A_40 = vector.load %arg5[%get3A_37, %get3A_38, %get3A_39] : memref<1x768x2048xf32, #tpu.memory_space<vmem>>, vector<1x768x2048xf32>
      %get3A_41 = vector.shape_cast %get3A_40 : vector<1x768x2048xf32> to vector<768x2048xf32>
      %convert_element_type3A_42 = arith.truncf %get3A_41 : vector<768x2048xf32> to vector<768x2048xbf16>
      %swap3A_43 = arith.constant 0 : index
      %swap3A_44 = arith.constant 0 : index
      %swap3A_45 = vector.load %arg9[%swap3A_43, %swap3A_44] : memref<768x2048xbf16, #tpu.memory_space<vmem>>, vector<768x2048xbf16>
      tpu.vector_store %arg9[%swap3A_43, %swap3A_44], %convert_element_type3A_42 {strides = array<i32>} : memref<768x2048xbf16, #tpu.memory_space<vmem>>, vector<768x2048xbf16>,
    } else {
    }
    %convert_element_type3A_13 = arith.extui %gt3A_2 : i1 to i32
    %cond3A_14 = arith.constant 0 : i32
    %cond3A_15 = arith.cmpi ne, %convert_element_type3A_13, %cond3A_14 : i32
    scf.if %cond3A_15 {
      %get3A_20 = arith.constant 0 : index
      %get3A_21 = arith.constant 0 : index
      %get3A_22 = vector.load %arg2[%get3A_20, %get3A_21] : memref<256x2048xf32, #tpu.memory_space<vmem>>, vector<256x2048xf32>
      %convert_element_type3A_23 = arith.truncf %get3A_22 : vector<256x2048xf32> to vector<256x2048xbf16>
      %get3A_24 = arith.constant 0 : index
      %get3A_25 = arith.constant 0 : index
      %get3A_26 = vector.load %arg7[%get3A_24, %get3A_25] : memref<2048x768xbf16, #tpu.memory_space<vmem>>, vector<2048x768xbf16>
      %dot_general3A = arith.constant dense<0.000000e+00> : vector<256x768xf32>
      %dot_general3A_27 = tpu.matmul %convert_element_type3A_23, %get3A_26, %dot_general3A {dimension_numbers = #tpu.dot_dimension_numbers<[1], [0], [0], [1], [0, 0, 1, 1], [], []>, transpose_lhs_hint = false} : vector<256x2048xbf16>, vector<2048x768xbf16>, vector<256x768xf32> -> vector<256x768xf32>
      %get3A_28 = arith.constant 0 : index
      %get3A_29 = arith.constant 0 : index
      %get3A_30 = vector.load %arg8[%get3A_28, %get3A_29] : memref<2048x768xbf16, #tpu.memory_space<vmem>>, vector<2048x768xbf16>
      %dot_general3A_31 = arith.constant dense<0.000000e+00> : vector<256x768xf32>
      %dot_general3A_32 = tpu.matmul %convert_element_type3A_23, %get3A_30, %dot_general3A_31 {dimension_numbers = #tpu.dot_dimension_numbers<[1], [0], [0], [1], [0, 0, 1, 1], [], []>, transpose_lhs_hint = false} : vector<256x2048xbf16>, vector<2048x768xbf16>, vector<256x768xf32> -> vector<256x768xf32>
      %logistic3A = arith.negf %dot_general3A_27 : vector<256x768xf32>
      %logistic3A_33 = math.exp %logistic3A : vector<256x768xf32>
      %logistic3A_34 = arith.constant 1.000000e+00 : f32
      %logistic3A_35 = vector.broadcast %logistic3A_34 : f32 to vector<256x768xf32>
      %logistic3A_36 = arith.addf %logistic3A_35, %logistic3A_33 : vector<256x768xf32>
      %logistic3A_37 = arith.divf %logistic3A_35, %logistic3A_36 : vector<256x768xf32>
      %mul3A = arith.mulf %dot_general3A_27, %logistic3A_37 : vector<256x768xf32>
      %mul3A_38 = arith.mulf %mul3A, %dot_general3A_32 : vector<256x768xf32>
      %convert_element_type3A_39 = arith.truncf %mul3A_38 : vector<256x768xf32> to vector<256x768xbf16>
      %get3A_40 = arith.constant 0 : index
      %get3A_41 = arith.constant 0 : index
      %get3A_42 = vector.load %arg9[%get3A_40, %get3A_41] : memref<768x2048xbf16, #tpu.memory_space<vmem>>, vector<768x2048xbf16>
      %dot_general3A_43 = arith.constant dense<0.000000e+00> : vector<256x2048xf32>
      %dot_general3A_44 = tpu.matmul %convert_element_type3A_39, %get3A_42, %dot_general3A_43 {dimension_numbers = #tpu.dot_dimension_numbers<[1], [0], [0], [1], [0, 0, 1, 1], [], []>, transpose_lhs_hint = false} : vector<256x768xbf16>, vector<768x2048xbf16>, vector<256x2048xf32> -> vector<256x2048xf32>
      %swap3A = arith.constant 0 : index
      %swap3A_45 = arith.constant 0 : index
      %swap3A_46 = vector.load %arg6[%swap3A, %swap3A_45] : memref<256x2048xf32, #tpu.memory_space<vmem>>, vector<256x2048xf32>
      tpu.vector_store %arg6[%swap3A, %swap3A_45], %dot_general3A_44 {strides = array<i32>} : memref<256x2048xf32, #tpu.memory_space<vmem>>, vector<256x2048xf32>,
    } else {
    }
    %not3A = arith.constant true
    %not3A_16 = arith.xori %gt3A_2, %not3A : i1
    %convert_element_type3A_17 = arith.extui %not3A_16 : i1 to i32
    %cond3A_18 = arith.constant 0 : i32
    %cond3A_19 = arith.cmpi ne, %convert_element_type3A_17, %cond3A_18 : i32
    scf.if %cond3A_19 {
      %broadcast_in_dim3A = arith.constant 0.000000e+00 : f32
      %broadcast_in_dim3A_20 = vector.broadcast %broadcast_in_dim3A : f32 to vector<256x2048xf32>
      %swap3A = arith.constant 0 : index
      %swap3A_21 = arith.constant 0 : index
      %swap3A_22 = vector.load %arg6[%swap3A, %swap3A_21] : memref<256x2048xf32, #tpu.memory_space<vmem>>, vector<256x2048xf32>
      tpu.vector_store %arg6[%swap3A, %swap3A_21], %broadcast_in_dim3A_20 {strides = array<i32>} : memref<256x2048xf32, #tpu.memory_space<vmem>>, vector<256x2048xf32>,
    } else {
    }
    return
  }
  func.func @transform_0(%arg0: i32, %arg1: memref<2x24xi32, #tpu.memory_space<smem>>) -> (i32, i32) {
    %c0_i32 = arith.constant 0 : i32
    %c0_i32_0 = arith.constant 0 : i32
    return %arg0, %c0_i32 : i32, i32
  }
  func.func @transform_1(%arg0: i32, %arg1: memref<2x24xi32, #tpu.memory_space<smem>>) -> (i32, i32, i32) {
    %get3A = arith.constant 0 : index
    %get3A_0 = arith.index_cast %arg0 : i32 to index
    %get3A_1 = memref.load %arg1[%get3A, %get3A_0] : memref<2x24xi32, #tpu.memory_space<smem>>
    %c0_i32 = arith.constant 0 : i32
    %c0_i32_2 = arith.constant 0 : i32
    %c0_i32_3 = arith.constant 0 : i32
    return %get3A_1, %c0_i32, %c0_i32_2 : i32, i32, i32
  }
  func.func @transform_2(%arg0: i32, %arg1: memref<2x24xi32, #tpu.memory_space<smem>>) -> (i32, i32, i32) {
    %get3A = arith.constant 0 : index
    %get3A_0 = arith.index_cast %arg0 : i32 to index
    %get3A_1 = memref.load %arg1[%get3A, %get3A_0] : memref<2x24xi32, #tpu.memory_space<smem>>
    %c0_i32 = arith.constant 0 : i32
    %c0_i32_2 = arith.constant 0 : i32
    %c0_i32_3 = arith.constant 0 : i32
    return %get3A_1, %c0_i32, %c0_i32_2 : i32, i32, i32
  }
  func.func @transform_3(%arg0: i32, %arg1: memref<2x24xi32, #tpu.memory_space<smem>>) -> (i32, i32, i32) {
    %get3A = arith.constant 0 : index
    %get3A_0 = arith.index_cast %arg0 : i32 to index
    %get3A_1 = memref.load %arg1[%get3A, %get3A_0] : memref<2x24xi32, #tpu.memory_space<smem>>
    %c0_i32 = arith.constant 0 : i32
    %c0_i32_2 = arith.constant 0 : i32
    %c0_i32_3 = arith.constant 0 : i32
    return %get3A_1, %c0_i32, %c0_i32_2 : i32, i32, i32
  }
  func.func @transform_4(%arg0: i32, %arg1: memref<2x24xi32, #tpu.memory_space<smem>>) -> (i32, i32) {
    %c0_i32 = arith.constant 0 : i32
    %c0_i32_0 = arith.constant 0 : i32
    return %arg0, %c0_i32 : i32, i32
  }
}

module attributes {stable_mosaic.version = 14 : i64} {
  func.func @_comb_body(%arg0: i32, %arg1: memref<512x2048xf32, #tpu.memory_space<vmem>>, %arg2: memref<512x2048xf32, #tpu.memory_space<vmem>>, %arg3: memref<512x2048xf32, #tpu.memory_space<vmem>>, %arg4: memref<512x1xf32, #tpu.memory_space<vmem>>, %arg5: memref<512x1xf32, #tpu.memory_space<vmem>>, %arg6: memref<512x2048xf32, #tpu.memory_space<vmem>>) attributes {dimension_semantics = [#tpu.dimension_semantics<arbitrary>], iteration_bounds = array<i64: 4>, scalar_prefetch = 0 : i64, scratch_operands = 0 : i64, tpu.core_type = #tpu.core_type<tc>, window_params = [{transform_indices = @transform_0, window_bounds = array<i64: 512, 2048>}, {transform_indices = @transform_1, window_bounds = array<i64: 512, 2048>}, {transform_indices = @transform_2, window_bounds = array<i64: 512, 2048>}, {transform_indices = @transform_3, window_bounds = array<i64: 512, 1>}, {transform_indices = @transform_4, window_bounds = array<i64: 512, 1>}, {transform_indices = @transform_5, window_bounds = array<i64: 512, 2048>}]} {
    %get3A = arith.constant 0 : index
    %get3A_0 = arith.constant 0 : index
    %get3A_1 = vector.load %arg1[%get3A, %get3A_0] : memref<512x2048xf32, #tpu.memory_space<vmem>>, vector<512x2048xf32>
    %get3A_2 = arith.constant 0 : index
    %get3A_3 = arith.constant 0 : index
    %get3A_4 = vector.load %arg4[%get3A_2, %get3A_3] : memref<512x1xf32, #tpu.memory_space<vmem>>, vector<512x1xf32>
    %get3A_5 = arith.constant 0 : index
    %get3A_6 = arith.constant 0 : index
    %get3A_7 = vector.load %arg2[%get3A_5, %get3A_6] : memref<512x2048xf32, #tpu.memory_space<vmem>>, vector<512x2048xf32>
    %mul3A = vector.broadcast %get3A_4 : vector<512x1xf32> to vector<512x2048xf32>
    %mul3A_8 = arith.mulf %mul3A, %get3A_7 : vector<512x2048xf32>
    %add3A = arith.addf %get3A_1, %mul3A_8 : vector<512x2048xf32>
    %get3A_9 = arith.constant 0 : index
    %get3A_10 = arith.constant 0 : index
    %get3A_11 = vector.load %arg5[%get3A_9, %get3A_10] : memref<512x1xf32, #tpu.memory_space<vmem>>, vector<512x1xf32>
    %get3A_12 = arith.constant 0 : index
    %get3A_13 = arith.constant 0 : index
    %get3A_14 = vector.load %arg3[%get3A_12, %get3A_13] : memref<512x2048xf32, #tpu.memory_space<vmem>>, vector<512x2048xf32>
    %mul3A_15 = vector.broadcast %get3A_11 : vector<512x1xf32> to vector<512x2048xf32>
    %mul3A_16 = arith.mulf %mul3A_15, %get3A_14 : vector<512x2048xf32>
    %add3A_17 = arith.addf %add3A, %mul3A_16 : vector<512x2048xf32>
    %swap3A = arith.constant 0 : index
    %swap3A_18 = arith.constant 0 : index
    %swap3A_19 = vector.load %arg6[%swap3A, %swap3A_18] : memref<512x2048xf32, #tpu.memory_space<vmem>>, vector<512x2048xf32>
    tpu.vector_store %arg6[%swap3A, %swap3A_18], %add3A_17 {strides = array<i32>} : memref<512x2048xf32, #tpu.memory_space<vmem>>, vector<512x2048xf32>,
    return
  }
  func.func @transform_0(%arg0: i32) -> (i32, i32) {
    %c0_i32 = arith.constant 0 : i32
    %c0_i32_0 = arith.constant 0 : i32
    return %arg0, %c0_i32 : i32, i32
  }
  func.func @transform_1(%arg0: i32) -> (i32, i32) {
    %c0_i32 = arith.constant 0 : i32
    %c0_i32_0 = arith.constant 0 : i32
    return %arg0, %c0_i32 : i32, i32
  }
  func.func @transform_2(%arg0: i32) -> (i32, i32) {
    %add3A = arith.constant 4 : i32
    %add3A_0 = arith.addi %arg0, %add3A : i32
    %c0_i32 = arith.constant 0 : i32
    %c0_i32_1 = arith.constant 0 : i32
    return %add3A_0, %c0_i32 : i32, i32
  }
  func.func @transform_3(%arg0: i32) -> (i32, i32) {
    %c0_i32 = arith.constant 0 : i32
    %c0_i32_0 = arith.constant 0 : i32
    return %arg0, %c0_i32 : i32, i32
  }
  func.func @transform_4(%arg0: i32) -> (i32, i32) {
    %c0_i32 = arith.constant 0 : i32
    %c0_i32_0 = arith.constant 0 : i32
    return %arg0, %c0_i32 : i32, i32
  }
  func.func @transform_5(%arg0: i32) -> (i32, i32) {
    %c0_i32 = arith.constant 0 : i32
    %c0_i32_0 = arith.constant 0 : i32
    return %arg0, %c0_i32 : i32, i32
  }
}

</mosaic_0001>

<sc_bundles>
// kernel: kernel.11.cloned.1.call-start
scs
__scs_entry_jumppad:
0x0: {  	(pc) =	sbr.rel $0x88, $3  }
0x1: {  	(tag) =	ssettag $0x0;
	lr =	simm.s32 $0x1  }
0x2: {  	[smem:$0x3F94] =	sst lr;
	_ =	strace $0xD0000000  }
0x3: {  	_ = 	snop  }
0x4: {  	_ = 	snop  }
0x5: {  	_ = 	snop  }
0x6: {  	_ = 	snop  }
0x7: {  	_ = 	snop  }
__scs_overlays_trampoline_lowered:
0x8: {  	[smem:$0x3FA3] =	sst s0  }
0x9: {  	[smem:$0x3FA4] =	sst s1  }
0xa: {  	[smem:$0x3FA5] =	sst s2  }
0xb: {  	[smem:$0x3FA6] =	sst s3  }
0xc: {  	[smem:$0x3FA7] =	sst s4  }
0xd: {  	[smem:$0x3FA8] =	sst s5  }
0xe: {  	[smem:$0x3FA9] =	sst s6  }
0xf: {  	[smem:$0x3FAA] =	sst s7  }
0x10: {  	[smem:$0x3FAB] =	sst s8  }
0x11: {  	[smem:$0x3FAC] =	sst s9;
	s0 =	simm.s32 @!p0 $0x0  }
0x12: {  	s1 =	sld [smem:$0x3F92];
	s0 =	simm.s32 @p0 $0x1  }
0x13: {  	[smem:$0x3FAD] =	sst s0;
	s0 =	simm.s32 @!p1 $0x0  }
0x14: {  	s2 =	sld [smem:$0x3F91];
	s0 =	simm.s32 @p1 $0x1  }
0x15: {  	[smem:$0x3FAE] =	sst s0;
	s0 =	simm.s32 @!p2 $0x0  }
0x16: {  	s3 =	sld [smem:$0x3FDB];
	s0 =	simm.s32 @p2 $0x1  }
0x17: {  	s4 =	simm.s32 $0x1BF5;
	[smem:$0x3FB0] =	sst s0  }
0x18: {  	s0 =	sld [smem:$0x3F93];
	_ =	swait.ge [sflag:s4], $0x0  }
0x19: {  	s7 =	sld [smem:$0x3F94]  }
0x1a: {  	s8 =	sadd.s32 $0xFFFFE003, lr  }
0x1b: {  	s9 =	sadd.s32 $0xFFFFFEF7, lr;
	s5 =	simm.s32 $0xFFFFFFFF;
	p2 =	slt.u32 s8, $0xFFFFF086  }
0x1c: {  	p1 =	slt.u32 s9, $0xF7A;
	s5 =	simm.s32 @!p2 $0x0  }
0x1d: {  	s5 =	simm.s32 @p1 $0x1;
	p0 =	seq.s32 s7, s2  }
0x1e: {  	s7 =	smul.u32 @!p0 $0xF7A, s2;
	p2 =	seq.s32 @!p0 s5, $0x0  }
0x1f: {  	s9 =	smul.u32 $0xF7A, s1;
	s8 =	simm.s32 @!p0 $0x1BF5;
	p2 =	por !p2, p0  }
0x20: {  	[sflag:s8] =	ssyncset.s32 @!p0 $0xFFFFF086;
	s6 =	sadd.s32 @!p0 s3, s7;
	s7 =	simm.s32 @!p0 $0x108  }
0x21: {  	s3 =	sadd.s32 s3, s9;
	s6 =	sadd.s32 @!p0 $0x88, s6;
	s7 =	simm.s32 @p2 $0x1082  }
0x22: {  	[simem:s7], [sflag:s8] =	dma.local @!p0 [hbm:s6], $0xF7A  }
0x23: {  	s9 =	sor.u32 $0xD0000000, s2;
	s6 =	simm.s32 $0x108;
	_ =	swait.ge @!p0 [sflag:s8], $0x0  }
0x24: {  	s3 =	sadd.s32 $0x88, s3;
	s6 =	simm.s32 @!p1 $0x1082;
	[sflag:s4] =	ssyncset.s32 $0xFFFFF086  }
0x25: {  	[simem:s6], [sflag:s4] =	dma.local [hbm:s3], $0xF7A  }
0x26: {  	[smem:$0x3F94] =	sst s1;
	(tag) =	ssettag s2;
	_ =	strace s9  }
0x27: {  	s1 =	sld [smem:$0x3FA4]  }
0x28: {  	s2 =	sld [smem:$0x3FA5]  }
0x29: {  	s4 =	sld [smem:$0x3FA7]  }
0x2a: {  	p0 =	seq.s32 s5, $0x0;
	s5 =	sld [smem:$0x3FA8]  }
0x2b: {  	s6 =	sld [smem:$0x3FA9]  }
0x2c: {  	s7 =	sld [smem:$0x3FAA]  }
0x2d: {  	s3 =	simm.s32 $0x108;
	s8 =	sld [smem:$0x3FAB]  }
0x2e: {  	s3 =	simm.s32 @!p0 $0x1082;
	s9 =	sld [smem:$0x3FAC]  }
0x2f: {  	lr =	sadd.s32 s0, s3;
	s0 =	sld [smem:$0x3FA3]  }
0x30: {  	s3 =	sld [smem:$0x3FA6]  }
0x31: {  	[smem:$0x3FAF] =	sst s10  }
0x32: {  	s10 =	sld [smem:$0x3FAD];
	_ =	sdelay $0x3  }
0x33: {  	p0 =	seq.s32 s10, $0x1;
	s10 =	sld [smem:$0x3FAF];
	_ =	sdelay $0x3  }
0x34: {  	[smem:$0x3FAF] =	sst s10  }
0x35: {  	s10 =	sld [smem:$0x3FAE];
	_ =	sdelay $0x3  }
0x36: {  	p1 =	seq.s32 s10, $0x1;
	s10 =	sld [smem:$0x3FAF];
	_ =	sdelay $0x3  }
0x37: {  	[smem:$0x3FAF] =	sst s10  }
0x38: {  	s10 =	sld [smem:$0x3FB0]  }
0x39: {  	_ = 	snop;
	(pc) =	sbr.ind lr, $3  }
0x3a: {  	_ = 	snop  }
0x3b: {  	_ = 	snop  }
0x3c: {  	p2 =	seq.s32 s10, $0x1;
	s10 =	sld [smem:$0x3FAF]  }
0x3d: {  	_ =	shalt  }
0x3e: {  	_ =	shalt  }
0x3f: {  	_ =	shalt  }
0x40: {  	_ =	shalt  }
0x41: {  	_ =	shalt  }
0x42: {  	_ =	shalt  }
0x43: {  	_ =	shalt  }
0x44: {  	_ =	shalt  }
0x45: {  	_ =	shalt  }
0x46: {  	_ =	shalt  }
0x47: {  	_ =	shalt  }
0x48: {  	_ =	shalt  }
0x49: {  	_ =	shalt  }
0x4a: {  	_ =	shalt  }
0x4b: {  	_ =	shalt  }
0x4c: {  	_ =	shalt  }
0x4d: {  	_ =	shalt  }
0x4e: {  	_ =	shalt  }
0x4f: {  	_ =	shalt  }
0x50: {  	_ =	shalt  }
0x51: {  	_ =	shalt  }
0x52: {  	_ =	shalt  }
0x53: {  	_ =	shalt  }
0x54: {  	_ =	shalt  }
0x55: {  	_ =	shalt  }
0x56: {  	_ =	shalt  }
0x57: {  	_ =	shalt  }
0x58: {  	_ =	shalt  }
0x59: {  	_ =	shalt  }
0x5a: {  	_ =	shalt  }
0x5b: {  	_ =	shalt  }
0x5c: {  	_ =	shalt  }
0x5d: {  	_ =	shalt  }
0x5e: {  	_ =	shalt  }
0x5f: {  	_ =	shalt  }
0x60: {  	_ =	shalt  }
0x61: {  	_ =	shalt  }
0x62: {  	_ =	shalt  }
0x63: {  	_ =	shalt  }
0x64: {  	_ =	shalt  }
0x65: {  	_ =	shalt  }
0x66: {  	_ =	shalt  }
0x67: {  	_ =	shalt  }
0x68: {  	_ =	shalt  }
0x69: {  	_ =	shalt  }
0x6a: {  	_ =	shalt  }
0x6b: {  	_ =	shalt  }
0x6c: {  	_ =	shalt  }
0x6d: {  	_ =	shalt  }
0x6e: {  	_ =	shalt  }
0x6f: {  	_ =	shalt  }
0x70: {  	_ =	shalt  }
0x71: {  	_ =	shalt  }
0x72: {  	_ =	shalt  }
0x73: {  	_ =	shalt  }
0x74: {  	_ =	shalt  }
0x75: {  	_ =	shalt  }
0x76: {  	_ =	shalt  }
0x77: {  	_ =	shalt  }
0x78: {  	_ =	shalt  }
0x79: {  	_ =	shalt  }
0x7a: {  	_ =	shalt  }
0x7b: {  	_ =	shalt  }
0x7c: {  	_ =	shalt  }
0x7d: {  	_ =	shalt  }
0x7e: {  	_ =	shalt  }
0x7f: {  	_ =	shalt  }
0x80: {  	_ =	shalt  }
0x81: {  	_ =	shalt  }
0x82: {  	_ =	shalt  }
0x83: {  	_ =	shalt  }
0x84: {  	_ =	shalt  }
0x85: {  	_ =	shalt  }
0x86: {  	_ =	shalt  }
0x87: {  	_ =	shalt  }
.Lfunc_end0:
.L_simem_size_0:
called_computation_lowered:
.L_overlay_start_0:
0x88: {  	s2 =	sld [smem:$0x3FD9]  }
0x89: {  	s3 =	sld [smem:$0x3FFE];
	_ =	sdelay $0x1  }
0x8a: {  	s1 =	srdreg.scid  }
0x8b: {  	s0 =	sand.u32 $0x1, s1  }
0x8c: {  	s17 =	sshll.u32 s0, $0xA;
	s2 =	sadd.s32 s3, s2  }
0x8d: {  	s2 =	sadd.s32 s2, s17  }
0x8e: {  	[smem:$0x3FBB] =	sst s2  }
0x8f: {  	_ = 	snop  }
0x90: {  	s2 =	sld [smem:$0x3FD0];
	(tm) =	ssettm $0x1  }
0x91: {  	s18 =	sld [smem:$0x3FFB];
	_ =	sdelay $0x3  }
0x92: {  	_ =	strace s18  }
0x93: {  	s3 =	sld [smem:$0x3FFC];
	_ =	sdelay $0x3  }
0x94: {  	_ =	strace s3  }
0x95: {  	s3 =	sld [smem:$0x3FFD];
	_ =	sdelay $0x3  }
0x96: {  	_ =	strace s3  }
0x97: {  	_ =	strace $0x8FFFFFFF  }
0x98: {  	s19 =	sld [smem:$0x3FDB];
	_ =	sdelay $0x1  }
0x99: {  	s4 =	simm.s32 $_scs_section_size  }
0x9a: {  	s5 =	simm.s32 $_size__tile_overlayer_lowered;
	s6 =	simm.s32 $_tile_overlayer_lowered  }
0x9b: {  	s22 =	simm.s32 $0x1BFF;
	s21 =	sshll.u32 s6, $0x1;
	s3 =	sadd.s32 s4, s19  }
0x9c: {  	s7 =	simm.s32 $0x0;
	s20 =	sshll.u32 s5, $0x1;
	s5 =	sadd.s32 s21, s3  }
0x9d: {  	[timem:s7], [sflag:s22] =	dma.local [hbm:s5], s20  }
0x9e: {  	_ =	swait.ge [sflag:s22], s20  }
0x9f: {  	s4 =	ssub.s32 $0x0, s20;
	[sflag:s22] =	ssyncset.done $0x0  }
0xa0: {  	[sflag:s22] =	ssyncadd.s32 s4;
	_ =	sdelay $0x1  }
0xa1: {  	s23 =	simm.s32 $0x1B8B  }
0xa2: {  	_ =	swait.ge [sflag:s23], $0x1  }
0xa3: {  	[sflag:s23] =	ssyncset.done $0x0  }
0xa4: {  	s25 =	simm.s32 $0x1B8E;
	s24 =	sld [smem:$0x3FFE];
	[sflag:s23] =	ssyncadd.s32 $0xFFFFFFFF  }
0xa5: {  	s26 =	simm.s32 $execute0_lowered;
	[smem:$0x3FD2] =	sst s25  }
0xa6: {  	s5 =	sshll.u32 s26, $0x1;
	_ =	strace $0x80000046;
	[dreg:$0x1] =	wrdreg $0xFFFFFFFF  }
0xa7: {  	s28 =	simm.s32 $_size_execute0_lowered;
	s3 =	sadd.s32 s3, s5;
	[dreg:$0x0] =	wrdreg $0x0  }
0xa8: {  	s5 =	sshll.u32 s28, $0x1;
	[dreg:$0x2] =	wrdreg s3  }
0xa9: {  	[dreg:$0x3] =	wrdreg s5  }
0xaa: {  	[dreg:$0x4] =	wrdreg $0xC0  }
0xab: {  	_ =	task [dreg:s7], $0x5FFFF  }
0xac: {  	[dreg:$0x1] =	wrdreg $0xFFFFFFFF  }
0xad: {  	[dreg:$0x0] =	wrdreg $0x60  }
0xae: {  	[dreg:$0x2] =	wrdreg s24  }
0xaf: {  	[dreg:$0x3] =	wrdreg s2  }
0xb0: {  	[dreg:$0x4] =	wrdreg $0x9  }
0xb1: {  	_ =	task.clear_ibuf [dreg:s7], $0x5FFFF;
	_ =	strace $0x90000046  }
0xb2: {  	s29 =	simm.s32 $0x9;
	_ =	strace $0x80000048  }
0xb3: {  	_ =	swait.ge [sflag:s29], $0x1  }
0xb4: {  	[sflag:s29] =	ssyncadd.s32 $0xFFFFFFFF  }
0xb5: {  	_ =	strace $0x90000048  }
0xb6: {  	_ =	sfence  }
0xb7: {  	s30 =	sld [smem:$0x0];
	_ =	sdelay $0x2  }
0xb8: {  	s31 =	sshll.u32 s1, $0xD;
	s1 =	sshrl.u32 s1, $0x2  }
0xb9: {  	s3 =	sand.u32 $0x4000, s31;
	s1 =	sadd.s32 s1, s30  }
0xba: {  	s0 =	sor.u32 s3, s0;
	s1 =	sshll.u32 s1, $0x11  }
0xbb: {  	s0 =	sor.u32 s1, s0  }
0xbc: {  	s0 =	sadd.s32 $0x8F2B, s0  }
0xbd: {  	[sflag:s0] =	ssyncadd.remote.s32 $0x1  }
0xbe: {  	_ =	sfence.sel $0xFFFF  }
0xbf: {  	[dreg:$0x0] =	wrdreg $0xFFFFFFFF;
	(pc) =	sbr.abs _section_cstart, $3  }
0xc0: {  	[dreg:$0x1] =	wrdreg $0xFFFFFFFF  }
0xc1: {  	_ =	task.clear_ibuf [dreg:s7], $0x2FFFF;
	_ =	strace $0x9FFFFFFF  }
0xc2: {  	(tm) =	ssettm $0x7FFFFFFF  }
0xc3: {  	_ =	shalt  }
tec
execute0_lowered:
.L_overlay_start_1:
0x0: {  	(tag) =	ssettag $0x1  }
0x1: {  	s0 =	rddreg [dreg:$0x0]  }
0x2: {  	s2 =	rddreg [dreg:$0x1];
	s3 =	simm.s32 $0x0;
	s1 =	srdreg.scid  }
0x3: {  	s4 =	stileid.u32;
	s23 =	simm.s32 $0x1;
	[smem:$0x7FF] =	sst s3  }
0x4: {  	s1 =	sand.u32 $0x1, s1;
	s4 =	sshll.u32 s4, $0x1;
	s5 =	sadd.s32 $0xE8000, s0  }
0x5: {  	s9 =	sadd.s32 $0x500, s2;
	s10 =	sadd.s32 $0x600, s2;
	s11 =	sadd.s32 $0x700, s2  }
0x6: {  	_ =	strace $0x80000047;
	s4 =	sor.u32 s1, s4;
	s1 =	ssub.s32 $0x2, s1  }
0x7: {  	s6 =	smul.u32 $0xC000, s4;
	s7 =	sshrl.u32 s1, $0x1;
	s8 =	sshll.u32 s4, $0x7  }
0x8: {  	s4 =	smul.u32 $0x60000, s4;
	s1 =	ssub.s32 s1, s7;
	s0 =	sadd.s32 s0, s8  }
0x9: {  	s7 =	sadd.s32 $0x300, s2;
	s6 =	sadd.s32 s5, s6;
	[dreg:$0x3] =	wrdreg s0  }
0xa: {  	s4 =	sshrl.u32 s4, $0x3;
	s24 =	sadd.s32 $0x1800, s6;
	[dreg:$0xb] =	wrdreg s6  }
0xb: {  	s25 =	sadd.s32 $0x3000, s6;
	s4 =	sadd.s32 s5, s4;
	[dreg:$0x4] =	wrdreg s24  }
0xc: {  	s8 =	sadd.s32 $0x400, s2;
	[dreg:$0x5] =	wrdreg s25;
	s26 =	sadd.s32 $0x4800, s4  }
0xd: {  	s12 =	smax.u32 s1, $0x1;
	s28 =	sadd.s32 $0x6000, s4;
	[dreg:$0x6] =	wrdreg s26  }
0xe: {  	s5 =	sadd.s32 $0x100, s2;
	s29 =	sadd.s32 $0x7800, s4;
	[dreg:$0x7] =	wrdreg s28  }
0xf: {  	v2 =	vlaneseq.u32;
	s6 =	sadd.s32 $0x200, s2;
	s30 =	sadd.s32 $0x9000, s4;
	[dreg:$0x8] =	wrdreg s29  }
0x10: {  	vm0 =	vmmov $0xffff;
	v1 =	vshrl.u32 v2, $0x3;
	s31 =	sadd.s32 $0xA800, s4;
	s24 =	simm.s32 $0x3;
	[dreg:$0x9] =	wrdreg s30  }
0x11: {  	v0 =	vand.u32 $0x7, v2;
	v2 =	vor.u32 $0x8, v2;
	v1 =	vmul.u32 $0x8, v1;
	s25 =	simm.s32 $0x2;
	[dreg:$0xa] =	wrdreg s31;
	s26 =	simm.s32 $0x4  }
.LBB2_1:
0x12: {  	s28 =	rddreg [dreg:$0x3];
	s13 =	simm.s32 $0x5  }
0x13: {  	[tilespmem:s3], [sflag:$0x5] =	stream.linear.gather [hbm4b:s28+s3], $0x400, $0x38;
	[tilespmem:$0x18400] =	vst v63  }
0x14: {  	_ =	swait.ge [sflag:s13], $0x400  }
0x15: {  	[sflag:s13] =	ssyncset.done $0x0  }
0x16: {  	[sflag:s13] =	ssyncadd.s32 $0xFFFFFC00  }
0x17: {  	v3 =	vld [tilespmem:$0x0];
	_ =	sdelay $0x4  }
0x18: {  	v4 =	vshll.u32 v3, $0x4  }
0x19: {  	v3 =	vand.u32 $0x7, v3;
	v4 =	vand.u32 $0xFFFFFF80, v4  }
0x1a: {  	v3 =	vor.u32 v3, v4  }
0x1b: {  	v4 =	vperm.xlane v3, v0;
	_ =	sdelay $0x1  }
0x1c: {  	v4 =	vadd.s32 v1, v4;
	_ =	sdelay $0x3  }
0x1d: {  	s0 =	simm.s32 $0x400  }
0x1e: {  	[tilespmem:s0], [sflag:$0x1] =	stream.indirect_vreg.gather [hbm4b:s2+s3], $0x80, v4, vm0, $0xb8;
	[tilespmem:$0x18400] =	vst v63  }
0x1f: {  	s14 =	simm.s32 $0xC00  }
0x20: {  	[tilespmem:s14], [sflag:$0x1] =	stream.indirect_vreg.gather [hbm4b:s5+s3], $0x80, v4, vm0, $0xb8;
	[tilespmem:$0x18400] =	vst v63  }
0x21: {  	s15 =	simm.s32 $0x1400  }
0x22: {  	[tilespmem:s15], [sflag:$0x1] =	stream.indirect_vreg.gather [hbm4b:s6+s3], $0x80, v4, vm0, $0xb8;
	[tilespmem:$0x18400] =	vst v63  }
0x23: {  	s16 =	simm.s32 $0x1C00  }
0x24: {  	[tilespmem:s16], [sflag:$0x1] =	stream.indirect_vreg.gather [hbm4b:s7+s3], $0x80, v4, vm0, $0xb8;
	[tilespmem:$0x18400] =	vst v63  }
0x25: {  	s17 =	simm.s32 $0x2400  }
0x26: {  	[tilespmem:s17], [sflag:$0x1] =	stream.indirect_vreg.gather [hbm4b:s8+s3], $0x80, v4, vm0, $0xb8;
	[tilespmem:$0x18400] =	vst v63  }
0x27: {  	s18 =	simm.s32 $0x2C00;
	v3 =	vperm.xlane v3, v2  }
0x28: {  	[tilespmem:s18], [sflag:$0x1] =	stream.indirect_vreg.gather [hbm4b:s9+s3], $0x80, v4, vm0, $0xb8;
	[tilespmem:$0x18400] =	vst v63  }
0x29: {  	s19 =	simm.s32 $0x3400;
	v3 =	vadd.s32 v1, v3  }
0x2a: {  	[tilespmem:s19], [sflag:$0x1] =	stream.indirect_vreg.gather [hbm4b:s10+s3], $0x80, v4, vm0, $0xb8;
	[tilespmem:$0x18400] =	vst v63  }
0x2b: {  	s20 =	simm.s32 $0x3C00  }
0x2c: {  	[tilespmem:s20], [sflag:$0x1] =	stream.indirect_vreg.gather [hbm4b:s11+s3], $0x80, v4, vm0, $0xb8;
	[tilespmem:$0x18400] =	vst v63  }
0x2d: {  	s21 =	simm.s32 $0x4400  }
0x2e: {  	[tilespmem:s21], [sflag:$0x1] =	stream.indirect_vreg.gather [hbm4b:s2+s3], $0x80, v3, vm0, $0xb8;
	[tilespmem:$0x18400] =	vst v63  }
0x2f: {  	s22 =	simm.s32 $0x4C00  }
0x30: {  	[tilespmem:s22], [sflag:$0x1] =	stream.indirect_vreg.gather [hbm4b:s5+s3], $0x80, v3, vm0, $0xb8;
	[tilespmem:$0x18400] =	vst v63  }
0x31: {  	s28 =	simm.s32 $0x5400  }
0x32: {  	[tilespmem:s28], [sflag:$0x1] =	stream.indirect_vreg.gather [hbm4b:s6+s3], $0x80, v3, vm0, $0xb8;
	[tilespmem:$0x18400] =	vst v63  }
0x33: {  	s29 =	simm.s32 $0x5C00  }
0x34: {  	[tilespmem:s29], [sflag:$0x1] =	stream.indirect_vreg.gather [hbm4b:s7+s3], $0x80, v3, vm0, $0xb8;
	[tilespmem:$0x18400] =	vst v63  }
0x35: {  	s30 =	simm.s32 $0x6400  }
0x36: {  	[tilespmem:s30], [sflag:$0x1] =	stream.indirect_vreg.gather [hbm4b:s8+s3], $0x80, v3, vm0, $0xb8;
	[tilespmem:$0x18400] =	vst v63  }
0x37: {  	s31 =	simm.s32 $0x6C00  }
0x38: {  	[tilespmem:s31], [sflag:$0x1] =	stream.indirect_vreg.gather [hbm4b:s9+s3], $0x80, v3, vm0, $0xb8;
	[tilespmem:$0x18400] =	vst v63  }
0x39: {  	s1 =	simm.s32 $0x7400  }
0x3a: {  	[tilespmem:s1], [sflag:$0x1] =	stream.indirect_vreg.gather [hbm4b:s10+s3], $0x80, v3, vm0, $0xb8;
	[tilespmem:$0x18400] =	vst v63  }
0x3b: {  	s4 =	simm.s32 $0x7C00  }
0x3c: {  	[tilespmem:s4], [sflag:$0x1] =	stream.indirect_vreg.gather [hbm4b:s11+s3], $0x80, v3, vm0, $0xb8;
	[tilespmem:$0x18400] =	vst v63  }
0x3d: {  	v3 =	vld.msk [tilespmem:$0x10], $0xff;
	_ =	sdelay $0x4  }
0x3e: {  	v49 =	vshll.u32 v3, $0x4  }
0x3f: {  	v3 =	vand.u32 $0x7, v3;
	v4 =	vand.u32 $0xFFFFFF80, v49  }
0x40: {  	v3 =	vor.u32 v3, v4  }
0x41: {  	v3 =	vperm.xlane v3, v0;
	_ =	sdelay $0x1  }
0x42: {  	v3 =	vadd.s32 v1, v3;
	_ =	sdelay $0x3  }
0x43: {  	s15 =	simm.s32 $0x8400  }
0x44: {  	[tilespmem:s15], [sflag:$0x1] =	stream.indirect_vreg.gather [hbm4b:s2+s3], $0x80, v3, vm0, $0xb8;
	[tilespmem:$0x18400] =	vst v63  }
0x45: {  	s16 =	simm.s32 $0x8C00  }
0x46: {  	[tilespmem:s16], [sflag:$0x1] =	stream.indirect_vreg.gather [hbm4b:s5+s3], $0x80, v3, vm0, $0xb8;
	[tilespmem:$0x18400] =	vst v63  }
0x47: {  	s17 =	simm.s32 $0x9400  }
0x48: {  	[tilespmem:s17], [sflag:$0x1] =	stream.indirect_vreg.gather [hbm4b:s6+s3], $0x80, v3, vm0, $0xb8;
	[tilespmem:$0x18400] =	vst v63  }
0x49: {  	s18 =	simm.s32 $0x9C00  }
0x4a: {  	[tilespmem:s18], [sflag:$0x1] =	stream.indirect_vreg.gather [hbm4b:s7+s3], $0x80, v3, vm0, $0xb8;
	[tilespmem:$0x18400] =	vst v63  }
0x4b: {  	s19 =	simm.s32 $0xA400  }
0x4c: {  	[tilespmem:s19], [sflag:$0x1] =	stream.indirect_vreg.gather [hbm4b:s8+s3], $0x80, v3, vm0, $0xb8;
	[tilespmem:$0x18400] =	vst v63  }
0x4d: {  	s20 =	simm.s32 $0xAC00  }
0x4e: {  	[tilespmem:s20], [sflag:$0x1] =	stream.indirect_vreg.gather [hbm4b:s9+s3], $0x80, v3, vm0, $0xb8;
	[tilespmem:$0x18400] =	vst v63  }
0x4f: {  	s22 =	simm.s32 $0xB400  }
0x50: {  	[tilespmem:s22], [sflag:$0x1] =	stream.indirect_vreg.gather [hbm4b:s10+s3], $0x80, v3, vm0, $0xb8;
	[tilespmem:$0x18400] =	vst v63  }
0x51: {  	s28 =	simm.s32 $0xBC00  }
0x52: {  	[tilespmem:s28], [sflag:$0x1] =	stream.indirect_vreg.gather [hbm4b:s11+s3], $0x80, v3, vm0, $0xb8;
	[tilespmem:$0x18400] =	vst v63  }
0x53: {  	v3 =	vld [tilespmem:$0x80];
	_ =	sdelay $0x4  }
0x54: {  	v50 =	vshll.u32 v3, $0x4  }
0x55: {  	v3 =	vand.u32 $0x7, v3;
	v4 =	vand.u32 $0xFFFFFF80, v50  }
0x56: {  	v3 =	vor.u32 v3, v4  }
0x57: {  	v4 =	vperm.xlane v3, v0;
	_ =	sdelay $0x1  }
0x58: {  	v4 =	vadd.s32 v1, v4;
	_ =	sdelay $0x3  }
0x59: {  	s0 =	simm.s32 $0xC400  }
0x5a: {  	[tilespmem:s0], [sflag:$0x2] =	stream.indirect_vreg.gather [hbm4b:s2+s3], $0x80, v4, vm0, $0xb8;
	[tilespmem:$0x18400] =	vst v63  }
0x5b: {  	s29 =	simm.s32 $0xCC00  }
0x5c: {  	[tilespmem:s29], [sflag:$0x2] =	stream.indirect_vreg.gather [hbm4b:s5+s3], $0x80, v4, vm0, $0xb8;
	[tilespmem:$0x18400] =	vst v63  }
0x5d: {  	s30 =	simm.s32 $0xD400  }
0x5e: {  	[tilespmem:s30], [sflag:$0x2] =	stream.indirect_vreg.gather [hbm4b:s6+s3], $0x80, v4, vm0, $0xb8;
	[tilespmem:$0x18400] =	vst v63  }
0x5f: {  	s31 =	simm.s32 $0xDC00  }
0x60: {  	[tilespmem:s31], [sflag:$0x2] =	stream.indirect_vreg.gather [hbm4b:s7+s3], $0x80, v4, vm0, $0xb8;
	[tilespmem:$0x18400] =	vst v63  }
0x61: {  	s1 =	simm.s32 $0xE400  }
0x62: {  	[tilespmem:s1], [sflag:$0x2] =	stream.indirect_vreg.gather [hbm4b:s8+s3], $0x80, v4, vm0, $0xb8;
	[tilespmem:$0x18400] =	vst v63  }
0x63: {  	s4 =	simm.s32 $0xEC00;
	v3 =	vperm.xlane v3, v2  }
0x64: {  	[tilespmem:s4], [sflag:$0x2] =	stream.indirect_vreg.gather [hbm4b:s9+s3], $0x80, v4, vm0, $0xb8;
	[tilespmem:$0x18400] =	vst v63  }
0x65: {  	s15 =	simm.s32 $0xF400;
	v3 =	vadd.s32 v1, v3  }
0x66: {  	[tilespmem:s15], [sflag:$0x2] =	stream.indirect_vreg.gather [hbm4b:s10+s3], $0x80, v4, vm0, $0xb8;
	[tilespmem:$0x18400] =	vst v63  }
0x67: {  	s16 =	simm.s32 $0xFC00  }
0x68: {  	[tilespmem:s16], [sflag:$0x2] =	stream.indirect_vreg.gather [hbm4b:s11+s3], $0x80, v4, vm0, $0xb8;
	[tilespmem:$0x18400] =	vst v63  }
0x69: {  	s17 =	simm.s32 $0x10400  }
0x6a: {  	[tilespmem:s17], [sflag:$0x2] =	stream.indirect_vreg.gather [hbm4b:s2+s3], $0x80, v3, vm0, $0xb8;
	[tilespmem:$0x18400] =	vst v63  }
0x6b: {  	s18 =	simm.s32 $0x10C00  }
0x6c: {  	[tilespmem:s18], [sflag:$0x2] =	stream.indirect_vreg.gather [hbm4b:s5+s3], $0x80, v3, vm0, $0xb8;
	[tilespmem:$0x18400] =	vst v63  }
0x6d: {  	s19 =	simm.s32 $0x11400  }
0x6e: {  	[tilespmem:s19], [sflag:$0x2] =	stream.indirect_vreg.gather [hbm4b:s6+s3], $0x80, v3, vm0, $0xb8;
	[tilespmem:$0x18400] =	vst v63  }
0x6f: {  	s20 =	simm.s32 $0x11C00  }
0x70: {  	[tilespmem:s20], [sflag:$0x2] =	stream.indirect_vreg.gather [hbm4b:s7+s3], $0x80, v3, vm0, $0xb8;
	[tilespmem:$0x18400] =	vst v63  }
0x71: {  	s22 =	simm.s32 $0x12400  }
0x72: {  	[tilespmem:s22], [sflag:$0x2] =	stream.indirect_vreg.gather [hbm4b:s8+s3], $0x80, v3, vm0, $0xb8;
	[tilespmem:$0x18400] =	vst v63  }
0x73: {  	s29 =	simm.s32 $0x12C00  }
0x74: {  	[tilespmem:s29], [sflag:$0x2] =	stream.indirect_vreg.gather [hbm4b:s9+s3], $0x80, v3, vm0, $0xb8;
	[tilespmem:$0x18400] =	vst v63  }
0x75: {  	s30 =	simm.s32 $0x13400  }
0x76: {  	[tilespmem:s30], [sflag:$0x2] =	stream.indirect_vreg.gather [hbm4b:s10+s3], $0x80, v3, vm0, $0xb8;
	[tilespmem:$0x18400] =	vst v63  }
0x77: {  	s31 =	simm.s32 $0x13C00  }
0x78: {  	[tilespmem:s31], [sflag:$0x2] =	stream.indirect_vreg.gather [hbm4b:s11+s3], $0x80, v3, vm0, $0xb8;
	[tilespmem:$0x18400] =	vst v63  }
0x79: {  	v3 =	vld.msk [tilespmem:$0x90], $0xff;
	_ =	sdelay $0x4  }
0x7a: {  	v51 =	vshll.u32 v3, $0x4  }
0x7b: {  	v3 =	vand.u32 $0x7, v3;
	v4 =	vand.u32 $0xFFFFFF80, v51  }
0x7c: {  	v3 =	vor.u32 v3, v4  }
0x7d: {  	v3 =	vperm.xlane v3, v0;
	_ =	sdelay $0x1  }
0x7e: {  	v3 =	vadd.s32 v1, v3;
	_ =	sdelay $0x3  }
0x7f: {  	s1 =	simm.s32 $0x14400  }
0x80: {  	[tilespmem:s1], [sflag:$0x2] =	stream.indirect_vreg.gather [hbm4b:s2+s3], $0x80, v3, vm0, $0xb8;
	[tilespmem:$0x18400] =	vst v63  }
0x81: {  	s4 =	simm.s32 $0x14C00  }
0x82: {  	[tilespmem:s4], [sflag:$0x2] =	stream.indirect_vreg.gather [hbm4b:s5+s3], $0x80, v3, vm0, $0xb8;
	[tilespmem:$0x18400] =	vst v63  }
0x83: {  	s15 =	simm.s32 $0x15400  }
0x84: {  	[tilespmem:s15], [sflag:$0x2] =	stream.indirect_vreg.gather [hbm4b:s6+s3], $0x80, v3, vm0, $0xb8;
	[tilespmem:$0x18400] =	vst v63  }
0x85: {  	s16 =	simm.s32 $0x15C00  }
0x86: {  	[tilespmem:s16], [sflag:$0x2] =	stream.indirect_vreg.gather [hbm4b:s7+s3], $0x80, v3, vm0, $0xb8;
	[tilespmem:$0x18400] =	vst v63  }
0x87: {  	s17 =	simm.s32 $0x16400  }
0x88: {  	[tilespmem:s17], [sflag:$0x2] =	stream.indirect_vreg.gather [hbm4b:s8+s3], $0x80, v3, vm0, $0xb8;
	[tilespmem:$0x18400] =	vst v63  }
0x89: {  	s18 =	simm.s32 $0x16C00  }
0x8a: {  	[tilespmem:s18], [sflag:$0x2] =	stream.indirect_vreg.gather [hbm4b:s9+s3], $0x80, v3, vm0, $0xb8;
	[tilespmem:$0x18400] =	vst v63  }
0x8b: {  	s19 =	simm.s32 $0x17400  }
0x8c: {  	[tilespmem:s19], [sflag:$0x2] =	stream.indirect_vreg.gather [hbm4b:s10+s3], $0x80, v3, vm0, $0xb8;
	[tilespmem:$0x18400] =	vst v63  }
0x8d: {  	s20 =	simm.s32 $0x17C00  }
0x8e: {  	[tilespmem:s20], [sflag:$0x2] =	stream.indirect_vreg.gather [hbm4b:s11+s3], $0x80, v3, vm0, $0xb8;
	[tilespmem:$0x18400] =	vst v63  }
0x8f: {  	_ =	swait.ge [sflag:s23], $0xC000  }
0x90: {  	[sflag:s23] =	ssyncset.done $0x0  }
0x91: {  	s1 =	simm.s32 $0x400;
	s22 =	rddreg [dreg:$0xb];
	[sflag:s23] =	ssyncadd.s32 $0xFFFF4000  }
0x92: {  	[hbm4b:s22+s3] =	stream.linear.scatter [tilespmem:s1], [sflag:$0x3], $0xC000, $0x38;
	[tilespmem:$0x18400] =	vst v63  }
0x93: {  	_ =	swait.ge [sflag:s24], $0xC000  }
0x94: {  	[sflag:s24] =	ssyncset.done $0x0  }
0x95: {  	[sflag:s24] =	ssyncadd.s32 $0xFFFF4000  }
0x96: {  	v3 =	vld [tilespmem:$0x100];
	_ =	sdelay $0x4  }
0x97: {  	v52 =	vshll.u32 v3, $0x4  }
0x98: {  	v3 =	vand.u32 $0x7, v3;
	v4 =	vand.u32 $0xFFFFFF80, v52  }
0x99: {  	v3 =	vor.u32 v3, v4  }
0x9a: {  	v4 =	vperm.xlane v3, v0;
	_ =	sdelay $0x1  }
0x9b: {  	v4 =	vadd.s32 v1, v4;
	_ =	sdelay $0x4  }
0x9c: {  	[tilespmem:s1], [sflag:$0x1] =	stream.indirect_vreg.gather [hbm4b:s2+s3], $0x80, v4, vm0, $0xb8;
	[tilespmem:$0x18400] =	vst v63  }
0x9d: {  	s18 =	simm.s32 $0xC00  }
0x9e: {  	[tilespmem:s18], [sflag:$0x1] =	stream.indirect_vreg.gather [hbm4b:s5+s3], $0x80, v4, vm0, $0xb8;
	[tilespmem:$0x18400] =	vst v63  }
0x9f: {  	s4 =	simm.s32 $0x1400  }
0xa0: {  	[tilespmem:s4], [sflag:$0x1] =	stream.indirect_vreg.gather [hbm4b:s6+s3], $0x80, v4, vm0, $0xb8;
	[tilespmem:$0x18400] =	vst v63  }
0xa1: {  	s4 =	simm.s32 $0x1C00  }
0xa2: {  	[tilespmem:s4], [sflag:$0x1] =	stream.indirect_vreg.gather [hbm4b:s7+s3], $0x80, v4, vm0, $0xb8;
	[tilespmem:$0x18400] =	vst v63  }
0xa3: {  	s13 =	simm.s32 $0x2400  }
0xa4: {  	[tilespmem:s13], [sflag:$0x1] =	stream.indirect_vreg.gather [hbm4b:s8+s3], $0x80, v4, vm0, $0xb8;
	[tilespmem:$0x18400] =	vst v63  }
0xa5: {  	s14 =	simm.s32 $0x2C00;
	v3 =	vperm.xlane v3, v2  }
0xa6: {  	[tilespmem:s14], [sflag:$0x1] =	stream.indirect_vreg.gather [hbm4b:s9+s3], $0x80, v4, vm0, $0xb8;
	[tilespmem:$0x18400] =	vst v63  }
0xa7: {  	v3 =	vadd.s32 v1, v3;
	s13 =	simm.s32 $0x3400  }
0xa8: {  	[tilespmem:s13], [sflag:$0x1] =	stream.indirect_vreg.gather [hbm4b:s10+s3], $0x80, v4, vm0, $0xb8;
	[tilespmem:$0x18400] =	vst v63  }
0xa9: {  	s14 =	simm.s32 $0x3C00  }
0xaa: {  	[tilespmem:s14], [sflag:$0x1] =	stream.indirect_vreg.gather [hbm4b:s11+s3], $0x80, v4, vm0, $0xb8;
	[tilespmem:$0x18400] =	vst v63  }
0xab: {  	s15 =	simm.s32 $0x4400  }
0xac: {  	[tilespmem:s15], [sflag:$0x1] =	stream.indirect_vreg.gather [hbm4b:s2+s3], $0x80, v3, vm0, $0xb8;
	[tilespmem:$0x18400] =	vst v63  }
0xad: {  	s16 =	simm.s32 $0x4C00  }
0xae: {  	[tilespmem:s16], [sflag:$0x1] =	stream.indirect_vreg.gather [hbm4b:s5+s3], $0x80, v3, vm0, $0xb8;
	[tilespmem:$0x18400] =	vst v63  }
0xaf: {  	s17 =	simm.s32 $0x5400  }
0xb0: {  	[tilespmem:s17], [sflag:$0x1] =	stream.indirect_vreg.gather [hbm4b:s6+s3], $0x80, v3, vm0, $0xb8;
	[tilespmem:$0x18400] =	vst v63  }
0xb1: {  	s20 =	simm.s32 $0x5C00  }
0xb2: {  	[tilespmem:s20], [sflag:$0x1] =	stream.indirect_vreg.gather [hbm4b:s7+s3], $0x80, v3, vm0, $0xb8;
	[tilespmem:$0x18400] =	vst v63  }
0xb3: {  	s30 =	simm.s32 $0x6400  }
0xb4: {  	[tilespmem:s30], [sflag:$0x1] =	stream.indirect_vreg.gather [hbm4b:s8+s3], $0x80, v3, vm0, $0xb8;
	[tilespmem:$0x18400] =	vst v63  }
0xb5: {  	s31 =	simm.s32 $0x6C00  }
0xb6: {  	[tilespmem:s31], [sflag:$0x1] =	stream.indirect_vreg.gather [hbm4b:s9+s3], $0x80, v3, vm0, $0xb8;
	[tilespmem:$0x18400] =	vst v63  }
0xb7: {  	s19 =	simm.s32 $0x7400  }
0xb8: {  	[tilespmem:s19], [sflag:$0x1] =	stream.indirect_vreg.gather [hbm4b:s10+s3], $0x80, v3, vm0, $0xb8;
	[tilespmem:$0x18400] =	vst v63  }
0xb9: {  	s21 =	simm.s32 $0x7C00  }
0xba: {  	[tilespmem:s21], [sflag:$0x1] =	stream.indirect_vreg.gather [hbm4b:s11+s3], $0x80, v3, vm0, $0xb8;
	[tilespmem:$0x18400] =	vst v63  }
0xbb: {  	v3 =	vld.msk [tilespmem:$0x110], $0xff;
	_ =	sdelay $0x4  }
0xbc: {  	v53 =	vshll.u32 v3, $0x4  }
0xbd: {  	v3 =	vand.u32 $0x7, v3;
	v4 =	vand.u32 $0xFFFFFF80, v53  }
0xbe: {  	v3 =	vor.u32 v3, v4  }
0xbf: {  	v3 =	vperm.xlane v3, v0;
	_ =	sdelay $0x1  }
0xc0: {  	v3 =	vadd.s32 v1, v3;
	_ =	sdelay $0x3  }
0xc1: {  	s21 =	simm.s32 $0x8400  }
0xc2: {  	[tilespmem:s21], [sflag:$0x1] =	stream.indirect_vreg.gather [hbm4b:s2+s3], $0x80, v3, vm0, $0xb8;
	[tilespmem:$0x18400] =	vst v63  }
0xc3: {  	s22 =	simm.s32 $0x8C00  }
0xc4: {  	[tilespmem:s22], [sflag:$0x1] =	stream.indirect_vreg.gather [hbm4b:s5+s3], $0x80, v3, vm0, $0xb8;
	[tilespmem:$0x18400] =	vst v63  }
0xc5: {  	s29 =	simm.s32 $0x9400  }
0xc6: {  	[tilespmem:s29], [sflag:$0x1] =	stream.indirect_vreg.gather [hbm4b:s6+s3], $0x80, v3, vm0, $0xb8;
	[tilespmem:$0x18400] =	vst v63  }
0xc7: {  	s28 =	simm.s32 $0x9C00  }
0xc8: {  	[tilespmem:s28], [sflag:$0x1] =	stream.indirect_vreg.gather [hbm4b:s7+s3], $0x80, v3, vm0, $0xb8;
	[tilespmem:$0x18400] =	vst v63  }
0xc9: {  	s28 =	simm.s32 $0xA400  }
0xca: {  	[tilespmem:s28], [sflag:$0x1] =	stream.indirect_vreg.gather [hbm4b:s8+s3], $0x80, v3, vm0, $0xb8;
	[tilespmem:$0x18400] =	vst v63  }
0xcb: {  	s28 =	simm.s32 $0xAC00  }
0xcc: {  	[tilespmem:s28], [sflag:$0x1] =	stream.indirect_vreg.gather [hbm4b:s9+s3], $0x80, v3, vm0, $0xb8;
	[tilespmem:$0x18400] =	vst v63  }
0xcd: {  	s28 =	simm.s32 $0xB400  }
0xce: {  	[tilespmem:s28], [sflag:$0x1] =	stream.indirect_vreg.gather [hbm4b:s10+s3], $0x80, v3, vm0, $0xb8;
	[tilespmem:$0x18400] =	vst v63  }
0xcf: {  	s28 =	simm.s32 $0xBC00  }
0xd0: {  	[tilespmem:s28], [sflag:$0x1] =	stream.indirect_vreg.gather [hbm4b:s11+s3], $0x80, v3, vm0, $0xb8;
	[tilespmem:$0x18400] =	vst v63  }
0xd1: {  	_ =	swait.ge [sflag:s25], $0xC000  }
0xd2: {  	[sflag:s25] =	ssyncset.done $0x0  }
0xd3: {  	s28 =	rddreg [dreg:$0x4];
	[sflag:s25] =	ssyncadd.s32 $0xFFFF4000  }
0xd4: {  	[hbm4b:s28+s3] =	stream.linear.scatter [tilespmem:s0], [sflag:$0x4], $0xC000, $0x38;
	[tilespmem:$0x18400] =	vst v63  }
0xd5: {  	_ =	swait.ge [sflag:s26], $0xC000  }
0xd6: {  	[sflag:s26] =	ssyncset.done $0x0  }
0xd7: {  	[sflag:s26] =	ssyncadd.s32 $0xFFFF4000  }
0xd8: {  	v3 =	vld [tilespmem:$0x180];
	_ =	sdelay $0x4  }
0xd9: {  	v54 =	vshll.u32 v3, $0x4  }
0xda: {  	v3 =	vand.u32 $0x7, v3;
	v4 =	vand.u32 $0xFFFFFF80, v54  }
0xdb: {  	v3 =	vor.u32 v3, v4  }
0xdc: {  	v4 =	vperm.xlane v3, v0;
	_ =	sdelay $0x1  }
0xdd: {  	v4 =	vadd.s32 v1, v4;
	_ =	sdelay $0x4  }
0xde: {  	[tilespmem:s0], [sflag:$0x2] =	stream.indirect_vreg.gather [hbm4b:s2+s3], $0x80, v4, vm0, $0xb8;
	[tilespmem:$0x18400] =	vst v63  }
0xdf: {  	s28 =	simm.s32 $0xCC00  }
0xe0: {  	[tilespmem:s28], [sflag:$0x2] =	stream.indirect_vreg.gather [hbm4b:s5+s3], $0x80, v4, vm0, $0xb8;
	[tilespmem:$0x18400] =	vst v63  }
0xe1: {  	s28 =	simm.s32 $0xD400  }
0xe2: {  	[tilespmem:s28], [sflag:$0x2] =	stream.indirect_vreg.gather [hbm4b:s6+s3], $0x80, v4, vm0, $0xb8;
	[tilespmem:$0x18400] =	vst v63  }
0xe3: {  	s28 =	simm.s32 $0xDC00  }
0xe4: {  	[tilespmem:s28], [sflag:$0x2] =	stream.indirect_vreg.gather [hbm4b:s7+s3], $0x80, v4, vm0, $0xb8;
	[tilespmem:$0x18400] =	vst v63  }
0xe5: {  	s28 =	simm.s32 $0xE400  }
0xe6: {  	[tilespmem:s28], [sflag:$0x2] =	stream.indirect_vreg.gather [hbm4b:s8+s3], $0x80, v4, vm0, $0xb8;
	[tilespmem:$0x18400] =	vst v63  }
0xe7: {  	v3 =	vperm.xlane v3, v2;
	s28 =	simm.s32 $0xEC00  }
0xe8: {  	[tilespmem:s28], [sflag:$0x2] =	stream.indirect_vreg.gather [hbm4b:s9+s3], $0x80, v4, vm0, $0xb8;
	[tilespmem:$0x18400] =	vst v63  }
0xe9: {  	v3 =	vadd.s32 v1, v3;
	s28 =	simm.s32 $0xF400  }
0xea: {  	[tilespmem:s28], [sflag:$0x2] =	stream.indirect_vreg.gather [hbm4b:s10+s3], $0x80, v4, vm0, $0xb8;
	[tilespmem:$0x18400] =	vst v63  }
0xeb: {  	s28 =	simm.s32 $0xFC00  }
0xec: {  	[tilespmem:s28], [sflag:$0x2] =	stream.indirect_vreg.gather [hbm4b:s11+s3], $0x80, v4, vm0, $0xb8;
	[tilespmem:$0x18400] =	vst v63  }
0xed: {  	s28 =	simm.s32 $0x10400  }
0xee: {  	[tilespmem:s28], [sflag:$0x2] =	stream.indirect_vreg.gather [hbm4b:s2+s3], $0x80, v3, vm0, $0xb8;
	[tilespmem:$0x18400] =	vst v63  }
0xef: {  	s28 =	simm.s32 $0x10C00  }
0xf0: {  	[tilespmem:s28], [sflag:$0x2] =	stream.indirect_vreg.gather [hbm4b:s5+s3], $0x80, v3, vm0, $0xb8;
	[tilespmem:$0x18400] =	vst v63  }
0xf1: {  	s28 =	simm.s32 $0x11400  }
0xf2: {  	[tilespmem:s28], [sflag:$0x2] =	stream.indirect_vreg.gather [hbm4b:s6+s3], $0x80, v3, vm0, $0xb8;
	[tilespmem:$0x18400] =	vst v63  }
0xf3: {  	s28 =	simm.s32 $0x11C00  }
0xf4: {  	[tilespmem:s28], [sflag:$0x2] =	stream.indirect_vreg.gather [hbm4b:s7+s3], $0x80, v3, vm0, $0xb8;
	[tilespmem:$0x18400] =	vst v63  }
0xf5: {  	s28 =	simm.s32 $0x12400  }
0xf6: {  	[tilespmem:s28], [sflag:$0x2] =	stream.indirect_vreg.gather [hbm4b:s8+s3], $0x80, v3, vm0, $0xb8;
	[tilespmem:$0x18400] =	vst v63  }
0xf7: {  	s28 =	simm.s32 $0x12C00  }
0xf8: {  	[tilespmem:s28], [sflag:$0x2] =	stream.indirect_vreg.gather [hbm4b:s9+s3], $0x80, v3, vm0, $0xb8;
	[tilespmem:$0x18400] =	vst v63  }
0xf9: {  	s28 =	simm.s32 $0x13400  }
0xfa: {  	[tilespmem:s28], [sflag:$0x2] =	stream.indirect_vreg.gather [hbm4b:s10+s3], $0x80, v3, vm0, $0xb8;
	[tilespmem:$0x18400] =	vst v63  }
0xfb: {  	s28 =	simm.s32 $0x13C00  }
0xfc: {  	[tilespmem:s28], [sflag:$0x2] =	stream.indirect_vreg.gather [hbm4b:s11+s3], $0x80, v3, vm0, $0xb8;
	[tilespmem:$0x18400] =	vst v63  }
0xfd: {  	v3 =	vld.msk [tilespmem:$0x190], $0xff;
	_ =	sdelay $0x4  }
0xfe: {  	v55 =	vshll.u32 v3, $0x4  }
0xff: {  	v3 =	vand.u32 $0x7, v3;
	v4 =	vand.u32 $0xFFFFFF80, v55  }
0x100: {  	v3 =	vor.u32 v3, v4  }
0x101: {  	v3 =	vperm.xlane v3, v0;
	_ =	sdelay $0x1  }
0x102: {  	v3 =	vadd.s32 v1, v3;
	_ =	sdelay $0x3  }
0x103: {  	s28 =	simm.s32 $0x14400  }
0x104: {  	[tilespmem:s28], [sflag:$0x2] =	stream.indirect_vreg.gather [hbm4b:s2+s3], $0x80, v3, vm0, $0xb8;
	[tilespmem:$0x18400] =	vst v63  }
0x105: {  	s28 =	simm.s32 $0x14C00  }
0x106: {  	[tilespmem:s28], [sflag:$0x2] =	stream.indirect_vreg.gather [hbm4b:s5+s3], $0x80, v3, vm0, $0xb8;
	[tilespmem:$0x18400] =	vst v63  }
0x107: {  	s28 =	simm.s32 $0x15400  }
0x108: {  	[tilespmem:s28], [sflag:$0x2] =	stream.indirect_vreg.gather [hbm4b:s6+s3], $0x80, v3, vm0, $0xb8;
	[tilespmem:$0x18400] =	vst v63  }
0x109: {  	s28 =	simm.s32 $0x15C00  }
0x10a: {  	[tilespmem:s28], [sflag:$0x2] =	stream.indirect_vreg.gather [hbm4b:s7+s3], $0x80, v3, vm0, $0xb8;
	[tilespmem:$0x18400] =	vst v63  }
0x10b: {  	s28 =	simm.s32 $0x16400  }
0x10c: {  	[tilespmem:s28], [sflag:$0x2] =	stream.indirect_vreg.gather [hbm4b:s8+s3], $0x80, v3, vm0, $0xb8;
	[tilespmem:$0x18400] =	vst v63  }
0x10d: {  	s28 =	simm.s32 $0x16C00  }
0x10e: {  	[tilespmem:s28], [sflag:$0x2] =	stream.indirect_vreg.gather [hbm4b:s9+s3], $0x80, v3, vm0, $0xb8;
	[tilespmem:$0x18400] =	vst v63  }
0x10f: {  	s28 =	simm.s32 $0x17400  }
0x110: {  	[tilespmem:s28], [sflag:$0x2] =	stream.indirect_vreg.gather [hbm4b:s10+s3], $0x80, v3, vm0, $0xb8;
	[tilespmem:$0x18400] =	vst v63  }
0x111: {  	s28 =	simm.s32 $0x17C00  }
0x112: {  	[tilespmem:s28], [sflag:$0x2] =	stream.indirect_vreg.gather [hbm4b:s11+s3], $0x80, v3, vm0, $0xb8;
	[tilespmem:$0x18400] =	vst v63  }
0x113: {  	_ =	swait.ge [sflag:s23], $0xC000  }
0x114: {  	[sflag:s23] =	ssyncset.done $0x0  }
0x115: {  	s1 =	simm.s32 $0x400;
	s28 =	rddreg [dreg:$0x5];
	[sflag:s23] =	ssyncadd.s32 $0xFFFF4000  }
0x116: {  	[hbm4b:s28+s3] =	stream.linear.scatter [tilespmem:s1], [sflag:$0x3], $0xC000, $0x38;
	[tilespmem:$0x18400] =	vst v63  }
0x117: {  	_ =	swait.ge [sflag:s24], $0xC000  }
0x118: {  	[sflag:s24] =	ssyncset.done $0x0  }
0x119: {  	[sflag:s24] =	ssyncadd.s32 $0xFFFF4000  }
0x11a: {  	v3 =	vld [tilespmem:$0x200];
	_ =	sdelay $0x4  }
0x11b: {  	v56 =	vshll.u32 v3, $0x4  }
0x11c: {  	v3 =	vand.u32 $0x7, v3;
	v4 =	vand.u32 $0xFFFFFF80, v56  }
0x11d: {  	v3 =	vor.u32 v3, v4  }
0x11e: {  	v4 =	vperm.xlane v3, v0;
	_ =	sdelay $0x1  }
0x11f: {  	v4 =	vadd.s32 v1, v4;
	_ =	sdelay $0x4  }
0x120: {  	[tilespmem:s1], [sflag:$0x1] =	stream.indirect_vreg.gather [hbm4b:s2+s3], $0x80, v4, vm0, $0xb8;
	[tilespmem:$0x18400] =	vst v63  }
0x121: {  	_ = 	snop  }
0x122: {  	[tilespmem:s18], [sflag:$0x1] =	stream.indirect_vreg.gather [hbm4b:s5+s3], $0x80, v4, vm0, $0xb8;
	[tilespmem:$0x18400] =	vst v63  }
0x123: {  	s28 =	simm.s32 $0x1400  }
0x124: {  	[tilespmem:s28], [sflag:$0x1] =	stream.indirect_vreg.gather [hbm4b:s6+s3], $0x80, v4, vm0, $0xb8;
	[tilespmem:$0x18400] =	vst v63  }
0x125: {  	_ = 	snop  }
0x126: {  	[tilespmem:s4], [sflag:$0x1] =	stream.indirect_vreg.gather [hbm4b:s7+s3], $0x80, v4, vm0, $0xb8;
	[tilespmem:$0x18400] =	vst v63  }
0x127: {  	s28 =	simm.s32 $0x2400  }
0x128: {  	[tilespmem:s28], [sflag:$0x1] =	stream.indirect_vreg.gather [hbm4b:s8+s3], $0x80, v4, vm0, $0xb8;
	[tilespmem:$0x18400] =	vst v63  }
0x129: {  	v3 =	vperm.xlane v3, v2;
	s28 =	simm.s32 $0x2C00  }
0x12a: {  	[tilespmem:s28], [sflag:$0x1] =	stream.indirect_vreg.gather [hbm4b:s9+s3], $0x80, v4, vm0, $0xb8;
	[tilespmem:$0x18400] =	vst v63  }
0x12b: {  	v3 =	vadd.s32 v1, v3  }
0x12c: {  	[tilespmem:s13], [sflag:$0x1] =	stream.indirect_vreg.gather [hbm4b:s10+s3], $0x80, v4, vm0, $0xb8;
	[tilespmem:$0x18400] =	vst v63  }
0x12d: {  	_ = 	snop  }
0x12e: {  	[tilespmem:s14], [sflag:$0x1] =	stream.indirect_vreg.gather [hbm4b:s11+s3], $0x80, v4, vm0, $0xb8;
	[tilespmem:$0x18400] =	vst v63  }
0x12f: {  	_ = 	snop  }
0x130: {  	[tilespmem:s15], [sflag:$0x1] =	stream.indirect_vreg.gather [hbm4b:s2+s3], $0x80, v3, vm0, $0xb8;
	[tilespmem:$0x18400] =	vst v63  }
0x131: {  	_ = 	snop  }
0x132: {  	[tilespmem:s16], [sflag:$0x1] =	stream.indirect_vreg.gather [hbm4b:s5+s3], $0x80, v3, vm0, $0xb8;
	[tilespmem:$0x18400] =	vst v63  }
0x133: {  	_ = 	snop  }
0x134: {  	[tilespmem:s17], [sflag:$0x1] =	stream.indirect_vreg.gather [hbm4b:s6+s3], $0x80, v3, vm0, $0xb8;
	[tilespmem:$0x18400] =	vst v63  }
0x135: {  	_ = 	snop  }
0x136: {  	[tilespmem:s20], [sflag:$0x1] =	stream.indirect_vreg.gather [hbm4b:s7+s3], $0x80, v3, vm0, $0xb8;
	[tilespmem:$0x18400] =	vst v63  }
0x137: {  	_ = 	snop  }
0x138: {  	[tilespmem:s30], [sflag:$0x1] =	stream.indirect_vreg.gather [hbm4b:s8+s3], $0x80, v3, vm0, $0xb8;
	[tilespmem:$0x18400] =	vst v63  }
0x139: {  	_ = 	snop  }
0x13a: {  	[tilespmem:s31], [sflag:$0x1] =	stream.indirect_vreg.gather [hbm4b:s9+s3], $0x80, v3, vm0, $0xb8;
	[tilespmem:$0x18400] =	vst v63  }
0x13b: {  	_ = 	snop  }
0x13c: {  	[tilespmem:s19], [sflag:$0x1] =	stream.indirect_vreg.gather [hbm4b:s10+s3], $0x80, v3, vm0, $0xb8;
	[tilespmem:$0x18400] =	vst v63  }
0x13d: {  	s28 =	simm.s32 $0x7C00  }
0x13e: {  	[tilespmem:s28], [sflag:$0x1] =	stream.indirect_vreg.gather [hbm4b:s11+s3], $0x80, v3, vm0, $0xb8;
	[tilespmem:$0x18400] =	vst v63  }
0x13f: {  	v3 =	vld.msk [tilespmem:$0x210], $0xff;
	_ =	sdelay $0x4  }
0x140: {  	v57 =	vshll.u32 v3, $0x4  }
0x141: {  	v3 =	vand.u32 $0x7, v3;
	v4 =	vand.u32 $0xFFFFFF80, v57  }
0x142: {  	v3 =	vor.u32 v3, v4  }
0x143: {  	v3 =	vperm.xlane v3, v0;
	_ =	sdelay $0x1  }
0x144: {  	v3 =	vadd.s32 v1, v3;
	_ =	sdelay $0x4  }
0x145: {  	[tilespmem:s21], [sflag:$0x1] =	stream.indirect_vreg.gather [hbm4b:s2+s3], $0x80, v3, vm0, $0xb8;
	[tilespmem:$0x18400] =	vst v63  }
0x146: {  	_ = 	snop  }
0x147: {  	[tilespmem:s22], [sflag:$0x1] =	stream.indirect_vreg.gather [hbm4b:s5+s3], $0x80, v3, vm0, $0xb8;
	[tilespmem:$0x18400] =	vst v63  }
0x148: {  	_ = 	snop  }
0x149: {  	[tilespmem:s29], [sflag:$0x1] =	stream.indirect_vreg.gather [hbm4b:s6+s3], $0x80, v3, vm0, $0xb8;
	[tilespmem:$0x18400] =	vst v63  }
0x14a: {  	s1 =	simm.s32 $0x9C00  }
0x14b: {  	[tilespmem:s1], [sflag:$0x1] =	stream.indirect_vreg.gather [hbm4b:s7+s3], $0x80, v3, vm0, $0xb8;
	[tilespmem:$0x18400] =	vst v63  }
0x14c: {  	s1 =	simm.s32 $0xA400  }
0x14d: {  	[tilespmem:s1], [sflag:$0x1] =	stream.indirect_vreg.gather [hbm4b:s8+s3], $0x80, v3, vm0, $0xb8;
	[tilespmem:$0x18400] =	vst v63  }
0x14e: {  	s1 =	simm.s32 $0xAC00  }
0x14f: {  	[tilespmem:s1], [sflag:$0x1] =	stream.indirect_vreg.gather [hbm4b:s9+s3], $0x80, v3, vm0, $0xb8;
	[tilespmem:$0x18400] =	vst v63  }
0x150: {  	s1 =	simm.s32 $0xB400  }
0x151: {  	[tilespmem:s1], [sflag:$0x1] =	stream.indirect_vreg.gather [hbm4b:s10+s3], $0x80, v3, vm0, $0xb8;
	[tilespmem:$0x18400] =	vst v63  }
0x152: {  	s1 =	simm.s32 $0xBC00  }
0x153: {  	[tilespmem:s1], [sflag:$0x1] =	stream.indirect_vreg.gather [hbm4b:s11+s3], $0x80, v3, vm0, $0xb8;
	[tilespmem:$0x18400] =	vst v63  }
0x154: {  	_ =	swait.ge [sflag:s25], $0xC000  }
0x155: {  	[sflag:s25] =	ssyncset.done $0x0  }
0x156: {  	s1 =	rddreg [dreg:$0x6];
	[sflag:s25] =	ssyncadd.s32 $0xFFFF4000  }
0x157: {  	[hbm4b:s1+s3] =	stream.linear.scatter [tilespmem:s0], [sflag:$0x4], $0xC000, $0x38;
	[tilespmem:$0x18400] =	vst v63  }
0x158: {  	_ =	swait.ge [sflag:s26], $0xC000  }
0x159: {  	[sflag:s26] =	ssyncset.done $0x0  }
0x15a: {  	[sflag:s26] =	ssyncadd.s32 $0xFFFF4000  }
0x15b: {  	v3 =	vld [tilespmem:$0x280];
	_ =	sdelay $0x4  }
0x15c: {  	v58 =	vshll.u32 v3, $0x4  }
0x15d: {  	v3 =	vand.u32 $0x7, v3;
	v4 =	vand.u32 $0xFFFFFF80, v58  }
0x15e: {  	v3 =	vor.u32 v3, v4  }
0x15f: {  	v4 =	vperm.xlane v3, v0;
	_ =	sdelay $0x1  }
0x160: {  	v4 =	vadd.s32 v1, v4;
	_ =	sdelay $0x4  }
0x161: {  	[tilespmem:s0], [sflag:$0x2] =	stream.indirect_vreg.gather [hbm4b:s2+s3], $0x80, v4, vm0, $0xb8;
	[tilespmem:$0x18400] =	vst v63  }
0x162: {  	s28 =	simm.s32 $0xCC00  }
0x163: {  	[tilespmem:s28], [sflag:$0x2] =	stream.indirect_vreg.gather [hbm4b:s5+s3], $0x80, v4, vm0, $0xb8;
	[tilespmem:$0x18400] =	vst v63  }
0x164: {  	s28 =	simm.s32 $0xD400  }
0x165: {  	[tilespmem:s28], [sflag:$0x2] =	stream.indirect_vreg.gather [hbm4b:s6+s3], $0x80, v4, vm0, $0xb8;
	[tilespmem:$0x18400] =	vst v63  }
0x166: {  	s28 =	simm.s32 $0xDC00  }
0x167: {  	[tilespmem:s28], [sflag:$0x2] =	stream.indirect_vreg.gather [hbm4b:s7+s3], $0x80, v4, vm0, $0xb8;
	[tilespmem:$0x18400] =	vst v63  }
0x168: {  	s28 =	simm.s32 $0xE400  }
0x169: {  	[tilespmem:s28], [sflag:$0x2] =	stream.indirect_vreg.gather [hbm4b:s8+s3], $0x80, v4, vm0, $0xb8;
	[tilespmem:$0x18400] =	vst v63  }
0x16a: {  	v3 =	vperm.xlane v3, v2;
	s28 =	simm.s32 $0xEC00  }
0x16b: {  	[tilespmem:s28], [sflag:$0x2] =	stream.indirect_vreg.gather [hbm4b:s9+s3], $0x80, v4, vm0, $0xb8;
	[tilespmem:$0x18400] =	vst v63  }
0x16c: {  	v3 =	vadd.s32 v1, v3;
	s28 =	simm.s32 $0xF400  }
0x16d: {  	[tilespmem:s28], [sflag:$0x2] =	stream.indirect_vreg.gather [hbm4b:s10+s3], $0x80, v4, vm0, $0xb8;
	[tilespmem:$0x18400] =	vst v63  }
0x16e: {  	s28 =	simm.s32 $0xFC00  }
0x16f: {  	[tilespmem:s28], [sflag:$0x2] =	stream.indirect_vreg.gather [hbm4b:s11+s3], $0x80, v4, vm0, $0xb8;
	[tilespmem:$0x18400] =	vst v63  }
0x170: {  	s28 =	simm.s32 $0x10400  }
0x171: {  	[tilespmem:s28], [sflag:$0x2] =	stream.indirect_vreg.gather [hbm4b:s2+s3], $0x80, v3, vm0, $0xb8;
	[tilespmem:$0x18400] =	vst v63  }
0x172: {  	s28 =	simm.s32 $0x10C00  }
0x173: {  	[tilespmem:s28], [sflag:$0x2] =	stream.indirect_vreg.gather [hbm4b:s5+s3], $0x80, v3, vm0, $0xb8;
	[tilespmem:$0x18400] =	vst v63  }
0x174: {  	s28 =	simm.s32 $0x11400  }
0x175: {  	[tilespmem:s28], [sflag:$0x2] =	stream.indirect_vreg.gather [hbm4b:s6+s3], $0x80, v3, vm0, $0xb8;
	[tilespmem:$0x18400] =	vst v63  }
0x176: {  	s28 =	simm.s32 $0x11C00  }
0x177: {  	[tilespmem:s28], [sflag:$0x2] =	stream.indirect_vreg.gather [hbm4b:s7+s3], $0x80, v3, vm0, $0xb8;
	[tilespmem:$0x18400] =	vst v63  }
0x178: {  	s28 =	simm.s32 $0x12400  }
0x179: {  	[tilespmem:s28], [sflag:$0x2] =	stream.indirect_vreg.gather [hbm4b:s8+s3], $0x80, v3, vm0, $0xb8;
	[tilespmem:$0x18400] =	vst v63  }
0x17a: {  	s28 =	simm.s32 $0x12C00  }
0x17b: {  	[tilespmem:s28], [sflag:$0x2] =	stream.indirect_vreg.gather [hbm4b:s9+s3], $0x80, v3, vm0, $0xb8;
	[tilespmem:$0x18400] =	vst v63  }
0x17c: {  	s28 =	simm.s32 $0x13400  }
0x17d: {  	[tilespmem:s28], [sflag:$0x2] =	stream.indirect_vreg.gather [hbm4b:s10+s3], $0x80, v3, vm0, $0xb8;
	[tilespmem:$0x18400] =	vst v63  }
0x17e: {  	s28 =	simm.s32 $0x13C00  }
0x17f: {  	[tilespmem:s28], [sflag:$0x2] =	stream.indirect_vreg.gather [hbm4b:s11+s3], $0x80, v3, vm0, $0xb8;
	[tilespmem:$0x18400] =	vst v63  }
0x180: {  	v3 =	vld.msk [tilespmem:$0x290], $0xff;
	_ =	sdelay $0x4  }
0x181: {  	v59 =	vshll.u32 v3, $0x4  }
0x182: {  	v3 =	vand.u32 $0x7, v3;
	v4 =	vand.u32 $0xFFFFFF80, v59  }
0x183: {  	v3 =	vor.u32 v3, v4  }
0x184: {  	v3 =	vperm.xlane v3, v0;
	_ =	sdelay $0x1  }
0x185: {  	v3 =	vadd.s32 v1, v3;
	_ =	sdelay $0x3  }
0x186: {  	s28 =	simm.s32 $0x14400  }
0x187: {  	[tilespmem:s28], [sflag:$0x2] =	stream.indirect_vreg.gather [hbm4b:s2+s3], $0x80, v3, vm0, $0xb8;
	[tilespmem:$0x18400] =	vst v63  }
0x188: {  	s28 =	simm.s32 $0x14C00  }
0x189: {  	[tilespmem:s28], [sflag:$0x2] =	stream.indirect_vreg.gather [hbm4b:s5+s3], $0x80, v3, vm0, $0xb8;
	[tilespmem:$0x18400] =	vst v63  }
0x18a: {  	s28 =	simm.s32 $0x15400  }
0x18b: {  	[tilespmem:s28], [sflag:$0x2] =	stream.indirect_vreg.gather [hbm4b:s6+s3], $0x80, v3, vm0, $0xb8;
	[tilespmem:$0x18400] =	vst v63  }
0x18c: {  	s28 =	simm.s32 $0x15C00  }
0x18d: {  	[tilespmem:s28], [sflag:$0x2] =	stream.indirect_vreg.gather [hbm4b:s7+s3], $0x80, v3, vm0, $0xb8;
	[tilespmem:$0x18400] =	vst v63  }
0x18e: {  	s28 =	simm.s32 $0x16400  }
0x18f: {  	[tilespmem:s28], [sflag:$0x2] =	stream.indirect_vreg.gather [hbm4b:s8+s3], $0x80, v3, vm0, $0xb8;
	[tilespmem:$0x18400] =	vst v63  }
0x190: {  	s28 =	simm.s32 $0x16C00  }
0x191: {  	[tilespmem:s28], [sflag:$0x2] =	stream.indirect_vreg.gather [hbm4b:s9+s3], $0x80, v3, vm0, $0xb8;
	[tilespmem:$0x18400] =	vst v63  }
0x192: {  	s28 =	simm.s32 $0x17400  }
0x193: {  	[tilespmem:s28], [sflag:$0x2] =	stream.indirect_vreg.gather [hbm4b:s10+s3], $0x80, v3, vm0, $0xb8;
	[tilespmem:$0x18400] =	vst v63  }
0x194: {  	s28 =	simm.s32 $0x17C00  }
0x195: {  	[tilespmem:s28], [sflag:$0x2] =	stream.indirect_vreg.gather [hbm4b:s11+s3], $0x80, v3, vm0, $0xb8;
	[tilespmem:$0x18400] =	vst v63  }
0x196: {  	_ =	swait.ge [sflag:s23], $0xC000  }
0x197: {  	[sflag:s23] =	ssyncset.done $0x0  }
0x198: {  	s1 =	simm.s32 $0x400;
	s28 =	rddreg [dreg:$0x7];
	[sflag:s23] =	ssyncadd.s32 $0xFFFF4000  }
0x199: {  	[hbm4b:s28+s3] =	stream.linear.scatter [tilespmem:s1], [sflag:$0x3], $0xC000, $0x38;
	[tilespmem:$0x18400] =	vst v63  }
0x19a: {  	_ =	swait.ge [sflag:s24], $0xC000  }
0x19b: {  	[sflag:s24] =	ssyncset.done $0x0  }
0x19c: {  	[sflag:s24] =	ssyncadd.s32 $0xFFFF4000  }
0x19d: {  	v3 =	vld [tilespmem:$0x300];
	_ =	sdelay $0x4  }
0x19e: {  	v60 =	vshll.u32 v3, $0x4  }
0x19f: {  	v3 =	vand.u32 $0x7, v3;
	v4 =	vand.u32 $0xFFFFFF80, v60  }
0x1a0: {  	v3 =	vor.u32 v3, v4  }
0x1a1: {  	v4 =	vperm.xlane v3, v0;
	_ =	sdelay $0x1  }
0x1a2: {  	v4 =	vadd.s32 v1, v4;
	_ =	sdelay $0x4  }
0x1a3: {  	[tilespmem:s1], [sflag:$0x1] =	stream.indirect_vreg.gather [hbm4b:s2+s3], $0x80, v4, vm0, $0xb8;
	[tilespmem:$0x18400] =	vst v63  }
0x1a4: {  	s18 =	simm.s32 $0xC00  }
0x1a5: {  	[tilespmem:s18], [sflag:$0x1] =	stream.indirect_vreg.gather [hbm4b:s5+s3], $0x80, v4, vm0, $0xb8;
	[tilespmem:$0x18400] =	vst v63  }
0x1a6: {  	s28 =	simm.s32 $0x1400  }
0x1a7: {  	[tilespmem:s28], [sflag:$0x1] =	stream.indirect_vreg.gather [hbm4b:s6+s3], $0x80, v4, vm0, $0xb8;
	[tilespmem:$0x18400] =	vst v63  }
0x1a8: {  	s4 =	simm.s32 $0x1C00  }
0x1a9: {  	[tilespmem:s4], [sflag:$0x1] =	stream.indirect_vreg.gather [hbm4b:s7+s3], $0x80, v4, vm0, $0xb8;
	[tilespmem:$0x18400] =	vst v63  }
0x1aa: {  	s28 =	simm.s32 $0x2400  }
0x1ab: {  	[tilespmem:s28], [sflag:$0x1] =	stream.indirect_vreg.gather [hbm4b:s8+s3], $0x80, v4, vm0, $0xb8;
	[tilespmem:$0x18400] =	vst v63  }
0x1ac: {  	v3 =	vperm.xlane v3, v2;
	s18 =	simm.s32 $0x2C00  }
0x1ad: {  	[tilespmem:s18], [sflag:$0x1] =	stream.indirect_vreg.gather [hbm4b:s9+s3], $0x80, v4, vm0, $0xb8;
	[tilespmem:$0x18400] =	vst v63  }
0x1ae: {  	s13 =	simm.s32 $0x3400;
	v3 =	vadd.s32 v1, v3  }
0x1af: {  	[tilespmem:s13], [sflag:$0x1] =	stream.indirect_vreg.gather [hbm4b:s10+s3], $0x80, v4, vm0, $0xb8;
	[tilespmem:$0x18400] =	vst v63  }
0x1b0: {  	s14 =	simm.s32 $0x3C00  }
0x1b1: {  	[tilespmem:s14], [sflag:$0x1] =	stream.indirect_vreg.gather [hbm4b:s11+s3], $0x80, v4, vm0, $0xb8;
	[tilespmem:$0x18400] =	vst v63  }
0x1b2: {  	s15 =	simm.s32 $0x4400  }
0x1b3: {  	[tilespmem:s15], [sflag:$0x1] =	stream.indirect_vreg.gather [hbm4b:s2+s3], $0x80, v3, vm0, $0xb8;
	[tilespmem:$0x18400] =	vst v63  }
0x1b4: {  	s16 =	simm.s32 $0x4C00  }
0x1b5: {  	[tilespmem:s16], [sflag:$0x1] =	stream.indirect_vreg.gather [hbm4b:s5+s3], $0x80, v3, vm0, $0xb8;
	[tilespmem:$0x18400] =	vst v63  }
0x1b6: {  	s17 =	simm.s32 $0x5400  }
0x1b7: {  	[tilespmem:s17], [sflag:$0x1] =	stream.indirect_vreg.gather [hbm4b:s6+s3], $0x80, v3, vm0, $0xb8;
	[tilespmem:$0x18400] =	vst v63  }
0x1b8: {  	s20 =	simm.s32 $0x5C00  }
0x1b9: {  	[tilespmem:s20], [sflag:$0x1] =	stream.indirect_vreg.gather [hbm4b:s7+s3], $0x80, v3, vm0, $0xb8;
	[tilespmem:$0x18400] =	vst v63  }
0x1ba: {  	s30 =	simm.s32 $0x6400  }
0x1bb: {  	[tilespmem:s30], [sflag:$0x1] =	stream.indirect_vreg.gather [hbm4b:s8+s3], $0x80, v3, vm0, $0xb8;
	[tilespmem:$0x18400] =	vst v63  }
0x1bc: {  	s31 =	simm.s32 $0x6C00  }
0x1bd: {  	[tilespmem:s31], [sflag:$0x1] =	stream.indirect_vreg.gather [hbm4b:s9+s3], $0x80, v3, vm0, $0xb8;
	[tilespmem:$0x18400] =	vst v63  }
0x1be: {  	s19 =	simm.s32 $0x7400  }
0x1bf: {  	[tilespmem:s19], [sflag:$0x1] =	stream.indirect_vreg.gather [hbm4b:s10+s3], $0x80, v3, vm0, $0xb8;
	[tilespmem:$0x18400] =	vst v63  }
0x1c0: {  	s28 =	simm.s32 $0x7C00  }
0x1c1: {  	[tilespmem:s28], [sflag:$0x1] =	stream.indirect_vreg.gather [hbm4b:s11+s3], $0x80, v3, vm0, $0xb8;
	[tilespmem:$0x18400] =	vst v63  }
0x1c2: {  	v3 =	vld.msk [tilespmem:$0x310], $0xff;
	_ =	sdelay $0x4  }
0x1c3: {  	v61 =	vshll.u32 v3, $0x4  }
0x1c4: {  	v3 =	vand.u32 $0x7, v3;
	v4 =	vand.u32 $0xFFFFFF80, v61  }
0x1c5: {  	v3 =	vor.u32 v3, v4  }
0x1c6: {  	v3 =	vperm.xlane v3, v0;
	_ =	sdelay $0x1  }
0x1c7: {  	v3 =	vadd.s32 v1, v3;
	_ =	sdelay $0x3  }
0x1c8: {  	s21 =	simm.s32 $0x8400  }
0x1c9: {  	[tilespmem:s21], [sflag:$0x1] =	stream.indirect_vreg.gather [hbm4b:s2+s3], $0x80, v3, vm0, $0xb8;
	[tilespmem:$0x18400] =	vst v63  }
0x1ca: {  	s22 =	simm.s32 $0x8C00  }
0x1cb: {  	[tilespmem:s22], [sflag:$0x1] =	stream.indirect_vreg.gather [hbm4b:s5+s3], $0x80, v3, vm0, $0xb8;
	[tilespmem:$0x18400] =	vst v63  }
0x1cc: {  	s29 =	simm.s32 $0x9400  }
0x1cd: {  	[tilespmem:s29], [sflag:$0x1] =	stream.indirect_vreg.gather [hbm4b:s6+s3], $0x80, v3, vm0, $0xb8;
	[tilespmem:$0x18400] =	vst v63  }
0x1ce: {  	s29 =	simm.s32 $0x9C00  }
0x1cf: {  	[tilespmem:s29], [sflag:$0x1] =	stream.indirect_vreg.gather [hbm4b:s7+s3], $0x80, v3, vm0, $0xb8;
	[tilespmem:$0x18400] =	vst v63  }
0x1d0: {  	s30 =	simm.s32 $0xA400  }
0x1d1: {  	[tilespmem:s30], [sflag:$0x1] =	stream.indirect_vreg.gather [hbm4b:s8+s3], $0x80, v3, vm0, $0xb8;
	[tilespmem:$0x18400] =	vst v63  }
0x1d2: {  	s31 =	simm.s32 $0xAC00  }
0x1d3: {  	[tilespmem:s31], [sflag:$0x1] =	stream.indirect_vreg.gather [hbm4b:s9+s3], $0x80, v3, vm0, $0xb8;
	[tilespmem:$0x18400] =	vst v63  }
0x1d4: {  	s13 =	simm.s32 $0xB400  }
0x1d5: {  	[tilespmem:s13], [sflag:$0x1] =	stream.indirect_vreg.gather [hbm4b:s10+s3], $0x80, v3, vm0, $0xb8;
	[tilespmem:$0x18400] =	vst v63  }
0x1d6: {  	s14 =	simm.s32 $0xBC00  }
0x1d7: {  	[tilespmem:s14], [sflag:$0x1] =	stream.indirect_vreg.gather [hbm4b:s11+s3], $0x80, v3, vm0, $0xb8;
	[tilespmem:$0x18400] =	vst v63  }
0x1d8: {  	_ =	swait.ge [sflag:s25], $0xC000  }
0x1d9: {  	[sflag:s25] =	ssyncset.done $0x0  }
0x1da: {  	s15 =	rddreg [dreg:$0x8];
	[sflag:s25] =	ssyncadd.s32 $0xFFFF4000  }
0x1db: {  	[hbm4b:s15+s3] =	stream.linear.scatter [tilespmem:s0], [sflag:$0x4], $0xC000, $0x38;
	[tilespmem:$0x18400] =	vst v63  }
0x1dc: {  	_ =	swait.ge [sflag:s26], $0xC000  }
0x1dd: {  	[sflag:s26] =	ssyncset.done $0x0  }
0x1de: {  	[sflag:s26] =	ssyncadd.s32 $0xFFFF4000  }
0x1df: {  	v3 =	vld [tilespmem:$0x380];
	_ =	sdelay $0x4  }
0x1e0: {  	v62 =	vshll.u32 v3, $0x4  }
0x1e1: {  	v3 =	vand.u32 $0x7, v3;
	v4 =	vand.u32 $0xFFFFFF80, v62  }
0x1e2: {  	v3 =	vor.u32 v3, v4  }
0x1e3: {  	v4 =	vperm.xlane v3, v0;
	_ =	sdelay $0x1  }
0x1e4: {  	v4 =	vadd.s32 v1, v4;
	_ =	sdelay $0x4  }
0x1e5: {  	[tilespmem:s0], [sflag:$0x2] =	stream.indirect_vreg.gather [hbm4b:s2+s3], $0x80, v4, vm0, $0xb8;
	[tilespmem:$0x18400] =	vst v63  }
0x1e6: {  	s16 =	simm.s32 $0xCC00  }
0x1e7: {  	[tilespmem:s16], [sflag:$0x2] =	stream.indirect_vreg.gather [hbm4b:s5+s3], $0x80, v4, vm0, $0xb8;
	[tilespmem:$0x18400] =	vst v63  }
0x1e8: {  	s17 =	simm.s32 $0xD400  }
0x1e9: {  	[tilespmem:s17], [sflag:$0x2] =	stream.indirect_vreg.gather [hbm4b:s6+s3], $0x80, v4, vm0, $0xb8;
	[tilespmem:$0x18400] =	vst v63  }
0x1ea: {  	s18 =	simm.s32 $0xDC00  }
0x1eb: {  	[tilespmem:s18], [sflag:$0x2] =	stream.indirect_vreg.gather [hbm4b:s7+s3], $0x80, v4, vm0, $0xb8;
	[tilespmem:$0x18400] =	vst v63  }
0x1ec: {  	s19 =	simm.s32 $0xE400  }
0x1ed: {  	[tilespmem:s19], [sflag:$0x2] =	stream.indirect_vreg.gather [hbm4b:s8+s3], $0x80, v4, vm0, $0xb8;
	[tilespmem:$0x18400] =	vst v63  }
0x1ee: {  	s20 =	simm.s32 $0xEC00;
	v3 =	vperm.xlane v3, v2  }
0x1ef: {  	[tilespmem:s20], [sflag:$0x2] =	stream.indirect_vreg.gather [hbm4b:s9+s3], $0x80, v4, vm0, $0xb8;
	[tilespmem:$0x18400] =	vst v63  }
0x1f0: {  	s21 =	simm.s32 $0xF400;
	v3 =	vadd.s32 v1, v3  }
0x1f1: {  	[tilespmem:s21], [sflag:$0x2] =	stream.indirect_vreg.gather [hbm4b:s10+s3], $0x80, v4, vm0, $0xb8;
	[tilespmem:$0x18400] =	vst v63  }
0x1f2: {  	s22 =	simm.s32 $0xFC00  }
0x1f3: {  	[tilespmem:s22], [sflag:$0x2] =	stream.indirect_vreg.gather [hbm4b:s11+s3], $0x80, v4, vm0, $0xb8;
	[tilespmem:$0x18400] =	vst v63  }
0x1f4: {  	s28 =	simm.s32 $0x10400  }
0x1f5: {  	[tilespmem:s28], [sflag:$0x2] =	stream.indirect_vreg.gather [hbm4b:s2+s3], $0x80, v3, vm0, $0xb8;
	[tilespmem:$0x18400] =	vst v63  }
0x1f6: {  	s29 =	simm.s32 $0x10C00  }
0x1f7: {  	[tilespmem:s29], [sflag:$0x2] =	stream.indirect_vreg.gather [hbm4b:s5+s3], $0x80, v3, vm0, $0xb8;
	[tilespmem:$0x18400] =	vst v63  }
0x1f8: {  	s30 =	simm.s32 $0x11400  }
0x1f9: {  	[tilespmem:s30], [sflag:$0x2] =	stream.indirect_vreg.gather [hbm4b:s6+s3], $0x80, v3, vm0, $0xb8;
	[tilespmem:$0x18400] =	vst v63  }
0x1fa: {  	s31 =	simm.s32 $0x11C00  }
0x1fb: {  	[tilespmem:s31], [sflag:$0x2] =	stream.indirect_vreg.gather [hbm4b:s7+s3], $0x80, v3, vm0, $0xb8;
	[tilespmem:$0x18400] =	vst v63  }
0x1fc: {  	s13 =	simm.s32 $0x12400  }
0x1fd: {  	[tilespmem:s13], [sflag:$0x2] =	stream.indirect_vreg.gather [hbm4b:s8+s3], $0x80, v3, vm0, $0xb8;
	[tilespmem:$0x18400] =	vst v63  }
0x1fe: {  	s14 =	simm.s32 $0x12C00  }
0x1ff: {  	[tilespmem:s14], [sflag:$0x2] =	stream.indirect_vreg.gather [hbm4b:s9+s3], $0x80, v3, vm0, $0xb8;
	[tilespmem:$0x18400] =	vst v63  }
0x200: {  	s15 =	simm.s32 $0x13400  }
0x201: {  	[tilespmem:s15], [sflag:$0x2] =	stream.indirect_vreg.gather [hbm4b:s10+s3], $0x80, v3, vm0, $0xb8;
	[tilespmem:$0x18400] =	vst v63  }
0x202: {  	s16 =	simm.s32 $0x13C00  }
0x203: {  	[tilespmem:s16], [sflag:$0x2] =	stream.indirect_vreg.gather [hbm4b:s11+s3], $0x80, v3, vm0, $0xb8;
	[tilespmem:$0x18400] =	vst v63  }
0x204: {  	v3 =	vld.msk [tilespmem:$0x390], $0xff;
	_ =	sdelay $0x4  }
0x205: {  	v63 =	vshll.u32 v3, $0x4  }
0x206: {  	v3 =	vand.u32 $0x7, v3;
	v4 =	vand.u32 $0xFFFFFF80, v63  }
0x207: {  	v3 =	vor.u32 v3, v4  }
0x208: {  	v3 =	vperm.xlane v3, v0;
	_ =	sdelay $0x1  }
0x209: {  	v3 =	vadd.s32 v1, v3;
	_ =	sdelay $0x3  }
0x20a: {  	s17 =	simm.s32 $0x14400  }
0x20b: {  	[tilespmem:s17], [sflag:$0x2] =	stream.indirect_vreg.gather [hbm4b:s2+s3], $0x80, v3, vm0, $0xb8;
	[tilespmem:$0x18400] =	vst v63  }
0x20c: {  	s18 =	simm.s32 $0x14C00  }
0x20d: {  	[tilespmem:s18], [sflag:$0x2] =	stream.indirect_vreg.gather [hbm4b:s5+s3], $0x80, v3, vm0, $0xb8;
	[tilespmem:$0x18400] =	vst v63  }
0x20e: {  	s19 =	simm.s32 $0x15400  }
0x20f: {  	[tilespmem:s19], [sflag:$0x2] =	stream.indirect_vreg.gather [hbm4b:s6+s3], $0x80, v3, vm0, $0xb8;
	[tilespmem:$0x18400] =	vst v63  }
0x210: {  	s20 =	simm.s32 $0x15C00  }
0x211: {  	[tilespmem:s20], [sflag:$0x2] =	stream.indirect_vreg.gather [hbm4b:s7+s3], $0x80, v3, vm0, $0xb8;
	[tilespmem:$0x18400] =	vst v63  }
0x212: {  	s21 =	simm.s32 $0x16400  }
0x213: {  	[tilespmem:s21], [sflag:$0x2] =	stream.indirect_vreg.gather [hbm4b:s8+s3], $0x80, v3, vm0, $0xb8;
	[tilespmem:$0x18400] =	vst v63  }
0x214: {  	s22 =	simm.s32 $0x16C00  }
0x215: {  	[tilespmem:s22], [sflag:$0x2] =	stream.indirect_vreg.gather [hbm4b:s9+s3], $0x80, v3, vm0, $0xb8;
	[tilespmem:$0x18400] =	vst v63  }
0x216: {  	s28 =	simm.s32 $0x17400  }
0x217: {  	[tilespmem:s28], [sflag:$0x2] =	stream.indirect_vreg.gather [hbm4b:s10+s3], $0x80, v3, vm0, $0xb8;
	[tilespmem:$0x18400] =	vst v63  }
0x218: {  	s29 =	simm.s32 $0x17C00  }
0x219: {  	[tilespmem:s29], [sflag:$0x2] =	stream.indirect_vreg.gather [hbm4b:s11+s3], $0x80, v3, vm0, $0xb8;
	[tilespmem:$0x18400] =	vst v63  }
0x21a: {  	_ =	swait.ge [sflag:s23], $0xC000  }
0x21b: {  	[sflag:s23] =	ssyncset.done $0x0  }
0x21c: {  	s1 =	simm.s32 $0x400;
	s30 =	rddreg [dreg:$0x9];
	[sflag:s23] =	ssyncadd.s32 $0xFFFF4000  }
0x21d: {  	[hbm4b:s30+s3] =	stream.linear.scatter [tilespmem:s1], [sflag:$0x3], $0xC000, $0x38;
	[tilespmem:$0x18400] =	vst v63  }
0x21e: {  	_ =	swait.ge [sflag:s25], $0xC000  }
0x21f: {  	[sflag:s25] =	ssyncset.done $0x0  }
0x220: {  	s31 =	rddreg [dreg:$0xa];
	[sflag:s25] =	ssyncadd.s32 $0xFFFF4000  }
0x221: {  	[hbm4b:s31+s3] =	stream.linear.scatter [tilespmem:s0], [sflag:$0x4], $0xC000, $0x38;
	[tilespmem:$0x18400] =	vst v63  }
0x222: {  	p0 =	sne.s32 s12, $0x1;
	_ =	swait.ge [sflag:s24], $0xC000  }
.Ltmp0:
0x223: {  	[sflag:s24] =	ssyncset.done $0x0;
	(pc) =	sbr.rel @p0 .LBB2_1-.Ltmp0, $4  }
0x224: {  	[sflag:s24] =	ssyncadd.s32 $0xFFFF4000  }
0x225: {  	_ =	swait.ge [sflag:s26], $0xC000  }
0x226: {  	[sflag:s26] =	ssyncset.done $0x0  }
0x227: {  	s12 =	sadd.s32 $0xFFFFFFFF, s12;
	[sflag:s26] =	ssyncadd.s32 $0xFFFF4000  }
0x228: {  	_ =	sfence.sel $0x180000  }
0x229: {  	[bflag:$0x0] =	sbarrier.arrive $0xFFFF  }
0x22a: {  	_ =	strace $0x90000047  }
0x22b: {  	s0 =	stileid.u32;
	[bflag:$0x2] =	sbarrier.arrive $0xFFFF  }
0x22c: {  	p0 =	sne.s32 s0, $0x0;
	s0 =	rddreg [dreg:$0x2]  }
0x22d: {  	s0 =	sadd.s32 @!p0 $0x100000, s0  }
0x22e: {  	[sflag:s0] =	ssyncadd.tile.s32 @!p0 $0x1;
	_ =	shalt  }
.Lfunc_end2:
_tile_overlayer_lowered:
.L_overlay_start_2:
0x22f: {  	(tag) =	ssettag $0x2  }
0x230: {  	s0 =	rddreg [dreg:$0x0];
	s2 =	stileid.u32  }
0x231: {  	s1 =	rddreg [dreg:$0x1];
	p0 =	sne.s32 s2, $0x0  }
0x232: {  	s3 =	rddreg [dreg:$0x2];
	[bflag:$0x3] =	sbarrier.arrive $0xFFFF;
	s2 =	simm.s32 @!p0 $0x1C05  }
0x233: {  	[timem:s3], [sflag:s2] =	dma.local @!p0 [hbm:s0], s1  }
0x234: {  	s0 =	simm.s32 @!p0 $0x5  }
0x235: {  	_ =	swait.ge @!p0 [sflag:s0], s1  }
0x236: {  	s1 =	ssub.s32 @!p0 $0x0, s1;
	[sflag:s0] =	ssyncset.done @!p0 $0x0  }
0x237: {  	[sflag:s0] =	ssyncadd.s32 @!p0 s1  }
0x238: {  	[bflag:$0x3] =	sbarrier.arrive $0xFFFF  }
0x239: {  	_ =	shalt  }

// kernel: kernel.14.cloned.1.call-start
scs
__scs_entry_jumppad:
0x0: {  	(pc) =	sbr.rel $0x88, $3  }
0x1: {  	(tag) =	ssettag $0x0;
	lr =	simm.s32 $0x1  }
0x2: {  	[smem:$0x3F94] =	sst lr;
	_ =	strace $0xD0000000  }
0x3: {  	_ = 	snop  }
0x4: {  	_ = 	snop  }
0x5: {  	_ = 	snop  }
0x6: {  	_ = 	snop  }
0x7: {  	_ = 	snop  }
__scs_overlays_trampoline_lowered:
0x8: {  	[smem:$0x3FA3] =	sst s0  }
0x9: {  	[smem:$0x3FA4] =	sst s1  }
0xa: {  	[smem:$0x3FA5] =	sst s2  }
0xb: {  	[smem:$0x3FA6] =	sst s3  }
0xc: {  	[smem:$0x3FA7] =	sst s4  }
0xd: {  	[smem:$0x3FA8] =	sst s5  }
0xe: {  	[smem:$0x3FA9] =	sst s6  }
0xf: {  	[smem:$0x3FAA] =	sst s7  }
0x10: {  	[smem:$0x3FAB] =	sst s8  }
0x11: {  	[smem:$0x3FAC] =	sst s9;
	s0 =	simm.s32 @!p0 $0x0  }
0x12: {  	s1 =	sld [smem:$0x3F92];
	s0 =	simm.s32 @p0 $0x1  }
0x13: {  	[smem:$0x3FAD] =	sst s0;
	s0 =	simm.s32 @!p1 $0x0  }
0x14: {  	s2 =	sld [smem:$0x3F91];
	s0 =	simm.s32 @p1 $0x1  }
0x15: {  	[smem:$0x3FAE] =	sst s0;
	s0 =	simm.s32 @!p2 $0x0  }
0x16: {  	s3 =	sld [smem:$0x3FDB];
	s0 =	simm.s32 @p2 $0x1  }
0x17: {  	s4 =	simm.s32 $0x1BF5;
	[smem:$0x3FB0] =	sst s0  }
0x18: {  	s0 =	sld [smem:$0x3F93];
	_ =	swait.ge [sflag:s4], $0x0  }
0x19: {  	s7 =	sld [smem:$0x3F94]  }
0x1a: {  	s8 =	sadd.s32 $0xFFFFE003, lr  }
0x1b: {  	s9 =	sadd.s32 $0xFFFFFEF7, lr;
	s5 =	simm.s32 $0xFFFFFFFF;
	p2 =	slt.u32 s8, $0xFFFFF086  }
0x1c: {  	p1 =	slt.u32 s9, $0xF7A;
	s5 =	simm.s32 @!p2 $0x0  }
0x1d: {  	s5 =	simm.s32 @p1 $0x1;
	p0 =	seq.s32 s7, s2  }
0x1e: {  	s7 =	smul.u32 @!p0 $0xF7A, s2;
	p2 =	seq.s32 @!p0 s5, $0x0  }
0x1f: {  	s9 =	smul.u32 $0xF7A, s1;
	s8 =	simm.s32 @!p0 $0x1BF5;
	p2 =	por !p2, p0  }
0x20: {  	[sflag:s8] =	ssyncset.s32 @!p0 $0xFFFFF086;
	s6 =	sadd.s32 @!p0 s3, s7;
	s7 =	simm.s32 @!p0 $0x108  }
0x21: {  	s3 =	sadd.s32 s3, s9;
	s6 =	sadd.s32 @!p0 $0x88, s6;
	s7 =	simm.s32 @p2 $0x1082  }
0x22: {  	[simem:s7], [sflag:s8] =	dma.local @!p0 [hbm:s6], $0xF7A  }
0x23: {  	s9 =	sor.u32 $0xD0000000, s2;
	s6 =	simm.s32 $0x108;
	_ =	swait.ge @!p0 [sflag:s8], $0x0  }
0x24: {  	s3 =	sadd.s32 $0x88, s3;
	s6 =	simm.s32 @!p1 $0x1082;
	[sflag:s4] =	ssyncset.s32 $0xFFFFF086  }
0x25: {  	[simem:s6], [sflag:s4] =	dma.local [hbm:s3], $0xF7A  }
0x26: {  	[smem:$0x3F94] =	sst s1;
	(tag) =	ssettag s2;
	_ =	strace s9  }
0x27: {  	s1 =	sld [smem:$0x3FA4]  }
0x28: {  	s2 =	sld [smem:$0x3FA5]  }
0x29: {  	s4 =	sld [smem:$0x3FA7]  }
0x2a: {  	p0 =	seq.s32 s5, $0x0;
	s5 =	sld [smem:$0x3FA8]  }
0x2b: {  	s6 =	sld [smem:$0x3FA9]  }
0x2c: {  	s7 =	sld [smem:$0x3FAA]  }
0x2d: {  	s3 =	simm.s32 $0x108;
	s8 =	sld [smem:$0x3FAB]  }
0x2e: {  	s3 =	simm.s32 @!p0 $0x1082;
	s9 =	sld [smem:$0x3FAC]  }
0x2f: {  	lr =	sadd.s32 s0, s3;
	s0 =	sld [smem:$0x3FA3]  }
0x30: {  	s3 =	sld [smem:$0x3FA6]  }
0x31: {  	[smem:$0x3FAF] =	sst s10  }
0x32: {  	s10 =	sld [smem:$0x3FAD];
	_ =	sdelay $0x3  }
0x33: {  	p0 =	seq.s32 s10, $0x1;
	s10 =	sld [smem:$0x3FAF];
	_ =	sdelay $0x3  }
0x34: {  	[smem:$0x3FAF] =	sst s10  }
0x35: {  	s10 =	sld [smem:$0x3FAE];
	_ =	sdelay $0x3  }
0x36: {  	p1 =	seq.s32 s10, $0x1;
	s10 =	sld [smem:$0x3FAF];
	_ =	sdelay $0x3  }
0x37: {  	[smem:$0x3FAF] =	sst s10  }
0x38: {  	s10 =	sld [smem:$0x3FB0]  }
0x39: {  	_ = 	snop;
	(pc) =	sbr.ind lr, $3  }
0x3a: {  	_ = 	snop  }
0x3b: {  	_ = 	snop  }
0x3c: {  	p2 =	seq.s32 s10, $0x1;
	s10 =	sld [smem:$0x3FAF]  }
0x3d: {  	_ =	shalt  }
0x3e: {  	_ =	shalt  }
0x3f: {  	_ =	shalt  }
0x40: {  	_ =	shalt  }
0x41: {  	_ =	shalt  }
0x42: {  	_ =	shalt  }
0x43: {  	_ =	shalt  }
0x44: {  	_ =	shalt  }
0x45: {  	_ =	shalt  }
0x46: {  	_ =	shalt  }
0x47: {  	_ =	shalt  }
0x48: {  	_ =	shalt  }
0x49: {  	_ =	shalt  }
0x4a: {  	_ =	shalt  }
0x4b: {  	_ =	shalt  }
0x4c: {  	_ =	shalt  }
0x4d: {  	_ =	shalt  }
0x4e: {  	_ =	shalt  }
0x4f: {  	_ =	shalt  }
0x50: {  	_ =	shalt  }
0x51: {  	_ =	shalt  }
0x52: {  	_ =	shalt  }
0x53: {  	_ =	shalt  }
0x54: {  	_ =	shalt  }
0x55: {  	_ =	shalt  }
0x56: {  	_ =	shalt  }
0x57: {  	_ =	shalt  }
0x58: {  	_ =	shalt  }
0x59: {  	_ =	shalt  }
0x5a: {  	_ =	shalt  }
0x5b: {  	_ =	shalt  }
0x5c: {  	_ =	shalt  }
0x5d: {  	_ =	shalt  }
0x5e: {  	_ =	shalt  }
0x5f: {  	_ =	shalt  }
0x60: {  	_ =	shalt  }
0x61: {  	_ =	shalt  }
0x62: {  	_ =	shalt  }
0x63: {  	_ =	shalt  }
0x64: {  	_ =	shalt  }
0x65: {  	_ =	shalt  }
0x66: {  	_ =	shalt  }
0x67: {  	_ =	shalt  }
0x68: {  	_ =	shalt  }
0x69: {  	_ =	shalt  }
0x6a: {  	_ =	shalt  }
0x6b: {  	_ =	shalt  }
0x6c: {  	_ =	shalt  }
0x6d: {  	_ =	shalt  }
0x6e: {  	_ =	shalt  }
0x6f: {  	_ =	shalt  }
0x70: {  	_ =	shalt  }
0x71: {  	_ =	shalt  }
0x72: {  	_ =	shalt  }
0x73: {  	_ =	shalt  }
0x74: {  	_ =	shalt  }
0x75: {  	_ =	shalt  }
0x76: {  	_ =	shalt  }
0x77: {  	_ =	shalt  }
0x78: {  	_ =	shalt  }
0x79: {  	_ =	shalt  }
0x7a: {  	_ =	shalt  }
0x7b: {  	_ =	shalt  }
0x7c: {  	_ =	shalt  }
0x7d: {  	_ =	shalt  }
0x7e: {  	_ =	shalt  }
0x7f: {  	_ =	shalt  }
0x80: {  	_ =	shalt  }
0x81: {  	_ =	shalt  }
0x82: {  	_ =	shalt  }
0x83: {  	_ =	shalt  }
0x84: {  	_ =	shalt  }
0x85: {  	_ =	shalt  }
0x86: {  	_ =	shalt  }
0x87: {  	_ =	shalt  }
.Lfunc_end0:
.L_simem_size_0:
called_computation.1_lowered:
.L_overlay_start_0:
0x88: {  	s2 =	sld [smem:$0x3FD9]  }
0x89: {  	s3 =	sld [smem:$0x3FFE];
	_ =	sdelay $0x1  }
0x8a: {  	s1 =	srdreg.scid  }
0x8b: {  	s0 =	sand.u32 $0x1, s1  }
0x8c: {  	s16 =	sshll.u32 s0, $0xA;
	s2 =	sadd.s32 s3, s2  }
0x8d: {  	s2 =	sadd.s32 s2, s16  }
0x8e: {  	[smem:$0x3FBB] =	sst s2  }
0x8f: {  	_ = 	snop  }
0x90: {  	(tm) =	ssettm $0x1  }
0x91: {  	s17 =	sld [smem:$0x3FFB];
	_ =	sdelay $0x3  }
0x92: {  	_ =	strace s17  }
0x93: {  	s2 =	sld [smem:$0x3FFC];
	_ =	sdelay $0x3  }
0x94: {  	_ =	strace s2  }
0x95: {  	s2 =	sld [smem:$0x3FFD];
	_ =	sdelay $0x3  }
0x96: {  	_ =	strace s2  }
0x97: {  	_ =	strace $0x8FFFFFFF  }
0x98: {  	s18 =	sld [smem:$0x3FDB];
	_ =	sdelay $0x1  }
0x99: {  	s19 =	simm.s32 $_scs_section_size  }
0x9a: {  	s4 =	simm.s32 $_size__tile_overlayer_lowered;
	s5 =	simm.s32 $_tile_overlayer_lowered  }
0x9b: {  	s22 =	simm.s32 $0x1BFF;
	s21 =	sshll.u32 s5, $0x1;
	s2 =	sadd.s32 s19, s18  }
0x9c: {  	s6 =	simm.s32 $0x0;
	s20 =	sshll.u32 s4, $0x1;
	s4 =	sadd.s32 s21, s2  }
0x9d: {  	[timem:s6], [sflag:s22] =	dma.local [hbm:s4], s20  }
0x9e: {  	_ =	swait.ge [sflag:s22], s20  }
0x9f: {  	s3 =	ssub.s32 $0x0, s20;
	[sflag:s22] =	ssyncset.done $0x0  }
0xa0: {  	[sflag:s22] =	ssyncadd.s32 s3;
	_ =	sdelay $0x1  }
0xa1: {  	s23 =	simm.s32 $0x1B8B  }
0xa2: {  	_ =	swait.ge [sflag:s23], $0x1  }
0xa3: {  	[sflag:s23] =	ssyncset.done $0x0  }
0xa4: {  	s25 =	simm.s32 $0x1B8E;
	s24 =	sld [smem:$0x3FFE];
	[sflag:s23] =	ssyncadd.s32 $0xFFFFFFFF  }
0xa5: {  	s26 =	simm.s32 $execute0_lowered;
	[smem:$0x3FD2] =	sst s25  }
0xa6: {  	s4 =	sshll.u32 s26, $0x1;
	_ =	strace $0x80000049;
	[dreg:$0x1] =	wrdreg $0xFFFFFFFF  }
0xa7: {  	s28 =	simm.s32 $_size_execute0_lowered;
	s2 =	sadd.s32 s2, s4;
	[dreg:$0x0] =	wrdreg $0x0  }
0xa8: {  	s4 =	sshll.u32 s28, $0x1;
	[dreg:$0x2] =	wrdreg s2  }
0xa9: {  	[dreg:$0x3] =	wrdreg s4  }
0xaa: {  	[dreg:$0x4] =	wrdreg $0xC0  }
0xab: {  	_ =	task [dreg:s6], $0x5FFFF  }
0xac: {  	[dreg:$0x1] =	wrdreg $0xFFFFFFFF  }
0xad: {  	[dreg:$0x0] =	wrdreg $0x60  }
0xae: {  	[dreg:$0x2] =	wrdreg s24  }
0xaf: {  	[dreg:$0x3] =	wrdreg $0x9  }
0xb0: {  	_ =	task.clear_ibuf [dreg:s6], $0x4FFFF;
	_ =	strace $0x90000049  }
0xb1: {  	s29 =	simm.s32 $0x9;
	_ =	strace $0x8000004B  }
0xb2: {  	_ =	swait.ge [sflag:s29], $0x1  }
0xb3: {  	[sflag:s29] =	ssyncadd.s32 $0xFFFFFFFF  }
0xb4: {  	_ =	strace $0x9000004B  }
0xb5: {  	_ =	sfence  }
0xb6: {  	s30 =	sld [smem:$0x0];
	_ =	sdelay $0x2  }
0xb7: {  	s31 =	sshll.u32 s1, $0xD;
	s1 =	sshrl.u32 s1, $0x2  }
0xb8: {  	s3 =	sand.u32 $0x4000, s31;
	s1 =	sadd.s32 s1, s30  }
0xb9: {  	s0 =	sor.u32 s3, s0;
	s1 =	sshll.u32 s1, $0x11  }
0xba: {  	s0 =	sor.u32 s1, s0  }
0xbb: {  	s0 =	sadd.s32 $0x8F2B, s0  }
0xbc: {  	[sflag:s0] =	ssyncadd.remote.s32 $0x1  }
0xbd: {  	_ =	sfence.sel $0xFFFF  }
0xbe: {  	[dreg:$0x0] =	wrdreg $0xFFFFFFFF;
	(pc) =	sbr.abs _section_cstart, $3  }
0xbf: {  	[dreg:$0x1] =	wrdreg $0xFFFFFFFF  }
0xc0: {  	_ =	task.clear_ibuf [dreg:s6], $0x2FFFF;
	_ =	strace $0x9FFFFFFF  }
0xc1: {  	(tm) =	ssettm $0x7FFFFFFF  }
tec
execute0_lowered:
.L_overlay_start_1:
0x0: {  	(tag) =	ssettag $0x1  }
0x1: {  	s0 =	srdreg.scid  }
0x2: {  	s2 =	stileid.u32;
	s1 =	rddreg [dreg:$0x0];
	s30 =	simm.s32 $0x8400  }
0x3: {  	s28 =	simm.s32 $0x2;
	s0 =	sand.u32 $0x1, s0;
	s3 =	sshll.u32 s2, $0x1  }
0x4: {  	s29 =	simm.s32 $0x4;
	s2 =	simm.s32 $0x0;
	s4 =	sor.u32 s0, s3  }
0x5: {  	[smem:$0x7FF] =	sst s2;
	s0 =	ssub.s32 $0x2, s0;
	s3 =	sshll.u32 s4, $0x7  }
0x6: {  	_ =	strace $0x8000004A;
	s4 =	sshll.u32 s4, $0xF;
	s25 =	sshrl.u32 s0, $0x1  }
0x7: {  	s5 =	sadd.s32 s3, s1;
	s3 =	sadd.s32 $0x268000, s1;
	s11 =	sadd.s32 s4, s1  }
0x8: {  	s0 =	ssub.s32 s0, s25;
	s4 =	sadd.s32 $0x268100, s1;
	s5 =	sadd.s32 $0x1200, s5  }
0x9: {  	s25 =	simm.s32 $0x1;
	s26 =	sadd.s32 $0xE8000, s11;
	[dreg:$0x2] =	wrdreg s5  }
0xa: {  	s6 =	sadd.s32 $0xE9000, s11;
	s7 =	sadd.s32 $0xEA000, s11;
	[dreg:$0x3] =	wrdreg s26  }
0xb: {  	s8 =	sadd.s32 $0xEB000, s11;
	s9 =	sadd.s32 $0xEC000, s11;
	[dreg:$0x4] =	wrdreg s6  }
0xc: {  	s10 =	sadd.s32 $0xED000, s11;
	s12 =	sadd.s32 $0xEE000, s11;
	[dreg:$0x5] =	wrdreg s7  }
0xd: {  	s31 =	sadd.s32 $0xEF000, s11;
	s11 =	smax.u32 s0, $0x1;
	[dreg:$0x6] =	wrdreg s8  }
0xe: {  	s5 =	sadd.s32 $0x268200, s1;
	s6 =	sadd.s32 $0x268300, s1;
	[dreg:$0x7] =	wrdreg s9  }
0xf: {  	v2 =	vlaneseq.u32;
	s7 =	sadd.s32 $0x268400, s1;
	s8 =	sadd.s32 $0x268500, s1;
	[dreg:$0x8] =	wrdreg s10  }
0x10: {  	vm0 =	vmmov $0xffff;
	v1 =	vshrl.u32 v2, $0x3;
	s9 =	sadd.s32 $0x268600, s1;
	s10 =	sadd.s32 $0x268700, s1;
	[dreg:$0x9] =	wrdreg s12  }
0x11: {  	v0 =	vand.u32 $0x7, v2;
	v2 =	vor.u32 $0x8, v2;
	v1 =	vmul.u32 $0x8, v1;
	[dreg:$0xa] =	wrdreg s31;
	s26 =	simm.s32 $0x3;
	s1 =	simm.s32 $0x400  }
.LBB2_1:
0x12: {  	s31 =	rddreg [dreg:$0x2];
	s12 =	simm.s32 $0x5  }
0x13: {  	[tilespmem:s2], [sflag:$0x5] =	stream.linear.gather [hbm4b:s31+s2], $0x400, $0x38;
	[tilespmem:$0x10400] =	vst v63  }
0x14: {  	_ =	swait.ge [sflag:s12], $0x400  }
0x15: {  	[sflag:s12] =	ssyncset.done $0x0  }
0x16: {  	[sflag:s12] =	ssyncadd.s32 $0xFFFFFC00  }
0x17: {  	v3 =	vld [tilespmem:$0x0];
	_ =	sdelay $0x4  }
0x18: {  	v4 =	vshll.u32 v3, $0x4  }
0x19: {  	v3 =	vand.u32 $0x7, v3;
	v4 =	vand.u32 $0xFFFFFF80, v4  }
0x1a: {  	v3 =	vor.u32 v3, v4  }
0x1b: {  	v4 =	vperm.xlane v3, v0;
	_ =	sdelay $0x1  }
0x1c: {  	v4 =	vadd.s32 v1, v4;
	_ =	sdelay $0x4  }
0x1d: {  	[tilespmem:s1], [sflag:$0x1] =	stream.indirect_vreg.gather [hbm4b:s3+s2], $0x80, v4, vm0, $0xb8;
	[tilespmem:$0x10400] =	vst v63  }
0x1e: {  	s0 =	simm.s32 $0xC00  }
0x1f: {  	[tilespmem:s0], [sflag:$0x1] =	stream.indirect_vreg.gather [hbm4b:s4+s2], $0x80, v4, vm0, $0xb8;
	[tilespmem:$0x10400] =	vst v63  }
0x20: {  	s13 =	simm.s32 $0x1400  }
0x21: {  	[tilespmem:s13], [sflag:$0x1] =	stream.indirect_vreg.gather [hbm4b:s5+s2], $0x80, v4, vm0, $0xb8;
	[tilespmem:$0x10400] =	vst v63  }
0x22: {  	s14 =	simm.s32 $0x1C00  }
0x23: {  	[tilespmem:s14], [sflag:$0x1] =	stream.indirect_vreg.gather [hbm4b:s6+s2], $0x80, v4, vm0, $0xb8;
	[tilespmem:$0x10400] =	vst v63  }
0x24: {  	s15 =	simm.s32 $0x2400  }
0x25: {  	[tilespmem:s15], [sflag:$0x1] =	stream.indirect_vreg.gather [hbm4b:s7+s2], $0x80, v4, vm0, $0xb8;
	[tilespmem:$0x10400] =	vst v63  }
0x26: {  	s16 =	simm.s32 $0x2C00;
	v3 =	vperm.xlane v3, v2  }
0x27: {  	[tilespmem:s16], [sflag:$0x1] =	stream.indirect_vreg.gather [hbm4b:s8+s2], $0x80, v4, vm0, $0xb8;
	[tilespmem:$0x10400] =	vst v63  }
0x28: {  	s17 =	simm.s32 $0x3400;
	v3 =	vadd.s32 v1, v3  }
0x29: {  	[tilespmem:s17], [sflag:$0x1] =	stream.indirect_vreg.gather [hbm4b:s9+s2], $0x80, v4, vm0, $0xb8;
	[tilespmem:$0x10400] =	vst v63  }
0x2a: {  	s18 =	simm.s32 $0x3C00  }
0x2b: {  	[tilespmem:s18], [sflag:$0x1] =	stream.indirect_vreg.gather [hbm4b:s10+s2], $0x80, v4, vm0, $0xb8;
	[tilespmem:$0x10400] =	vst v63  }
0x2c: {  	s19 =	simm.s32 $0x4400  }
0x2d: {  	[tilespmem:s19], [sflag:$0x1] =	stream.indirect_vreg.gather [hbm4b:s3+s2], $0x80, v3, vm0, $0xb8;
	[tilespmem:$0x10400] =	vst v63  }
0x2e: {  	s20 =	simm.s32 $0x4C00  }
0x2f: {  	[tilespmem:s20], [sflag:$0x1] =	stream.indirect_vreg.gather [hbm4b:s4+s2], $0x80, v3, vm0, $0xb8;
	[tilespmem:$0x10400] =	vst v63  }
0x30: {  	s21 =	simm.s32 $0x5400  }
0x31: {  	[tilespmem:s21], [sflag:$0x1] =	stream.indirect_vreg.gather [hbm4b:s5+s2], $0x80, v3, vm0, $0xb8;
	[tilespmem:$0x10400] =	vst v63  }
0x32: {  	s22 =	simm.s32 $0x5C00  }
0x33: {  	[tilespmem:s22], [sflag:$0x1] =	stream.indirect_vreg.gather [hbm4b:s6+s2], $0x80, v3, vm0, $0xb8;
	[tilespmem:$0x10400] =	vst v63  }
0x34: {  	s23 =	simm.s32 $0x6400  }
0x35: {  	[tilespmem:s23], [sflag:$0x1] =	stream.indirect_vreg.gather [hbm4b:s7+s2], $0x80, v3, vm0, $0xb8;
	[tilespmem:$0x10400] =	vst v63  }
0x36: {  	s24 =	simm.s32 $0x6C00  }
0x37: {  	[tilespmem:s24], [sflag:$0x1] =	stream.indirect_vreg.gather [hbm4b:s8+s2], $0x80, v3, vm0, $0xb8;
	[tilespmem:$0x10400] =	vst v63  }
0x38: {  	s31 =	simm.s32 $0x7400  }
0x39: {  	[tilespmem:s31], [sflag:$0x1] =	stream.indirect_vreg.gather [hbm4b:s9+s2], $0x80, v3, vm0, $0xb8;
	[tilespmem:$0x10400] =	vst v63  }
0x3a: {  	s0 =	simm.s32 $0x7C00  }
0x3b: {  	[tilespmem:s0], [sflag:$0x1] =	stream.indirect_vreg.gather [hbm4b:s10+s2], $0x80, v3, vm0, $0xb8;
	[tilespmem:$0x10400] =	vst v63  }
0x3c: {  	v3 =	vld [tilespmem:$0x80];
	_ =	sdelay $0x4  }
0x3d: {  	v57 =	vshll.u32 v3, $0x4  }
0x3e: {  	v3 =	vand.u32 $0x7, v3;
	v4 =	vand.u32 $0xFFFFFF80, v57  }
0x3f: {  	v3 =	vor.u32 v3, v4  }
0x40: {  	v4 =	vperm.xlane v3, v0;
	_ =	sdelay $0x1  }
0x41: {  	v4 =	vadd.s32 v1, v4;
	_ =	sdelay $0x4  }
0x42: {  	[tilespmem:s30], [sflag:$0x2] =	stream.indirect_vreg.gather [hbm4b:s3+s2], $0x80, v4, vm0, $0xb8;
	[tilespmem:$0x10400] =	vst v63  }
0x43: {  	s13 =	simm.s32 $0x8C00  }
0x44: {  	[tilespmem:s13], [sflag:$0x2] =	stream.indirect_vreg.gather [hbm4b:s4+s2], $0x80, v4, vm0, $0xb8;
	[tilespmem:$0x10400] =	vst v63  }
0x45: {  	s13 =	simm.s32 $0x9400  }
0x46: {  	[tilespmem:s13], [sflag:$0x2] =	stream.indirect_vreg.gather [hbm4b:s5+s2], $0x80, v4, vm0, $0xb8;
	[tilespmem:$0x10400] =	vst v63  }
0x47: {  	s13 =	simm.s32 $0x9C00  }
0x48: {  	[tilespmem:s13], [sflag:$0x2] =	stream.indirect_vreg.gather [hbm4b:s6+s2], $0x80, v4, vm0, $0xb8;
	[tilespmem:$0x10400] =	vst v63  }
0x49: {  	s13 =	simm.s32 $0xA400  }
0x4a: {  	[tilespmem:s13], [sflag:$0x2] =	stream.indirect_vreg.gather [hbm4b:s7+s2], $0x80, v4, vm0, $0xb8;
	[tilespmem:$0x10400] =	vst v63  }
0x4b: {  	v3 =	vperm.xlane v3, v2;
	s13 =	simm.s32 $0xAC00  }
0x4c: {  	[tilespmem:s13], [sflag:$0x2] =	stream.indirect_vreg.gather [hbm4b:s8+s2], $0x80, v4, vm0, $0xb8;
	[tilespmem:$0x10400] =	vst v63  }
0x4d: {  	v3 =	vadd.s32 v1, v3;
	s13 =	simm.s32 $0xB400  }
0x4e: {  	[tilespmem:s13], [sflag:$0x2] =	stream.indirect_vreg.gather [hbm4b:s9+s2], $0x80, v4, vm0, $0xb8;
	[tilespmem:$0x10400] =	vst v63  }
0x4f: {  	s13 =	simm.s32 $0xBC00  }
0x50: {  	[tilespmem:s13], [sflag:$0x2] =	stream.indirect_vreg.gather [hbm4b:s10+s2], $0x80, v4, vm0, $0xb8;
	[tilespmem:$0x10400] =	vst v63  }
0x51: {  	s13 =	simm.s32 $0xC400  }
0x52: {  	[tilespmem:s13], [sflag:$0x2] =	stream.indirect_vreg.gather [hbm4b:s3+s2], $0x80, v3, vm0, $0xb8;
	[tilespmem:$0x10400] =	vst v63  }
0x53: {  	s13 =	simm.s32 $0xCC00  }
0x54: {  	[tilespmem:s13], [sflag:$0x2] =	stream.indirect_vreg.gather [hbm4b:s4+s2], $0x80, v3, vm0, $0xb8;
	[tilespmem:$0x10400] =	vst v63  }
0x55: {  	s13 =	simm.s32 $0xD400  }
0x56: {  	[tilespmem:s13], [sflag:$0x2] =	stream.indirect_vreg.gather [hbm4b:s5+s2], $0x80, v3, vm0, $0xb8;
	[tilespmem:$0x10400] =	vst v63  }
0x57: {  	s13 =	simm.s32 $0xDC00  }
0x58: {  	[tilespmem:s13], [sflag:$0x2] =	stream.indirect_vreg.gather [hbm4b:s6+s2], $0x80, v3, vm0, $0xb8;
	[tilespmem:$0x10400] =	vst v63  }
0x59: {  	s13 =	simm.s32 $0xE400  }
0x5a: {  	[tilespmem:s13], [sflag:$0x2] =	stream.indirect_vreg.gather [hbm4b:s7+s2], $0x80, v3, vm0, $0xb8;
	[tilespmem:$0x10400] =	vst v63  }
0x5b: {  	s13 =	simm.s32 $0xEC00  }
0x5c: {  	[tilespmem:s13], [sflag:$0x2] =	stream.indirect_vreg.gather [hbm4b:s8+s2], $0x80, v3, vm0, $0xb8;
	[tilespmem:$0x10400] =	vst v63  }
0x5d: {  	s13 =	simm.s32 $0xF400  }
0x5e: {  	[tilespmem:s13], [sflag:$0x2] =	stream.indirect_vreg.gather [hbm4b:s9+s2], $0x80, v3, vm0, $0xb8;
	[tilespmem:$0x10400] =	vst v63  }
0x5f: {  	s13 =	simm.s32 $0xFC00  }
0x60: {  	[tilespmem:s13], [sflag:$0x2] =	stream.indirect_vreg.gather [hbm4b:s10+s2], $0x80, v3, vm0, $0xb8;
	[tilespmem:$0x10400] =	vst v63  }
0x61: {  	_ =	swait.ge [sflag:s25], $0x8000  }
0x62: {  	[sflag:s25] =	ssyncset.done $0x0  }
0x63: {  	s13 =	rddreg [dreg:$0x3];
	[sflag:s25] =	ssyncadd.s32 $0xFFFF8000  }
0x64: {  	[hbm4b:s13+s2] =	stream.linear.scatter [tilespmem:s1], [sflag:$0x3], $0x8000, $0x38;
	[tilespmem:$0x10400] =	vst v63  }
0x65: {  	_ =	swait.ge [sflag:s26], $0x8000  }
0x66: {  	[sflag:s26] =	ssyncset.done $0x0  }
0x67: {  	[sflag:s26] =	ssyncadd.s32 $0xFFFF8000  }
0x68: {  	v3 =	vld [tilespmem:$0x100];
	_ =	sdelay $0x4  }
0x69: {  	v58 =	vshll.u32 v3, $0x4  }
0x6a: {  	v3 =	vand.u32 $0x7, v3;
	v4 =	vand.u32 $0xFFFFFF80, v58  }
0x6b: {  	v3 =	vor.u32 v3, v4  }
0x6c: {  	v4 =	vperm.xlane v3, v0;
	_ =	sdelay $0x1  }
0x6d: {  	v4 =	vadd.s32 v1, v4;
	_ =	sdelay $0x4  }
0x6e: {  	[tilespmem:s1], [sflag:$0x1] =	stream.indirect_vreg.gather [hbm4b:s3+s2], $0x80, v4, vm0, $0xb8;
	[tilespmem:$0x10400] =	vst v63  }
0x6f: {  	s13 =	simm.s32 $0xC00  }
0x70: {  	[tilespmem:s13], [sflag:$0x1] =	stream.indirect_vreg.gather [hbm4b:s4+s2], $0x80, v4, vm0, $0xb8;
	[tilespmem:$0x10400] =	vst v63  }
0x71: {  	s31 =	simm.s32 $0x1400  }
0x72: {  	[tilespmem:s31], [sflag:$0x1] =	stream.indirect_vreg.gather [hbm4b:s5+s2], $0x80, v4, vm0, $0xb8;
	[tilespmem:$0x10400] =	vst v63  }
0x73: {  	s12 =	simm.s32 $0x1C00  }
0x74: {  	[tilespmem:s12], [sflag:$0x1] =	stream.indirect_vreg.gather [hbm4b:s6+s2], $0x80, v4, vm0, $0xb8;
	[tilespmem:$0x10400] =	vst v63  }
0x75: {  	s14 =	simm.s32 $0x2400  }
0x76: {  	[tilespmem:s14], [sflag:$0x1] =	stream.indirect_vreg.gather [hbm4b:s7+s2], $0x80, v4, vm0, $0xb8;
	[tilespmem:$0x10400] =	vst v63  }
0x77: {  	s15 =	simm.s32 $0x2C00;
	v3 =	vperm.xlane v3, v2  }
0x78: {  	[tilespmem:s15], [sflag:$0x1] =	stream.indirect_vreg.gather [hbm4b:s8+s2], $0x80, v4, vm0, $0xb8;
	[tilespmem:$0x10400] =	vst v63  }
0x79: {  	s16 =	simm.s32 $0x3400;
	v3 =	vadd.s32 v1, v3  }
0x7a: {  	[tilespmem:s16], [sflag:$0x1] =	stream.indirect_vreg.gather [hbm4b:s9+s2], $0x80, v4, vm0, $0xb8;
	[tilespmem:$0x10400] =	vst v63  }
0x7b: {  	s17 =	simm.s32 $0x3C00  }
0x7c: {  	[tilespmem:s17], [sflag:$0x1] =	stream.indirect_vreg.gather [hbm4b:s10+s2], $0x80, v4, vm0, $0xb8;
	[tilespmem:$0x10400] =	vst v63  }
0x7d: {  	s18 =	simm.s32 $0x4400  }
0x7e: {  	[tilespmem:s18], [sflag:$0x1] =	stream.indirect_vreg.gather [hbm4b:s3+s2], $0x80, v3, vm0, $0xb8;
	[tilespmem:$0x10400] =	vst v63  }
0x7f: {  	s19 =	simm.s32 $0x4C00  }
0x80: {  	[tilespmem:s19], [sflag:$0x1] =	stream.indirect_vreg.gather [hbm4b:s4+s2], $0x80, v3, vm0, $0xb8;
	[tilespmem:$0x10400] =	vst v63  }
0x81: {  	s20 =	simm.s32 $0x5400  }
0x82: {  	[tilespmem:s20], [sflag:$0x1] =	stream.indirect_vreg.gather [hbm4b:s5+s2], $0x80, v3, vm0, $0xb8;
	[tilespmem:$0x10400] =	vst v63  }
0x83: {  	s21 =	simm.s32 $0x5C00  }
0x84: {  	[tilespmem:s21], [sflag:$0x1] =	stream.indirect_vreg.gather [hbm4b:s6+s2], $0x80, v3, vm0, $0xb8;
	[tilespmem:$0x10400] =	vst v63  }
0x85: {  	s22 =	simm.s32 $0x6400  }
0x86: {  	[tilespmem:s22], [sflag:$0x1] =	stream.indirect_vreg.gather [hbm4b:s7+s2], $0x80, v3, vm0, $0xb8;
	[tilespmem:$0x10400] =	vst v63  }
0x87: {  	s23 =	simm.s32 $0x6C00  }
0x88: {  	[tilespmem:s23], [sflag:$0x1] =	stream.indirect_vreg.gather [hbm4b:s8+s2], $0x80, v3, vm0, $0xb8;
	[tilespmem:$0x10400] =	vst v63  }
0x89: {  	s24 =	simm.s32 $0x7400  }
0x8a: {  	[tilespmem:s24], [sflag:$0x1] =	stream.indirect_vreg.gather [hbm4b:s9+s2], $0x80, v3, vm0, $0xb8;
	[tilespmem:$0x10400] =	vst v63  }
0x8b: {  	s0 =	simm.s32 $0x7C00  }
0x8c: {  	[tilespmem:s0], [sflag:$0x1] =	stream.indirect_vreg.gather [hbm4b:s10+s2], $0x80, v3, vm0, $0xb8;
	[tilespmem:$0x10400] =	vst v63  }
0x8d: {  	_ =	swait.ge [sflag:s28], $0x8000  }
0x8e: {  	[sflag:s28] =	ssyncset.done $0x0  }
0x8f: {  	s20 =	rddreg [dreg:$0x4];
	[sflag:s28] =	ssyncadd.s32 $0xFFFF8000  }
0x90: {  	[hbm4b:s20+s2] =	stream.linear.scatter [tilespmem:s30], [sflag:$0x4], $0x8000, $0x38;
	[tilespmem:$0x10400] =	vst v63  }
0x91: {  	_ =	swait.ge [sflag:s29], $0x8000  }
0x92: {  	[sflag:s29] =	ssyncset.done $0x0  }
0x93: {  	[sflag:s29] =	ssyncadd.s32 $0xFFFF8000  }
0x94: {  	v3 =	vld [tilespmem:$0x180];
	_ =	sdelay $0x4  }
0x95: {  	v59 =	vshll.u32 v3, $0x4  }
0x96: {  	v3 =	vand.u32 $0x7, v3;
	v4 =	vand.u32 $0xFFFFFF80, v59  }
0x97: {  	v3 =	vor.u32 v3, v4  }
0x98: {  	v4 =	vperm.xlane v3, v0;
	_ =	sdelay $0x1  }
0x99: {  	v4 =	vadd.s32 v1, v4;
	_ =	sdelay $0x4  }
0x9a: {  	[tilespmem:s30], [sflag:$0x2] =	stream.indirect_vreg.gather [hbm4b:s3+s2], $0x80, v4, vm0, $0xb8;
	[tilespmem:$0x10400] =	vst v63  }
0x9b: {  	s21 =	simm.s32 $0x8C00  }
0x9c: {  	[tilespmem:s21], [sflag:$0x2] =	stream.indirect_vreg.gather [hbm4b:s4+s2], $0x80, v4, vm0, $0xb8;
	[tilespmem:$0x10400] =	vst v63  }
0x9d: {  	s22 =	simm.s32 $0x9400  }
0x9e: {  	[tilespmem:s22], [sflag:$0x2] =	stream.indirect_vreg.gather [hbm4b:s5+s2], $0x80, v4, vm0, $0xb8;
	[tilespmem:$0x10400] =	vst v63  }
0x9f: {  	s23 =	simm.s32 $0x9C00  }
0xa0: {  	[tilespmem:s23], [sflag:$0x2] =	stream.indirect_vreg.gather [hbm4b:s6+s2], $0x80, v4, vm0, $0xb8;
	[tilespmem:$0x10400] =	vst v63  }
0xa1: {  	s24 =	simm.s32 $0xA400  }
0xa2: {  	[tilespmem:s24], [sflag:$0x2] =	stream.indirect_vreg.gather [hbm4b:s7+s2], $0x80, v4, vm0, $0xb8;
	[tilespmem:$0x10400] =	vst v63  }
0xa3: {  	s31 =	simm.s32 $0xAC00;
	v3 =	vperm.xlane v3, v2  }
0xa4: {  	[tilespmem:s31], [sflag:$0x2] =	stream.indirect_vreg.gather [hbm4b:s8+s2], $0x80, v4, vm0, $0xb8;
	[tilespmem:$0x10400] =	vst v63  }
0xa5: {  	s15 =	simm.s32 $0xB400;
	v3 =	vadd.s32 v1, v3  }
0xa6: {  	[tilespmem:s15], [sflag:$0x2] =	stream.indirect_vreg.gather [hbm4b:s9+s2], $0x80, v4, vm0, $0xb8;
	[tilespmem:$0x10400] =	vst v63  }
0xa7: {  	s16 =	simm.s32 $0xBC00  }
0xa8: {  	[tilespmem:s16], [sflag:$0x2] =	stream.indirect_vreg.gather [hbm4b:s10+s2], $0x80, v4, vm0, $0xb8;
	[tilespmem:$0x10400] =	vst v63  }
0xa9: {  	s17 =	simm.s32 $0xC400  }
0xaa: {  	[tilespmem:s17], [sflag:$0x2] =	stream.indirect_vreg.gather [hbm4b:s3+s2], $0x80, v3, vm0, $0xb8;
	[tilespmem:$0x10400] =	vst v63  }
0xab: {  	s18 =	simm.s32 $0xCC00  }
0xac: {  	[tilespmem:s18], [sflag:$0x2] =	stream.indirect_vreg.gather [hbm4b:s4+s2], $0x80, v3, vm0, $0xb8;
	[tilespmem:$0x10400] =	vst v63  }
0xad: {  	s19 =	simm.s32 $0xD400  }
0xae: {  	[tilespmem:s19], [sflag:$0x2] =	stream.indirect_vreg.gather [hbm4b:s5+s2], $0x80, v3, vm0, $0xb8;
	[tilespmem:$0x10400] =	vst v63  }
0xaf: {  	s20 =	simm.s32 $0xDC00  }
0xb0: {  	[tilespmem:s20], [sflag:$0x2] =	stream.indirect_vreg.gather [hbm4b:s6+s2], $0x80, v3, vm0, $0xb8;
	[tilespmem:$0x10400] =	vst v63  }
0xb1: {  	s21 =	simm.s32 $0xE400  }
0xb2: {  	[tilespmem:s21], [sflag:$0x2] =	stream.indirect_vreg.gather [hbm4b:s7+s2], $0x80, v3, vm0, $0xb8;
	[tilespmem:$0x10400] =	vst v63  }
0xb3: {  	s22 =	simm.s32 $0xEC00  }
0xb4: {  	[tilespmem:s22], [sflag:$0x2] =	stream.indirect_vreg.gather [hbm4b:s8+s2], $0x80, v3, vm0, $0xb8;
	[tilespmem:$0x10400] =	vst v63  }
0xb5: {  	s23 =	simm.s32 $0xF400  }
0xb6: {  	[tilespmem:s23], [sflag:$0x2] =	stream.indirect_vreg.gather [hbm4b:s9+s2], $0x80, v3, vm0, $0xb8;
	[tilespmem:$0x10400] =	vst v63  }
0xb7: {  	s31 =	simm.s32 $0xFC00  }
0xb8: {  	[tilespmem:s31], [sflag:$0x2] =	stream.indirect_vreg.gather [hbm4b:s10+s2], $0x80, v3, vm0, $0xb8;
	[tilespmem:$0x10400] =	vst v63  }
0xb9: {  	_ =	swait.ge [sflag:s25], $0x8000  }
0xba: {  	[sflag:s25] =	ssyncset.done $0x0  }
0xbb: {  	s0 =	rddreg [dreg:$0x5];
	[sflag:s25] =	ssyncadd.s32 $0xFFFF8000  }
0xbc: {  	[hbm4b:s0+s2] =	stream.linear.scatter [tilespmem:s1], [sflag:$0x3], $0x8000, $0x38;
	[tilespmem:$0x10400] =	vst v63  }
0xbd: {  	_ =	swait.ge [sflag:s26], $0x8000  }
0xbe: {  	[sflag:s26] =	ssyncset.done $0x0  }
0xbf: {  	[sflag:s26] =	ssyncadd.s32 $0xFFFF8000  }
0xc0: {  	v3 =	vld [tilespmem:$0x200];
	_ =	sdelay $0x4  }
0xc1: {  	v60 =	vshll.u32 v3, $0x4  }
0xc2: {  	v3 =	vand.u32 $0x7, v3;
	v4 =	vand.u32 $0xFFFFFF80, v60  }
0xc3: {  	v3 =	vor.u32 v3, v4  }
0xc4: {  	v4 =	vperm.xlane v3, v0;
	_ =	sdelay $0x1  }
0xc5: {  	v4 =	vadd.s32 v1, v4;
	_ =	sdelay $0x4  }
0xc6: {  	[tilespmem:s1], [sflag:$0x1] =	stream.indirect_vreg.gather [hbm4b:s3+s2], $0x80, v4, vm0, $0xb8;
	[tilespmem:$0x10400] =	vst v63  }
0xc7: {  	_ = 	snop  }
0xc8: {  	[tilespmem:s13], [sflag:$0x1] =	stream.indirect_vreg.gather [hbm4b:s4+s2], $0x80, v4, vm0, $0xb8;
	[tilespmem:$0x10400] =	vst v63  }
0xc9: {  	s31 =	simm.s32 $0x1400  }
0xca: {  	[tilespmem:s31], [sflag:$0x1] =	stream.indirect_vreg.gather [hbm4b:s5+s2], $0x80, v4, vm0, $0xb8;
	[tilespmem:$0x10400] =	vst v63  }
0xcb: {  	s31 =	simm.s32 $0x1C00  }
0xcc: {  	[tilespmem:s31], [sflag:$0x1] =	stream.indirect_vreg.gather [hbm4b:s6+s2], $0x80, v4, vm0, $0xb8;
	[tilespmem:$0x10400] =	vst v63  }
0xcd: {  	s31 =	simm.s32 $0x2400  }
0xce: {  	[tilespmem:s31], [sflag:$0x1] =	stream.indirect_vreg.gather [hbm4b:s7+s2], $0x80, v4, vm0, $0xb8;
	[tilespmem:$0x10400] =	vst v63  }
0xcf: {  	v3 =	vperm.xlane v3, v2;
	s31 =	simm.s32 $0x2C00  }
0xd0: {  	[tilespmem:s31], [sflag:$0x1] =	stream.indirect_vreg.gather [hbm4b:s8+s2], $0x80, v4, vm0, $0xb8;
	[tilespmem:$0x10400] =	vst v63  }
0xd1: {  	v3 =	vadd.s32 v1, v3;
	s31 =	simm.s32 $0x3400  }
0xd2: {  	[tilespmem:s31], [sflag:$0x1] =	stream.indirect_vreg.gather [hbm4b:s9+s2], $0x80, v4, vm0, $0xb8;
	[tilespmem:$0x10400] =	vst v63  }
0xd3: {  	s31 =	simm.s32 $0x3C00  }
0xd4: {  	[tilespmem:s31], [sflag:$0x1] =	stream.indirect_vreg.gather [hbm4b:s10+s2], $0x80, v4, vm0, $0xb8;
	[tilespmem:$0x10400] =	vst v63  }
0xd5: {  	s31 =	simm.s32 $0x4400  }
0xd6: {  	[tilespmem:s31], [sflag:$0x1] =	stream.indirect_vreg.gather [hbm4b:s3+s2], $0x80, v3, vm0, $0xb8;
	[tilespmem:$0x10400] =	vst v63  }
0xd7: {  	s31 =	simm.s32 $0x4C00  }
0xd8: {  	[tilespmem:s31], [sflag:$0x1] =	stream.indirect_vreg.gather [hbm4b:s4+s2], $0x80, v3, vm0, $0xb8;
	[tilespmem:$0x10400] =	vst v63  }
0xd9: {  	s31 =	simm.s32 $0x5400  }
0xda: {  	[tilespmem:s31], [sflag:$0x1] =	stream.indirect_vreg.gather [hbm4b:s5+s2], $0x80, v3, vm0, $0xb8;
	[tilespmem:$0x10400] =	vst v63  }
0xdb: {  	s31 =	simm.s32 $0x5C00  }
0xdc: {  	[tilespmem:s31], [sflag:$0x1] =	stream.indirect_vreg.gather [hbm4b:s6+s2], $0x80, v3, vm0, $0xb8;
	[tilespmem:$0x10400] =	vst v63  }
0xdd: {  	s31 =	simm.s32 $0x6400  }
0xde: {  	[tilespmem:s31], [sflag:$0x1] =	stream.indirect_vreg.gather [hbm4b:s7+s2], $0x80, v3, vm0, $0xb8;
	[tilespmem:$0x10400] =	vst v63  }
0xdf: {  	s31 =	simm.s32 $0x6C00  }
0xe0: {  	[tilespmem:s31], [sflag:$0x1] =	stream.indirect_vreg.gather [hbm4b:s8+s2], $0x80, v3, vm0, $0xb8;
	[tilespmem:$0x10400] =	vst v63  }
0xe1: {  	s31 =	simm.s32 $0x7400  }
0xe2: {  	[tilespmem:s31], [sflag:$0x1] =	stream.indirect_vreg.gather [hbm4b:s9+s2], $0x80, v3, vm0, $0xb8;
	[tilespmem:$0x10400] =	vst v63  }
0xe3: {  	s31 =	simm.s32 $0x7C00  }
0xe4: {  	[tilespmem:s31], [sflag:$0x1] =	stream.indirect_vreg.gather [hbm4b:s10+s2], $0x80, v3, vm0, $0xb8;
	[tilespmem:$0x10400] =	vst v63  }
0xe5: {  	_ =	swait.ge [sflag:s28], $0x8000  }
0xe6: {  	[sflag:s28] =	ssyncset.done $0x0  }
0xe7: {  	s13 =	rddreg [dreg:$0x6];
	[sflag:s28] =	ssyncadd.s32 $0xFFFF8000  }
0xe8: {  	[hbm4b:s13+s2] =	stream.linear.scatter [tilespmem:s30], [sflag:$0x4], $0x8000, $0x38;
	[tilespmem:$0x10400] =	vst v63  }
0xe9: {  	_ =	swait.ge [sflag:s29], $0x8000  }
0xea: {  	[sflag:s29] =	ssyncset.done $0x0  }
0xeb: {  	[sflag:s29] =	ssyncadd.s32 $0xFFFF8000  }
0xec: {  	v3 =	vld [tilespmem:$0x280];
	_ =	sdelay $0x4  }
0xed: {  	v61 =	vshll.u32 v3, $0x4  }
0xee: {  	v3 =	vand.u32 $0x7, v3;
	v4 =	vand.u32 $0xFFFFFF80, v61  }
0xef: {  	v3 =	vor.u32 v3, v4  }
0xf0: {  	v4 =	vperm.xlane v3, v0;
	_ =	sdelay $0x1  }
0xf1: {  	v4 =	vadd.s32 v1, v4;
	_ =	sdelay $0x4  }
0xf2: {  	[tilespmem:s30], [sflag:$0x2] =	stream.indirect_vreg.gather [hbm4b:s3+s2], $0x80, v4, vm0, $0xb8;
	[tilespmem:$0x10400] =	vst v63  }
0xf3: {  	s31 =	simm.s32 $0x8C00  }
0xf4: {  	[tilespmem:s31], [sflag:$0x2] =	stream.indirect_vreg.gather [hbm4b:s4+s2], $0x80, v4, vm0, $0xb8;
	[tilespmem:$0x10400] =	vst v63  }
0xf5: {  	s12 =	simm.s32 $0x9400  }
0xf6: {  	[tilespmem:s12], [sflag:$0x2] =	stream.indirect_vreg.gather [hbm4b:s5+s2], $0x80, v4, vm0, $0xb8;
	[tilespmem:$0x10400] =	vst v63  }
0xf7: {  	s14 =	simm.s32 $0x9C00  }
0xf8: {  	[tilespmem:s14], [sflag:$0x2] =	stream.indirect_vreg.gather [hbm4b:s6+s2], $0x80, v4, vm0, $0xb8;
	[tilespmem:$0x10400] =	vst v63  }
0xf9: {  	s24 =	simm.s32 $0xA400  }
0xfa: {  	[tilespmem:s24], [sflag:$0x2] =	stream.indirect_vreg.gather [hbm4b:s7+s2], $0x80, v4, vm0, $0xb8;
	[tilespmem:$0x10400] =	vst v63  }
0xfb: {  	v3 =	vperm.xlane v3, v2;
	s31 =	simm.s32 $0xAC00  }
0xfc: {  	[tilespmem:s31], [sflag:$0x2] =	stream.indirect_vreg.gather [hbm4b:s8+s2], $0x80, v4, vm0, $0xb8;
	[tilespmem:$0x10400] =	vst v63  }
0xfd: {  	s15 =	simm.s32 $0xB400;
	v3 =	vadd.s32 v1, v3  }
0xfe: {  	[tilespmem:s15], [sflag:$0x2] =	stream.indirect_vreg.gather [hbm4b:s9+s2], $0x80, v4, vm0, $0xb8;
	[tilespmem:$0x10400] =	vst v63  }
0xff: {  	s16 =	simm.s32 $0xBC00  }
0x100: {  	[tilespmem:s16], [sflag:$0x2] =	stream.indirect_vreg.gather [hbm4b:s10+s2], $0x80, v4, vm0, $0xb8;
	[tilespmem:$0x10400] =	vst v63  }
0x101: {  	s17 =	simm.s32 $0xC400  }
0x102: {  	[tilespmem:s17], [sflag:$0x2] =	stream.indirect_vreg.gather [hbm4b:s3+s2], $0x80, v3, vm0, $0xb8;
	[tilespmem:$0x10400] =	vst v63  }
0x103: {  	s18 =	simm.s32 $0xCC00  }
0x104: {  	[tilespmem:s18], [sflag:$0x2] =	stream.indirect_vreg.gather [hbm4b:s4+s2], $0x80, v3, vm0, $0xb8;
	[tilespmem:$0x10400] =	vst v63  }
0x105: {  	s19 =	simm.s32 $0xD400  }
0x106: {  	[tilespmem:s19], [sflag:$0x2] =	stream.indirect_vreg.gather [hbm4b:s5+s2], $0x80, v3, vm0, $0xb8;
	[tilespmem:$0x10400] =	vst v63  }
0x107: {  	s20 =	simm.s32 $0xDC00  }
0x108: {  	[tilespmem:s20], [sflag:$0x2] =	stream.indirect_vreg.gather [hbm4b:s6+s2], $0x80, v3, vm0, $0xb8;
	[tilespmem:$0x10400] =	vst v63  }
0x109: {  	s21 =	simm.s32 $0xE400  }
0x10a: {  	[tilespmem:s21], [sflag:$0x2] =	stream.indirect_vreg.gather [hbm4b:s7+s2], $0x80, v3, vm0, $0xb8;
	[tilespmem:$0x10400] =	vst v63  }
0x10b: {  	s22 =	simm.s32 $0xEC00  }
0x10c: {  	[tilespmem:s22], [sflag:$0x2] =	stream.indirect_vreg.gather [hbm4b:s8+s2], $0x80, v3, vm0, $0xb8;
	[tilespmem:$0x10400] =	vst v63  }
0x10d: {  	s23 =	simm.s32 $0xF400  }
0x10e: {  	[tilespmem:s23], [sflag:$0x2] =	stream.indirect_vreg.gather [hbm4b:s9+s2], $0x80, v3, vm0, $0xb8;
	[tilespmem:$0x10400] =	vst v63  }
0x10f: {  	s31 =	simm.s32 $0xFC00  }
0x110: {  	[tilespmem:s31], [sflag:$0x2] =	stream.indirect_vreg.gather [hbm4b:s10+s2], $0x80, v3, vm0, $0xb8;
	[tilespmem:$0x10400] =	vst v63  }
0x111: {  	_ =	swait.ge [sflag:s25], $0x8000  }
0x112: {  	[sflag:s25] =	ssyncset.done $0x0  }
0x113: {  	s31 =	rddreg [dreg:$0x7];
	[sflag:s25] =	ssyncadd.s32 $0xFFFF8000  }
0x114: {  	[hbm4b:s31+s2] =	stream.linear.scatter [tilespmem:s1], [sflag:$0x3], $0x8000, $0x38;
	[tilespmem:$0x10400] =	vst v63  }
0x115: {  	_ =	swait.ge [sflag:s26], $0x8000  }
0x116: {  	[sflag:s26] =	ssyncset.done $0x0  }
0x117: {  	[sflag:s26] =	ssyncadd.s32 $0xFFFF8000  }
0x118: {  	v3 =	vld [tilespmem:$0x300];
	_ =	sdelay $0x4  }
0x119: {  	v62 =	vshll.u32 v3, $0x4  }
0x11a: {  	v3 =	vand.u32 $0x7, v3;
	v4 =	vand.u32 $0xFFFFFF80, v62  }
0x11b: {  	v3 =	vor.u32 v3, v4  }
0x11c: {  	v4 =	vperm.xlane v3, v0;
	_ =	sdelay $0x1  }
0x11d: {  	v4 =	vadd.s32 v1, v4;
	_ =	sdelay $0x4  }
0x11e: {  	[tilespmem:s1], [sflag:$0x1] =	stream.indirect_vreg.gather [hbm4b:s3+s2], $0x80, v4, vm0, $0xb8;
	[tilespmem:$0x10400] =	vst v63  }
0x11f: {  	s0 =	simm.s32 $0xC00  }
0x120: {  	[tilespmem:s0], [sflag:$0x1] =	stream.indirect_vreg.gather [hbm4b:s4+s2], $0x80, v4, vm0, $0xb8;
	[tilespmem:$0x10400] =	vst v63  }
0x121: {  	s31 =	simm.s32 $0x1400  }
0x122: {  	[tilespmem:s31], [sflag:$0x1] =	stream.indirect_vreg.gather [hbm4b:s5+s2], $0x80, v4, vm0, $0xb8;
	[tilespmem:$0x10400] =	vst v63  }
0x123: {  	s31 =	simm.s32 $0x1C00  }
0x124: {  	[tilespmem:s31], [sflag:$0x1] =	stream.indirect_vreg.gather [hbm4b:s6+s2], $0x80, v4, vm0, $0xb8;
	[tilespmem:$0x10400] =	vst v63  }
0x125: {  	s31 =	simm.s32 $0x2400  }
0x126: {  	[tilespmem:s31], [sflag:$0x1] =	stream.indirect_vreg.gather [hbm4b:s7+s2], $0x80, v4, vm0, $0xb8;
	[tilespmem:$0x10400] =	vst v63  }
0x127: {  	v3 =	vperm.xlane v3, v2;
	s31 =	simm.s32 $0x2C00  }
0x128: {  	[tilespmem:s31], [sflag:$0x1] =	stream.indirect_vreg.gather [hbm4b:s8+s2], $0x80, v4, vm0, $0xb8;
	[tilespmem:$0x10400] =	vst v63  }
0x129: {  	v3 =	vadd.s32 v1, v3;
	s31 =	simm.s32 $0x3400  }
0x12a: {  	[tilespmem:s31], [sflag:$0x1] =	stream.indirect_vreg.gather [hbm4b:s9+s2], $0x80, v4, vm0, $0xb8;
	[tilespmem:$0x10400] =	vst v63  }
0x12b: {  	s31 =	simm.s32 $0x3C00  }
0x12c: {  	[tilespmem:s31], [sflag:$0x1] =	stream.indirect_vreg.gather [hbm4b:s10+s2], $0x80, v4, vm0, $0xb8;
	[tilespmem:$0x10400] =	vst v63  }
0x12d: {  	s31 =	simm.s32 $0x4400  }
0x12e: {  	[tilespmem:s31], [sflag:$0x1] =	stream.indirect_vreg.gather [hbm4b:s3+s2], $0x80, v3, vm0, $0xb8;
	[tilespmem:$0x10400] =	vst v63  }
0x12f: {  	s31 =	simm.s32 $0x4C00  }
0x130: {  	[tilespmem:s31], [sflag:$0x1] =	stream.indirect_vreg.gather [hbm4b:s4+s2], $0x80, v3, vm0, $0xb8;
	[tilespmem:$0x10400] =	vst v63  }
0x131: {  	s31 =	simm.s32 $0x5400  }
0x132: {  	[tilespmem:s31], [sflag:$0x1] =	stream.indirect_vreg.gather [hbm4b:s5+s2], $0x80, v3, vm0, $0xb8;
	[tilespmem:$0x10400] =	vst v63  }
0x133: {  	s31 =	simm.s32 $0x5C00  }
0x134: {  	[tilespmem:s31], [sflag:$0x1] =	stream.indirect_vreg.gather [hbm4b:s6+s2], $0x80, v3, vm0, $0xb8;
	[tilespmem:$0x10400] =	vst v63  }
0x135: {  	s31 =	simm.s32 $0x6400  }
0x136: {  	[tilespmem:s31], [sflag:$0x1] =	stream.indirect_vreg.gather [hbm4b:s7+s2], $0x80, v3, vm0, $0xb8;
	[tilespmem:$0x10400] =	vst v63  }
0x137: {  	s31 =	simm.s32 $0x6C00  }
0x138: {  	[tilespmem:s31], [sflag:$0x1] =	stream.indirect_vreg.gather [hbm4b:s8+s2], $0x80, v3, vm0, $0xb8;
	[tilespmem:$0x10400] =	vst v63  }
0x139: {  	s31 =	simm.s32 $0x7400  }
0x13a: {  	[tilespmem:s31], [sflag:$0x1] =	stream.indirect_vreg.gather [hbm4b:s9+s2], $0x80, v3, vm0, $0xb8;
	[tilespmem:$0x10400] =	vst v63  }
0x13b: {  	s31 =	simm.s32 $0x7C00  }
0x13c: {  	[tilespmem:s31], [sflag:$0x1] =	stream.indirect_vreg.gather [hbm4b:s10+s2], $0x80, v3, vm0, $0xb8;
	[tilespmem:$0x10400] =	vst v63  }
0x13d: {  	_ =	swait.ge [sflag:s28], $0x8000  }
0x13e: {  	[sflag:s28] =	ssyncset.done $0x0  }
0x13f: {  	s0 =	rddreg [dreg:$0x8];
	[sflag:s28] =	ssyncadd.s32 $0xFFFF8000  }
0x140: {  	[hbm4b:s0+s2] =	stream.linear.scatter [tilespmem:s30], [sflag:$0x4], $0x8000, $0x38;
	[tilespmem:$0x10400] =	vst v63  }
0x141: {  	_ =	swait.ge [sflag:s29], $0x8000  }
0x142: {  	[sflag:s29] =	ssyncset.done $0x0  }
0x143: {  	[sflag:s29] =	ssyncadd.s32 $0xFFFF8000  }
0x144: {  	v3 =	vld [tilespmem:$0x380];
	_ =	sdelay $0x4  }
0x145: {  	v63 =	vshll.u32 v3, $0x4  }
0x146: {  	v3 =	vand.u32 $0x7, v3;
	v4 =	vand.u32 $0xFFFFFF80, v63  }
0x147: {  	v3 =	vor.u32 v3, v4  }
0x148: {  	v4 =	vperm.xlane v3, v0;
	_ =	sdelay $0x1  }
0x149: {  	v4 =	vadd.s32 v1, v4;
	_ =	sdelay $0x4  }
0x14a: {  	[tilespmem:s30], [sflag:$0x2] =	stream.indirect_vreg.gather [hbm4b:s3+s2], $0x80, v4, vm0, $0xb8;
	[tilespmem:$0x10400] =	vst v63  }
0x14b: {  	s31 =	simm.s32 $0x8C00  }
0x14c: {  	[tilespmem:s31], [sflag:$0x2] =	stream.indirect_vreg.gather [hbm4b:s4+s2], $0x80, v4, vm0, $0xb8;
	[tilespmem:$0x10400] =	vst v63  }
0x14d: {  	s13 =	simm.s32 $0x9400  }
0x14e: {  	[tilespmem:s13], [sflag:$0x2] =	stream.indirect_vreg.gather [hbm4b:s5+s2], $0x80, v4, vm0, $0xb8;
	[tilespmem:$0x10400] =	vst v63  }
0x14f: {  	s12 =	simm.s32 $0x9C00  }
0x150: {  	[tilespmem:s12], [sflag:$0x2] =	stream.indirect_vreg.gather [hbm4b:s6+s2], $0x80, v4, vm0, $0xb8;
	[tilespmem:$0x10400] =	vst v63  }
0x151: {  	s24 =	simm.s32 $0xA400  }
0x152: {  	[tilespmem:s24], [sflag:$0x2] =	stream.indirect_vreg.gather [hbm4b:s7+s2], $0x80, v4, vm0, $0xb8;
	[tilespmem:$0x10400] =	vst v63  }
0x153: {  	v3 =	vperm.xlane v3, v2;
	s13 =	simm.s32 $0xAC00  }
0x154: {  	[tilespmem:s13], [sflag:$0x2] =	stream.indirect_vreg.gather [hbm4b:s8+s2], $0x80, v4, vm0, $0xb8;
	[tilespmem:$0x10400] =	vst v63  }
0x155: {  	s14 =	simm.s32 $0xB400;
	v3 =	vadd.s32 v1, v3  }
0x156: {  	[tilespmem:s14], [sflag:$0x2] =	stream.indirect_vreg.gather [hbm4b:s9+s2], $0x80, v4, vm0, $0xb8;
	[tilespmem:$0x10400] =	vst v63  }
0x157: {  	s15 =	simm.s32 $0xBC00  }
0x158: {  	[tilespmem:s15], [sflag:$0x2] =	stream.indirect_vreg.gather [hbm4b:s10+s2], $0x80, v4, vm0, $0xb8;
	[tilespmem:$0x10400] =	vst v63  }
0x159: {  	s16 =	simm.s32 $0xC400  }
0x15a: {  	[tilespmem:s16], [sflag:$0x2] =	stream.indirect_vreg.gather [hbm4b:s3+s2], $0x80, v3, vm0, $0xb8;
	[tilespmem:$0x10400] =	vst v63  }
0x15b: {  	s17 =	simm.s32 $0xCC00  }
0x15c: {  	[tilespmem:s17], [sflag:$0x2] =	stream.indirect_vreg.gather [hbm4b:s4+s2], $0x80, v3, vm0, $0xb8;
	[tilespmem:$0x10400] =	vst v63  }
0x15d: {  	s18 =	simm.s32 $0xD400  }
0x15e: {  	[tilespmem:s18], [sflag:$0x2] =	stream.indirect_vreg.gather [hbm4b:s5+s2], $0x80, v3, vm0, $0xb8;
	[tilespmem:$0x10400] =	vst v63  }
0x15f: {  	s19 =	simm.s32 $0xDC00  }
0x160: {  	[tilespmem:s19], [sflag:$0x2] =	stream.indirect_vreg.gather [hbm4b:s6+s2], $0x80, v3, vm0, $0xb8;
	[tilespmem:$0x10400] =	vst v63  }
0x161: {  	s20 =	simm.s32 $0xE400  }
0x162: {  	[tilespmem:s20], [sflag:$0x2] =	stream.indirect_vreg.gather [hbm4b:s7+s2], $0x80, v3, vm0, $0xb8;
	[tilespmem:$0x10400] =	vst v63  }
0x163: {  	s21 =	simm.s32 $0xEC00  }
0x164: {  	[tilespmem:s21], [sflag:$0x2] =	stream.indirect_vreg.gather [hbm4b:s8+s2], $0x80, v3, vm0, $0xb8;
	[tilespmem:$0x10400] =	vst v63  }
0x165: {  	s22 =	simm.s32 $0xF400  }
0x166: {  	[tilespmem:s22], [sflag:$0x2] =	stream.indirect_vreg.gather [hbm4b:s9+s2], $0x80, v3, vm0, $0xb8;
	[tilespmem:$0x10400] =	vst v63  }
0x167: {  	s23 =	simm.s32 $0xFC00  }
0x168: {  	[tilespmem:s23], [sflag:$0x2] =	stream.indirect_vreg.gather [hbm4b:s10+s2], $0x80, v3, vm0, $0xb8;
	[tilespmem:$0x10400] =	vst v63  }
0x169: {  	_ =	swait.ge [sflag:s25], $0x8000  }
0x16a: {  	[sflag:s25] =	ssyncset.done $0x0  }
0x16b: {  	s23 =	rddreg [dreg:$0x9];
	[sflag:s25] =	ssyncadd.s32 $0xFFFF8000  }
0x16c: {  	[hbm4b:s23+s2] =	stream.linear.scatter [tilespmem:s1], [sflag:$0x3], $0x8000, $0x38;
	[tilespmem:$0x10400] =	vst v63  }
0x16d: {  	_ =	swait.ge [sflag:s28], $0x8000  }
0x16e: {  	[sflag:s28] =	ssyncset.done $0x0  }
0x16f: {  	s24 =	rddreg [dreg:$0xa];
	[sflag:s28] =	ssyncadd.s32 $0xFFFF8000  }
0x170: {  	[hbm4b:s24+s2] =	stream.linear.scatter [tilespmem:s30], [sflag:$0x4], $0x8000, $0x38;
	[tilespmem:$0x10400] =	vst v63  }
0x171: {  	p0 =	sne.s32 s11, $0x1;
	_ =	swait.ge [sflag:s26], $0x8000  }
.Ltmp0:
0x172: {  	[sflag:s26] =	ssyncset.done $0x0;
	(pc) =	sbr.rel @p0 .LBB2_1-.Ltmp0, $4  }
0x173: {  	[sflag:s26] =	ssyncadd.s32 $0xFFFF8000  }
0x174: {  	_ =	swait.ge [sflag:s29], $0x8000  }
0x175: {  	[sflag:s29] =	ssyncset.done $0x0  }
0x176: {  	s11 =	sadd.s32 $0xFFFFFFFF, s11;
	[sflag:s29] =	ssyncadd.s32 $0xFFFF8000  }
0x177: {  	_ =	sfence.sel $0x180000  }
0x178: {  	[bflag:$0x0] =	sbarrier.arrive $0xFFFF  }
0x179: {  	_ =	strace $0x9000004A  }
0x17a: {  	s0 =	stileid.u32;
	[bflag:$0x2] =	sbarrier.arrive $0xFFFF  }
0x17b: {  	p0 =	sne.s32 s0, $0x0;
	s0 =	rddreg [dreg:$0x1]  }
0x17c: {  	s0 =	sadd.s32 @!p0 $0x100000, s0  }
0x17d: {  	[sflag:s0] =	ssyncadd.tile.s32 @!p0 $0x1;
	_ =	shalt  }
.Lfunc_end2:
_tile_overlayer_lowered:
.L_overlay_start_2:
0x17e: {  	(tag) =	ssettag $0x2  }
0x17f: {  	s0 =	rddreg [dreg:$0x0];
	s2 =	stileid.u32  }
0x180: {  	s1 =	rddreg [dreg:$0x1];
	p0 =	sne.s32 s2, $0x0  }
0x181: {  	s3 =	rddreg [dreg:$0x2];
	[bflag:$0x3] =	sbarrier.arrive $0xFFFF;
	s2 =	simm.s32 @!p0 $0x1C05  }
0x182: {  	[timem:s3], [sflag:s2] =	dma.local @!p0 [hbm:s0], s1  }
0x183: {  	s0 =	simm.s32 @!p0 $0x5  }
0x184: {  	_ =	swait.ge @!p0 [sflag:s0], s1  }
0x185: {  	s1 =	ssub.s32 @!p0 $0x0, s1;
	[sflag:s0] =	ssyncset.done @!p0 $0x0  }
0x186: {  	[sflag:s0] =	ssyncadd.s32 @!p0 s1  }
0x187: {  	[bflag:$0x3] =	sbarrier.arrive $0xFFFF  }
0x188: {  	_ =	shalt  }

</sc_bundles>
